<compile_context>
chip_gen: v7x
topology: tpu7x:2x2x1
jax: 0.10.2.dev20260603
libtpu: 0.0.44.dev20260713+nightly
codegen_flags: <defaults>
</compile_context>

<pallas_src>
import functools

import jax
import jax.numpy as jnp
from jax import lax
from jax.experimental import pallas as pl
from jax.experimental.pallas import tpu as pltpu
from jax.experimental.pallas import tpu_sc as plsc

_MAXLEN = 200
_EMBED = 32
_NW = 32
_STRIPE = 128
_VOCAB = 1_000_000
_NLINE = _VOCAB // 4
_FULL_TILES = _VOCAB // 128
_MAIN_PW = _FULL_TILES // _NW

_PARAMS = pltpu.CompilerParams(
    use_tc_tiling_on_sc=True, needs_layout_passes=False)
_MESH = plsc.VectorSubcoreMesh(core_axis_name="c", subcore_axis_name="s")


def _wid():
    return lax.axis_index("s") * 2 + lax.axis_index("c")


@functools.partial(
    pl.kernel,
    mesh=_MESH,
    out_type=jax.ShapeDtypeStruct((_NLINE, 128), jnp.float32),
    scratch_types=[
        pltpu.VMEM((2, _EMBED, 128), jnp.float32),
        pltpu.VMEM((2, _EMBED, 128), jnp.float32),
        pltpu.SemaphoreType.DMA,
        pltpu.SemaphoreType.DMA,
        pltpu.SemaphoreType.DMA,
        pltpu.SemaphoreType.DMA,
    ],
    compiler_params=_PARAMS,
)
def _pack_table(tokt_hbm, tail_hbm, out_hbm, in_v, out_v, gs0, gs1, ss0, ss1):
    w = _wid()
    lanes = lax.iota(jnp.int32, 16)
    gsem = (gs0, gs1)
    ssem = (ss0, ss1)

    def fire_in(b, sl):
        pltpu.async_copy(
            tokt_hbm.at[:, pl.ds(b * 128, 128)], in_v.at[sl], gsem[sl])

    def wait_in(b, sl):
        pltpu.make_async_copy(
            tokt_hbm.at[:, pl.ds(b * 128, 128)], in_v.at[sl], gsem[sl]).wait()

    def fire_out(b, sl):
        pltpu.async_copy(
            out_v.at[sl], out_hbm.at[pl.ds(b * 32, 32)], ssem[sl])

    def wait_out(b, sl):
        pltpu.make_async_copy(
            out_v.at[sl], out_hbm.at[pl.ds(b * 32, 32)], ssem[sl]).wait()

    rows_l = [lax.shift_right_logical(lanes + 16 * lg, 2) for lg in range(8)]
    cola_l = [lax.bitwise_and(lanes + 16 * lg, 3) for lg in range(8)]

    def transpose_block(sl):
        @plsc.parallel_loop(0, _EMBED, unroll=4)
        def e_body(e):
            es4 = jnp.full((16,), 4 * e, dtype=jnp.int32)
            for lg in range(8):
                x = in_v[sl, e, pl.ds(16 * lg, 16)]
                plsc.store_scatter(
                    out_v.at[sl], [rows_l[lg], cola_l[lg] + es4], x)

    b00 = w * _MAIN_PW
    fire_in(b00, 0)

    def pair_body(i, carry):
        for sl in range(2):
            b = b00 + 2 * i + sl
            nxt = b + 1

            @pl.when(nxt < b00 + _MAIN_PW)
            def _():
                fire_in(nxt, 1 - sl)

            wait_in(b, sl)

            @pl.when(i > 0)
            def _():
                wait_out(b, sl)

            transpose_block(sl)
            fire_out(b, sl)
        return carry

    lax.fori_loop(0, _MAIN_PW // 2, pair_body, 0)
    wait_out(0, 0)
    wait_out(0, 1)

    @pl.when(w < 4)
    def _():
        b = _FULL_TILES - 4 + w
        pltpu.sync_copy(tokt_hbm.at[:, pl.ds(b * 128, 128)], in_v.at[0])
        transpose_block(0)
        pltpu.sync_copy(out_v.at[0], out_hbm.at[pl.ds(b * 32, 32)])

    @pl.when(w == 4)
    def _():
        pltpu.sync_copy(tail_hbm, out_hbm.at[pl.ds(_FULL_TILES * 32, 16)])


@functools.lru_cache(maxsize=None)
def _build_lookup(batch):
    @functools.partial(
        pl.kernel,
        mesh=_MESH,
        out_type=jax.ShapeDtypeStruct((_MAXLEN, _EMBED, batch), jnp.float32),
        scratch_types=[
            pltpu.VMEM((_MAXLEN, _STRIPE), jnp.int32),
            pltpu.VMEM((50, 128), jnp.float32),
            pltpu.VMEM((4, _STRIPE), jnp.int32),
            pltpu.VMEM((4, _STRIPE, 128), jnp.float32),
            pltpu.VMEM((2, _EMBED, _STRIPE), jnp.float32),
            pltpu.SemaphoreType.DMA,
            pltpu.SemaphoreType.DMA,
            pltpu.SemaphoreType.DMA,
            pltpu.SemaphoreType.DMA,
            pltpu.SemaphoreType.DMA,
            pltpu.SemaphoreType.DMA,
        ],
        compiler_params=_PARAMS,
    )
    def kern(idx_hbm, tok_hbm, pos_hbm, out_hbm,
             idx_v, pos_v, iv_v, g_v, o_v, gs0, gs1, gs2, gs3, ss0, ss1):
        w = _wid()
        b0 = w * _STRIPE
        pltpu.sync_copy(idx_hbm.at[:, pl.ds(b0, _STRIPE)], idx_v)
        pltpu.sync_copy(pos_hbm, pos_v)
        lanes = lax.iota(jnp.int32, 16)
        gsem = (gs0, gs1, gs2, gs3)
        ssem = (ss0, ss1)

        def fire_gather(t, sl):
            for g in range(8):
                ids = idx_v[t, pl.ds(16 * g, 16)]
                iv_v[sl, pl.ds(16 * g, 16)] = lax.shift_right_logical(ids, 2)
            pltpu.async_copy(tok_hbm.at[iv_v.at[sl]], g_v.at[sl], gsem[sl])

        def wait_gather(sl):
            pltpu.make_async_copy(
                tok_hbm.at[iv_v.at[sl]], g_v.at[sl], gsem[sl]).wait()

        def fire_store(t, sl):
            pltpu.async_copy(
                o_v.at[sl], out_hbm.at[t, :, pl.ds(b0, _STRIPE)], ssem[sl])

        def wait_store(t, sl):
            pltpu.make_async_copy(
                o_v.at[sl], out_hbm.at[t, :, pl.ds(b0, _STRIPE)], ssem[sl]).wait()

        def compute(t, sl, osl):
            cbs = []
            for g in range(8):
                ids = idx_v[t, pl.ds(16 * g, 16)]
                cbs.append(lax.bitwise_and(ids, 3))
            q16 = jnp.full((16,), lax.div(t * _EMBED, 128), dtype=jnp.int32)
            r0 = lax.rem(t * _EMBED, 128)

            @plsc.parallel_loop(0, _EMBED, unroll=4)
            def e_body(e):
                ps = plsc.load_gather(
                    pos_v, [q16, jnp.full((16,), r0 + e, dtype=jnp.int32)])
                for g in range(8):
                    vals = plsc.load_gather(
                        g_v.at[sl], [lanes + 16 * g, cbs[g] + 4 * e])
                    o_v[osl, e, pl.ds(16 * g, 16)] = vals + ps

        fire_gather(0, 0)
        fire_gather(1, 1)

        def quad_body(i, carry):
            for sl in range(4):
                t = 4 * i + sl
                osl = sl % 2

                @pl.when(t + 2 < _MAXLEN)
                def _():
                    fire_gather(t + 2, (sl + 2) % 4)

                wait_gather(sl)
                if sl >= 2:
                    wait_store(t, osl)
                else:
                    @pl.when(i > 0)
                    def _():
                        wait_store(t, osl)

                compute(t, sl, osl)
                fire_store(t, osl)
            return carry

        lax.fori_loop(0, _MAXLEN // 4, quad_body, 0)
        wait_store(_MAXLEN - 2, 0)
        wait_store(_MAXLEN - 1, 1)

    return kern


def kernel(inputs, token_table, pos_table):
    batch, maxlen = inputs.shape
    idx_t = inputs.T.astype(jnp.int32)
    pos128 = pos_table.reshape(50, 128)
    tail16 = (token_table[_FULL_TILES * 128:, :]
              .reshape(16, 4, _EMBED).transpose(0, 2, 1).reshape(16, 128))
    tok_lines = _pack_table(token_table.T, tail16)
    out = _build_lookup(batch)(idx_t, tok_lines, pos128)
    return jnp.transpose(out, (2, 0, 1))

# --- scband reference (transcript-rebuilt; emitter-appended) ---
"""Pipeline reference for scband-token-and-position-embedding-6451040879065 (READ-ONLY COPY).

The authoritative reference and input builder live on the scoring server;
editing this copy changes nothing except your own understanding.
"""

import jax, jax.numpy as jnp
import numpy as np

VOCAB = 1000000
MAXLEN = 200
EMBED_DIM = 32
BATCH = 4096

def setup_inputs(seed: int = 0) -> dict:
    key = jax.random.key(seed)
    k1, k2, k3 = jax.random.split(key, 3)
    inputs = jax.random.randint(k1, (BATCH, MAXLEN), 0, VOCAB, dtype=jnp.int64 if jax.config.read('jax_enable_x64') else jnp.int32)
    token_table = jax.random.normal(k2, (VOCAB, EMBED_DIM), dtype=jnp.float32) * 0.05
    pos_table = jax.random.normal(k3, (MAXLEN, EMBED_DIM), dtype=jnp.float32) * 0.05
    return {"inputs": inputs, "token_table": token_table, "pos_table": pos_table}

def reference(inputs, token_table, pos_table):
    maxlen = inputs.shape[-1]
    positions = jnp.arange(0, maxlen, 1)
    position_embeddings = jnp.take(pos_table, positions, axis=0)
    token_embeddings = jnp.take(token_table, inputs, axis=0)
    return token_embeddings + position_embeddings

if __name__ == "__main__":
    import jax
    _d = setup_inputs()
    print(jax.jit(kernel)(*tuple(_d.values())))

</pallas_src>

<mosaic_0001>
#map = affine_map<(d0, d1) -> (0, 0)>
#map1 = affine_map<(d0, d1) -> (0, 0, 0)>
module attributes {stable_mosaic.version = 14 : i64} {
  func.func @kern(%arg0: i32, %arg1: i32, %arg2: memref<200x4096xi32, #tpu.memory_space<hbm>>, %arg3: memref<250000x128xf32, #tpu.memory_space<hbm>>, %arg4: memref<50x128xf32, #tpu.memory_space<hbm>>, %arg5: memref<200x32x4096xf32, #tpu.memory_space<hbm>>, %arg6: memref<200x128xi32, #tpu.memory_space<vmem>>, %arg7: memref<50x128xf32, #tpu.memory_space<vmem>>, %arg8: memref<4x128xi32, #tpu.memory_space<vmem>>, %arg9: memref<4x128x128xf32, #tpu.memory_space<vmem>>, %arg10: memref<2x32x128xf32, #tpu.memory_space<vmem>>, %arg11: memref<!tpu.dma_semaphore, #tpu.memory_space<semaphore_mem>>, %arg12: memref<!tpu.dma_semaphore, #tpu.memory_space<semaphore_mem>>, %arg13: memref<!tpu.dma_semaphore, #tpu.memory_space<semaphore_mem>>, %arg14: memref<!tpu.dma_semaphore, #tpu.memory_space<semaphore_mem>>, %arg15: memref<!tpu.dma_semaphore, #tpu.memory_space<semaphore_mem>>, %arg16: memref<!tpu.dma_semaphore, #tpu.memory_space<semaphore_mem>>) attributes {dimension_semantics = [#tpu.dimension_semantics<core_parallel>, #tpu.dimension_semantics<subcore_parallel>], iteration_bounds = array<i64: 2, 16>, scalar_prefetch = 0 : i64, scratch_operands = 11 : i64, tpu.core_type = #tpu.core_type<sc_vector_subcore>, window_params = [{transform_indices = #map}, {transform_indices = #map}, {transform_indices = #map}, {transform_indices = #map1}]} {
    %mul3A = arith.constant 2 : i32
    %mul3A_0 = arith.muli %arg1, %mul3A : i32
    %add3A = arith.addi %mul3A_0, %arg0 : i32
    %mul3A_1 = arith.constant 128 : i32
    %mul3A_2 = arith.muli %add3A, %mul3A_1 : i32
    "tpu.region"() ({
      %run_scoped3A = tpu.sem_alloc : memref<!tpu.dma_semaphore, #tpu.memory_space<semaphore_mem>>
      %dma_start3A_235 = arith.constant 0 : i32
      %dma_start3A_236 = tpu.memref_slice %arg2[%dma_start3A_235, %mul3A_2] : memref<200x4096xi32, #tpu.memory_space<hbm>> -> memref<200x128xi32, #tpu.memory_space<hbm>>
      %dma_start3A_237 = arith.constant 0 : i32
      %dma_start3A_238 = tpu.memref_slice %arg2[%dma_start3A_237, %mul3A_2] : memref<200x4096xi32, #tpu.memory_space<hbm>> -> memref<200x128xi32, #tpu.memory_space<hbm>>
      tpu.enqueue_dma source(%dma_start3A_238 : memref<200x128xi32, #tpu.memory_space<hbm>>) target(%arg6 : memref<200x128xi32, #tpu.memory_space<vmem>>) target_semaphore(%run_scoped3A : memref<!tpu.dma_semaphore, #tpu.memory_space<semaphore_mem>>)
      %dma_wait3A_239 = arith.constant 0 : i32
      %dma_wait3A_240 = tpu.memref_slice %arg2[%dma_wait3A_239, %mul3A_2] : memref<200x4096xi32, #tpu.memory_space<hbm>> -> memref<200x128xi32, #tpu.memory_space<hbm>>
      %dma_wait3A_241 = arith.constant 0 : i32
      %dma_wait3A_242 = tpu.memref_slice %arg2[%dma_wait3A_241, %mul3A_2] : memref<200x4096xi32, #tpu.memory_space<hbm>> -> memref<200x128xi32, #tpu.memory_space<hbm>>
      tpu.wait_dma2 semaphore(%run_scoped3A : memref<!tpu.dma_semaphore, #tpu.memory_space<semaphore_mem>>) src(%dma_wait3A_242 : memref<200x128xi32, #tpu.memory_space<hbm>>) dst(%arg6 : memref<200x128xi32, #tpu.memory_space<vmem>>)
      tpu.yield
    }) : () -> ()
    "tpu.region"() ({
      %run_scoped3A = tpu.sem_alloc : memref<!tpu.dma_semaphore, #tpu.memory_space<semaphore_mem>>
      tpu.enqueue_dma source(%arg4 : memref<50x128xf32, #tpu.memory_space<hbm>>) target(%arg7 : memref<50x128xf32, #tpu.memory_space<vmem>>) target_semaphore(%run_scoped3A : memref<!tpu.dma_semaphore, #tpu.memory_space<semaphore_mem>>)
      tpu.wait_dma2 semaphore(%run_scoped3A : memref<!tpu.dma_semaphore, #tpu.memory_space<semaphore_mem>>) src(%arg4 : memref<50x128xf32, #tpu.memory_space<hbm>>) dst(%arg7 : memref<50x128xf32, #tpu.memory_space<vmem>>)
      tpu.yield
    }) : () -> ()
    %iota3A = tpu.iota {dimensions = array<i32: 0>} : vector<16xi32>
    %get3A = arith.constant 0 : i32
    %get3A_3 = arith.index_cast %get3A : i32 to index
    %get3A_4 = arith.constant 0 : index
    %get3A_5 = tpu.vector_load %arg6[%get3A_3, %get3A_4] {strides = array<i32>} : memref<200x128xi32, #tpu.memory_space<vmem>>, vector<16xi32>,
    %shift_right_logical3A = arith.constant 2 : i32
    %shift_right_logical3A_6 = vector.broadcast %shift_right_logical3A : i32 to vector<16xi32>
    %shift_right_logical3A_7 = arith.shrui %get3A_5, %shift_right_logical3A_6 : vector<16xi32>
    %swap3A = arith.constant 0 : i32
    %swap3A_8 = arith.index_cast %swap3A : i32 to index
    %swap3A_9 = arith.constant 0 : index
    %swap3A_10 = tpu.vector_load %arg8[%swap3A_8, %swap3A_9] {strides = array<i32>} : memref<4x128xi32, #tpu.memory_space<vmem>>, vector<16xi32>,
    tpu.vector_store %arg8[%swap3A_8, %swap3A_9], %shift_right_logical3A_7 {strides = array<i32>} : memref<4x128xi32, #tpu.memory_space<vmem>>, vector<16xi32>,
    %get3A_11 = arith.constant 0 : i32
    %get3A_12 = arith.index_cast %get3A_11 : i32 to index
    %get3A_13 = arith.constant 16 : index
    %get3A_14 = tpu.vector_load %arg6[%get3A_12, %get3A_13] {strides = array<i32>} : memref<200x128xi32, #tpu.memory_space<vmem>>, vector<16xi32>,
    %shift_right_logical3A_15 = arith.constant 2 : i32
    %shift_right_logical3A_16 = vector.broadcast %shift_right_logical3A_15 : i32 to vector<16xi32>
    %shift_right_logical3A_17 = arith.shrui %get3A_14, %shift_right_logical3A_16 : vector<16xi32>
    %swap3A_18 = arith.constant 0 : i32
    %swap3A_19 = arith.index_cast %swap3A_18 : i32 to index
    %swap3A_20 = arith.constant 16 : index
    %swap3A_21 = tpu.vector_load %arg8[%swap3A_19, %swap3A_20] {strides = array<i32>} : memref<4x128xi32, #tpu.memory_space<vmem>>, vector<16xi32>,
    tpu.vector_store %arg8[%swap3A_19, %swap3A_20], %shift_right_logical3A_17 {strides = array<i32>} : memref<4x128xi32, #tpu.memory_space<vmem>>, vector<16xi32>,
    %get3A_22 = arith.constant 0 : i32
    %get3A_23 = arith.index_cast %get3A_22 : i32 to index
    %get3A_24 = arith.constant 32 : index
    %get3A_25 = tpu.vector_load %arg6[%get3A_23, %get3A_24] {strides = array<i32>} : memref<200x128xi32, #tpu.memory_space<vmem>>, vector<16xi32>,
    %shift_right_logical3A_26 = arith.constant 2 : i32
    %shift_right_logical3A_27 = vector.broadcast %shift_right_logical3A_26 : i32 to vector<16xi32>
    %shift_right_logical3A_28 = arith.shrui %get3A_25, %shift_right_logical3A_27 : vector<16xi32>
    %swap3A_29 = arith.constant 0 : i32
    %swap3A_30 = arith.index_cast %swap3A_29 : i32 to index
    %swap3A_31 = arith.constant 32 : index
    %swap3A_32 = tpu.vector_load %arg8[%swap3A_30, %swap3A_31] {strides = array<i32>} : memref<4x128xi32, #tpu.memory_space<vmem>>, vector<16xi32>,
    tpu.vector_store %arg8[%swap3A_30, %swap3A_31], %shift_right_logical3A_28 {strides = array<i32>} : memref<4x128xi32, #tpu.memory_space<vmem>>, vector<16xi32>,
    %get3A_33 = arith.constant 0 : i32
    %get3A_34 = arith.index_cast %get3A_33 : i32 to index
    %get3A_35 = arith.constant 48 : index
    %get3A_36 = tpu.vector_load %arg6[%get3A_34, %get3A_35] {strides = array<i32>} : memref<200x128xi32, #tpu.memory_space<vmem>>, vector<16xi32>,
    %shift_right_logical3A_37 = arith.constant 2 : i32
    %shift_right_logical3A_38 = vector.broadcast %shift_right_logical3A_37 : i32 to vector<16xi32>
    %shift_right_logical3A_39 = arith.shrui %get3A_36, %shift_right_logical3A_38 : vector<16xi32>
    %swap3A_40 = arith.constant 0 : i32
    %swap3A_41 = arith.index_cast %swap3A_40 : i32 to index
    %swap3A_42 = arith.constant 48 : index
    %swap3A_43 = tpu.vector_load %arg8[%swap3A_41, %swap3A_42] {strides = array<i32>} : memref<4x128xi32, #tpu.memory_space<vmem>>, vector<16xi32>,
    tpu.vector_store %arg8[%swap3A_41, %swap3A_42], %shift_right_logical3A_39 {strides = array<i32>} : memref<4x128xi32, #tpu.memory_space<vmem>>, vector<16xi32>,
    %get3A_44 = arith.constant 0 : i32
    %get3A_45 = arith.index_cast %get3A_44 : i32 to index
    %get3A_46 = arith.constant 64 : index
    %get3A_47 = tpu.vector_load %arg6[%get3A_45, %get3A_46] {strides = array<i32>} : memref<200x128xi32, #tpu.memory_space<vmem>>, vector<16xi32>,
    %shift_right_logical3A_48 = arith.constant 2 : i32
    %shift_right_logical3A_49 = vector.broadcast %shift_right_logical3A_48 : i32 to vector<16xi32>
    %shift_right_logical3A_50 = arith.shrui %get3A_47, %shift_right_logical3A_49 : vector<16xi32>
    %swap3A_51 = arith.constant 0 : i32
    %swap3A_52 = arith.index_cast %swap3A_51 : i32 to index
    %swap3A_53 = arith.constant 64 : index
    %swap3A_54 = tpu.vector_load %arg8[%swap3A_52, %swap3A_53] {strides = array<i32>} : memref<4x128xi32, #tpu.memory_space<vmem>>, vector<16xi32>,
    tpu.vector_store %arg8[%swap3A_52, %swap3A_53], %shift_right_logical3A_50 {strides = array<i32>} : memref<4x128xi32, #tpu.memory_space<vmem>>, vector<16xi32>,
    %get3A_55 = arith.constant 0 : i32
    %get3A_56 = arith.index_cast %get3A_55 : i32 to index
    %get3A_57 = arith.constant 80 : index
    %get3A_58 = tpu.vector_load %arg6[%get3A_56, %get3A_57] {strides = array<i32>} : memref<200x128xi32, #tpu.memory_space<vmem>>, vector<16xi32>,
    %shift_right_logical3A_59 = arith.constant 2 : i32
    %shift_right_logical3A_60 = vector.broadcast %shift_right_logical3A_59 : i32 to vector<16xi32>
    %shift_right_logical3A_61 = arith.shrui %get3A_58, %shift_right_logical3A_60 : vector<16xi32>
    %swap3A_62 = arith.constant 0 : i32
    %swap3A_63 = arith.index_cast %swap3A_62 : i32 to index
    %swap3A_64 = arith.constant 80 : index
    %swap3A_65 = tpu.vector_load %arg8[%swap3A_63, %swap3A_64] {strides = array<i32>} : memref<4x128xi32, #tpu.memory_space<vmem>>, vector<16xi32>,
    tpu.vector_store %arg8[%swap3A_63, %swap3A_64], %shift_right_logical3A_61 {strides = array<i32>} : memref<4x128xi32, #tpu.memory_space<vmem>>, vector<16xi32>,
    %get3A_66 = arith.constant 0 : i32
    %get3A_67 = arith.index_cast %get3A_66 : i32 to index
    %get3A_68 = arith.constant 96 : index
    %get3A_69 = tpu.vector_load %arg6[%get3A_67, %get3A_68] {strides = array<i32>} : memref<200x128xi32, #tpu.memory_space<vmem>>, vector<16xi32>,
    %shift_right_logical3A_70 = arith.constant 2 : i32
    %shift_right_logical3A_71 = vector.broadcast %shift_right_logical3A_70 : i32 to vector<16xi32>
    %shift_right_logical3A_72 = arith.shrui %get3A_69, %shift_right_logical3A_71 : vector<16xi32>
    %swap3A_73 = arith.constant 0 : i32
    %swap3A_74 = arith.index_cast %swap3A_73 : i32 to index
    %swap3A_75 = arith.constant 96 : index
    %swap3A_76 = tpu.vector_load %arg8[%swap3A_74, %swap3A_75] {strides = array<i32>} : memref<4x128xi32, #tpu.memory_space<vmem>>, vector<16xi32>,
    tpu.vector_store %arg8[%swap3A_74, %swap3A_75], %shift_right_logical3A_72 {strides = array<i32>} : memref<4x128xi32, #tpu.memory_space<vmem>>, vector<16xi32>,
    %get3A_77 = arith.constant 0 : i32
    %get3A_78 = arith.index_cast %get3A_77 : i32 to index
    %get3A_79 = arith.constant 112 : index
    %get3A_80 = tpu.vector_load %arg6[%get3A_78, %get3A_79] {strides = array<i32>} : memref<200x128xi32, #tpu.memory_space<vmem>>, vector<16xi32>,
    %shift_right_logical3A_81 = arith.constant 2 : i32
    %shift_right_logical3A_82 = vector.broadcast %shift_right_logical3A_81 : i32 to vector<16xi32>
    %shift_right_logical3A_83 = arith.shrui %get3A_80, %shift_right_logical3A_82 : vector<16xi32>
    %swap3A_84 = arith.constant 0 : i32
    %swap3A_85 = arith.index_cast %swap3A_84 : i32 to index
    %swap3A_86 = arith.constant 112 : index
    %swap3A_87 = tpu.vector_load %arg8[%swap3A_85, %swap3A_86] {strides = array<i32>} : memref<4x128xi32, #tpu.memory_space<vmem>>, vector<16xi32>,
    tpu.vector_store %arg8[%swap3A_85, %swap3A_86], %shift_right_logical3A_83 {strides = array<i32>} : memref<4x128xi32, #tpu.memory_space<vmem>>, vector<16xi32>,
    %dma_start3A = arith.constant 0 : i32
    %dma_start3A_88 = arith.constant 0 : i32
    %dma_start3A_89 = arith.constant 0 : i32
    %dma_start3A_90 = arith.constant 0 : i32
    %dma_start3A_91 = tpu.memref_slice %arg9[%dma_start3A_88, %dma_start3A_89, %dma_start3A_90] : memref<4x128x128xf32, #tpu.memory_space<vmem>> -> memref<1x128x128xf32, #tpu.memory_space<vmem>>
    %dma_start3A_92 = tpu.memref_squeeze %dma_start3A_91 : memref<1x128x128xf32, #tpu.memory_space<vmem>> -> memref<128x128xf32, #tpu.memory_space<vmem>>
    %dma_start3A_93 = arith.constant 0 : i32
    %dma_start3A_94 = tpu.memref_slice %arg8[%dma_start3A, %dma_start3A_93] : memref<4x128xi32, #tpu.memory_space<vmem>> -> memref<1x128xi32, #tpu.memory_space<vmem>>
    %dma_start3A_95 = tpu.memref_squeeze %dma_start3A_94 : memref<1x128xi32, #tpu.memory_space<vmem>> -> memref<128xi32, #tpu.memory_space<vmem>>
    %dma_start3A_96 = arith.constant 0 : i32
    %dma_start3A_97 = arith.constant 0 : i32
    %dma_start3A_98 = tpu.memref_slice %arg3[%dma_start3A_96, %dma_start3A_97] : memref<250000x128xf32, #tpu.memory_space<hbm>> -> memref<250000x128xf32, #tpu.memory_space<hbm>>
    tpu.enqueue_indirect_dma source(%dma_start3A_98 : memref<250000x128xf32, #tpu.memory_space<hbm>>) target(%dma_start3A_92 : memref<128x128xf32, #tpu.memory_space<vmem>>) offsets(%dma_start3A_95 : memref<128xi32, #tpu.memory_space<vmem>>) semaphore(%arg11 : memref<!tpu.dma_semaphore, #tpu.memory_space<semaphore_mem>>)
    %get3A_99 = arith.constant 1 : i32
    %get3A_100 = arith.index_cast %get3A_99 : i32 to index
    %get3A_101 = arith.constant 0 : index
    %get3A_102 = tpu.vector_load %arg6[%get3A_100, %get3A_101] {strides = array<i32>} : memref<200x128xi32, #tpu.memory_space<vmem>>, vector<16xi32>,
    %shift_right_logical3A_103 = arith.constant 2 : i32
    %shift_right_logical3A_104 = vector.broadcast %shift_right_logical3A_103 : i32 to vector<16xi32>
    %shift_right_logical3A_105 = arith.shrui %get3A_102, %shift_right_logical3A_104 : vector<16xi32>
    %swap3A_106 = arith.constant 1 : i32
    %swap3A_107 = arith.index_cast %swap3A_106 : i32 to index
    %swap3A_108 = arith.constant 0 : index
    %swap3A_109 = tpu.vector_load %arg8[%swap3A_107, %swap3A_108] {strides = array<i32>} : memref<4x128xi32, #tpu.memory_space<vmem>>, vector<16xi32>,
    tpu.vector_store %arg8[%swap3A_107, %swap3A_108], %shift_right_logical3A_105 {strides = array<i32>} : memref<4x128xi32, #tpu.memory_space<vmem>>, vector<16xi32>,
    %get3A_110 = arith.constant 1 : i32
    %get3A_111 = arith.index_cast %get3A_110 : i32 to index
    %get3A_112 = arith.constant 16 : index
    %get3A_113 = tpu.vector_load %arg6[%get3A_111, %get3A_112] {strides = array<i32>} : memref<200x128xi32, #tpu.memory_space<vmem>>, vector<16xi32>,
    %shift_right_logical3A_114 = arith.constant 2 : i32
    %shift_right_logical3A_115 = vector.broadcast %shift_right_logical3A_114 : i32 to vector<16xi32>
    %shift_right_logical3A_116 = arith.shrui %get3A_113, %shift_right_logical3A_115 : vector<16xi32>
    %swap3A_117 = arith.constant 1 : i32
    %swap3A_118 = arith.index_cast %swap3A_117 : i32 to index
    %swap3A_119 = arith.constant 16 : index
    %swap3A_120 = tpu.vector_load %arg8[%swap3A_118, %swap3A_119] {strides = array<i32>} : memref<4x128xi32, #tpu.memory_space<vmem>>, vector<16xi32>,
    tpu.vector_store %arg8[%swap3A_118, %swap3A_119], %shift_right_logical3A_116 {strides = array<i32>} : memref<4x128xi32, #tpu.memory_space<vmem>>, vector<16xi32>,
    %get3A_121 = arith.constant 1 : i32
    %get3A_122 = arith.index_cast %get3A_121 : i32 to index
    %get3A_123 = arith.constant 32 : index
    %get3A_124 = tpu.vector_load %arg6[%get3A_122, %get3A_123] {strides = array<i32>} : memref<200x128xi32, #tpu.memory_space<vmem>>, vector<16xi32>,
    %shift_right_logical3A_125 = arith.constant 2 : i32
    %shift_right_logical3A_126 = vector.broadcast %shift_right_logical3A_125 : i32 to vector<16xi32>
    %shift_right_logical3A_127 = arith.shrui %get3A_124, %shift_right_logical3A_126 : vector<16xi32>
    %swap3A_128 = arith.constant 1 : i32
    %swap3A_129 = arith.index_cast %swap3A_128 : i32 to index
    %swap3A_130 = arith.constant 32 : index
    %swap3A_131 = tpu.vector_load %arg8[%swap3A_129, %swap3A_130] {strides = array<i32>} : memref<4x128xi32, #tpu.memory_space<vmem>>, vector<16xi32>,
    tpu.vector_store %arg8[%swap3A_129, %swap3A_130], %shift_right_logical3A_127 {strides = array<i32>} : memref<4x128xi32, #tpu.memory_space<vmem>>, vector<16xi32>,
    %get3A_132 = arith.constant 1 : i32
    %get3A_133 = arith.index_cast %get3A_132 : i32 to index
    %get3A_134 = arith.constant 48 : index
    %get3A_135 = tpu.vector_load %arg6[%get3A_133, %get3A_134] {strides = array<i32>} : memref<200x128xi32, #tpu.memory_space<vmem>>, vector<16xi32>,
    %shift_right_logical3A_136 = arith.constant 2 : i32
    %shift_right_logical3A_137 = vector.broadcast %shift_right_logical3A_136 : i32 to vector<16xi32>
    %shift_right_logical3A_138 = arith.shrui %get3A_135, %shift_right_logical3A_137 : vector<16xi32>
    %swap3A_139 = arith.constant 1 : i32
    %swap3A_140 = arith.index_cast %swap3A_139 : i32 to index
    %swap3A_141 = arith.constant 48 : index
    %swap3A_142 = tpu.vector_load %arg8[%swap3A_140, %swap3A_141] {strides = array<i32>} : memref<4x128xi32, #tpu.memory_space<vmem>>, vector<16xi32>,
    tpu.vector_store %arg8[%swap3A_140, %swap3A_141], %shift_right_logical3A_138 {strides = array<i32>} : memref<4x128xi32, #tpu.memory_space<vmem>>, vector<16xi32>,
    %get3A_143 = arith.constant 1 : i32
    %get3A_144 = arith.index_cast %get3A_143 : i32 to index
    %get3A_145 = arith.constant 64 : index
    %get3A_146 = tpu.vector_load %arg6[%get3A_144, %get3A_145] {strides = array<i32>} : memref<200x128xi32, #tpu.memory_space<vmem>>, vector<16xi32>,
    %shift_right_logical3A_147 = arith.constant 2 : i32
    %shift_right_logical3A_148 = vector.broadcast %shift_right_logical3A_147 : i32 to vector<16xi32>
    %shift_right_logical3A_149 = arith.shrui %get3A_146, %shift_right_logical3A_148 : vector<16xi32>
    %swap3A_150 = arith.constant 1 : i32
    %swap3A_151 = arith.index_cast %swap3A_150 : i32 to index
    %swap3A_152 = arith.constant 64 : index
    %swap3A_153 = tpu.vector_load %arg8[%swap3A_151, %swap3A_152] {strides = array<i32>} : memref<4x128xi32, #tpu.memory_space<vmem>>, vector<16xi32>,
    tpu.vector_store %arg8[%swap3A_151, %swap3A_152], %shift_right_logical3A_149 {strides = array<i32>} : memref<4x128xi32, #tpu.memory_space<vmem>>, vector<16xi32>,
    %get3A_154 = arith.constant 1 : i32
    %get3A_155 = arith.index_cast %get3A_154 : i32 to index
    %get3A_156 = arith.constant 80 : index
    %get3A_157 = tpu.vector_load %arg6[%get3A_155, %get3A_156] {strides = array<i32>} : memref<200x128xi32, #tpu.memory_space<vmem>>, vector<16xi32>,
    %shift_right_logical3A_158 = arith.constant 2 : i32
    %shift_right_logical3A_159 = vector.broadcast %shift_right_logical3A_158 : i32 to vector<16xi32>
    %shift_right_logical3A_160 = arith.shrui %get3A_157, %shift_right_logical3A_159 : vector<16xi32>
    %swap3A_161 = arith.constant 1 : i32
    %swap3A_162 = arith.index_cast %swap3A_161 : i32 to index
    %swap3A_163 = arith.constant 80 : index
    %swap3A_164 = tpu.vector_load %arg8[%swap3A_162, %swap3A_163] {strides = array<i32>} : memref<4x128xi32, #tpu.memory_space<vmem>>, vector<16xi32>,
    tpu.vector_store %arg8[%swap3A_162, %swap3A_163], %shift_right_logical3A_160 {strides = array<i32>} : memref<4x128xi32, #tpu.memory_space<vmem>>, vector<16xi32>,
    %get3A_165 = arith.constant 1 : i32
    %get3A_166 = arith.index_cast %get3A_165 : i32 to index
    %get3A_167 = arith.constant 96 : index
    %get3A_168 = tpu.vector_load %arg6[%get3A_166, %get3A_167] {strides = array<i32>} : memref<200x128xi32, #tpu.memory_space<vmem>>, vector<16xi32>,
    %shift_right_logical3A_169 = arith.constant 2 : i32
    %shift_right_logical3A_170 = vector.broadcast %shift_right_logical3A_169 : i32 to vector<16xi32>
    %shift_right_logical3A_171 = arith.shrui %get3A_168, %shift_right_logical3A_170 : vector<16xi32>
    %swap3A_172 = arith.constant 1 : i32
    %swap3A_173 = arith.index_cast %swap3A_172 : i32 to index
    %swap3A_174 = arith.constant 96 : index
    %swap3A_175 = tpu.vector_load %arg8[%swap3A_173, %swap3A_174] {strides = array<i32>} : memref<4x128xi32, #tpu.memory_space<vmem>>, vector<16xi32>,
    tpu.vector_store %arg8[%swap3A_173, %swap3A_174], %shift_right_logical3A_171 {strides = array<i32>} : memref<4x128xi32, #tpu.memory_space<vmem>>, vector<16xi32>,
    %get3A_176 = arith.constant 1 : i32
    %get3A_177 = arith.index_cast %get3A_176 : i32 to index
    %get3A_178 = arith.constant 112 : index
    %get3A_179 = tpu.vector_load %arg6[%get3A_177, %get3A_178] {strides = array<i32>} : memref<200x128xi32, #tpu.memory_space<vmem>>, vector<16xi32>,
    %shift_right_logical3A_180 = arith.constant 2 : i32
    %shift_right_logical3A_181 = vector.broadcast %shift_right_logical3A_180 : i32 to vector<16xi32>
    %shift_right_logical3A_182 = arith.shrui %get3A_179, %shift_right_logical3A_181 : vector<16xi32>
    %swap3A_183 = arith.constant 1 : i32
    %swap3A_184 = arith.index_cast %swap3A_183 : i32 to index
    %swap3A_185 = arith.constant 112 : index
    %swap3A_186 = tpu.vector_load %arg8[%swap3A_184, %swap3A_185] {strides = array<i32>} : memref<4x128xi32, #tpu.memory_space<vmem>>, vector<16xi32>,
    tpu.vector_store %arg8[%swap3A_184, %swap3A_185], %shift_right_logical3A_182 {strides = array<i32>} : memref<4x128xi32, #tpu.memory_space<vmem>>, vector<16xi32>,
    %dma_start3A_187 = arith.constant 1 : i32
    %dma_start3A_188 = arith.constant 1 : i32
    %dma_start3A_189 = arith.constant 0 : i32
    %dma_start3A_190 = arith.constant 0 : i32
    %dma_start3A_191 = tpu.memref_slice %arg9[%dma_start3A_188, %dma_start3A_189, %dma_start3A_190] : memref<4x128x128xf32, #tpu.memory_space<vmem>> -> memref<1x128x128xf32, #tpu.memory_space<vmem>>
    %dma_start3A_192 = tpu.memref_squeeze %dma_start3A_191 : memref<1x128x128xf32, #tpu.memory_space<vmem>> -> memref<128x128xf32, #tpu.memory_space<vmem>>
    %dma_start3A_193 = arith.constant 0 : i32
    %dma_start3A_194 = tpu.memref_slice %arg8[%dma_start3A_187, %dma_start3A_193] : memref<4x128xi32, #tpu.memory_space<vmem>> -> memref<1x128xi32, #tpu.memory_space<vmem>>
    %dma_start3A_195 = tpu.memref_squeeze %dma_start3A_194 : memref<1x128xi32, #tpu.memory_space<vmem>> -> memref<128xi32, #tpu.memory_space<vmem>>
    %dma_start3A_196 = arith.constant 0 : i32
    %dma_start3A_197 = arith.constant 0 : i32
    %dma_start3A_198 = tpu.memref_slice %arg3[%dma_start3A_196, %dma_start3A_197] : memref<250000x128xf32, #tpu.memory_space<hbm>> -> memref<250000x128xf32, #tpu.memory_space<hbm>>
    tpu.enqueue_indirect_dma source(%dma_start3A_198 : memref<250000x128xf32, #tpu.memory_space<hbm>>) target(%dma_start3A_192 : memref<128x128xf32, #tpu.memory_space<vmem>>) offsets(%dma_start3A_195 : memref<128xi32, #tpu.memory_space<vmem>>) semaphore(%arg12 : memref<!tpu.dma_semaphore, #tpu.memory_space<semaphore_mem>>)
    %scan3A = arith.constant 0 : i32
    %scan3A_199 = arith.constant 0 : i32
    %scan3A_200 = arith.constant 50 : i32
    %scan3A_201 = arith.addi %scan3A_199, %scan3A_200 : i32
    %scan3A_202 = arith.constant 1 : i32
    scf.for %scan3A_235 = %scan3A_199 to %scan3A_201 step %scan3A_202  : i32 {
      %mul3A_236 = arith.constant 4 : i32
      %mul3A_237 = arith.muli %mul3A_236, %scan3A_235 : i32
      %add3A_238 = arith.constant 0 : i32
      %add3A_239 = arith.addi %mul3A_237, %add3A_238 : i32
      %add3A_240 = arith.constant 2 : i32
      %add3A_241 = arith.addi %add3A_239, %add3A_240 : i32
      %lt3A = arith.constant 200 : i32
      %lt3A_242 = arith.cmpi slt, %add3A_241, %lt3A : i32
      %convert_element_type3A = arith.extui %lt3A_242 : i1 to i32
      %cond3A = arith.constant 0 : i32
      %cond3A_243 = arith.cmpi ne, %convert_element_type3A, %cond3A : i32
      scf.if %cond3A_243 {
        %add3A_659 = arith.constant 2 : i32
        %add3A_660 = arith.addi %add3A_239, %add3A_659 : i32
        %get3A_661 = arith.index_cast %add3A_660 : i32 to index
        %get3A_662 = arith.constant 0 : index
        %get3A_663 = tpu.vector_load %arg6[%get3A_661, %get3A_662] {strides = array<i32>} : memref<200x128xi32, #tpu.memory_space<vmem>>, vector<16xi32>,
        %shift_right_logical3A_664 = arith.constant 2 : i32
        %shift_right_logical3A_665 = vector.broadcast %shift_right_logical3A_664 : i32 to vector<16xi32>
        %shift_right_logical3A_666 = arith.shrui %get3A_663, %shift_right_logical3A_665 : vector<16xi32>
        %swap3A_667 = arith.constant 2 : i32
        %swap3A_668 = arith.index_cast %swap3A_667 : i32 to index
        %swap3A_669 = arith.constant 0 : index
        %swap3A_670 = tpu.vector_load %arg8[%swap3A_668, %swap3A_669] {strides = array<i32>} : memref<4x128xi32, #tpu.memory_space<vmem>>, vector<16xi32>,
        tpu.vector_store %arg8[%swap3A_668, %swap3A_669], %shift_right_logical3A_666 {strides = array<i32>} : memref<4x128xi32, #tpu.memory_space<vmem>>, vector<16xi32>,
        %get3A_671 = arith.index_cast %add3A_660 : i32 to index
        %get3A_672 = arith.constant 16 : index
        %get3A_673 = tpu.vector_load %arg6[%get3A_671, %get3A_672] {strides = array<i32>} : memref<200x128xi32, #tpu.memory_space<vmem>>, vector<16xi32>,
        %shift_right_logical3A_674 = arith.constant 2 : i32
        %shift_right_logical3A_675 = vector.broadcast %shift_right_logical3A_674 : i32 to vector<16xi32>
        %shift_right_logical3A_676 = arith.shrui %get3A_673, %shift_right_logical3A_675 : vector<16xi32>
        %swap3A_677 = arith.constant 2 : i32
        %swap3A_678 = arith.index_cast %swap3A_677 : i32 to index
        %swap3A_679 = arith.constant 16 : index
        %swap3A_680 = tpu.vector_load %arg8[%swap3A_678, %swap3A_679] {strides = array<i32>} : memref<4x128xi32, #tpu.memory_space<vmem>>, vector<16xi32>,
        tpu.vector_store %arg8[%swap3A_678, %swap3A_679], %shift_right_logical3A_676 {strides = array<i32>} : memref<4x128xi32, #tpu.memory_space<vmem>>, vector<16xi32>,
        %get3A_681 = arith.index_cast %add3A_660 : i32 to index
        %get3A_682 = arith.constant 32 : index
        %get3A_683 = tpu.vector_load %arg6[%get3A_681, %get3A_682] {strides = array<i32>} : memref<200x128xi32, #tpu.memory_space<vmem>>, vector<16xi32>,
        %shift_right_logical3A_684 = arith.constant 2 : i32
        %shift_right_logical3A_685 = vector.broadcast %shift_right_logical3A_684 : i32 to vector<16xi32>
        %shift_right_logical3A_686 = arith.shrui %get3A_683, %shift_right_logical3A_685 : vector<16xi32>
        %swap3A_687 = arith.constant 2 : i32
        %swap3A_688 = arith.index_cast %swap3A_687 : i32 to index
        %swap3A_689 = arith.constant 32 : index
        %swap3A_690 = tpu.vector_load %arg8[%swap3A_688, %swap3A_689] {strides = array<i32>} : memref<4x128xi32, #tpu.memory_space<vmem>>, vector<16xi32>,
        tpu.vector_store %arg8[%swap3A_688, %swap3A_689], %shift_right_logical3A_686 {strides = array<i32>} : memref<4x128xi32, #tpu.memory_space<vmem>>, vector<16xi32>,
        %get3A_691 = arith.index_cast %add3A_660 : i32 to index
        %get3A_692 = arith.constant 48 : index
        %get3A_693 = tpu.vector_load %arg6[%get3A_691, %get3A_692] {strides = array<i32>} : memref<200x128xi32, #tpu.memory_space<vmem>>, vector<16xi32>,
        %shift_right_logical3A_694 = arith.constant 2 : i32
        %shift_right_logical3A_695 = vector.broadcast %shift_right_logical3A_694 : i32 to vector<16xi32>
        %shift_right_logical3A_696 = arith.shrui %get3A_693, %shift_right_logical3A_695 : vector<16xi32>
        %swap3A_697 = arith.constant 2 : i32
        %swap3A_698 = arith.index_cast %swap3A_697 : i32 to index
        %swap3A_699 = arith.constant 48 : index
        %swap3A_700 = tpu.vector_load %arg8[%swap3A_698, %swap3A_699] {strides = array<i32>} : memref<4x128xi32, #tpu.memory_space<vmem>>, vector<16xi32>,
        tpu.vector_store %arg8[%swap3A_698, %swap3A_699], %shift_right_logical3A_696 {strides = array<i32>} : memref<4x128xi32, #tpu.memory_space<vmem>>, vector<16xi32>,
        %get3A_701 = arith.index_cast %add3A_660 : i32 to index
        %get3A_702 = arith.constant 64 : index
        %get3A_703 = tpu.vector_load %arg6[%get3A_701, %get3A_702] {strides = array<i32>} : memref<200x128xi32, #tpu.memory_space<vmem>>, vector<16xi32>,
        %shift_right_logical3A_704 = arith.constant 2 : i32
        %shift_right_logical3A_705 = vector.broadcast %shift_right_logical3A_704 : i32 to vector<16xi32>
        %shift_right_logical3A_706 = arith.shrui %get3A_703, %shift_right_logical3A_705 : vector<16xi32>
        %swap3A_707 = arith.constant 2 : i32
        %swap3A_708 = arith.index_cast %swap3A_707 : i32 to index
        %swap3A_709 = arith.constant 64 : index
        %swap3A_710 = tpu.vector_load %arg8[%swap3A_708, %swap3A_709] {strides = array<i32>} : memref<4x128xi32, #tpu.memory_space<vmem>>, vector<16xi32>,
        tpu.vector_store %arg8[%swap3A_708, %swap3A_709], %shift_right_logical3A_706 {strides = array<i32>} : memref<4x128xi32, #tpu.memory_space<vmem>>, vector<16xi32>,
        %get3A_711 = arith.index_cast %add3A_660 : i32 to index
        %get3A_712 = arith.constant 80 : index
        %get3A_713 = tpu.vector_load %arg6[%get3A_711, %get3A_712] {strides = array<i32>} : memref<200x128xi32, #tpu.memory_space<vmem>>, vector<16xi32>,
        %shift_right_logical3A_714 = arith.constant 2 : i32
        %shift_right_logical3A_715 = vector.broadcast %shift_right_logical3A_714 : i32 to vector<16xi32>
        %shift_right_logical3A_716 = arith.shrui %get3A_713, %shift_right_logical3A_715 : vector<16xi32>
        %swap3A_717 = arith.constant 2 : i32
        %swap3A_718 = arith.index_cast %swap3A_717 : i32 to index
        %swap3A_719 = arith.constant 80 : index
        %swap3A_720 = tpu.vector_load %arg8[%swap3A_718, %swap3A_719] {strides = array<i32>} : memref<4x128xi32, #tpu.memory_space<vmem>>, vector<16xi32>,
        tpu.vector_store %arg8[%swap3A_718, %swap3A_719], %shift_right_logical3A_716 {strides = array<i32>} : memref<4x128xi32, #tpu.memory_space<vmem>>, vector<16xi32>,
        %get3A_721 = arith.index_cast %add3A_660 : i32 to index
        %get3A_722 = arith.constant 96 : index
        %get3A_723 = tpu.vector_load %arg6[%get3A_721, %get3A_722] {strides = array<i32>} : memref<200x128xi32, #tpu.memory_space<vmem>>, vector<16xi32>,
        %shift_right_logical3A_724 = arith.constant 2 : i32
        %shift_right_logical3A_725 = vector.broadcast %shift_right_logical3A_724 : i32 to vector<16xi32>
        %shift_right_logical3A_726 = arith.shrui %get3A_723, %shift_right_logical3A_725 : vector<16xi32>
        %swap3A_727 = arith.constant 2 : i32
        %swap3A_728 = arith.index_cast %swap3A_727 : i32 to index
        %swap3A_729 = arith.constant 96 : index
        %swap3A_730 = tpu.vector_load %arg8[%swap3A_728, %swap3A_729] {strides = array<i32>} : memref<4x128xi32, #tpu.memory_space<vmem>>, vector<16xi32>,
        tpu.vector_store %arg8[%swap3A_728, %swap3A_729], %shift_right_logical3A_726 {strides = array<i32>} : memref<4x128xi32, #tpu.memory_space<vmem>>, vector<16xi32>,
        %get3A_731 = arith.index_cast %add3A_660 : i32 to index
        %get3A_732 = arith.constant 112 : index
        %get3A_733 = tpu.vector_load %arg6[%get3A_731, %get3A_732] {strides = array<i32>} : memref<200x128xi32, #tpu.memory_space<vmem>>, vector<16xi32>,
        %shift_right_logical3A_734 = arith.constant 2 : i32
        %shift_right_logical3A_735 = vector.broadcast %shift_right_logical3A_734 : i32 to vector<16xi32>
        %shift_right_logical3A_736 = arith.shrui %get3A_733, %shift_right_logical3A_735 : vector<16xi32>
        %swap3A_737 = arith.constant 2 : i32
        %swap3A_738 = arith.index_cast %swap3A_737 : i32 to index
        %swap3A_739 = arith.constant 112 : index
        %swap3A_740 = tpu.vector_load %arg8[%swap3A_738, %swap3A_739] {strides = array<i32>} : memref<4x128xi32, #tpu.memory_space<vmem>>, vector<16xi32>,
        tpu.vector_store %arg8[%swap3A_738, %swap3A_739], %shift_right_logical3A_736 {strides = array<i32>} : memref<4x128xi32, #tpu.memory_space<vmem>>, vector<16xi32>,
        %dma_start3A_741 = arith.constant 2 : i32
        %dma_start3A_742 = arith.constant 2 : i32
        %dma_start3A_743 = arith.constant 0 : i32
        %dma_start3A_744 = arith.constant 0 : i32
        %dma_start3A_745 = tpu.memref_slice %arg9[%dma_start3A_742, %dma_start3A_743, %dma_start3A_744] : memref<4x128x128xf32, #tpu.memory_space<vmem>> -> memref<1x128x128xf32, #tpu.memory_space<vmem>>
        %dma_start3A_746 = tpu.memref_squeeze %dma_start3A_745 : memref<1x128x128xf32, #tpu.memory_space<vmem>> -> memref<128x128xf32, #tpu.memory_space<vmem>>
        %dma_start3A_747 = arith.constant 0 : i32
        %dma_start3A_748 = tpu.memref_slice %arg8[%dma_start3A_741, %dma_start3A_747] : memref<4x128xi32, #tpu.memory_space<vmem>> -> memref<1x128xi32, #tpu.memory_space<vmem>>
        %dma_start3A_749 = tpu.memref_squeeze %dma_start3A_748 : memref<1x128xi32, #tpu.memory_space<vmem>> -> memref<128xi32, #tpu.memory_space<vmem>>
        %dma_start3A_750 = arith.constant 0 : i32
        %dma_start3A_751 = arith.constant 0 : i32
        %dma_start3A_752 = tpu.memref_slice %arg3[%dma_start3A_750, %dma_start3A_751] : memref<250000x128xf32, #tpu.memory_space<hbm>> -> memref<250000x128xf32, #tpu.memory_space<hbm>>
        tpu.enqueue_indirect_dma source(%dma_start3A_752 : memref<250000x128xf32, #tpu.memory_space<hbm>>) target(%dma_start3A_746 : memref<128x128xf32, #tpu.memory_space<vmem>>) offsets(%dma_start3A_749 : memref<128xi32, #tpu.memory_space<vmem>>) semaphore(%arg13 : memref<!tpu.dma_semaphore, #tpu.memory_space<semaphore_mem>>)
      } else {
      }
      %dma_wait3A_244 = arith.constant 0 : i32
      %dma_wait3A_245 = arith.constant 0 : i32
      %dma_wait3A_246 = arith.constant 0 : i32
      %dma_wait3A_247 = arith.constant 0 : i32
      %dma_wait3A_248 = tpu.memref_slice %arg9[%dma_wait3A_245, %dma_wait3A_246, %dma_wait3A_247] : memref<4x128x128xf32, #tpu.memory_space<vmem>> -> memref<1x128x128xf32, #tpu.memory_space<vmem>>
      %dma_wait3A_249 = tpu.memref_squeeze %dma_wait3A_248 : memref<1x128x128xf32, #tpu.memory_space<vmem>> -> memref<128x128xf32, #tpu.memory_space<vmem>>
      %dma_wait3A_250 = arith.constant 0 : i32
      %dma_wait3A_251 = tpu.memref_slice %arg8[%dma_wait3A_244, %dma_wait3A_250] : memref<4x128xi32, #tpu.memory_space<vmem>> -> memref<1x128xi32, #tpu.memory_space<vmem>>
      %dma_wait3A_252 = tpu.memref_squeeze %dma_wait3A_251 : memref<1x128xi32, #tpu.memory_space<vmem>> -> memref<128xi32, #tpu.memory_space<vmem>>
      %dma_wait3A_253 = arith.constant 0 : i32
      %dma_wait3A_254 = arith.constant 0 : i32
      %dma_wait3A_255 = tpu.memref_slice %arg3[%dma_wait3A_253, %dma_wait3A_254] : memref<250000x128xf32, #tpu.memory_space<hbm>> -> memref<250000x128xf32, #tpu.memory_space<hbm>>
      tpu.wait_indirect_dma semaphore(%arg11 : memref<!tpu.dma_semaphore, #tpu.memory_space<semaphore_mem>>) src(%dma_wait3A_255 : memref<250000x128xf32, #tpu.memory_space<hbm>>) dst(%dma_wait3A_249 : memref<128x128xf32, #tpu.memory_space<vmem>>)
      %gt3A = arith.constant 0 : i32
      %gt3A_256 = arith.cmpi sgt, %scan3A_235, %gt3A : i32
      %convert_element_type3A_257 = arith.extui %gt3A_256 : i1 to i32
      %cond3A_258 = arith.constant 0 : i32
      %cond3A_259 = arith.cmpi ne, %convert_element_type3A_257, %cond3A_258 : i32
      scf.if %cond3A_259 {
        %dma_wait3A_659 = arith.constant 0 : i32
        %dma_wait3A_660 = arith.constant 0 : i32
        %dma_wait3A_661 = arith.constant 0 : i32
        %dma_wait3A_662 = tpu.memref_slice %arg10[%dma_wait3A_659, %dma_wait3A_660, %dma_wait3A_661] : memref<2x32x128xf32, #tpu.memory_space<vmem>> -> memref<1x32x128xf32, #tpu.memory_space<vmem>>
        %dma_wait3A_663 = tpu.memref_squeeze %dma_wait3A_662 : memref<1x32x128xf32, #tpu.memory_space<vmem>> -> memref<32x128xf32, #tpu.memory_space<vmem>>
        %dma_wait3A_664 = arith.constant 0 : i32
        %dma_wait3A_665 = tpu.memref_slice %arg5[%add3A_239, %dma_wait3A_664, %mul3A_2] : memref<200x32x4096xf32, #tpu.memory_space<hbm>> -> memref<1x32x128xf32, #tpu.memory_space<hbm>>
        %dma_wait3A_666 = tpu.memref_squeeze %dma_wait3A_665 : memref<1x32x128xf32, #tpu.memory_space<hbm>> -> memref<32x128xf32, #tpu.memory_space<hbm>>
        %dma_wait3A_667 = arith.constant 0 : i32
        %dma_wait3A_668 = tpu.memref_slice %arg5[%add3A_239, %dma_wait3A_667, %mul3A_2] : memref<200x32x4096xf32, #tpu.memory_space<hbm>> -> memref<1x32x128xf32, #tpu.memory_space<hbm>>
        %dma_wait3A_669 = tpu.memref_squeeze %dma_wait3A_668 : memref<1x32x128xf32, #tpu.memory_space<hbm>> -> memref<32x128xf32, #tpu.memory_space<hbm>>
        %dma_wait3A_670 = arith.constant 0 : i32
        %dma_wait3A_671 = arith.constant 0 : i32
        %dma_wait3A_672 = tpu.memref_slice %arg10[%dma_wait3A_659, %dma_wait3A_670, %dma_wait3A_671] : memref<2x32x128xf32, #tpu.memory_space<vmem>> -> memref<1x32x128xf32, #tpu.memory_space<vmem>>
        %dma_wait3A_673 = tpu.memref_squeeze %dma_wait3A_672 : memref<1x32x128xf32, #tpu.memory_space<vmem>> -> memref<32x128xf32, #tpu.memory_space<vmem>>
        tpu.wait_dma2 semaphore(%arg15 : memref<!tpu.dma_semaphore, #tpu.memory_space<semaphore_mem>>) src(%dma_wait3A_673 : memref<32x128xf32, #tpu.memory_space<vmem>>) dst(%dma_wait3A_669 : memref<32x128xf32, #tpu.memory_space<hbm>>)
      } else {
      }
      %get3A_260 = arith.index_cast %add3A_239 : i32 to index
      %get3A_261 = arith.constant 0 : index
      %get3A_262 = tpu.vector_load %arg6[%get3A_260, %get3A_261] {strides = array<i32>} : memref<200x128xi32, #tpu.memory_space<vmem>>, vector<16xi32>,
      %and3A = arith.constant 3 : i32
      %and3A_263 = vector.broadcast %and3A : i32 to vector<16xi32>
      %and3A_264 = arith.andi %get3A_262, %and3A_263 : vector<16xi32>
      %get3A_265 = arith.index_cast %add3A_239 : i32 to index
      %get3A_266 = arith.constant 16 : index
      %get3A_267 = tpu.vector_load %arg6[%get3A_265, %get3A_266] {strides = array<i32>} : memref<200x128xi32, #tpu.memory_space<vmem>>, vector<16xi32>,
      %and3A_268 = arith.constant 3 : i32
      %and3A_269 = vector.broadcast %and3A_268 : i32 to vector<16xi32>
      %and3A_270 = arith.andi %get3A_267, %and3A_269 : vector<16xi32>
      %get3A_271 = arith.index_cast %add3A_239 : i32 to index
      %get3A_272 = arith.constant 32 : index
      %get3A_273 = tpu.vector_load %arg6[%get3A_271, %get3A_272] {strides = array<i32>} : memref<200x128xi32, #tpu.memory_space<vmem>>, vector<16xi32>,
      %and3A_274 = arith.constant 3 : i32
      %and3A_275 = vector.broadcast %and3A_274 : i32 to vector<16xi32>
      %and3A_276 = arith.andi %get3A_273, %and3A_275 : vector<16xi32>
      %get3A_277 = arith.index_cast %add3A_239 : i32 to index
      %get3A_278 = arith.constant 48 : index
      %get3A_279 = tpu.vector_load %arg6[%get3A_277, %get3A_278] {strides = array<i32>} : memref<200x128xi32, #tpu.memory_space<vmem>>, vector<16xi32>,
      %and3A_280 = arith.constant 3 : i32
      %and3A_281 = vector.broadcast %and3A_280 : i32 to vector<16xi32>
      %and3A_282 = arith.andi %get3A_279, %and3A_281 : vector<16xi32>
      %get3A_283 = arith.index_cast %add3A_239 : i32 to index
      %get3A_284 = arith.constant 64 : index
      %get3A_285 = tpu.vector_load %arg6[%get3A_283, %get3A_284] {strides = array<i32>} : memref<200x128xi32, #tpu.memory_space<vmem>>, vector<16xi32>,
      %and3A_286 = arith.constant 3 : i32
      %and3A_287 = vector.broadcast %and3A_286 : i32 to vector<16xi32>
      %and3A_288 = arith.andi %get3A_285, %and3A_287 : vector<16xi32>
      %get3A_289 = arith.index_cast %add3A_239 : i32 to index
      %get3A_290 = arith.constant 80 : index
      %get3A_291 = tpu.vector_load %arg6[%get3A_289, %get3A_290] {strides = array<i32>} : memref<200x128xi32, #tpu.memory_space<vmem>>, vector<16xi32>,
      %and3A_292 = arith.constant 3 : i32
      %and3A_293 = vector.broadcast %and3A_292 : i32 to vector<16xi32>
      %and3A_294 = arith.andi %get3A_291, %and3A_293 : vector<16xi32>
      %get3A_295 = arith.index_cast %add3A_239 : i32 to index
      %get3A_296 = arith.constant 96 : index
      %get3A_297 = tpu.vector_load %arg6[%get3A_295, %get3A_296] {strides = array<i32>} : memref<200x128xi32, #tpu.memory_space<vmem>>, vector<16xi32>,
      %and3A_298 = arith.constant 3 : i32
      %and3A_299 = vector.broadcast %and3A_298 : i32 to vector<16xi32>
      %and3A_300 = arith.andi %get3A_297, %and3A_299 : vector<16xi32>
      %get3A_301 = arith.index_cast %add3A_239 : i32 to index
      %get3A_302 = arith.constant 112 : index
      %get3A_303 = tpu.vector_load %arg6[%get3A_301, %get3A_302] {strides = array<i32>} : memref<200x128xi32, #tpu.memory_space<vmem>>, vector<16xi32>,
      %and3A_304 = arith.constant 3 : i32
      %and3A_305 = vector.broadcast %and3A_304 : i32 to vector<16xi32>
      %and3A_306 = arith.andi %get3A_303, %and3A_305 : vector<16xi32>
      %mul3A_307 = arith.constant 32 : i32
      %mul3A_308 = arith.muli %add3A_239, %mul3A_307 : i32
      %div3A = arith.constant 128 : i32
      %div3A_309 = arith.divsi %mul3A_308, %div3A : i32
      %broadcast_in_dim3A = vector.broadcast %div3A_309 : i32 to vector<16xi32>
      %mul3A_310 = arith.constant 32 : i32
      %mul3A_311 = arith.muli %add3A_239, %mul3A_310 : i32
      %rem3A = arith.constant 128 : i32
      %rem3A_312 = arith.remsi %mul3A_311, %rem3A : i32
      %parallel_loop3A = arith.constant 0 : i32
      %parallel_loop3A_313 = arith.constant 32 : i32
      %parallel_loop3A_314 = arith.constant 1 : i32
      scf.for %parallel_loop3A_659 = %parallel_loop3A to %parallel_loop3A_313 step %parallel_loop3A_314  : i32 {
        %parallel_loop3A_660 = arith.addi %rem3A_312, %parallel_loop3A_659 : i32
        %parallel_loop3A_661 = vector.broadcast %parallel_loop3A_660 : i32 to vector<16xi32>
        %parallel_loop3A_662 = tpu.vector_load_idx %arg7[%broadcast_in_dim3A, %parallel_loop3A_661] : memref<50x128xf32, #tpu.memory_space<vmem>>[vector<16xi32>, vector<16xi32>], vector<16xf32>,
        %parallel_loop3A_663 = arith.constant 0 : i32
        %parallel_loop3A_664 = vector.broadcast %parallel_loop3A_663 : i32 to vector<16xi32>
        %parallel_loop3A_665 = arith.addi %iota3A, %parallel_loop3A_664 : vector<16xi32>
        %parallel_loop3A_666 = arith.constant 4 : i32
        %parallel_loop3A_667 = arith.muli %parallel_loop3A_666, %parallel_loop3A_659 : i32
        %parallel_loop3A_668 = vector.broadcast %parallel_loop3A_667 : i32 to vector<16xi32>
        %parallel_loop3A_669 = arith.addi %and3A_264, %parallel_loop3A_668 : vector<16xi32>
        %parallel_loop3A_670 = arith.constant 0 : i32
        %parallel_loop3A_671 = arith.constant 0 : i32
        %parallel_loop3A_672 = arith.constant 0 : i32
        %parallel_loop3A_673 = tpu.memref_slice %arg9[%parallel_loop3A_670, %parallel_loop3A_671, %parallel_loop3A_672] : memref<4x128x128xf32, #tpu.memory_space<vmem>> -> memref<1x128x128xf32, #tpu.memory_space<vmem>>
        %parallel_loop3A_674 = tpu.memref_squeeze %parallel_loop3A_673 : memref<1x128x128xf32, #tpu.memory_space<vmem>> -> memref<128x128xf32, #tpu.memory_space<vmem>>
        %parallel_loop3A_675 = tpu.vector_load_idx %parallel_loop3A_674[%parallel_loop3A_665, %parallel_loop3A_669] : memref<128x128xf32, #tpu.memory_space<vmem>>[vector<16xi32>, vector<16xi32>], vector<16xf32>,
        %parallel_loop3A_676 = arith.addf %parallel_loop3A_675, %parallel_loop3A_662 : vector<16xf32>
        %parallel_loop3A_677 = arith.constant 0 : i32
        %parallel_loop3A_678 = arith.index_cast %parallel_loop3A_677 : i32 to index
        %parallel_loop3A_679 = arith.index_cast %parallel_loop3A_659 : i32 to index
        %parallel_loop3A_680 = arith.constant 0 : index
        %parallel_loop3A_681 = tpu.vector_load %arg10[%parallel_loop3A_678, %parallel_loop3A_679, %parallel_loop3A_680] {strides = array<i32>} : memref<2x32x128xf32, #tpu.memory_space<vmem>>, vector<16xf32>,
        tpu.vector_store %arg10[%parallel_loop3A_678, %parallel_loop3A_679, %parallel_loop3A_680], %parallel_loop3A_676 {strides = array<i32>} : memref<2x32x128xf32, #tpu.memory_space<vmem>>, vector<16xf32>,
        %parallel_loop3A_682 = arith.constant 16 : i32
        %parallel_loop3A_683 = vector.broadcast %parallel_loop3A_682 : i32 to vector<16xi32>
        %parallel_loop3A_684 = arith.addi %iota3A, %parallel_loop3A_683 : vector<16xi32>
        %parallel_loop3A_685 = arith.constant 4 : i32
        %parallel_loop3A_686 = arith.muli %parallel_loop3A_685, %parallel_loop3A_659 : i32
        %parallel_loop3A_687 = vector.broadcast %parallel_loop3A_686 : i32 to vector<16xi32>
        %parallel_loop3A_688 = arith.addi %and3A_270, %parallel_loop3A_687 : vector<16xi32>
        %parallel_loop3A_689 = arith.constant 0 : i32
        %parallel_loop3A_690 = arith.constant 0 : i32
        %parallel_loop3A_691 = arith.constant 0 : i32
        %parallel_loop3A_692 = tpu.memref_slice %arg9[%parallel_loop3A_689, %parallel_loop3A_690, %parallel_loop3A_691] : memref<4x128x128xf32, #tpu.memory_space<vmem>> -> memref<1x128x128xf32, #tpu.memory_space<vmem>>
        %parallel_loop3A_693 = tpu.memref_squeeze %parallel_loop3A_692 : memref<1x128x128xf32, #tpu.memory_space<vmem>> -> memref<128x128xf32, #tpu.memory_space<vmem>>
        %parallel_loop3A_694 = tpu.vector_load_idx %parallel_loop3A_693[%parallel_loop3A_684, %parallel_loop3A_688] : memref<128x128xf32, #tpu.memory_space<vmem>>[vector<16xi32>, vector<16xi32>], vector<16xf32>,
        %parallel_loop3A_695 = arith.addf %parallel_loop3A_694, %parallel_loop3A_662 : vector<16xf32>
        %parallel_loop3A_696 = arith.constant 0 : i32
        %parallel_loop3A_697 = arith.index_cast %parallel_loop3A_696 : i32 to index
        %parallel_loop3A_698 = arith.index_cast %parallel_loop3A_659 : i32 to index
        %parallel_loop3A_699 = arith.constant 16 : index
        %parallel_loop3A_700 = tpu.vector_load %arg10[%parallel_loop3A_697, %parallel_loop3A_698, %parallel_loop3A_699] {strides = array<i32>} : memref<2x32x128xf32, #tpu.memory_space<vmem>>, vector<16xf32>,
        tpu.vector_store %arg10[%parallel_loop3A_697, %parallel_loop3A_698, %parallel_loop3A_699], %parallel_loop3A_695 {strides = array<i32>} : memref<2x32x128xf32, #tpu.memory_space<vmem>>, vector<16xf32>,
        %parallel_loop3A_701 = arith.constant 32 : i32
        %parallel_loop3A_702 = vector.broadcast %parallel_loop3A_701 : i32 to vector<16xi32>
        %parallel_loop3A_703 = arith.addi %iota3A, %parallel_loop3A_702 : vector<16xi32>
        %parallel_loop3A_704 = arith.constant 4 : i32
        %parallel_loop3A_705 = arith.muli %parallel_loop3A_704, %parallel_loop3A_659 : i32
        %parallel_loop3A_706 = vector.broadcast %parallel_loop3A_705 : i32 to vector<16xi32>
        %parallel_loop3A_707 = arith.addi %and3A_276, %parallel_loop3A_706 : vector<16xi32>
        %parallel_loop3A_708 = arith.constant 0 : i32
        %parallel_loop3A_709 = arith.constant 0 : i32
        %parallel_loop3A_710 = arith.constant 0 : i32
        %parallel_loop3A_711 = tpu.memref_slice %arg9[%parallel_loop3A_708, %parallel_loop3A_709, %parallel_loop3A_710] : memref<4x128x128xf32, #tpu.memory_space<vmem>> -> memref<1x128x128xf32, #tpu.memory_space<vmem>>
        %parallel_loop3A_712 = tpu.memref_squeeze %parallel_loop3A_711 : memref<1x128x128xf32, #tpu.memory_space<vmem>> -> memref<128x128xf32, #tpu.memory_space<vmem>>
        %parallel_loop3A_713 = tpu.vector_load_idx %parallel_loop3A_712[%parallel_loop3A_703, %parallel_loop3A_707] : memref<128x128xf32, #tpu.memory_space<vmem>>[vector<16xi32>, vector<16xi32>], vector<16xf32>,
        %parallel_loop3A_714 = arith.addf %parallel_loop3A_713, %parallel_loop3A_662 : vector<16xf32>
        %parallel_loop3A_715 = arith.constant 0 : i32
        %parallel_loop3A_716 = arith.index_cast %parallel_loop3A_715 : i32 to index
        %parallel_loop3A_717 = arith.index_cast %parallel_loop3A_659 : i32 to index
        %parallel_loop3A_718 = arith.constant 32 : index
        %parallel_loop3A_719 = tpu.vector_load %arg10[%parallel_loop3A_716, %parallel_loop3A_717, %parallel_loop3A_718] {strides = array<i32>} : memref<2x32x128xf32, #tpu.memory_space<vmem>>, vector<16xf32>,
        tpu.vector_store %arg10[%parallel_loop3A_716, %parallel_loop3A_717, %parallel_loop3A_718], %parallel_loop3A_714 {strides = array<i32>} : memref<2x32x128xf32, #tpu.memory_space<vmem>>, vector<16xf32>,
        %parallel_loop3A_720 = arith.constant 48 : i32
        %parallel_loop3A_721 = vector.broadcast %parallel_loop3A_720 : i32 to vector<16xi32>
        %parallel_loop3A_722 = arith.addi %iota3A, %parallel_loop3A_721 : vector<16xi32>
        %parallel_loop3A_723 = arith.constant 4 : i32
        %parallel_loop3A_724 = arith.muli %parallel_loop3A_723, %parallel_loop3A_659 : i32
        %parallel_loop3A_725 = vector.broadcast %parallel_loop3A_724 : i32 to vector<16xi32>
        %parallel_loop3A_726 = arith.addi %and3A_282, %parallel_loop3A_725 : vector<16xi32>
        %parallel_loop3A_727 = arith.constant 0 : i32
        %parallel_loop3A_728 = arith.constant 0 : i32
        %parallel_loop3A_729 = arith.constant 0 : i32
        %parallel_loop3A_730 = tpu.memref_slice %arg9[%parallel_loop3A_727, %parallel_loop3A_728, %parallel_loop3A_729] : memref<4x128x128xf32, #tpu.memory_space<vmem>> -> memref<1x128x128xf32, #tpu.memory_space<vmem>>
        %parallel_loop3A_731 = tpu.memref_squeeze %parallel_loop3A_730 : memref<1x128x128xf32, #tpu.memory_space<vmem>> -> memref<128x128xf32, #tpu.memory_space<vmem>>
        %parallel_loop3A_732 = tpu.vector_load_idx %parallel_loop3A_731[%parallel_loop3A_722, %parallel_loop3A_726] : memref<128x128xf32, #tpu.memory_space<vmem>>[vector<16xi32>, vector<16xi32>], vector<16xf32>,
        %parallel_loop3A_733 = arith.addf %parallel_loop3A_732, %parallel_loop3A_662 : vector<16xf32>
        %parallel_loop3A_734 = arith.constant 0 : i32
        %parallel_loop3A_735 = arith.index_cast %parallel_loop3A_734 : i32 to index
        %parallel_loop3A_736 = arith.index_cast %parallel_loop3A_659 : i32 to index
        %parallel_loop3A_737 = arith.constant 48 : index
        %parallel_loop3A_738 = tpu.vector_load %arg10[%parallel_loop3A_735, %parallel_loop3A_736, %parallel_loop3A_737] {strides = array<i32>} : memref<2x32x128xf32, #tpu.memory_space<vmem>>, vector<16xf32>,
        tpu.vector_store %arg10[%parallel_loop3A_735, %parallel_loop3A_736, %parallel_loop3A_737], %parallel_loop3A_733 {strides = array<i32>} : memref<2x32x128xf32, #tpu.memory_space<vmem>>, vector<16xf32>,
        %parallel_loop3A_739 = arith.constant 64 : i32
        %parallel_loop3A_740 = vector.broadcast %parallel_loop3A_739 : i32 to vector<16xi32>
        %parallel_loop3A_741 = arith.addi %iota3A, %parallel_loop3A_740 : vector<16xi32>
        %parallel_loop3A_742 = arith.constant 4 : i32
        %parallel_loop3A_743 = arith.muli %parallel_loop3A_742, %parallel_loop3A_659 : i32
        %parallel_loop3A_744 = vector.broadcast %parallel_loop3A_743 : i32 to vector<16xi32>
        %parallel_loop3A_745 = arith.addi %and3A_288, %parallel_loop3A_744 : vector<16xi32>
        %parallel_loop3A_746 = arith.constant 0 : i32
        %parallel_loop3A_747 = arith.constant 0 : i32
        %parallel_loop3A_748 = arith.constant 0 : i32
        %parallel_loop3A_749 = tpu.memref_slice %arg9[%parallel_loop3A_746, %parallel_loop3A_747, %parallel_loop3A_748] : memref<4x128x128xf32, #tpu.memory_space<vmem>> -> memref<1x128x128xf32, #tpu.memory_space<vmem>>
        %parallel_loop3A_750 = tpu.memref_squeeze %parallel_loop3A_749 : memref<1x128x128xf32, #tpu.memory_space<vmem>> -> memref<128x128xf32, #tpu.memory_space<vmem>>
        %parallel_loop3A_751 = tpu.vector_load_idx %parallel_loop3A_750[%parallel_loop3A_741, %parallel_loop3A_745] : memref<128x128xf32, #tpu.memory_space<vmem>>[vector<16xi32>, vector<16xi32>], vector<16xf32>,
        %parallel_loop3A_752 = arith.addf %parallel_loop3A_751, %parallel_loop3A_662 : vector<16xf32>
        %parallel_loop3A_753 = arith.constant 0 : i32
        %parallel_loop3A_754 = arith.index_cast %parallel_loop3A_753 : i32 to index
        %parallel_loop3A_755 = arith.index_cast %parallel_loop3A_659 : i32 to index
        %parallel_loop3A_756 = arith.constant 64 : index
        %parallel_loop3A_757 = tpu.vector_load %arg10[%parallel_loop3A_754, %parallel_loop3A_755, %parallel_loop3A_756] {strides = array<i32>} : memref<2x32x128xf32, #tpu.memory_space<vmem>>, vector<16xf32>,
        tpu.vector_store %arg10[%parallel_loop3A_754, %parallel_loop3A_755, %parallel_loop3A_756], %parallel_loop3A_752 {strides = array<i32>} : memref<2x32x128xf32, #tpu.memory_space<vmem>>, vector<16xf32>,
        %parallel_loop3A_758 = arith.constant 80 : i32
        %parallel_loop3A_759 = vector.broadcast %parallel_loop3A_758 : i32 to vector<16xi32>
        %parallel_loop3A_760 = arith.addi %iota3A, %parallel_loop3A_759 : vector<16xi32>
        %parallel_loop3A_761 = arith.constant 4 : i32
        %parallel_loop3A_762 = arith.muli %parallel_loop3A_761, %parallel_loop3A_659 : i32
        %parallel_loop3A_763 = vector.broadcast %parallel_loop3A_762 : i32 to vector<16xi32>
        %parallel_loop3A_764 = arith.addi %and3A_294, %parallel_loop3A_763 : vector<16xi32>
        %parallel_loop3A_765 = arith.constant 0 : i32
        %parallel_loop3A_766 = arith.constant 0 : i32
        %parallel_loop3A_767 = arith.constant 0 : i32
        %parallel_loop3A_768 = tpu.memref_slice %arg9[%parallel_loop3A_765, %parallel_loop3A_766, %parallel_loop3A_767] : memref<4x128x128xf32, #tpu.memory_space<vmem>> -> memref<1x128x128xf32, #tpu.memory_space<vmem>>
        %parallel_loop3A_769 = tpu.memref_squeeze %parallel_loop3A_768 : memref<1x128x128xf32, #tpu.memory_space<vmem>> -> memref<128x128xf32, #tpu.memory_space<vmem>>
        %parallel_loop3A_770 = tpu.vector_load_idx %parallel_loop3A_769[%parallel_loop3A_760, %parallel_loop3A_764] : memref<128x128xf32, #tpu.memory_space<vmem>>[vector<16xi32>, vector<16xi32>], vector<16xf32>,
        %parallel_loop3A_771 = arith.addf %parallel_loop3A_770, %parallel_loop3A_662 : vector<16xf32>
        %parallel_loop3A_772 = arith.constant 0 : i32
        %parallel_loop3A_773 = arith.index_cast %parallel_loop3A_772 : i32 to index
        %parallel_loop3A_774 = arith.index_cast %parallel_loop3A_659 : i32 to index
        %parallel_loop3A_775 = arith.constant 80 : index
        %parallel_loop3A_776 = tpu.vector_load %arg10[%parallel_loop3A_773, %parallel_loop3A_774, %parallel_loop3A_775] {strides = array<i32>} : memref<2x32x128xf32, #tpu.memory_space<vmem>>, vector<16xf32>,
        tpu.vector_store %arg10[%parallel_loop3A_773, %parallel_loop3A_774, %parallel_loop3A_775], %parallel_loop3A_771 {strides = array<i32>} : memref<2x32x128xf32, #tpu.memory_space<vmem>>, vector<16xf32>,
        %parallel_loop3A_777 = arith.constant 96 : i32
        %parallel_loop3A_778 = vector.broadcast %parallel_loop3A_777 : i32 to vector<16xi32>
        %parallel_loop3A_779 = arith.addi %iota3A, %parallel_loop3A_778 : vector<16xi32>
        %parallel_loop3A_780 = arith.constant 4 : i32
        %parallel_loop3A_781 = arith.muli %parallel_loop3A_780, %parallel_loop3A_659 : i32
        %parallel_loop3A_782 = vector.broadcast %parallel_loop3A_781 : i32 to vector<16xi32>
        %parallel_loop3A_783 = arith.addi %and3A_300, %parallel_loop3A_782 : vector<16xi32>
        %parallel_loop3A_784 = arith.constant 0 : i32
        %parallel_loop3A_785 = arith.constant 0 : i32
        %parallel_loop3A_786 = arith.constant 0 : i32
        %parallel_loop3A_787 = tpu.memref_slice %arg9[%parallel_loop3A_784, %parallel_loop3A_785, %parallel_loop3A_786] : memref<4x128x128xf32, #tpu.memory_space<vmem>> -> memref<1x128x128xf32, #tpu.memory_space<vmem>>
        %parallel_loop3A_788 = tpu.memref_squeeze %parallel_loop3A_787 : memref<1x128x128xf32, #tpu.memory_space<vmem>> -> memref<128x128xf32, #tpu.memory_space<vmem>>
        %parallel_loop3A_789 = tpu.vector_load_idx %parallel_loop3A_788[%parallel_loop3A_779, %parallel_loop3A_783] : memref<128x128xf32, #tpu.memory_space<vmem>>[vector<16xi32>, vector<16xi32>], vector<16xf32>,
        %parallel_loop3A_790 = arith.addf %parallel_loop3A_789, %parallel_loop3A_662 : vector<16xf32>
        %parallel_loop3A_791 = arith.constant 0 : i32
        %parallel_loop3A_792 = arith.index_cast %parallel_loop3A_791 : i32 to index
        %parallel_loop3A_793 = arith.index_cast %parallel_loop3A_659 : i32 to index
        %parallel_loop3A_794 = arith.constant 96 : index
        %parallel_loop3A_795 = tpu.vector_load %arg10[%parallel_loop3A_792, %parallel_loop3A_793, %parallel_loop3A_794] {strides = array<i32>} : memref<2x32x128xf32, #tpu.memory_space<vmem>>, vector<16xf32>,
        tpu.vector_store %arg10[%parallel_loop3A_792, %parallel_loop3A_793, %parallel_loop3A_794], %parallel_loop3A_790 {strides = array<i32>} : memref<2x32x128xf32, #tpu.memory_space<vmem>>, vector<16xf32>,
        %parallel_loop3A_796 = arith.constant 112 : i32
        %parallel_loop3A_797 = vector.broadcast %parallel_loop3A_796 : i32 to vector<16xi32>
        %parallel_loop3A_798 = arith.addi %iota3A, %parallel_loop3A_797 : vector<16xi32>
        %parallel_loop3A_799 = arith.constant 4 : i32
        %parallel_loop3A_800 = arith.muli %parallel_loop3A_799, %parallel_loop3A_659 : i32
        %parallel_loop3A_801 = vector.broadcast %parallel_loop3A_800 : i32 to vector<16xi32>
        %parallel_loop3A_802 = arith.addi %and3A_306, %parallel_loop3A_801 : vector<16xi32>
        %parallel_loop3A_803 = arith.constant 0 : i32
        %parallel_loop3A_804 = arith.constant 0 : i32
        %parallel_loop3A_805 = arith.constant 0 : i32
        %parallel_loop3A_806 = tpu.memref_slice %arg9[%parallel_loop3A_803, %parallel_loop3A_804, %parallel_loop3A_805] : memref<4x128x128xf32, #tpu.memory_space<vmem>> -> memref<1x128x128xf32, #tpu.memory_space<vmem>>
        %parallel_loop3A_807 = tpu.memref_squeeze %parallel_loop3A_806 : memref<1x128x128xf32, #tpu.memory_space<vmem>> -> memref<128x128xf32, #tpu.memory_space<vmem>>
        %parallel_loop3A_808 = tpu.vector_load_idx %parallel_loop3A_807[%parallel_loop3A_798, %parallel_loop3A_802] : memref<128x128xf32, #tpu.memory_space<vmem>>[vector<16xi32>, vector<16xi32>], vector<16xf32>,
        %parallel_loop3A_809 = arith.addf %parallel_loop3A_808, %parallel_loop3A_662 : vector<16xf32>
        %parallel_loop3A_810 = arith.constant 0 : i32
        %parallel_loop3A_811 = arith.index_cast %parallel_loop3A_810 : i32 to index
        %parallel_loop3A_812 = arith.index_cast %parallel_loop3A_659 : i32 to index
        %parallel_loop3A_813 = arith.constant 112 : index
        %parallel_loop3A_814 = tpu.vector_load %arg10[%parallel_loop3A_811, %parallel_loop3A_812, %parallel_loop3A_813] {strides = array<i32>} : memref<2x32x128xf32, #tpu.memory_space<vmem>>, vector<16xf32>,
        tpu.vector_store %arg10[%parallel_loop3A_811, %parallel_loop3A_812, %parallel_loop3A_813], %parallel_loop3A_809 {strides = array<i32>} : memref<2x32x128xf32, #tpu.memory_space<vmem>>, vector<16xf32>,
      } {sc.loop_unroll_factor = 4 : i64, sc.parallel_access}
      %dma_start3A_315 = arith.constant 0 : i32
      %dma_start3A_316 = arith.constant 0 : i32
      %dma_start3A_317 = arith.constant 0 : i32
      %dma_start3A_318 = tpu.memref_slice %arg10[%dma_start3A_315, %dma_start3A_316, %dma_start3A_317] : memref<2x32x128xf32, #tpu.memory_space<vmem>> -> memref<1x32x128xf32, #tpu.memory_space<vmem>>
      %dma_start3A_319 = tpu.memref_squeeze %dma_start3A_318 : memref<1x32x128xf32, #tpu.memory_space<vmem>> -> memref<32x128xf32, #tpu.memory_space<vmem>>
      %dma_start3A_320 = arith.constant 0 : i32
      %dma_start3A_321 = tpu.memref_slice %arg5[%add3A_239, %dma_start3A_320, %mul3A_2] : memref<200x32x4096xf32, #tpu.memory_space<hbm>> -> memref<1x32x128xf32, #tpu.memory_space<hbm>>
      %dma_start3A_322 = tpu.memref_squeeze %dma_start3A_321 : memref<1x32x128xf32, #tpu.memory_space<hbm>> -> memref<32x128xf32, #tpu.memory_space<hbm>>
      %dma_start3A_323 = arith.constant 0 : i32
      %dma_start3A_324 = tpu.memref_slice %arg5[%add3A_239, %dma_start3A_323, %mul3A_2] : memref<200x32x4096xf32, #tpu.memory_space<hbm>> -> memref<1x32x128xf32, #tpu.memory_space<hbm>>
      %dma_start3A_325 = tpu.memref_squeeze %dma_start3A_324 : memref<1x32x128xf32, #tpu.memory_space<hbm>> -> memref<32x128xf32, #tpu.memory_space<hbm>>
      %dma_start3A_326 = arith.constant 0 : i32
      %dma_start3A_327 = arith.constant 0 : i32
      %dma_start3A_328 = tpu.memref_slice %arg10[%dma_start3A_315, %dma_start3A_326, %dma_start3A_327] : memref<2x32x128xf32, #tpu.memory_space<vmem>> -> memref<1x32x128xf32, #tpu.memory_space<vmem>>
      %dma_start3A_329 = tpu.memref_squeeze %dma_start3A_328 : memref<1x32x128xf32, #tpu.memory_space<vmem>> -> memref<32x128xf32, #tpu.memory_space<vmem>>
      tpu.enqueue_dma source(%dma_start3A_329 : memref<32x128xf32, #tpu.memory_space<vmem>>) target(%dma_start3A_325 : memref<32x128xf32, #tpu.memory_space<hbm>>) target_semaphore(%arg15 : memref<!tpu.dma_semaphore, #tpu.memory_space<semaphore_mem>>)
      %mul3A_330 = arith.constant 4 : i32
      %mul3A_331 = arith.muli %mul3A_330, %scan3A_235 : i32
      %add3A_332 = arith.constant 1 : i32
      %add3A_333 = arith.addi %mul3A_331, %add3A_332 : i32
      %add3A_334 = arith.constant 2 : i32
      %add3A_335 = arith.addi %add3A_333, %add3A_334 : i32
      %lt3A_336 = arith.constant 200 : i32
      %lt3A_337 = arith.cmpi slt, %add3A_335, %lt3A_336 : i32
      %convert_element_type3A_338 = arith.extui %lt3A_337 : i1 to i32
      %cond3A_339 = arith.constant 0 : i32
      %cond3A_340 = arith.cmpi ne, %convert_element_type3A_338, %cond3A_339 : i32
      scf.if %cond3A_340 {
        %add3A_659 = arith.constant 2 : i32
        %add3A_660 = arith.addi %add3A_333, %add3A_659 : i32
        %get3A_661 = arith.index_cast %add3A_660 : i32 to index
        %get3A_662 = arith.constant 0 : index
        %get3A_663 = tpu.vector_load %arg6[%get3A_661, %get3A_662] {strides = array<i32>} : memref<200x128xi32, #tpu.memory_space<vmem>>, vector<16xi32>,
        %shift_right_logical3A_664 = arith.constant 2 : i32
        %shift_right_logical3A_665 = vector.broadcast %shift_right_logical3A_664 : i32 to vector<16xi32>
        %shift_right_logical3A_666 = arith.shrui %get3A_663, %shift_right_logical3A_665 : vector<16xi32>
        %swap3A_667 = arith.constant 3 : i32
        %swap3A_668 = arith.index_cast %swap3A_667 : i32 to index
        %swap3A_669 = arith.constant 0 : index
        %swap3A_670 = tpu.vector_load %arg8[%swap3A_668, %swap3A_669] {strides = array<i32>} : memref<4x128xi32, #tpu.memory_space<vmem>>, vector<16xi32>,
        tpu.vector_store %arg8[%swap3A_668, %swap3A_669], %shift_right_logical3A_666 {strides = array<i32>} : memref<4x128xi32, #tpu.memory_space<vmem>>, vector<16xi32>,
        %get3A_671 = arith.index_cast %add3A_660 : i32 to index
        %get3A_672 = arith.constant 16 : index
        %get3A_673 = tpu.vector_load %arg6[%get3A_671, %get3A_672] {strides = array<i32>} : memref<200x128xi32, #tpu.memory_space<vmem>>, vector<16xi32>,
        %shift_right_logical3A_674 = arith.constant 2 : i32
        %shift_right_logical3A_675 = vector.broadcast %shift_right_logical3A_674 : i32 to vector<16xi32>
        %shift_right_logical3A_676 = arith.shrui %get3A_673, %shift_right_logical3A_675 : vector<16xi32>
        %swap3A_677 = arith.constant 3 : i32
        %swap3A_678 = arith.index_cast %swap3A_677 : i32 to index
        %swap3A_679 = arith.constant 16 : index
        %swap3A_680 = tpu.vector_load %arg8[%swap3A_678, %swap3A_679] {strides = array<i32>} : memref<4x128xi32, #tpu.memory_space<vmem>>, vector<16xi32>,
        tpu.vector_store %arg8[%swap3A_678, %swap3A_679], %shift_right_logical3A_676 {strides = array<i32>} : memref<4x128xi32, #tpu.memory_space<vmem>>, vector<16xi32>,
        %get3A_681 = arith.index_cast %add3A_660 : i32 to index
        %get3A_682 = arith.constant 32 : index
        %get3A_683 = tpu.vector_load %arg6[%get3A_681, %get3A_682] {strides = array<i32>} : memref<200x128xi32, #tpu.memory_space<vmem>>, vector<16xi32>,
        %shift_right_logical3A_684 = arith.constant 2 : i32
        %shift_right_logical3A_685 = vector.broadcast %shift_right_logical3A_684 : i32 to vector<16xi32>
        %shift_right_logical3A_686 = arith.shrui %get3A_683, %shift_right_logical3A_685 : vector<16xi32>
        %swap3A_687 = arith.constant 3 : i32
        %swap3A_688 = arith.index_cast %swap3A_687 : i32 to index
        %swap3A_689 = arith.constant 32 : index
        %swap3A_690 = tpu.vector_load %arg8[%swap3A_688, %swap3A_689] {strides = array<i32>} : memref<4x128xi32, #tpu.memory_space<vmem>>, vector<16xi32>,
        tpu.vector_store %arg8[%swap3A_688, %swap3A_689], %shift_right_logical3A_686 {strides = array<i32>} : memref<4x128xi32, #tpu.memory_space<vmem>>, vector<16xi32>,
        %get3A_691 = arith.index_cast %add3A_660 : i32 to index
        %get3A_692 = arith.constant 48 : index
        %get3A_693 = tpu.vector_load %arg6[%get3A_691, %get3A_692] {strides = array<i32>} : memref<200x128xi32, #tpu.memory_space<vmem>>, vector<16xi32>,
        %shift_right_logical3A_694 = arith.constant 2 : i32
        %shift_right_logical3A_695 = vector.broadcast %shift_right_logical3A_694 : i32 to vector<16xi32>
        %shift_right_logical3A_696 = arith.shrui %get3A_693, %shift_right_logical3A_695 : vector<16xi32>
        %swap3A_697 = arith.constant 3 : i32
        %swap3A_698 = arith.index_cast %swap3A_697 : i32 to index
        %swap3A_699 = arith.constant 48 : index
        %swap3A_700 = tpu.vector_load %arg8[%swap3A_698, %swap3A_699] {strides = array<i32>} : memref<4x128xi32, #tpu.memory_space<vmem>>, vector<16xi32>,
        tpu.vector_store %arg8[%swap3A_698, %swap3A_699], %shift_right_logical3A_696 {strides = array<i32>} : memref<4x128xi32, #tpu.memory_space<vmem>>, vector<16xi32>,
        %get3A_701 = arith.index_cast %add3A_660 : i32 to index
        %get3A_702 = arith.constant 64 : index
        %get3A_703 = tpu.vector_load %arg6[%get3A_701, %get3A_702] {strides = array<i32>} : memref<200x128xi32, #tpu.memory_space<vmem>>, vector<16xi32>,
        %shift_right_logical3A_704 = arith.constant 2 : i32
        %shift_right_logical3A_705 = vector.broadcast %shift_right_logical3A_704 : i32 to vector<16xi32>
        %shift_right_logical3A_706 = arith.shrui %get3A_703, %shift_right_logical3A_705 : vector<16xi32>
        %swap3A_707 = arith.constant 3 : i32
        %swap3A_708 = arith.index_cast %swap3A_707 : i32 to index
        %swap3A_709 = arith.constant 64 : index
        %swap3A_710 = tpu.vector_load %arg8[%swap3A_708, %swap3A_709] {strides = array<i32>} : memref<4x128xi32, #tpu.memory_space<vmem>>, vector<16xi32>,
        tpu.vector_store %arg8[%swap3A_708, %swap3A_709], %shift_right_logical3A_706 {strides = array<i32>} : memref<4x128xi32, #tpu.memory_space<vmem>>, vector<16xi32>,
        %get3A_711 = arith.index_cast %add3A_660 : i32 to index
        %get3A_712 = arith.constant 80 : index
        %get3A_713 = tpu.vector_load %arg6[%get3A_711, %get3A_712] {strides = array<i32>} : memref<200x128xi32, #tpu.memory_space<vmem>>, vector<16xi32>,
        %shift_right_logical3A_714 = arith.constant 2 : i32
        %shift_right_logical3A_715 = vector.broadcast %shift_right_logical3A_714 : i32 to vector<16xi32>
        %shift_right_logical3A_716 = arith.shrui %get3A_713, %shift_right_logical3A_715 : vector<16xi32>
        %swap3A_717 = arith.constant 3 : i32
        %swap3A_718 = arith.index_cast %swap3A_717 : i32 to index
        %swap3A_719 = arith.constant 80 : index
        %swap3A_720 = tpu.vector_load %arg8[%swap3A_718, %swap3A_719] {strides = array<i32>} : memref<4x128xi32, #tpu.memory_space<vmem>>, vector<16xi32>,
        tpu.vector_store %arg8[%swap3A_718, %swap3A_719], %shift_right_logical3A_716 {strides = array<i32>} : memref<4x128xi32, #tpu.memory_space<vmem>>, vector<16xi32>,
        %get3A_721 = arith.index_cast %add3A_660 : i32 to index
        %get3A_722 = arith.constant 96 : index
        %get3A_723 = tpu.vector_load %arg6[%get3A_721, %get3A_722] {strides = array<i32>} : memref<200x128xi32, #tpu.memory_space<vmem>>, vector<16xi32>,
        %shift_right_logical3A_724 = arith.constant 2 : i32
        %shift_right_logical3A_725 = vector.broadcast %shift_right_logical3A_724 : i32 to vector<16xi32>
        %shift_right_logical3A_726 = arith.shrui %get3A_723, %shift_right_logical3A_725 : vector<16xi32>
        %swap3A_727 = arith.constant 3 : i32
        %swap3A_728 = arith.index_cast %swap3A_727 : i32 to index
        %swap3A_729 = arith.constant 96 : index
        %swap3A_730 = tpu.vector_load %arg8[%swap3A_728, %swap3A_729] {strides = array<i32>} : memref<4x128xi32, #tpu.memory_space<vmem>>, vector<16xi32>,
        tpu.vector_store %arg8[%swap3A_728, %swap3A_729], %shift_right_logical3A_726 {strides = array<i32>} : memref<4x128xi32, #tpu.memory_space<vmem>>, vector<16xi32>,
        %get3A_731 = arith.index_cast %add3A_660 : i32 to index
        %get3A_732 = arith.constant 112 : index
        %get3A_733 = tpu.vector_load %arg6[%get3A_731, %get3A_732] {strides = array<i32>} : memref<200x128xi32, #tpu.memory_space<vmem>>, vector<16xi32>,
        %shift_right_logical3A_734 = arith.constant 2 : i32
        %shift_right_logical3A_735 = vector.broadcast %shift_right_logical3A_734 : i32 to vector<16xi32>
        %shift_right_logical3A_736 = arith.shrui %get3A_733, %shift_right_logical3A_735 : vector<16xi32>
        %swap3A_737 = arith.constant 3 : i32
        %swap3A_738 = arith.index_cast %swap3A_737 : i32 to index
        %swap3A_739 = arith.constant 112 : index
        %swap3A_740 = tpu.vector_load %arg8[%swap3A_738, %swap3A_739] {strides = array<i32>} : memref<4x128xi32, #tpu.memory_space<vmem>>, vector<16xi32>,
        tpu.vector_store %arg8[%swap3A_738, %swap3A_739], %shift_right_logical3A_736 {strides = array<i32>} : memref<4x128xi32, #tpu.memory_space<vmem>>, vector<16xi32>,
        %dma_start3A_741 = arith.constant 3 : i32
        %dma_start3A_742 = arith.constant 3 : i32
        %dma_start3A_743 = arith.constant 0 : i32
        %dma_start3A_744 = arith.constant 0 : i32
        %dma_start3A_745 = tpu.memref_slice %arg9[%dma_start3A_742, %dma_start3A_743, %dma_start3A_744] : memref<4x128x128xf32, #tpu.memory_space<vmem>> -> memref<1x128x128xf32, #tpu.memory_space<vmem>>
        %dma_start3A_746 = tpu.memref_squeeze %dma_start3A_745 : memref<1x128x128xf32, #tpu.memory_space<vmem>> -> memref<128x128xf32, #tpu.memory_space<vmem>>
        %dma_start3A_747 = arith.constant 0 : i32
        %dma_start3A_748 = tpu.memref_slice %arg8[%dma_start3A_741, %dma_start3A_747] : memref<4x128xi32, #tpu.memory_space<vmem>> -> memref<1x128xi32, #tpu.memory_space<vmem>>
        %dma_start3A_749 = tpu.memref_squeeze %dma_start3A_748 : memref<1x128xi32, #tpu.memory_space<vmem>> -> memref<128xi32, #tpu.memory_space<vmem>>
        %dma_start3A_750 = arith.constant 0 : i32
        %dma_start3A_751 = arith.constant 0 : i32
        %dma_start3A_752 = tpu.memref_slice %arg3[%dma_start3A_750, %dma_start3A_751] : memref<250000x128xf32, #tpu.memory_space<hbm>> -> memref<250000x128xf32, #tpu.memory_space<hbm>>
        tpu.enqueue_indirect_dma source(%dma_start3A_752 : memref<250000x128xf32, #tpu.memory_space<hbm>>) target(%dma_start3A_746 : memref<128x128xf32, #tpu.memory_space<vmem>>) offsets(%dma_start3A_749 : memref<128xi32, #tpu.memory_space<vmem>>) semaphore(%arg14 : memref<!tpu.dma_semaphore, #tpu.memory_space<semaphore_mem>>)
      } else {
      }
      %dma_wait3A_341 = arith.constant 1 : i32
      %dma_wait3A_342 = arith.constant 1 : i32
      %dma_wait3A_343 = arith.constant 0 : i32
      %dma_wait3A_344 = arith.constant 0 : i32
      %dma_wait3A_345 = tpu.memref_slice %arg9[%dma_wait3A_342, %dma_wait3A_343, %dma_wait3A_344] : memref<4x128x128xf32, #tpu.memory_space<vmem>> -> memref<1x128x128xf32, #tpu.memory_space<vmem>>
      %dma_wait3A_346 = tpu.memref_squeeze %dma_wait3A_345 : memref<1x128x128xf32, #tpu.memory_space<vmem>> -> memref<128x128xf32, #tpu.memory_space<vmem>>
      %dma_wait3A_347 = arith.constant 0 : i32
      %dma_wait3A_348 = tpu.memref_slice %arg8[%dma_wait3A_341, %dma_wait3A_347] : memref<4x128xi32, #tpu.memory_space<vmem>> -> memref<1x128xi32, #tpu.memory_space<vmem>>
      %dma_wait3A_349 = tpu.memref_squeeze %dma_wait3A_348 : memref<1x128xi32, #tpu.memory_space<vmem>> -> memref<128xi32, #tpu.memory_space<vmem>>
      %dma_wait3A_350 = arith.constant 0 : i32
      %dma_wait3A_351 = arith.constant 0 : i32
      %dma_wait3A_352 = tpu.memref_slice %arg3[%dma_wait3A_350, %dma_wait3A_351] : memref<250000x128xf32, #tpu.memory_space<hbm>> -> memref<250000x128xf32, #tpu.memory_space<hbm>>
      tpu.wait_indirect_dma semaphore(%arg12 : memref<!tpu.dma_semaphore, #tpu.memory_space<semaphore_mem>>) src(%dma_wait3A_352 : memref<250000x128xf32, #tpu.memory_space<hbm>>) dst(%dma_wait3A_346 : memref<128x128xf32, #tpu.memory_space<vmem>>)
      %gt3A_353 = arith.constant 0 : i32
      %gt3A_354 = arith.cmpi sgt, %scan3A_235, %gt3A_353 : i32
      %convert_element_type3A_355 = arith.extui %gt3A_354 : i1 to i32
      %cond3A_356 = arith.constant 0 : i32
      %cond3A_357 = arith.cmpi ne, %convert_element_type3A_355, %cond3A_356 : i32
      scf.if %cond3A_357 {
        %dma_wait3A_659 = arith.constant 1 : i32
        %dma_wait3A_660 = arith.constant 0 : i32
        %dma_wait3A_661 = arith.constant 0 : i32
        %dma_wait3A_662 = tpu.memref_slice %arg10[%dma_wait3A_659, %dma_wait3A_660, %dma_wait3A_661] : memref<2x32x128xf32, #tpu.memory_space<vmem>> -> memref<1x32x128xf32, #tpu.memory_space<vmem>>
        %dma_wait3A_663 = tpu.memref_squeeze %dma_wait3A_662 : memref<1x32x128xf32, #tpu.memory_space<vmem>> -> memref<32x128xf32, #tpu.memory_space<vmem>>
        %dma_wait3A_664 = arith.constant 0 : i32
        %dma_wait3A_665 = tpu.memref_slice %arg5[%add3A_333, %dma_wait3A_664, %mul3A_2] : memref<200x32x4096xf32, #tpu.memory_space<hbm>> -> memref<1x32x128xf32, #tpu.memory_space<hbm>>
        %dma_wait3A_666 = tpu.memref_squeeze %dma_wait3A_665 : memref<1x32x128xf32, #tpu.memory_space<hbm>> -> memref<32x128xf32, #tpu.memory_space<hbm>>
        %dma_wait3A_667 = arith.constant 0 : i32
        %dma_wait3A_668 = tpu.memref_slice %arg5[%add3A_333, %dma_wait3A_667, %mul3A_2] : memref<200x32x4096xf32, #tpu.memory_space<hbm>> -> memref<1x32x128xf32, #tpu.memory_space<hbm>>
        %dma_wait3A_669 = tpu.memref_squeeze %dma_wait3A_668 : memref<1x32x128xf32, #tpu.memory_space<hbm>> -> memref<32x128xf32, #tpu.memory_space<hbm>>
        %dma_wait3A_670 = arith.constant 0 : i32
        %dma_wait3A_671 = arith.constant 0 : i32
        %dma_wait3A_672 = tpu.memref_slice %arg10[%dma_wait3A_659, %dma_wait3A_670, %dma_wait3A_671] : memref<2x32x128xf32, #tpu.memory_space<vmem>> -> memref<1x32x128xf32, #tpu.memory_space<vmem>>
        %dma_wait3A_673 = tpu.memref_squeeze %dma_wait3A_672 : memref<1x32x128xf32, #tpu.memory_space<vmem>> -> memref<32x128xf32, #tpu.memory_space<vmem>>
        tpu.wait_dma2 semaphore(%arg16 : memref<!tpu.dma_semaphore, #tpu.memory_space<semaphore_mem>>) src(%dma_wait3A_673 : memref<32x128xf32, #tpu.memory_space<vmem>>) dst(%dma_wait3A_669 : memref<32x128xf32, #tpu.memory_space<hbm>>)
      } else {
      }
      %get3A_358 = arith.index_cast %add3A_333 : i32 to index
      %get3A_359 = arith.constant 0 : index
      %get3A_360 = tpu.vector_load %arg6[%get3A_358, %get3A_359] {strides = array<i32>} : memref<200x128xi32, #tpu.memory_space<vmem>>, vector<16xi32>,
      %and3A_361 = arith.constant 3 : i32
      %and3A_362 = vector.broadcast %and3A_361 : i32 to vector<16xi32>
      %and3A_363 = arith.andi %get3A_360, %and3A_362 : vector<16xi32>
      %get3A_364 = arith.index_cast %add3A_333 : i32 to index
      %get3A_365 = arith.constant 16 : index
      %get3A_366 = tpu.vector_load %arg6[%get3A_364, %get3A_365] {strides = array<i32>} : memref<200x128xi32, #tpu.memory_space<vmem>>, vector<16xi32>,
      %and3A_367 = arith.constant 3 : i32
      %and3A_368 = vector.broadcast %and3A_367 : i32 to vector<16xi32>
      %and3A_369 = arith.andi %get3A_366, %and3A_368 : vector<16xi32>
      %get3A_370 = arith.index_cast %add3A_333 : i32 to index
      %get3A_371 = arith.constant 32 : index
      %get3A_372 = tpu.vector_load %arg6[%get3A_370, %get3A_371] {strides = array<i32>} : memref<200x128xi32, #tpu.memory_space<vmem>>, vector<16xi32>,
      %and3A_373 = arith.constant 3 : i32
      %and3A_374 = vector.broadcast %and3A_373 : i32 to vector<16xi32>
      %and3A_375 = arith.andi %get3A_372, %and3A_374 : vector<16xi32>
      %get3A_376 = arith.index_cast %add3A_333 : i32 to index
      %get3A_377 = arith.constant 48 : index
      %get3A_378 = tpu.vector_load %arg6[%get3A_376, %get3A_377] {strides = array<i32>} : memref<200x128xi32, #tpu.memory_space<vmem>>, vector<16xi32>,
      %and3A_379 = arith.constant 3 : i32
      %and3A_380 = vector.broadcast %and3A_379 : i32 to vector<16xi32>
      %and3A_381 = arith.andi %get3A_378, %and3A_380 : vector<16xi32>
      %get3A_382 = arith.index_cast %add3A_333 : i32 to index
      %get3A_383 = arith.constant 64 : index
      %get3A_384 = tpu.vector_load %arg6[%get3A_382, %get3A_383] {strides = array<i32>} : memref<200x128xi32, #tpu.memory_space<vmem>>, vector<16xi32>,
      %and3A_385 = arith.constant 3 : i32
      %and3A_386 = vector.broadcast %and3A_385 : i32 to vector<16xi32>
      %and3A_387 = arith.andi %get3A_384, %and3A_386 : vector<16xi32>
      %get3A_388 = arith.index_cast %add3A_333 : i32 to index
      %get3A_389 = arith.constant 80 : index
      %get3A_390 = tpu.vector_load %arg6[%get3A_388, %get3A_389] {strides = array<i32>} : memref<200x128xi32, #tpu.memory_space<vmem>>, vector<16xi32>,
      %and3A_391 = arith.constant 3 : i32
      %and3A_392 = vector.broadcast %and3A_391 : i32 to vector<16xi32>
      %and3A_393 = arith.andi %get3A_390, %and3A_392 : vector<16xi32>
      %get3A_394 = arith.index_cast %add3A_333 : i32 to index
      %get3A_395 = arith.constant 96 : index
      %get3A_396 = tpu.vector_load %arg6[%get3A_394, %get3A_395] {strides = array<i32>} : memref<200x128xi32, #tpu.memory_space<vmem>>, vector<16xi32>,
      %and3A_397 = arith.constant 3 : i32
      %and3A_398 = vector.broadcast %and3A_397 : i32 to vector<16xi32>
      %and3A_399 = arith.andi %get3A_396, %and3A_398 : vector<16xi32>
      %get3A_400 = arith.index_cast %add3A_333 : i32 to index
      %get3A_401 = arith.constant 112 : index
      %get3A_402 = tpu.vector_load %arg6[%get3A_400, %get3A_401] {strides = array<i32>} : memref<200x128xi32, #tpu.memory_space<vmem>>, vector<16xi32>,
      %and3A_403 = arith.constant 3 : i32
      %and3A_404 = vector.broadcast %and3A_403 : i32 to vector<16xi32>
      %and3A_405 = arith.andi %get3A_402, %and3A_404 : vector<16xi32>
      %mul3A_406 = arith.constant 32 : i32
      %mul3A_407 = arith.muli %add3A_333, %mul3A_406 : i32
      %div3A_408 = arith.constant 128 : i32
      %div3A_409 = arith.divsi %mul3A_407, %div3A_408 : i32
      %broadcast_in_dim3A_410 = vector.broadcast %div3A_409 : i32 to vector<16xi32>
      %mul3A_411 = arith.constant 32 : i32
      %mul3A_412 = arith.muli %add3A_333, %mul3A_411 : i32
      %rem3A_413 = arith.constant 128 : i32
      %rem3A_414 = arith.remsi %mul3A_412, %rem3A_413 : i32
      %parallel_loop3A_415 = arith.constant 0 : i32
      %parallel_loop3A_416 = arith.constant 32 : i32
      %parallel_loop3A_417 = arith.constant 1 : i32
      scf.for %parallel_loop3A_659 = %parallel_loop3A_415 to %parallel_loop3A_416 step %parallel_loop3A_417  : i32 {
        %parallel_loop3A_660 = arith.addi %rem3A_414, %parallel_loop3A_659 : i32
        %parallel_loop3A_661 = vector.broadcast %parallel_loop3A_660 : i32 to vector<16xi32>
        %parallel_loop3A_662 = tpu.vector_load_idx %arg7[%broadcast_in_dim3A_410, %parallel_loop3A_661] : memref<50x128xf32, #tpu.memory_space<vmem>>[vector<16xi32>, vector<16xi32>], vector<16xf32>,
        %parallel_loop3A_663 = arith.constant 0 : i32
        %parallel_loop3A_664 = vector.broadcast %parallel_loop3A_663 : i32 to vector<16xi32>
        %parallel_loop3A_665 = arith.addi %iota3A, %parallel_loop3A_664 : vector<16xi32>
        %parallel_loop3A_666 = arith.constant 4 : i32
        %parallel_loop3A_667 = arith.muli %parallel_loop3A_666, %parallel_loop3A_659 : i32
        %parallel_loop3A_668 = vector.broadcast %parallel_loop3A_667 : i32 to vector<16xi32>
        %parallel_loop3A_669 = arith.addi %and3A_363, %parallel_loop3A_668 : vector<16xi32>
        %parallel_loop3A_670 = arith.constant 1 : i32
        %parallel_loop3A_671 = arith.constant 0 : i32
        %parallel_loop3A_672 = arith.constant 0 : i32
        %parallel_loop3A_673 = tpu.memref_slice %arg9[%parallel_loop3A_670, %parallel_loop3A_671, %parallel_loop3A_672] : memref<4x128x128xf32, #tpu.memory_space<vmem>> -> memref<1x128x128xf32, #tpu.memory_space<vmem>>
        %parallel_loop3A_674 = tpu.memref_squeeze %parallel_loop3A_673 : memref<1x128x128xf32, #tpu.memory_space<vmem>> -> memref<128x128xf32, #tpu.memory_space<vmem>>
        %parallel_loop3A_675 = tpu.vector_load_idx %parallel_loop3A_674[%parallel_loop3A_665, %parallel_loop3A_669] : memref<128x128xf32, #tpu.memory_space<vmem>>[vector<16xi32>, vector<16xi32>], vector<16xf32>,
        %parallel_loop3A_676 = arith.addf %parallel_loop3A_675, %parallel_loop3A_662 : vector<16xf32>
        %parallel_loop3A_677 = arith.constant 1 : i32
        %parallel_loop3A_678 = arith.index_cast %parallel_loop3A_677 : i32 to index
        %parallel_loop3A_679 = arith.index_cast %parallel_loop3A_659 : i32 to index
        %parallel_loop3A_680 = arith.constant 0 : index
        %parallel_loop3A_681 = tpu.vector_load %arg10[%parallel_loop3A_678, %parallel_loop3A_679, %parallel_loop3A_680] {strides = array<i32>} : memref<2x32x128xf32, #tpu.memory_space<vmem>>, vector<16xf32>,
        tpu.vector_store %arg10[%parallel_loop3A_678, %parallel_loop3A_679, %parallel_loop3A_680], %parallel_loop3A_676 {strides = array<i32>} : memref<2x32x128xf32, #tpu.memory_space<vmem>>, vector<16xf32>,
        %parallel_loop3A_682 = arith.constant 16 : i32
        %parallel_loop3A_683 = vector.broadcast %parallel_loop3A_682 : i32 to vector<16xi32>
        %parallel_loop3A_684 = arith.addi %iota3A, %parallel_loop3A_683 : vector<16xi32>
        %parallel_loop3A_685 = arith.constant 4 : i32
        %parallel_loop3A_686 = arith.muli %parallel_loop3A_685, %parallel_loop3A_659 : i32
        %parallel_loop3A_687 = vector.broadcast %parallel_loop3A_686 : i32 to vector<16xi32>
        %parallel_loop3A_688 = arith.addi %and3A_369, %parallel_loop3A_687 : vector<16xi32>
        %parallel_loop3A_689 = arith.constant 1 : i32
        %parallel_loop3A_690 = arith.constant 0 : i32
        %parallel_loop3A_691 = arith.constant 0 : i32
        %parallel_loop3A_692 = tpu.memref_slice %arg9[%parallel_loop3A_689, %parallel_loop3A_690, %parallel_loop3A_691] : memref<4x128x128xf32, #tpu.memory_space<vmem>> -> memref<1x128x128xf32, #tpu.memory_space<vmem>>
        %parallel_loop3A_693 = tpu.memref_squeeze %parallel_loop3A_692 : memref<1x128x128xf32, #tpu.memory_space<vmem>> -> memref<128x128xf32, #tpu.memory_space<vmem>>
        %parallel_loop3A_694 = tpu.vector_load_idx %parallel_loop3A_693[%parallel_loop3A_684, %parallel_loop3A_688] : memref<128x128xf32, #tpu.memory_space<vmem>>[vector<16xi32>, vector<16xi32>], vector<16xf32>,
        %parallel_loop3A_695 = arith.addf %parallel_loop3A_694, %parallel_loop3A_662 : vector<16xf32>
        %parallel_loop3A_696 = arith.constant 1 : i32
        %parallel_loop3A_697 = arith.index_cast %parallel_loop3A_696 : i32 to index
        %parallel_loop3A_698 = arith.index_cast %parallel_loop3A_659 : i32 to index
        %parallel_loop3A_699 = arith.constant 16 : index
        %parallel_loop3A_700 = tpu.vector_load %arg10[%parallel_loop3A_697, %parallel_loop3A_698, %parallel_loop3A_699] {strides = array<i32>} : memref<2x32x128xf32, #tpu.memory_space<vmem>>, vector<16xf32>,
        tpu.vector_store %arg10[%parallel_loop3A_697, %parallel_loop3A_698, %parallel_loop3A_699], %parallel_loop3A_695 {strides = array<i32>} : memref<2x32x128xf32, #tpu.memory_space<vmem>>, vector<16xf32>,
        %parallel_loop3A_701 = arith.constant 32 : i32
        %parallel_loop3A_702 = vector.broadcast %parallel_loop3A_701 : i32 to vector<16xi32>
        %parallel_loop3A_703 = arith.addi %iota3A, %parallel_loop3A_702 : vector<16xi32>
        %parallel_loop3A_704 = arith.constant 4 : i32
        %parallel_loop3A_705 = arith.muli %parallel_loop3A_704, %parallel_loop3A_659 : i32
        %parallel_loop3A_706 = vector.broadcast %parallel_loop3A_705 : i32 to vector<16xi32>
        %parallel_loop3A_707 = arith.addi %and3A_375, %parallel_loop3A_706 : vector<16xi32>
        %parallel_loop3A_708 = arith.constant 1 : i32
        %parallel_loop3A_709 = arith.constant 0 : i32
        %parallel_loop3A_710 = arith.constant 0 : i32
        %parallel_loop3A_711 = tpu.memref_slice %arg9[%parallel_loop3A_708, %parallel_loop3A_709, %parallel_loop3A_710] : memref<4x128x128xf32, #tpu.memory_space<vmem>> -> memref<1x128x128xf32, #tpu.memory_space<vmem>>
        %parallel_loop3A_712 = tpu.memref_squeeze %parallel_loop3A_711 : memref<1x128x128xf32, #tpu.memory_space<vmem>> -> memref<128x128xf32, #tpu.memory_space<vmem>>
        %parallel_loop3A_713 = tpu.vector_load_idx %parallel_loop3A_712[%parallel_loop3A_703, %parallel_loop3A_707] : memref<128x128xf32, #tpu.memory_space<vmem>>[vector<16xi32>, vector<16xi32>], vector<16xf32>,
        %parallel_loop3A_714 = arith.addf %parallel_loop3A_713, %parallel_loop3A_662 : vector<16xf32>
        %parallel_loop3A_715 = arith.constant 1 : i32
        %parallel_loop3A_716 = arith.index_cast %parallel_loop3A_715 : i32 to index
        %parallel_loop3A_717 = arith.index_cast %parallel_loop3A_659 : i32 to index
        %parallel_loop3A_718 = arith.constant 32 : index
        %parallel_loop3A_719 = tpu.vector_load %arg10[%parallel_loop3A_716, %parallel_loop3A_717, %parallel_loop3A_718] {strides = array<i32>} : memref<2x32x128xf32, #tpu.memory_space<vmem>>, vector<16xf32>,
        tpu.vector_store %arg10[%parallel_loop3A_716, %parallel_loop3A_717, %parallel_loop3A_718], %parallel_loop3A_714 {strides = array<i32>} : memref<2x32x128xf32, #tpu.memory_space<vmem>>, vector<16xf32>,
        %parallel_loop3A_720 = arith.constant 48 : i32
        %parallel_loop3A_721 = vector.broadcast %parallel_loop3A_720 : i32 to vector<16xi32>
        %parallel_loop3A_722 = arith.addi %iota3A, %parallel_loop3A_721 : vector<16xi32>
        %parallel_loop3A_723 = arith.constant 4 : i32
        %parallel_loop3A_724 = arith.muli %parallel_loop3A_723, %parallel_loop3A_659 : i32
        %parallel_loop3A_725 = vector.broadcast %parallel_loop3A_724 : i32 to vector<16xi32>
        %parallel_loop3A_726 = arith.addi %and3A_381, %parallel_loop3A_725 : vector<16xi32>
        %parallel_loop3A_727 = arith.constant 1 : i32
        %parallel_loop3A_728 = arith.constant 0 : i32
        %parallel_loop3A_729 = arith.constant 0 : i32
        %parallel_loop3A_730 = tpu.memref_slice %arg9[%parallel_loop3A_727, %parallel_loop3A_728, %parallel_loop3A_729] : memref<4x128x128xf32, #tpu.memory_space<vmem>> -> memref<1x128x128xf32, #tpu.memory_space<vmem>>
        %parallel_loop3A_731 = tpu.memref_squeeze %parallel_loop3A_730 : memref<1x128x128xf32, #tpu.memory_space<vmem>> -> memref<128x128xf32, #tpu.memory_space<vmem>>
        %parallel_loop3A_732 = tpu.vector_load_idx %parallel_loop3A_731[%parallel_loop3A_722, %parallel_loop3A_726] : memref<128x128xf32, #tpu.memory_space<vmem>>[vector<16xi32>, vector<16xi32>], vector<16xf32>,
        %parallel_loop3A_733 = arith.addf %parallel_loop3A_732, %parallel_loop3A_662 : vector<16xf32>
        %parallel_loop3A_734 = arith.constant 1 : i32
        %parallel_loop3A_735 = arith.index_cast %parallel_loop3A_734 : i32 to index
        %parallel_loop3A_736 = arith.index_cast %parallel_loop3A_659 : i32 to index
        %parallel_loop3A_737 = arith.constant 48 : index
        %parallel_loop3A_738 = tpu.vector_load %arg10[%parallel_loop3A_735, %parallel_loop3A_736, %parallel_loop3A_737] {strides = array<i32>} : memref<2x32x128xf32, #tpu.memory_space<vmem>>, vector<16xf32>,
        tpu.vector_store %arg10[%parallel_loop3A_735, %parallel_loop3A_736, %parallel_loop3A_737], %parallel_loop3A_733 {strides = array<i32>} : memref<2x32x128xf32, #tpu.memory_space<vmem>>, vector<16xf32>,
        %parallel_loop3A_739 = arith.constant 64 : i32
        %parallel_loop3A_740 = vector.broadcast %parallel_loop3A_739 : i32 to vector<16xi32>
        %parallel_loop3A_741 = arith.addi %iota3A, %parallel_loop3A_740 : vector<16xi32>
        %parallel_loop3A_742 = arith.constant 4 : i32
        %parallel_loop3A_743 = arith.muli %parallel_loop3A_742, %parallel_loop3A_659 : i32
        %parallel_loop3A_744 = vector.broadcast %parallel_loop3A_743 : i32 to vector<16xi32>
        %parallel_loop3A_745 = arith.addi %and3A_387, %parallel_loop3A_744 : vector<16xi32>
        %parallel_loop3A_746 = arith.constant 1 : i32
        %parallel_loop3A_747 = arith.constant 0 : i32
        %parallel_loop3A_748 = arith.constant 0 : i32
        %parallel_loop3A_749 = tpu.memref_slice %arg9[%parallel_loop3A_746, %parallel_loop3A_747, %parallel_loop3A_748] : memref<4x128x128xf32, #tpu.memory_space<vmem>> -> memref<1x128x128xf32, #tpu.memory_space<vmem>>
        %parallel_loop3A_750 = tpu.memref_squeeze %parallel_loop3A_749 : memref<1x128x128xf32, #tpu.memory_space<vmem>> -> memref<128x128xf32, #tpu.memory_space<vmem>>
        %parallel_loop3A_751 = tpu.vector_load_idx %parallel_loop3A_750[%parallel_loop3A_741, %parallel_loop3A_745] : memref<128x128xf32, #tpu.memory_space<vmem>>[vector<16xi32>, vector<16xi32>], vector<16xf32>,
        %parallel_loop3A_752 = arith.addf %parallel_loop3A_751, %parallel_loop3A_662 : vector<16xf32>
        %parallel_loop3A_753 = arith.constant 1 : i32
        %parallel_loop3A_754 = arith.index_cast %parallel_loop3A_753 : i32 to index
        %parallel_loop3A_755 = arith.index_cast %parallel_loop3A_659 : i32 to index
        %parallel_loop3A_756 = arith.constant 64 : index
        %parallel_loop3A_757 = tpu.vector_load %arg10[%parallel_loop3A_754, %parallel_loop3A_755, %parallel_loop3A_756] {strides = array<i32>} : memref<2x32x128xf32, #tpu.memory_space<vmem>>, vector<16xf32>,
        tpu.vector_store %arg10[%parallel_loop3A_754, %parallel_loop3A_755, %parallel_loop3A_756], %parallel_loop3A_752 {strides = array<i32>} : memref<2x32x128xf32, #tpu.memory_space<vmem>>, vector<16xf32>,
        %parallel_loop3A_758 = arith.constant 80 : i32
        %parallel_loop3A_759 = vector.broadcast %parallel_loop3A_758 : i32 to vector<16xi32>
        %parallel_loop3A_760 = arith.addi %iota3A, %parallel_loop3A_759 : vector<16xi32>
        %parallel_loop3A_761 = arith.constant 4 : i32
        %parallel_loop3A_762 = arith.muli %parallel_loop3A_761, %parallel_loop3A_659 : i32
        %parallel_loop3A_763 = vector.broadcast %parallel_loop3A_762 : i32 to vector<16xi32>
        %parallel_loop3A_764 = arith.addi %and3A_393, %parallel_loop3A_763 : vector<16xi32>
        %parallel_loop3A_765 = arith.constant 1 : i32
        %parallel_loop3A_766 = arith.constant 0 : i32
        %parallel_loop3A_767 = arith.constant 0 : i32
        %parallel_loop3A_768 = tpu.memref_slice %arg9[%parallel_loop3A_765, %parallel_loop3A_766, %parallel_loop3A_767] : memref<4x128x128xf32, #tpu.memory_space<vmem>> -> memref<1x128x128xf32, #tpu.memory_space<vmem>>
        %parallel_loop3A_769 = tpu.memref_squeeze %parallel_loop3A_768 : memref<1x128x128xf32, #tpu.memory_space<vmem>> -> memref<128x128xf32, #tpu.memory_space<vmem>>
        %parallel_loop3A_770 = tpu.vector_load_idx %parallel_loop3A_769[%parallel_loop3A_760, %parallel_loop3A_764] : memref<128x128xf32, #tpu.memory_space<vmem>>[vector<16xi32>, vector<16xi32>], vector<16xf32>,
        %parallel_loop3A_771 = arith.addf %parallel_loop3A_770, %parallel_loop3A_662 : vector<16xf32>
        %parallel_loop3A_772 = arith.constant 1 : i32
        %parallel_loop3A_773 = arith.index_cast %parallel_loop3A_772 : i32 to index
        %parallel_loop3A_774 = arith.index_cast %parallel_loop3A_659 : i32 to index
        %parallel_loop3A_775 = arith.constant 80 : index
        %parallel_loop3A_776 = tpu.vector_load %arg10[%parallel_loop3A_773, %parallel_loop3A_774, %parallel_loop3A_775] {strides = array<i32>} : memref<2x32x128xf32, #tpu.memory_space<vmem>>, vector<16xf32>,
        tpu.vector_store %arg10[%parallel_loop3A_773, %parallel_loop3A_774, %parallel_loop3A_775], %parallel_loop3A_771 {strides = array<i32>} : memref<2x32x128xf32, #tpu.memory_space<vmem>>, vector<16xf32>,
        %parallel_loop3A_777 = arith.constant 96 : i32
        %parallel_loop3A_778 = vector.broadcast %parallel_loop3A_777 : i32 to vector<16xi32>
        %parallel_loop3A_779 = arith.addi %iota3A, %parallel_loop3A_778 : vector<16xi32>
        %parallel_loop3A_780 = arith.constant 4 : i32
        %parallel_loop3A_781 = arith.muli %parallel_loop3A_780, %parallel_loop3A_659 : i32
        %parallel_loop3A_782 = vector.broadcast %parallel_loop3A_781 : i32 to vector<16xi32>
        %parallel_loop3A_783 = arith.addi %and3A_399, %parallel_loop3A_782 : vector<16xi32>
        %parallel_loop3A_784 = arith.constant 1 : i32
        %parallel_loop3A_785 = arith.constant 0 : i32
        %parallel_loop3A_786 = arith.constant 0 : i32
        %parallel_loop3A_787 = tpu.memref_slice %arg9[%parallel_loop3A_784, %parallel_loop3A_785, %parallel_loop3A_786] : memref<4x128x128xf32, #tpu.memory_space<vmem>> -> memref<1x128x128xf32, #tpu.memory_space<vmem>>
        %parallel_loop3A_788 = tpu.memref_squeeze %parallel_loop3A_787 : memref<1x128x128xf32, #tpu.memory_space<vmem>> -> memref<128x128xf32, #tpu.memory_space<vmem>>
        %parallel_loop3A_789 = tpu.vector_load_idx %parallel_loop3A_788[%parallel_loop3A_779, %parallel_loop3A_783] : memref<128x128xf32, #tpu.memory_space<vmem>>[vector<16xi32>, vector<16xi32>], vector<16xf32>,
        %parallel_loop3A_790 = arith.addf %parallel_loop3A_789, %parallel_loop3A_662 : vector<16xf32>
        %parallel_loop3A_791 = arith.constant 1 : i32
        %parallel_loop3A_792 = arith.index_cast %parallel_loop3A_791 : i32 to index
        %parallel_loop3A_793 = arith.index_cast %parallel_loop3A_659 : i32 to index
        %parallel_loop3A_794 = arith.constant 96 : index
        %parallel_loop3A_795 = tpu.vector_load %arg10[%parallel_loop3A_792, %parallel_loop3A_793, %parallel_loop3A_794] {strides = array<i32>} : memref<2x32x128xf32, #tpu.memory_space<vmem>>, vector<16xf32>,
        tpu.vector_store %arg10[%parallel_loop3A_792, %parallel_loop3A_793, %parallel_loop3A_794], %parallel_loop3A_790 {strides = array<i32>} : memref<2x32x128xf32, #tpu.memory_space<vmem>>, vector<16xf32>,
        %parallel_loop3A_796 = arith.constant 112 : i32
        %parallel_loop3A_797 = vector.broadcast %parallel_loop3A_796 : i32 to vector<16xi32>
        %parallel_loop3A_798 = arith.addi %iota3A, %parallel_loop3A_797 : vector<16xi32>
        %parallel_loop3A_799 = arith.constant 4 : i32
        %parallel_loop3A_800 = arith.muli %parallel_loop3A_799, %parallel_loop3A_659 : i32
        %parallel_loop3A_801 = vector.broadcast %parallel_loop3A_800 : i32 to vector<16xi32>
        %parallel_loop3A_802 = arith.addi %and3A_405, %parallel_loop3A_801 : vector<16xi32>
        %parallel_loop3A_803 = arith.constant 1 : i32
        %parallel_loop3A_804 = arith.constant 0 : i32
        %parallel_loop3A_805 = arith.constant 0 : i32
        %parallel_loop3A_806 = tpu.memref_slice %arg9[%parallel_loop3A_803, %parallel_loop3A_804, %parallel_loop3A_805] : memref<4x128x128xf32, #tpu.memory_space<vmem>> -> memref<1x128x128xf32, #tpu.memory_space<vmem>>
        %parallel_loop3A_807 = tpu.memref_squeeze %parallel_loop3A_806 : memref<1x128x128xf32, #tpu.memory_space<vmem>> -> memref<128x128xf32, #tpu.memory_space<vmem>>
        %parallel_loop3A_808 = tpu.vector_load_idx %parallel_loop3A_807[%parallel_loop3A_798, %parallel_loop3A_802] : memref<128x128xf32, #tpu.memory_space<vmem>>[vector<16xi32>, vector<16xi32>], vector<16xf32>,
        %parallel_loop3A_809 = arith.addf %parallel_loop3A_808, %parallel_loop3A_662 : vector<16xf32>
        %parallel_loop3A_810 = arith.constant 1 : i32
        %parallel_loop3A_811 = arith.index_cast %parallel_loop3A_810 : i32 to index
        %parallel_loop3A_812 = arith.index_cast %parallel_loop3A_659 : i32 to index
        %parallel_loop3A_813 = arith.constant 112 : index
        %parallel_loop3A_814 = tpu.vector_load %arg10[%parallel_loop3A_811, %parallel_loop3A_812, %parallel_loop3A_813] {strides = array<i32>} : memref<2x32x128xf32, #tpu.memory_space<vmem>>, vector<16xf32>,
        tpu.vector_store %arg10[%parallel_loop3A_811, %parallel_loop3A_812, %parallel_loop3A_813], %parallel_loop3A_809 {strides = array<i32>} : memref<2x32x128xf32, #tpu.memory_space<vmem>>, vector<16xf32>,
      } {sc.loop_unroll_factor = 4 : i64, sc.parallel_access}
      %dma_start3A_418 = arith.constant 1 : i32
      %dma_start3A_419 = arith.constant 0 : i32
      %dma_start3A_420 = arith.constant 0 : i32
      %dma_start3A_421 = tpu.memref_slice %arg10[%dma_start3A_418, %dma_start3A_419, %dma_start3A_420] : memref<2x32x128xf32, #tpu.memory_space<vmem>> -> memref<1x32x128xf32, #tpu.memory_space<vmem>>
      %dma_start3A_422 = tpu.memref_squeeze %dma_start3A_421 : memref<1x32x128xf32, #tpu.memory_space<vmem>> -> memref<32x128xf32, #tpu.memory_space<vmem>>
      %dma_start3A_423 = arith.constant 0 : i32
      %dma_start3A_424 = tpu.memref_slice %arg5[%add3A_333, %dma_start3A_423, %mul3A_2] : memref<200x32x4096xf32, #tpu.memory_space<hbm>> -> memref<1x32x128xf32, #tpu.memory_space<hbm>>
      %dma_start3A_425 = tpu.memref_squeeze %dma_start3A_424 : memref<1x32x128xf32, #tpu.memory_space<hbm>> -> memref<32x128xf32, #tpu.memory_space<hbm>>
      %dma_start3A_426 = arith.constant 0 : i32
      %dma_start3A_427 = tpu.memref_slice %arg5[%add3A_333, %dma_start3A_426, %mul3A_2] : memref<200x32x4096xf32, #tpu.memory_space<hbm>> -> memref<1x32x128xf32, #tpu.memory_space<hbm>>
      %dma_start3A_428 = tpu.memref_squeeze %dma_start3A_427 : memref<1x32x128xf32, #tpu.memory_space<hbm>> -> memref<32x128xf32, #tpu.memory_space<hbm>>
      %dma_start3A_429 = arith.constant 0 : i32
      %dma_start3A_430 = arith.constant 0 : i32
      %dma_start3A_431 = tpu.memref_slice %arg10[%dma_start3A_418, %dma_start3A_429, %dma_start3A_430] : memref<2x32x128xf32, #tpu.memory_space<vmem>> -> memref<1x32x128xf32, #tpu.memory_space<vmem>>
      %dma_start3A_432 = tpu.memref_squeeze %dma_start3A_431 : memref<1x32x128xf32, #tpu.memory_space<vmem>> -> memref<32x128xf32, #tpu.memory_space<vmem>>
      tpu.enqueue_dma source(%dma_start3A_432 : memref<32x128xf32, #tpu.memory_space<vmem>>) target(%dma_start3A_428 : memref<32x128xf32, #tpu.memory_space<hbm>>) target_semaphore(%arg16 : memref<!tpu.dma_semaphore, #tpu.memory_space<semaphore_mem>>)
      %mul3A_433 = arith.constant 4 : i32
      %mul3A_434 = arith.muli %mul3A_433, %scan3A_235 : i32
      %add3A_435 = arith.constant 2 : i32
      %add3A_436 = arith.addi %mul3A_434, %add3A_435 : i32
      %add3A_437 = arith.constant 2 : i32
      %add3A_438 = arith.addi %add3A_436, %add3A_437 : i32
      %lt3A_439 = arith.constant 200 : i32
      %lt3A_440 = arith.cmpi slt, %add3A_438, %lt3A_439 : i32
      %convert_element_type3A_441 = arith.extui %lt3A_440 : i1 to i32
      %cond3A_442 = arith.constant 0 : i32
      %cond3A_443 = arith.cmpi ne, %convert_element_type3A_441, %cond3A_442 : i32
      scf.if %cond3A_443 {
        %add3A_659 = arith.constant 2 : i32
        %add3A_660 = arith.addi %add3A_436, %add3A_659 : i32
        %get3A_661 = arith.index_cast %add3A_660 : i32 to index
        %get3A_662 = arith.constant 0 : index
        %get3A_663 = tpu.vector_load %arg6[%get3A_661, %get3A_662] {strides = array<i32>} : memref<200x128xi32, #tpu.memory_space<vmem>>, vector<16xi32>,
        %shift_right_logical3A_664 = arith.constant 2 : i32
        %shift_right_logical3A_665 = vector.broadcast %shift_right_logical3A_664 : i32 to vector<16xi32>
        %shift_right_logical3A_666 = arith.shrui %get3A_663, %shift_right_logical3A_665 : vector<16xi32>
        %swap3A_667 = arith.constant 0 : i32
        %swap3A_668 = arith.index_cast %swap3A_667 : i32 to index
        %swap3A_669 = arith.constant 0 : index
        %swap3A_670 = tpu.vector_load %arg8[%swap3A_668, %swap3A_669] {strides = array<i32>} : memref<4x128xi32, #tpu.memory_space<vmem>>, vector<16xi32>,
        tpu.vector_store %arg8[%swap3A_668, %swap3A_669], %shift_right_logical3A_666 {strides = array<i32>} : memref<4x128xi32, #tpu.memory_space<vmem>>, vector<16xi32>,
        %get3A_671 = arith.index_cast %add3A_660 : i32 to index
        %get3A_672 = arith.constant 16 : index
        %get3A_673 = tpu.vector_load %arg6[%get3A_671, %get3A_672] {strides = array<i32>} : memref<200x128xi32, #tpu.memory_space<vmem>>, vector<16xi32>,
        %shift_right_logical3A_674 = arith.constant 2 : i32
        %shift_right_logical3A_675 = vector.broadcast %shift_right_logical3A_674 : i32 to vector<16xi32>
        %shift_right_logical3A_676 = arith.shrui %get3A_673, %shift_right_logical3A_675 : vector<16xi32>
        %swap3A_677 = arith.constant 0 : i32
        %swap3A_678 = arith.index_cast %swap3A_677 : i32 to index
        %swap3A_679 = arith.constant 16 : index
        %swap3A_680 = tpu.vector_load %arg8[%swap3A_678, %swap3A_679] {strides = array<i32>} : memref<4x128xi32, #tpu.memory_space<vmem>>, vector<16xi32>,
        tpu.vector_store %arg8[%swap3A_678, %swap3A_679], %shift_right_logical3A_676 {strides = array<i32>} : memref<4x128xi32, #tpu.memory_space<vmem>>, vector<16xi32>,
        %get3A_681 = arith.index_cast %add3A_660 : i32 to index
        %get3A_682 = arith.constant 32 : index
        %get3A_683 = tpu.vector_load %arg6[%get3A_681, %get3A_682] {strides = array<i32>} : memref<200x128xi32, #tpu.memory_space<vmem>>, vector<16xi32>,
        %shift_right_logical3A_684 = arith.constant 2 : i32
        %shift_right_logical3A_685 = vector.broadcast %shift_right_logical3A_684 : i32 to vector<16xi32>
        %shift_right_logical3A_686 = arith.shrui %get3A_683, %shift_right_logical3A_685 : vector<16xi32>
        %swap3A_687 = arith.constant 0 : i32
        %swap3A_688 = arith.index_cast %swap3A_687 : i32 to index
        %swap3A_689 = arith.constant 32 : index
        %swap3A_690 = tpu.vector_load %arg8[%swap3A_688, %swap3A_689] {strides = array<i32>} : memref<4x128xi32, #tpu.memory_space<vmem>>, vector<16xi32>,
        tpu.vector_store %arg8[%swap3A_688, %swap3A_689], %shift_right_logical3A_686 {strides = array<i32>} : memref<4x128xi32, #tpu.memory_space<vmem>>, vector<16xi32>,
        %get3A_691 = arith.index_cast %add3A_660 : i32 to index
        %get3A_692 = arith.constant 48 : index
        %get3A_693 = tpu.vector_load %arg6[%get3A_691, %get3A_692] {strides = array<i32>} : memref<200x128xi32, #tpu.memory_space<vmem>>, vector<16xi32>,
        %shift_right_logical3A_694 = arith.constant 2 : i32
        %shift_right_logical3A_695 = vector.broadcast %shift_right_logical3A_694 : i32 to vector<16xi32>
        %shift_right_logical3A_696 = arith.shrui %get3A_693, %shift_right_logical3A_695 : vector<16xi32>
        %swap3A_697 = arith.constant 0 : i32
        %swap3A_698 = arith.index_cast %swap3A_697 : i32 to index
        %swap3A_699 = arith.constant 48 : index
        %swap3A_700 = tpu.vector_load %arg8[%swap3A_698, %swap3A_699] {strides = array<i32>} : memref<4x128xi32, #tpu.memory_space<vmem>>, vector<16xi32>,
        tpu.vector_store %arg8[%swap3A_698, %swap3A_699], %shift_right_logical3A_696 {strides = array<i32>} : memref<4x128xi32, #tpu.memory_space<vmem>>, vector<16xi32>,
        %get3A_701 = arith.index_cast %add3A_660 : i32 to index
        %get3A_702 = arith.constant 64 : index
        %get3A_703 = tpu.vector_load %arg6[%get3A_701, %get3A_702] {strides = array<i32>} : memref<200x128xi32, #tpu.memory_space<vmem>>, vector<16xi32>,
        %shift_right_logical3A_704 = arith.constant 2 : i32
        %shift_right_logical3A_705 = vector.broadcast %shift_right_logical3A_704 : i32 to vector<16xi32>
        %shift_right_logical3A_706 = arith.shrui %get3A_703, %shift_right_logical3A_705 : vector<16xi32>
        %swap3A_707 = arith.constant 0 : i32
        %swap3A_708 = arith.index_cast %swap3A_707 : i32 to index
        %swap3A_709 = arith.constant 64 : index
        %swap3A_710 = tpu.vector_load %arg8[%swap3A_708, %swap3A_709] {strides = array<i32>} : memref<4x128xi32, #tpu.memory_space<vmem>>, vector<16xi32>,
        tpu.vector_store %arg8[%swap3A_708, %swap3A_709], %shift_right_logical3A_706 {strides = array<i32>} : memref<4x128xi32, #tpu.memory_space<vmem>>, vector<16xi32>,
        %get3A_711 = arith.index_cast %add3A_660 : i32 to index
        %get3A_712 = arith.constant 80 : index
        %get3A_713 = tpu.vector_load %arg6[%get3A_711, %get3A_712] {strides = array<i32>} : memref<200x128xi32, #tpu.memory_space<vmem>>, vector<16xi32>,
        %shift_right_logical3A_714 = arith.constant 2 : i32
        %shift_right_logical3A_715 = vector.broadcast %shift_right_logical3A_714 : i32 to vector<16xi32>
        %shift_right_logical3A_716 = arith.shrui %get3A_713, %shift_right_logical3A_715 : vector<16xi32>
        %swap3A_717 = arith.constant 0 : i32
        %swap3A_718 = arith.index_cast %swap3A_717 : i32 to index
        %swap3A_719 = arith.constant 80 : index
        %swap3A_720 = tpu.vector_load %arg8[%swap3A_718, %swap3A_719] {strides = array<i32>} : memref<4x128xi32, #tpu.memory_space<vmem>>, vector<16xi32>,
        tpu.vector_store %arg8[%swap3A_718, %swap3A_719], %shift_right_logical3A_716 {strides = array<i32>} : memref<4x128xi32, #tpu.memory_space<vmem>>, vector<16xi32>,
        %get3A_721 = arith.index_cast %add3A_660 : i32 to index
        %get3A_722 = arith.constant 96 : index
        %get3A_723 = tpu.vector_load %arg6[%get3A_721, %get3A_722] {strides = array<i32>} : memref<200x128xi32, #tpu.memory_space<vmem>>, vector<16xi32>,
        %shift_right_logical3A_724 = arith.constant 2 : i32
        %shift_right_logical3A_725 = vector.broadcast %shift_right_logical3A_724 : i32 to vector<16xi32>
        %shift_right_logical3A_726 = arith.shrui %get3A_723, %shift_right_logical3A_725 : vector<16xi32>
        %swap3A_727 = arith.constant 0 : i32
        %swap3A_728 = arith.index_cast %swap3A_727 : i32 to index
        %swap3A_729 = arith.constant 96 : index
        %swap3A_730 = tpu.vector_load %arg8[%swap3A_728, %swap3A_729] {strides = array<i32>} : memref<4x128xi32, #tpu.memory_space<vmem>>, vector<16xi32>,
        tpu.vector_store %arg8[%swap3A_728, %swap3A_729], %shift_right_logical3A_726 {strides = array<i32>} : memref<4x128xi32, #tpu.memory_space<vmem>>, vector<16xi32>,
        %get3A_731 = arith.index_cast %add3A_660 : i32 to index
        %get3A_732 = arith.constant 112 : index
        %get3A_733 = tpu.vector_load %arg6[%get3A_731, %get3A_732] {strides = array<i32>} : memref<200x128xi32, #tpu.memory_space<vmem>>, vector<16xi32>,
        %shift_right_logical3A_734 = arith.constant 2 : i32
        %shift_right_logical3A_735 = vector.broadcast %shift_right_logical3A_734 : i32 to vector<16xi32>
        %shift_right_logical3A_736 = arith.shrui %get3A_733, %shift_right_logical3A_735 : vector<16xi32>
        %swap3A_737 = arith.constant 0 : i32
        %swap3A_738 = arith.index_cast %swap3A_737 : i32 to index
        %swap3A_739 = arith.constant 112 : index
        %swap3A_740 = tpu.vector_load %arg8[%swap3A_738, %swap3A_739] {strides = array<i32>} : memref<4x128xi32, #tpu.memory_space<vmem>>, vector<16xi32>,
        tpu.vector_store %arg8[%swap3A_738, %swap3A_739], %shift_right_logical3A_736 {strides = array<i32>} : memref<4x128xi32, #tpu.memory_space<vmem>>, vector<16xi32>,
        %dma_start3A_741 = arith.constant 0 : i32
        %dma_start3A_742 = arith.constant 0 : i32
        %dma_start3A_743 = arith.constant 0 : i32
        %dma_start3A_744 = arith.constant 0 : i32
        %dma_start3A_745 = tpu.memref_slice %arg9[%dma_start3A_742, %dma_start3A_743, %dma_start3A_744] : memref<4x128x128xf32, #tpu.memory_space<vmem>> -> memref<1x128x128xf32, #tpu.memory_space<vmem>>
        %dma_start3A_746 = tpu.memref_squeeze %dma_start3A_745 : memref<1x128x128xf32, #tpu.memory_space<vmem>> -> memref<128x128xf32, #tpu.memory_space<vmem>>
        %dma_start3A_747 = arith.constant 0 : i32
        %dma_start3A_748 = tpu.memref_slice %arg8[%dma_start3A_741, %dma_start3A_747] : memref<4x128xi32, #tpu.memory_space<vmem>> -> memref<1x128xi32, #tpu.memory_space<vmem>>
        %dma_start3A_749 = tpu.memref_squeeze %dma_start3A_748 : memref<1x128xi32, #tpu.memory_space<vmem>> -> memref<128xi32, #tpu.memory_space<vmem>>
        %dma_start3A_750 = arith.constant 0 : i32
        %dma_start3A_751 = arith.constant 0 : i32
        %dma_start3A_752 = tpu.memref_slice %arg3[%dma_start3A_750, %dma_start3A_751] : memref<250000x128xf32, #tpu.memory_space<hbm>> -> memref<250000x128xf32, #tpu.memory_space<hbm>>
        tpu.enqueue_indirect_dma source(%dma_start3A_752 : memref<250000x128xf32, #tpu.memory_space<hbm>>) target(%dma_start3A_746 : memref<128x128xf32, #tpu.memory_space<vmem>>) offsets(%dma_start3A_749 : memref<128xi32, #tpu.memory_space<vmem>>) semaphore(%arg11 : memref<!tpu.dma_semaphore, #tpu.memory_space<semaphore_mem>>)
      } else {
      }
      %dma_wait3A_444 = arith.constant 2 : i32
      %dma_wait3A_445 = arith.constant 2 : i32
      %dma_wait3A_446 = arith.constant 0 : i32
      %dma_wait3A_447 = arith.constant 0 : i32
      %dma_wait3A_448 = tpu.memref_slice %arg9[%dma_wait3A_445, %dma_wait3A_446, %dma_wait3A_447] : memref<4x128x128xf32, #tpu.memory_space<vmem>> -> memref<1x128x128xf32, #tpu.memory_space<vmem>>
      %dma_wait3A_449 = tpu.memref_squeeze %dma_wait3A_448 : memref<1x128x128xf32, #tpu.memory_space<vmem>> -> memref<128x128xf32, #tpu.memory_space<vmem>>
      %dma_wait3A_450 = arith.constant 0 : i32
      %dma_wait3A_451 = tpu.memref_slice %arg8[%dma_wait3A_444, %dma_wait3A_450] : memref<4x128xi32, #tpu.memory_space<vmem>> -> memref<1x128xi32, #tpu.memory_space<vmem>>
      %dma_wait3A_452 = tpu.memref_squeeze %dma_wait3A_451 : memref<1x128xi32, #tpu.memory_space<vmem>> -> memref<128xi32, #tpu.memory_space<vmem>>
      %dma_wait3A_453 = arith.constant 0 : i32
      %dma_wait3A_454 = arith.constant 0 : i32
      %dma_wait3A_455 = tpu.memref_slice %arg3[%dma_wait3A_453, %dma_wait3A_454] : memref<250000x128xf32, #tpu.memory_space<hbm>> -> memref<250000x128xf32, #tpu.memory_space<hbm>>
      tpu.wait_indirect_dma semaphore(%arg13 : memref<!tpu.dma_semaphore, #tpu.memory_space<semaphore_mem>>) src(%dma_wait3A_455 : memref<250000x128xf32, #tpu.memory_space<hbm>>) dst(%dma_wait3A_449 : memref<128x128xf32, #tpu.memory_space<vmem>>)
      %dma_wait3A_456 = arith.constant 0 : i32
      %dma_wait3A_457 = arith.constant 0 : i32
      %dma_wait3A_458 = arith.constant 0 : i32
      %dma_wait3A_459 = tpu.memref_slice %arg10[%dma_wait3A_456, %dma_wait3A_457, %dma_wait3A_458] : memref<2x32x128xf32, #tpu.memory_space<vmem>> -> memref<1x32x128xf32, #tpu.memory_space<vmem>>
      %dma_wait3A_460 = tpu.memref_squeeze %dma_wait3A_459 : memref<1x32x128xf32, #tpu.memory_space<vmem>> -> memref<32x128xf32, #tpu.memory_space<vmem>>
      %dma_wait3A_461 = arith.constant 0 : i32
      %dma_wait3A_462 = tpu.memref_slice %arg5[%add3A_436, %dma_wait3A_461, %mul3A_2] : memref<200x32x4096xf32, #tpu.memory_space<hbm>> -> memref<1x32x128xf32, #tpu.memory_space<hbm>>
      %dma_wait3A_463 = tpu.memref_squeeze %dma_wait3A_462 : memref<1x32x128xf32, #tpu.memory_space<hbm>> -> memref<32x128xf32, #tpu.memory_space<hbm>>
      %dma_wait3A_464 = arith.constant 0 : i32
      %dma_wait3A_465 = tpu.memref_slice %arg5[%add3A_436, %dma_wait3A_464, %mul3A_2] : memref<200x32x4096xf32, #tpu.memory_space<hbm>> -> memref<1x32x128xf32, #tpu.memory_space<hbm>>
      %dma_wait3A_466 = tpu.memref_squeeze %dma_wait3A_465 : memref<1x32x128xf32, #tpu.memory_space<hbm>> -> memref<32x128xf32, #tpu.memory_space<hbm>>
      %dma_wait3A_467 = arith.constant 0 : i32
      %dma_wait3A_468 = arith.constant 0 : i32
      %dma_wait3A_469 = tpu.memref_slice %arg10[%dma_wait3A_456, %dma_wait3A_467, %dma_wait3A_468] : memref<2x32x128xf32, #tpu.memory_space<vmem>> -> memref<1x32x128xf32, #tpu.memory_space<vmem>>
      %dma_wait3A_470 = tpu.memref_squeeze %dma_wait3A_469 : memref<1x32x128xf32, #tpu.memory_space<vmem>> -> memref<32x128xf32, #tpu.memory_space<vmem>>
      tpu.wait_dma2 semaphore(%arg15 : memref<!tpu.dma_semaphore, #tpu.memory_space<semaphore_mem>>) src(%dma_wait3A_470 : memref<32x128xf32, #tpu.memory_space<vmem>>) dst(%dma_wait3A_466 : memref<32x128xf32, #tpu.memory_space<hbm>>)
      %get3A_471 = arith.index_cast %add3A_436 : i32 to index
      %get3A_472 = arith.constant 0 : index
      %get3A_473 = tpu.vector_load %arg6[%get3A_471, %get3A_472] {strides = array<i32>} : memref<200x128xi32, #tpu.memory_space<vmem>>, vector<16xi32>,
      %and3A_474 = arith.constant 3 : i32
      %and3A_475 = vector.broadcast %and3A_474 : i32 to vector<16xi32>
      %and3A_476 = arith.andi %get3A_473, %and3A_475 : vector<16xi32>
      %get3A_477 = arith.index_cast %add3A_436 : i32 to index
      %get3A_478 = arith.constant 16 : index
      %get3A_479 = tpu.vector_load %arg6[%get3A_477, %get3A_478] {strides = array<i32>} : memref<200x128xi32, #tpu.memory_space<vmem>>, vector<16xi32>,
      %and3A_480 = arith.constant 3 : i32
      %and3A_481 = vector.broadcast %and3A_480 : i32 to vector<16xi32>
      %and3A_482 = arith.andi %get3A_479, %and3A_481 : vector<16xi32>
      %get3A_483 = arith.index_cast %add3A_436 : i32 to index
      %get3A_484 = arith.constant 32 : index
      %get3A_485 = tpu.vector_load %arg6[%get3A_483, %get3A_484] {strides = array<i32>} : memref<200x128xi32, #tpu.memory_space<vmem>>, vector<16xi32>,
      %and3A_486 = arith.constant 3 : i32
      %and3A_487 = vector.broadcast %and3A_486 : i32 to vector<16xi32>
      %and3A_488 = arith.andi %get3A_485, %and3A_487 : vector<16xi32>
      %get3A_489 = arith.index_cast %add3A_436 : i32 to index
      %get3A_490 = arith.constant 48 : index
      %get3A_491 = tpu.vector_load %arg6[%get3A_489, %get3A_490] {strides = array<i32>} : memref<200x128xi32, #tpu.memory_space<vmem>>, vector<16xi32>,
      %and3A_492 = arith.constant 3 : i32
      %and3A_493 = vector.broadcast %and3A_492 : i32 to vector<16xi32>
      %and3A_494 = arith.andi %get3A_491, %and3A_493 : vector<16xi32>
      %get3A_495 = arith.index_cast %add3A_436 : i32 to index
      %get3A_496 = arith.constant 64 : index
      %get3A_497 = tpu.vector_load %arg6[%get3A_495, %get3A_496] {strides = array<i32>} : memref<200x128xi32, #tpu.memory_space<vmem>>, vector<16xi32>,
      %and3A_498 = arith.constant 3 : i32
      %and3A_499 = vector.broadcast %and3A_498 : i32 to vector<16xi32>
      %and3A_500 = arith.andi %get3A_497, %and3A_499 : vector<16xi32>
      %get3A_501 = arith.index_cast %add3A_436 : i32 to index
      %get3A_502 = arith.constant 80 : index
      %get3A_503 = tpu.vector_load %arg6[%get3A_501, %get3A_502] {strides = array<i32>} : memref<200x128xi32, #tpu.memory_space<vmem>>, vector<16xi32>,
      %and3A_504 = arith.constant 3 : i32
      %and3A_505 = vector.broadcast %and3A_504 : i32 to vector<16xi32>
      %and3A_506 = arith.andi %get3A_503, %and3A_505 : vector<16xi32>
      %get3A_507 = arith.index_cast %add3A_436 : i32 to index
      %get3A_508 = arith.constant 96 : index
      %get3A_509 = tpu.vector_load %arg6[%get3A_507, %get3A_508] {strides = array<i32>} : memref<200x128xi32, #tpu.memory_space<vmem>>, vector<16xi32>,
      %and3A_510 = arith.constant 3 : i32
      %and3A_511 = vector.broadcast %and3A_510 : i32 to vector<16xi32>
      %and3A_512 = arith.andi %get3A_509, %and3A_511 : vector<16xi32>
      %get3A_513 = arith.index_cast %add3A_436 : i32 to index
      %get3A_514 = arith.constant 112 : index
      %get3A_515 = tpu.vector_load %arg6[%get3A_513, %get3A_514] {strides = array<i32>} : memref<200x128xi32, #tpu.memory_space<vmem>>, vector<16xi32>,
      %and3A_516 = arith.constant 3 : i32
      %and3A_517 = vector.broadcast %and3A_516 : i32 to vector<16xi32>
      %and3A_518 = arith.andi %get3A_515, %and3A_517 : vector<16xi32>
      %mul3A_519 = arith.constant 32 : i32
      %mul3A_520 = arith.muli %add3A_436, %mul3A_519 : i32
      %div3A_521 = arith.constant 128 : i32
      %div3A_522 = arith.divsi %mul3A_520, %div3A_521 : i32
      %broadcast_in_dim3A_523 = vector.broadcast %div3A_522 : i32 to vector<16xi32>
      %mul3A_524 = arith.constant 32 : i32
      %mul3A_525 = arith.muli %add3A_436, %mul3A_524 : i32
      %rem3A_526 = arith.constant 128 : i32
      %rem3A_527 = arith.remsi %mul3A_525, %rem3A_526 : i32
      %parallel_loop3A_528 = arith.constant 0 : i32
      %parallel_loop3A_529 = arith.constant 32 : i32
      %parallel_loop3A_530 = arith.constant 1 : i32
      scf.for %parallel_loop3A_659 = %parallel_loop3A_528 to %parallel_loop3A_529 step %parallel_loop3A_530  : i32 {
        %parallel_loop3A_660 = arith.addi %rem3A_527, %parallel_loop3A_659 : i32
        %parallel_loop3A_661 = vector.broadcast %parallel_loop3A_660 : i32 to vector<16xi32>
        %parallel_loop3A_662 = tpu.vector_load_idx %arg7[%broadcast_in_dim3A_523, %parallel_loop3A_661] : memref<50x128xf32, #tpu.memory_space<vmem>>[vector<16xi32>, vector<16xi32>], vector<16xf32>,
        %parallel_loop3A_663 = arith.constant 0 : i32
        %parallel_loop3A_664 = vector.broadcast %parallel_loop3A_663 : i32 to vector<16xi32>
        %parallel_loop3A_665 = arith.addi %iota3A, %parallel_loop3A_664 : vector<16xi32>
        %parallel_loop3A_666 = arith.constant 4 : i32
        %parallel_loop3A_667 = arith.muli %parallel_loop3A_666, %parallel_loop3A_659 : i32
        %parallel_loop3A_668 = vector.broadcast %parallel_loop3A_667 : i32 to vector<16xi32>
        %parallel_loop3A_669 = arith.addi %and3A_476, %parallel_loop3A_668 : vector<16xi32>
        %parallel_loop3A_670 = arith.constant 2 : i32
        %parallel_loop3A_671 = arith.constant 0 : i32
        %parallel_loop3A_672 = arith.constant 0 : i32
        %parallel_loop3A_673 = tpu.memref_slice %arg9[%parallel_loop3A_670, %parallel_loop3A_671, %parallel_loop3A_672] : memref<4x128x128xf32, #tpu.memory_space<vmem>> -> memref<1x128x128xf32, #tpu.memory_space<vmem>>
        %parallel_loop3A_674 = tpu.memref_squeeze %parallel_loop3A_673 : memref<1x128x128xf32, #tpu.memory_space<vmem>> -> memref<128x128xf32, #tpu.memory_space<vmem>>
        %parallel_loop3A_675 = tpu.vector_load_idx %parallel_loop3A_674[%parallel_loop3A_665, %parallel_loop3A_669] : memref<128x128xf32, #tpu.memory_space<vmem>>[vector<16xi32>, vector<16xi32>], vector<16xf32>,
        %parallel_loop3A_676 = arith.addf %parallel_loop3A_675, %parallel_loop3A_662 : vector<16xf32>
        %parallel_loop3A_677 = arith.constant 0 : i32
        %parallel_loop3A_678 = arith.index_cast %parallel_loop3A_677 : i32 to index
        %parallel_loop3A_679 = arith.index_cast %parallel_loop3A_659 : i32 to index
        %parallel_loop3A_680 = arith.constant 0 : index
        %parallel_loop3A_681 = tpu.vector_load %arg10[%parallel_loop3A_678, %parallel_loop3A_679, %parallel_loop3A_680] {strides = array<i32>} : memref<2x32x128xf32, #tpu.memory_space<vmem>>, vector<16xf32>,
        tpu.vector_store %arg10[%parallel_loop3A_678, %parallel_loop3A_679, %parallel_loop3A_680], %parallel_loop3A_676 {strides = array<i32>} : memref<2x32x128xf32, #tpu.memory_space<vmem>>, vector<16xf32>,
        %parallel_loop3A_682 = arith.constant 16 : i32
        %parallel_loop3A_683 = vector.broadcast %parallel_loop3A_682 : i32 to vector<16xi32>
        %parallel_loop3A_684 = arith.addi %iota3A, %parallel_loop3A_683 : vector<16xi32>
        %parallel_loop3A_685 = arith.constant 4 : i32
        %parallel_loop3A_686 = arith.muli %parallel_loop3A_685, %parallel_loop3A_659 : i32
        %parallel_loop3A_687 = vector.broadcast %parallel_loop3A_686 : i32 to vector<16xi32>
        %parallel_loop3A_688 = arith.addi %and3A_482, %parallel_loop3A_687 : vector<16xi32>
        %parallel_loop3A_689 = arith.constant 2 : i32
        %parallel_loop3A_690 = arith.constant 0 : i32
        %parallel_loop3A_691 = arith.constant 0 : i32
        %parallel_loop3A_692 = tpu.memref_slice %arg9[%parallel_loop3A_689, %parallel_loop3A_690, %parallel_loop3A_691] : memref<4x128x128xf32, #tpu.memory_space<vmem>> -> memref<1x128x128xf32, #tpu.memory_space<vmem>>
        %parallel_loop3A_693 = tpu.memref_squeeze %parallel_loop3A_692 : memref<1x128x128xf32, #tpu.memory_space<vmem>> -> memref<128x128xf32, #tpu.memory_space<vmem>>
        %parallel_loop3A_694 = tpu.vector_load_idx %parallel_loop3A_693[%parallel_loop3A_684, %parallel_loop3A_688] : memref<128x128xf32, #tpu.memory_space<vmem>>[vector<16xi32>, vector<16xi32>], vector<16xf32>,
        %parallel_loop3A_695 = arith.addf %parallel_loop3A_694, %parallel_loop3A_662 : vector<16xf32>
        %parallel_loop3A_696 = arith.constant 0 : i32
        %parallel_loop3A_697 = arith.index_cast %parallel_loop3A_696 : i32 to index
        %parallel_loop3A_698 = arith.index_cast %parallel_loop3A_659 : i32 to index
        %parallel_loop3A_699 = arith.constant 16 : index
        %parallel_loop3A_700 = tpu.vector_load %arg10[%parallel_loop3A_697, %parallel_loop3A_698, %parallel_loop3A_699] {strides = array<i32>} : memref<2x32x128xf32, #tpu.memory_space<vmem>>, vector<16xf32>,
        tpu.vector_store %arg10[%parallel_loop3A_697, %parallel_loop3A_698, %parallel_loop3A_699], %parallel_loop3A_695 {strides = array<i32>} : memref<2x32x128xf32, #tpu.memory_space<vmem>>, vector<16xf32>,
        %parallel_loop3A_701 = arith.constant 32 : i32
        %parallel_loop3A_702 = vector.broadcast %parallel_loop3A_701 : i32 to vector<16xi32>
        %parallel_loop3A_703 = arith.addi %iota3A, %parallel_loop3A_702 : vector<16xi32>
        %parallel_loop3A_704 = arith.constant 4 : i32
        %parallel_loop3A_705 = arith.muli %parallel_loop3A_704, %parallel_loop3A_659 : i32
        %parallel_loop3A_706 = vector.broadcast %parallel_loop3A_705 : i32 to vector<16xi32>
        %parallel_loop3A_707 = arith.addi %and3A_488, %parallel_loop3A_706 : vector<16xi32>
        %parallel_loop3A_708 = arith.constant 2 : i32
        %parallel_loop3A_709 = arith.constant 0 : i32
        %parallel_loop3A_710 = arith.constant 0 : i32
        %parallel_loop3A_711 = tpu.memref_slice %arg9[%parallel_loop3A_708, %parallel_loop3A_709, %parallel_loop3A_710] : memref<4x128x128xf32, #tpu.memory_space<vmem>> -> memref<1x128x128xf32, #tpu.memory_space<vmem>>
        %parallel_loop3A_712 = tpu.memref_squeeze %parallel_loop3A_711 : memref<1x128x128xf32, #tpu.memory_space<vmem>> -> memref<128x128xf32, #tpu.memory_space<vmem>>
        %parallel_loop3A_713 = tpu.vector_load_idx %parallel_loop3A_712[%parallel_loop3A_703, %parallel_loop3A_707] : memref<128x128xf32, #tpu.memory_space<vmem>>[vector<16xi32>, vector<16xi32>], vector<16xf32>,
        %parallel_loop3A_714 = arith.addf %parallel_loop3A_713, %parallel_loop3A_662 : vector<16xf32>
        %parallel_loop3A_715 = arith.constant 0 : i32
        %parallel_loop3A_716 = arith.index_cast %parallel_loop3A_715 : i32 to index
        %parallel_loop3A_717 = arith.index_cast %parallel_loop3A_659 : i32 to index
        %parallel_loop3A_718 = arith.constant 32 : index
        %parallel_loop3A_719 = tpu.vector_load %arg10[%parallel_loop3A_716, %parallel_loop3A_717, %parallel_loop3A_718] {strides = array<i32>} : memref<2x32x128xf32, #tpu.memory_space<vmem>>, vector<16xf32>,
        tpu.vector_store %arg10[%parallel_loop3A_716, %parallel_loop3A_717, %parallel_loop3A_718], %parallel_loop3A_714 {strides = array<i32>} : memref<2x32x128xf32, #tpu.memory_space<vmem>>, vector<16xf32>,
        %parallel_loop3A_720 = arith.constant 48 : i32
        %parallel_loop3A_721 = vector.broadcast %parallel_loop3A_720 : i32 to vector<16xi32>
        %parallel_loop3A_722 = arith.addi %iota3A, %parallel_loop3A_721 : vector<16xi32>
        %parallel_loop3A_723 = arith.constant 4 : i32
        %parallel_loop3A_724 = arith.muli %parallel_loop3A_723, %parallel_loop3A_659 : i32
        %parallel_loop3A_725 = vector.broadcast %parallel_loop3A_724 : i32 to vector<16xi32>
        %parallel_loop3A_726 = arith.addi %and3A_494, %parallel_loop3A_725 : vector<16xi32>
        %parallel_loop3A_727 = arith.constant 2 : i32
        %parallel_loop3A_728 = arith.constant 0 : i32
        %parallel_loop3A_729 = arith.constant 0 : i32
        %parallel_loop3A_730 = tpu.memref_slice %arg9[%parallel_loop3A_727, %parallel_loop3A_728, %parallel_loop3A_729] : memref<4x128x128xf32, #tpu.memory_space<vmem>> -> memref<1x128x128xf32, #tpu.memory_space<vmem>>
        %parallel_loop3A_731 = tpu.memref_squeeze %parallel_loop3A_730 : memref<1x128x128xf32, #tpu.memory_space<vmem>> -> memref<128x128xf32, #tpu.memory_space<vmem>>
        %parallel_loop3A_732 = tpu.vector_load_idx %parallel_loop3A_731[%parallel_loop3A_722, %parallel_loop3A_726] : memref<128x128xf32, #tpu.memory_space<vmem>>[vector<16xi32>, vector<16xi32>], vector<16xf32>,
        %parallel_loop3A_733 = arith.addf %parallel_loop3A_732, %parallel_loop3A_662 : vector<16xf32>
        %parallel_loop3A_734 = arith.constant 0 : i32
        %parallel_loop3A_735 = arith.index_cast %parallel_loop3A_734 : i32 to index
        %parallel_loop3A_736 = arith.index_cast %parallel_loop3A_659 : i32 to index
        %parallel_loop3A_737 = arith.constant 48 : index
        %parallel_loop3A_738 = tpu.vector_load %arg10[%parallel_loop3A_735, %parallel_loop3A_736, %parallel_loop3A_737] {strides = array<i32>} : memref<2x32x128xf32, #tpu.memory_space<vmem>>, vector<16xf32>,
        tpu.vector_store %arg10[%parallel_loop3A_735, %parallel_loop3A_736, %parallel_loop3A_737], %parallel_loop3A_733 {strides = array<i32>} : memref<2x32x128xf32, #tpu.memory_space<vmem>>, vector<16xf32>,
        %parallel_loop3A_739 = arith.constant 64 : i32
        %parallel_loop3A_740 = vector.broadcast %parallel_loop3A_739 : i32 to vector<16xi32>
        %parallel_loop3A_741 = arith.addi %iota3A, %parallel_loop3A_740 : vector<16xi32>
        %parallel_loop3A_742 = arith.constant 4 : i32
        %parallel_loop3A_743 = arith.muli %parallel_loop3A_742, %parallel_loop3A_659 : i32
        %parallel_loop3A_744 = vector.broadcast %parallel_loop3A_743 : i32 to vector<16xi32>
        %parallel_loop3A_745 = arith.addi %and3A_500, %parallel_loop3A_744 : vector<16xi32>
        %parallel_loop3A_746 = arith.constant 2 : i32
        %parallel_loop3A_747 = arith.constant 0 : i32
        %parallel_loop3A_748 = arith.constant 0 : i32
        %parallel_loop3A_749 = tpu.memref_slice %arg9[%parallel_loop3A_746, %parallel_loop3A_747, %parallel_loop3A_748] : memref<4x128x128xf32, #tpu.memory_space<vmem>> -> memref<1x128x128xf32, #tpu.memory_space<vmem>>
        %parallel_loop3A_750 = tpu.memref_squeeze %parallel_loop3A_749 : memref<1x128x128xf32, #tpu.memory_space<vmem>> -> memref<128x128xf32, #tpu.memory_space<vmem>>
        %parallel_loop3A_751 = tpu.vector_load_idx %parallel_loop3A_750[%parallel_loop3A_741, %parallel_loop3A_745] : memref<128x128xf32, #tpu.memory_space<vmem>>[vector<16xi32>, vector<16xi32>], vector<16xf32>,
        %parallel_loop3A_752 = arith.addf %parallel_loop3A_751, %parallel_loop3A_662 : vector<16xf32>
        %parallel_loop3A_753 = arith.constant 0 : i32
        %parallel_loop3A_754 = arith.index_cast %parallel_loop3A_753 : i32 to index
        %parallel_loop3A_755 = arith.index_cast %parallel_loop3A_659 : i32 to index
        %parallel_loop3A_756 = arith.constant 64 : index
        %parallel_loop3A_757 = tpu.vector_load %arg10[%parallel_loop3A_754, %parallel_loop3A_755, %parallel_loop3A_756] {strides = array<i32>} : memref<2x32x128xf32, #tpu.memory_space<vmem>>, vector<16xf32>,
        tpu.vector_store %arg10[%parallel_loop3A_754, %parallel_loop3A_755, %parallel_loop3A_756], %parallel_loop3A_752 {strides = array<i32>} : memref<2x32x128xf32, #tpu.memory_space<vmem>>, vector<16xf32>,
        %parallel_loop3A_758 = arith.constant 80 : i32
        %parallel_loop3A_759 = vector.broadcast %parallel_loop3A_758 : i32 to vector<16xi32>
        %parallel_loop3A_760 = arith.addi %iota3A, %parallel_loop3A_759 : vector<16xi32>
        %parallel_loop3A_761 = arith.constant 4 : i32
        %parallel_loop3A_762 = arith.muli %parallel_loop3A_761, %parallel_loop3A_659 : i32
        %parallel_loop3A_763 = vector.broadcast %parallel_loop3A_762 : i32 to vector<16xi32>
        %parallel_loop3A_764 = arith.addi %and3A_506, %parallel_loop3A_763 : vector<16xi32>
        %parallel_loop3A_765 = arith.constant 2 : i32
        %parallel_loop3A_766 = arith.constant 0 : i32
        %parallel_loop3A_767 = arith.constant 0 : i32
        %parallel_loop3A_768 = tpu.memref_slice %arg9[%parallel_loop3A_765, %parallel_loop3A_766, %parallel_loop3A_767] : memref<4x128x128xf32, #tpu.memory_space<vmem>> -> memref<1x128x128xf32, #tpu.memory_space<vmem>>
        %parallel_loop3A_769 = tpu.memref_squeeze %parallel_loop3A_768 : memref<1x128x128xf32, #tpu.memory_space<vmem>> -> memref<128x128xf32, #tpu.memory_space<vmem>>
        %parallel_loop3A_770 = tpu.vector_load_idx %parallel_loop3A_769[%parallel_loop3A_760, %parallel_loop3A_764] : memref<128x128xf32, #tpu.memory_space<vmem>>[vector<16xi32>, vector<16xi32>], vector<16xf32>,
        %parallel_loop3A_771 = arith.addf %parallel_loop3A_770, %parallel_loop3A_662 : vector<16xf32>
        %parallel_loop3A_772 = arith.constant 0 : i32
        %parallel_loop3A_773 = arith.index_cast %parallel_loop3A_772 : i32 to index
        %parallel_loop3A_774 = arith.index_cast %parallel_loop3A_659 : i32 to index
        %parallel_loop3A_775 = arith.constant 80 : index
        %parallel_loop3A_776 = tpu.vector_load %arg10[%parallel_loop3A_773, %parallel_loop3A_774, %parallel_loop3A_775] {strides = array<i32>} : memref<2x32x128xf32, #tpu.memory_space<vmem>>, vector<16xf32>,
        tpu.vector_store %arg10[%parallel_loop3A_773, %parallel_loop3A_774, %parallel_loop3A_775], %parallel_loop3A_771 {strides = array<i32>} : memref<2x32x128xf32, #tpu.memory_space<vmem>>, vector<16xf32>,
        %parallel_loop3A_777 = arith.constant 96 : i32
        %parallel_loop3A_778 = vector.broadcast %parallel_loop3A_777 : i32 to vector<16xi32>
        %parallel_loop3A_779 = arith.addi %iota3A, %parallel_loop3A_778 : vector<16xi32>
        %parallel_loop3A_780 = arith.constant 4 : i32
        %parallel_loop3A_781 = arith.muli %parallel_loop3A_780, %parallel_loop3A_659 : i32
        %parallel_loop3A_782 = vector.broadcast %parallel_loop3A_781 : i32 to vector<16xi32>
        %parallel_loop3A_783 = arith.addi %and3A_512, %parallel_loop3A_782 : vector<16xi32>
        %parallel_loop3A_784 = arith.constant 2 : i32
        %parallel_loop3A_785 = arith.constant 0 : i32
        %parallel_loop3A_786 = arith.constant 0 : i32
        %parallel_loop3A_787 = tpu.memref_slice %arg9[%parallel_loop3A_784, %parallel_loop3A_785, %parallel_loop3A_786] : memref<4x128x128xf32, #tpu.memory_space<vmem>> -> memref<1x128x128xf32, #tpu.memory_space<vmem>>
        %parallel_loop3A_788 = tpu.memref_squeeze %parallel_loop3A_787 : memref<1x128x128xf32, #tpu.memory_space<vmem>> -> memref<128x128xf32, #tpu.memory_space<vmem>>
        %parallel_loop3A_789 = tpu.vector_load_idx %parallel_loop3A_788[%parallel_loop3A_779, %parallel_loop3A_783] : memref<128x128xf32, #tpu.memory_space<vmem>>[vector<16xi32>, vector<16xi32>], vector<16xf32>,
        %parallel_loop3A_790 = arith.addf %parallel_loop3A_789, %parallel_loop3A_662 : vector<16xf32>
        %parallel_loop3A_791 = arith.constant 0 : i32
        %parallel_loop3A_792 = arith.index_cast %parallel_loop3A_791 : i32 to index
        %parallel_loop3A_793 = arith.index_cast %parallel_loop3A_659 : i32 to index
        %parallel_loop3A_794 = arith.constant 96 : index
        %parallel_loop3A_795 = tpu.vector_load %arg10[%parallel_loop3A_792, %parallel_loop3A_793, %parallel_loop3A_794] {strides = array<i32>} : memref<2x32x128xf32, #tpu.memory_space<vmem>>, vector<16xf32>,
        tpu.vector_store %arg10[%parallel_loop3A_792, %parallel_loop3A_793, %parallel_loop3A_794], %parallel_loop3A_790 {strides = array<i32>} : memref<2x32x128xf32, #tpu.memory_space<vmem>>, vector<16xf32>,
        %parallel_loop3A_796 = arith.constant 112 : i32
        %parallel_loop3A_797 = vector.broadcast %parallel_loop3A_796 : i32 to vector<16xi32>
        %parallel_loop3A_798 = arith.addi %iota3A, %parallel_loop3A_797 : vector<16xi32>
        %parallel_loop3A_799 = arith.constant 4 : i32
        %parallel_loop3A_800 = arith.muli %parallel_loop3A_799, %parallel_loop3A_659 : i32
        %parallel_loop3A_801 = vector.broadcast %parallel_loop3A_800 : i32 to vector<16xi32>
        %parallel_loop3A_802 = arith.addi %and3A_518, %parallel_loop3A_801 : vector<16xi32>
        %parallel_loop3A_803 = arith.constant 2 : i32
        %parallel_loop3A_804 = arith.constant 0 : i32
        %parallel_loop3A_805 = arith.constant 0 : i32
        %parallel_loop3A_806 = tpu.memref_slice %arg9[%parallel_loop3A_803, %parallel_loop3A_804, %parallel_loop3A_805] : memref<4x128x128xf32, #tpu.memory_space<vmem>> -> memref<1x128x128xf32, #tpu.memory_space<vmem>>
        %parallel_loop3A_807 = tpu.memref_squeeze %parallel_loop3A_806 : memref<1x128x128xf32, #tpu.memory_space<vmem>> -> memref<128x128xf32, #tpu.memory_space<vmem>>
        %parallel_loop3A_808 = tpu.vector_load_idx %parallel_loop3A_807[%parallel_loop3A_798, %parallel_loop3A_802] : memref<128x128xf32, #tpu.memory_space<vmem>>[vector<16xi32>, vector<16xi32>], vector<16xf32>,
        %parallel_loop3A_809 = arith.addf %parallel_loop3A_808, %parallel_loop3A_662 : vector<16xf32>
        %parallel_loop3A_810 = arith.constant 0 : i32
        %parallel_loop3A_811 = arith.index_cast %parallel_loop3A_810 : i32 to index
        %parallel_loop3A_812 = arith.index_cast %parallel_loop3A_659 : i32 to index
        %parallel_loop3A_813 = arith.constant 112 : index
        %parallel_loop3A_814 = tpu.vector_load %arg10[%parallel_loop3A_811, %parallel_loop3A_812, %parallel_loop3A_813] {strides = array<i32>} : memref<2x32x128xf32, #tpu.memory_space<vmem>>, vector<16xf32>,
        tpu.vector_store %arg10[%parallel_loop3A_811, %parallel_loop3A_812, %parallel_loop3A_813], %parallel_loop3A_809 {strides = array<i32>} : memref<2x32x128xf32, #tpu.memory_space<vmem>>, vector<16xf32>,
      } {sc.loop_unroll_factor = 4 : i64, sc.parallel_access}
      %dma_start3A_531 = arith.constant 0 : i32
      %dma_start3A_532 = arith.constant 0 : i32
      %dma_start3A_533 = arith.constant 0 : i32
      %dma_start3A_534 = tpu.memref_slice %arg10[%dma_start3A_531, %dma_start3A_532, %dma_start3A_533] : memref<2x32x128xf32, #tpu.memory_space<vmem>> -> memref<1x32x128xf32, #tpu.memory_space<vmem>>
      %dma_start3A_535 = tpu.memref_squeeze %dma_start3A_534 : memref<1x32x128xf32, #tpu.memory_space<vmem>> -> memref<32x128xf32, #tpu.memory_space<vmem>>
      %dma_start3A_536 = arith.constant 0 : i32
      %dma_start3A_537 = tpu.memref_slice %arg5[%add3A_436, %dma_start3A_536, %mul3A_2] : memref<200x32x4096xf32, #tpu.memory_space<hbm>> -> memref<1x32x128xf32, #tpu.memory_space<hbm>>
      %dma_start3A_538 = tpu.memref_squeeze %dma_start3A_537 : memref<1x32x128xf32, #tpu.memory_space<hbm>> -> memref<32x128xf32, #tpu.memory_space<hbm>>
      %dma_start3A_539 = arith.constant 0 : i32
      %dma_start3A_540 = tpu.memref_slice %arg5[%add3A_436, %dma_start3A_539, %mul3A_2] : memref<200x32x4096xf32, #tpu.memory_space<hbm>> -> memref<1x32x128xf32, #tpu.memory_space<hbm>>
      %dma_start3A_541 = tpu.memref_squeeze %dma_start3A_540 : memref<1x32x128xf32, #tpu.memory_space<hbm>> -> memref<32x128xf32, #tpu.memory_space<hbm>>
      %dma_start3A_542 = arith.constant 0 : i32
      %dma_start3A_543 = arith.constant 0 : i32
      %dma_start3A_544 = tpu.memref_slice %arg10[%dma_start3A_531, %dma_start3A_542, %dma_start3A_543] : memref<2x32x128xf32, #tpu.memory_space<vmem>> -> memref<1x32x128xf32, #tpu.memory_space<vmem>>
      %dma_start3A_545 = tpu.memref_squeeze %dma_start3A_544 : memref<1x32x128xf32, #tpu.memory_space<vmem>> -> memref<32x128xf32, #tpu.memory_space<vmem>>
      tpu.enqueue_dma source(%dma_start3A_545 : memref<32x128xf32, #tpu.memory_space<vmem>>) target(%dma_start3A_541 : memref<32x128xf32, #tpu.memory_space<hbm>>) target_semaphore(%arg15 : memref<!tpu.dma_semaphore, #tpu.memory_space<semaphore_mem>>)
      %mul3A_546 = arith.constant 4 : i32
      %mul3A_547 = arith.muli %mul3A_546, %scan3A_235 : i32
      %add3A_548 = arith.constant 3 : i32
      %add3A_549 = arith.addi %mul3A_547, %add3A_548 : i32
      %add3A_550 = arith.constant 2 : i32
      %add3A_551 = arith.addi %add3A_549, %add3A_550 : i32
      %lt3A_552 = arith.constant 200 : i32
      %lt3A_553 = arith.cmpi slt, %add3A_551, %lt3A_552 : i32
      %convert_element_type3A_554 = arith.extui %lt3A_553 : i1 to i32
      %cond3A_555 = arith.constant 0 : i32
      %cond3A_556 = arith.cmpi ne, %convert_element_type3A_554, %cond3A_555 : i32
      scf.if %cond3A_556 {
        %add3A_659 = arith.constant 2 : i32
        %add3A_660 = arith.addi %add3A_549, %add3A_659 : i32
        %get3A_661 = arith.index_cast %add3A_660 : i32 to index
        %get3A_662 = arith.constant 0 : index
        %get3A_663 = tpu.vector_load %arg6[%get3A_661, %get3A_662] {strides = array<i32>} : memref<200x128xi32, #tpu.memory_space<vmem>>, vector<16xi32>,
        %shift_right_logical3A_664 = arith.constant 2 : i32
        %shift_right_logical3A_665 = vector.broadcast %shift_right_logical3A_664 : i32 to vector<16xi32>
        %shift_right_logical3A_666 = arith.shrui %get3A_663, %shift_right_logical3A_665 : vector<16xi32>
        %swap3A_667 = arith.constant 1 : i32
        %swap3A_668 = arith.index_cast %swap3A_667 : i32 to index
        %swap3A_669 = arith.constant 0 : index
        %swap3A_670 = tpu.vector_load %arg8[%swap3A_668, %swap3A_669] {strides = array<i32>} : memref<4x128xi32, #tpu.memory_space<vmem>>, vector<16xi32>,
        tpu.vector_store %arg8[%swap3A_668, %swap3A_669], %shift_right_logical3A_666 {strides = array<i32>} : memref<4x128xi32, #tpu.memory_space<vmem>>, vector<16xi32>,
        %get3A_671 = arith.index_cast %add3A_660 : i32 to index
        %get3A_672 = arith.constant 16 : index
        %get3A_673 = tpu.vector_load %arg6[%get3A_671, %get3A_672] {strides = array<i32>} : memref<200x128xi32, #tpu.memory_space<vmem>>, vector<16xi32>,
        %shift_right_logical3A_674 = arith.constant 2 : i32
        %shift_right_logical3A_675 = vector.broadcast %shift_right_logical3A_674 : i32 to vector<16xi32>
        %shift_right_logical3A_676 = arith.shrui %get3A_673, %shift_right_logical3A_675 : vector<16xi32>
        %swap3A_677 = arith.constant 1 : i32
        %swap3A_678 = arith.index_cast %swap3A_677 : i32 to index
        %swap3A_679 = arith.constant 16 : index
        %swap3A_680 = tpu.vector_load %arg8[%swap3A_678, %swap3A_679] {strides = array<i32>} : memref<4x128xi32, #tpu.memory_space<vmem>>, vector<16xi32>,
        tpu.vector_store %arg8[%swap3A_678, %swap3A_679], %shift_right_logical3A_676 {strides = array<i32>} : memref<4x128xi32, #tpu.memory_space<vmem>>, vector<16xi32>,
        %get3A_681 = arith.index_cast %add3A_660 : i32 to index
        %get3A_682 = arith.constant 32 : index
        %get3A_683 = tpu.vector_load %arg6[%get3A_681, %get3A_682] {strides = array<i32>} : memref<200x128xi32, #tpu.memory_space<vmem>>, vector<16xi32>,
        %shift_right_logical3A_684 = arith.constant 2 : i32
        %shift_right_logical3A_685 = vector.broadcast %shift_right_logical3A_684 : i32 to vector<16xi32>
        %shift_right_logical3A_686 = arith.shrui %get3A_683, %shift_right_logical3A_685 : vector<16xi32>
        %swap3A_687 = arith.constant 1 : i32
        %swap3A_688 = arith.index_cast %swap3A_687 : i32 to index
        %swap3A_689 = arith.constant 32 : index
        %swap3A_690 = tpu.vector_load %arg8[%swap3A_688, %swap3A_689] {strides = array<i32>} : memref<4x128xi32, #tpu.memory_space<vmem>>, vector<16xi32>,
        tpu.vector_store %arg8[%swap3A_688, %swap3A_689], %shift_right_logical3A_686 {strides = array<i32>} : memref<4x128xi32, #tpu.memory_space<vmem>>, vector<16xi32>,
        %get3A_691 = arith.index_cast %add3A_660 : i32 to index
        %get3A_692 = arith.constant 48 : index
        %get3A_693 = tpu.vector_load %arg6[%get3A_691, %get3A_692] {strides = array<i32>} : memref<200x128xi32, #tpu.memory_space<vmem>>, vector<16xi32>,
        %shift_right_logical3A_694 = arith.constant 2 : i32
        %shift_right_logical3A_695 = vector.broadcast %shift_right_logical3A_694 : i32 to vector<16xi32>
        %shift_right_logical3A_696 = arith.shrui %get3A_693, %shift_right_logical3A_695 : vector<16xi32>
        %swap3A_697 = arith.constant 1 : i32
        %swap3A_698 = arith.index_cast %swap3A_697 : i32 to index
        %swap3A_699 = arith.constant 48 : index
        %swap3A_700 = tpu.vector_load %arg8[%swap3A_698, %swap3A_699] {strides = array<i32>} : memref<4x128xi32, #tpu.memory_space<vmem>>, vector<16xi32>,
        tpu.vector_store %arg8[%swap3A_698, %swap3A_699], %shift_right_logical3A_696 {strides = array<i32>} : memref<4x128xi32, #tpu.memory_space<vmem>>, vector<16xi32>,
        %get3A_701 = arith.index_cast %add3A_660 : i32 to index
        %get3A_702 = arith.constant 64 : index
        %get3A_703 = tpu.vector_load %arg6[%get3A_701, %get3A_702] {strides = array<i32>} : memref<200x128xi32, #tpu.memory_space<vmem>>, vector<16xi32>,
        %shift_right_logical3A_704 = arith.constant 2 : i32
        %shift_right_logical3A_705 = vector.broadcast %shift_right_logical3A_704 : i32 to vector<16xi32>
        %shift_right_logical3A_706 = arith.shrui %get3A_703, %shift_right_logical3A_705 : vector<16xi32>
        %swap3A_707 = arith.constant 1 : i32
        %swap3A_708 = arith.index_cast %swap3A_707 : i32 to index
        %swap3A_709 = arith.constant 64 : index
        %swap3A_710 = tpu.vector_load %arg8[%swap3A_708, %swap3A_709] {strides = array<i32>} : memref<4x128xi32, #tpu.memory_space<vmem>>, vector<16xi32>,
        tpu.vector_store %arg8[%swap3A_708, %swap3A_709], %shift_right_logical3A_706 {strides = array<i32>} : memref<4x128xi32, #tpu.memory_space<vmem>>, vector<16xi32>,
        %get3A_711 = arith.index_cast %add3A_660 : i32 to index
        %get3A_712 = arith.constant 80 : index
        %get3A_713 = tpu.vector_load %arg6[%get3A_711, %get3A_712] {strides = array<i32>} : memref<200x128xi32, #tpu.memory_space<vmem>>, vector<16xi32>,
        %shift_right_logical3A_714 = arith.constant 2 : i32
        %shift_right_logical3A_715 = vector.broadcast %shift_right_logical3A_714 : i32 to vector<16xi32>
        %shift_right_logical3A_716 = arith.shrui %get3A_713, %shift_right_logical3A_715 : vector<16xi32>
        %swap3A_717 = arith.constant 1 : i32
        %swap3A_718 = arith.index_cast %swap3A_717 : i32 to index
        %swap3A_719 = arith.constant 80 : index
        %swap3A_720 = tpu.vector_load %arg8[%swap3A_718, %swap3A_719] {strides = array<i32>} : memref<4x128xi32, #tpu.memory_space<vmem>>, vector<16xi32>,
        tpu.vector_store %arg8[%swap3A_718, %swap3A_719], %shift_right_logical3A_716 {strides = array<i32>} : memref<4x128xi32, #tpu.memory_space<vmem>>, vector<16xi32>,
        %get3A_721 = arith.index_cast %add3A_660 : i32 to index
        %get3A_722 = arith.constant 96 : index
        %get3A_723 = tpu.vector_load %arg6[%get3A_721, %get3A_722] {strides = array<i32>} : memref<200x128xi32, #tpu.memory_space<vmem>>, vector<16xi32>,
        %shift_right_logical3A_724 = arith.constant 2 : i32
        %shift_right_logical3A_725 = vector.broadcast %shift_right_logical3A_724 : i32 to vector<16xi32>
        %shift_right_logical3A_726 = arith.shrui %get3A_723, %shift_right_logical3A_725 : vector<16xi32>
        %swap3A_727 = arith.constant 1 : i32
        %swap3A_728 = arith.index_cast %swap3A_727 : i32 to index
        %swap3A_729 = arith.constant 96 : index
        %swap3A_730 = tpu.vector_load %arg8[%swap3A_728, %swap3A_729] {strides = array<i32>} : memref<4x128xi32, #tpu.memory_space<vmem>>, vector<16xi32>,
        tpu.vector_store %arg8[%swap3A_728, %swap3A_729], %shift_right_logical3A_726 {strides = array<i32>} : memref<4x128xi32, #tpu.memory_space<vmem>>, vector<16xi32>,
        %get3A_731 = arith.index_cast %add3A_660 : i32 to index
        %get3A_732 = arith.constant 112 : index
        %get3A_733 = tpu.vector_load %arg6[%get3A_731, %get3A_732] {strides = array<i32>} : memref<200x128xi32, #tpu.memory_space<vmem>>, vector<16xi32>,
        %shift_right_logical3A_734 = arith.constant 2 : i32
        %shift_right_logical3A_735 = vector.broadcast %shift_right_logical3A_734 : i32 to vector<16xi32>
        %shift_right_logical3A_736 = arith.shrui %get3A_733, %shift_right_logical3A_735 : vector<16xi32>
        %swap3A_737 = arith.constant 1 : i32
        %swap3A_738 = arith.index_cast %swap3A_737 : i32 to index
        %swap3A_739 = arith.constant 112 : index
        %swap3A_740 = tpu.vector_load %arg8[%swap3A_738, %swap3A_739] {strides = array<i32>} : memref<4x128xi32, #tpu.memory_space<vmem>>, vector<16xi32>,
        tpu.vector_store %arg8[%swap3A_738, %swap3A_739], %shift_right_logical3A_736 {strides = array<i32>} : memref<4x128xi32, #tpu.memory_space<vmem>>, vector<16xi32>,
        %dma_start3A_741 = arith.constant 1 : i32
        %dma_start3A_742 = arith.constant 1 : i32
        %dma_start3A_743 = arith.constant 0 : i32
        %dma_start3A_744 = arith.constant 0 : i32
        %dma_start3A_745 = tpu.memref_slice %arg9[%dma_start3A_742, %dma_start3A_743, %dma_start3A_744] : memref<4x128x128xf32, #tpu.memory_space<vmem>> -> memref<1x128x128xf32, #tpu.memory_space<vmem>>
        %dma_start3A_746 = tpu.memref_squeeze %dma_start3A_745 : memref<1x128x128xf32, #tpu.memory_space<vmem>> -> memref<128x128xf32, #tpu.memory_space<vmem>>
        %dma_start3A_747 = arith.constant 0 : i32
        %dma_start3A_748 = tpu.memref_slice %arg8[%dma_start3A_741, %dma_start3A_747] : memref<4x128xi32, #tpu.memory_space<vmem>> -> memref<1x128xi32, #tpu.memory_space<vmem>>
        %dma_start3A_749 = tpu.memref_squeeze %dma_start3A_748 : memref<1x128xi32, #tpu.memory_space<vmem>> -> memref<128xi32, #tpu.memory_space<vmem>>
        %dma_start3A_750 = arith.constant 0 : i32
        %dma_start3A_751 = arith.constant 0 : i32
        %dma_start3A_752 = tpu.memref_slice %arg3[%dma_start3A_750, %dma_start3A_751] : memref<250000x128xf32, #tpu.memory_space<hbm>> -> memref<250000x128xf32, #tpu.memory_space<hbm>>
        tpu.enqueue_indirect_dma source(%dma_start3A_752 : memref<250000x128xf32, #tpu.memory_space<hbm>>) target(%dma_start3A_746 : memref<128x128xf32, #tpu.memory_space<vmem>>) offsets(%dma_start3A_749 : memref<128xi32, #tpu.memory_space<vmem>>) semaphore(%arg12 : memref<!tpu.dma_semaphore, #tpu.memory_space<semaphore_mem>>)
      } else {
      }
      %dma_wait3A_557 = arith.constant 3 : i32
      %dma_wait3A_558 = arith.constant 3 : i32
      %dma_wait3A_559 = arith.constant 0 : i32
      %dma_wait3A_560 = arith.constant 0 : i32
      %dma_wait3A_561 = tpu.memref_slice %arg9[%dma_wait3A_558, %dma_wait3A_559, %dma_wait3A_560] : memref<4x128x128xf32, #tpu.memory_space<vmem>> -> memref<1x128x128xf32, #tpu.memory_space<vmem>>
      %dma_wait3A_562 = tpu.memref_squeeze %dma_wait3A_561 : memref<1x128x128xf32, #tpu.memory_space<vmem>> -> memref<128x128xf32, #tpu.memory_space<vmem>>
      %dma_wait3A_563 = arith.constant 0 : i32
      %dma_wait3A_564 = tpu.memref_slice %arg8[%dma_wait3A_557, %dma_wait3A_563] : memref<4x128xi32, #tpu.memory_space<vmem>> -> memref<1x128xi32, #tpu.memory_space<vmem>>
      %dma_wait3A_565 = tpu.memref_squeeze %dma_wait3A_564 : memref<1x128xi32, #tpu.memory_space<vmem>> -> memref<128xi32, #tpu.memory_space<vmem>>
      %dma_wait3A_566 = arith.constant 0 : i32
      %dma_wait3A_567 = arith.constant 0 : i32
      %dma_wait3A_568 = tpu.memref_slice %arg3[%dma_wait3A_566, %dma_wait3A_567] : memref<250000x128xf32, #tpu.memory_space<hbm>> -> memref<250000x128xf32, #tpu.memory_space<hbm>>
      tpu.wait_indirect_dma semaphore(%arg14 : memref<!tpu.dma_semaphore, #tpu.memory_space<semaphore_mem>>) src(%dma_wait3A_568 : memref<250000x128xf32, #tpu.memory_space<hbm>>) dst(%dma_wait3A_562 : memref<128x128xf32, #tpu.memory_space<vmem>>)
      %dma_wait3A_569 = arith.constant 1 : i32
      %dma_wait3A_570 = arith.constant 0 : i32
      %dma_wait3A_571 = arith.constant 0 : i32
      %dma_wait3A_572 = tpu.memref_slice %arg10[%dma_wait3A_569, %dma_wait3A_570, %dma_wait3A_571] : memref<2x32x128xf32, #tpu.memory_space<vmem>> -> memref<1x32x128xf32, #tpu.memory_space<vmem>>
      %dma_wait3A_573 = tpu.memref_squeeze %dma_wait3A_572 : memref<1x32x128xf32, #tpu.memory_space<vmem>> -> memref<32x128xf32, #tpu.memory_space<vmem>>
      %dma_wait3A_574 = arith.constant 0 : i32
      %dma_wait3A_575 = tpu.memref_slice %arg5[%add3A_549, %dma_wait3A_574, %mul3A_2] : memref<200x32x4096xf32, #tpu.memory_space<hbm>> -> memref<1x32x128xf32, #tpu.memory_space<hbm>>
      %dma_wait3A_576 = tpu.memref_squeeze %dma_wait3A_575 : memref<1x32x128xf32, #tpu.memory_space<hbm>> -> memref<32x128xf32, #tpu.memory_space<hbm>>
      %dma_wait3A_577 = arith.constant 0 : i32
      %dma_wait3A_578 = tpu.memref_slice %arg5[%add3A_549, %dma_wait3A_577, %mul3A_2] : memref<200x32x4096xf32, #tpu.memory_space<hbm>> -> memref<1x32x128xf32, #tpu.memory_space<hbm>>
      %dma_wait3A_579 = tpu.memref_squeeze %dma_wait3A_578 : memref<1x32x128xf32, #tpu.memory_space<hbm>> -> memref<32x128xf32, #tpu.memory_space<hbm>>
      %dma_wait3A_580 = arith.constant 0 : i32
      %dma_wait3A_581 = arith.constant 0 : i32
      %dma_wait3A_582 = tpu.memref_slice %arg10[%dma_wait3A_569, %dma_wait3A_580, %dma_wait3A_581] : memref<2x32x128xf32, #tpu.memory_space<vmem>> -> memref<1x32x128xf32, #tpu.memory_space<vmem>>
      %dma_wait3A_583 = tpu.memref_squeeze %dma_wait3A_582 : memref<1x32x128xf32, #tpu.memory_space<vmem>> -> memref<32x128xf32, #tpu.memory_space<vmem>>
      tpu.wait_dma2 semaphore(%arg16 : memref<!tpu.dma_semaphore, #tpu.memory_space<semaphore_mem>>) src(%dma_wait3A_583 : memref<32x128xf32, #tpu.memory_space<vmem>>) dst(%dma_wait3A_579 : memref<32x128xf32, #tpu.memory_space<hbm>>)
      %get3A_584 = arith.index_cast %add3A_549 : i32 to index
      %get3A_585 = arith.constant 0 : index
      %get3A_586 = tpu.vector_load %arg6[%get3A_584, %get3A_585] {strides = array<i32>} : memref<200x128xi32, #tpu.memory_space<vmem>>, vector<16xi32>,
      %and3A_587 = arith.constant 3 : i32
      %and3A_588 = vector.broadcast %and3A_587 : i32 to vector<16xi32>
      %and3A_589 = arith.andi %get3A_586, %and3A_588 : vector<16xi32>
      %get3A_590 = arith.index_cast %add3A_549 : i32 to index
      %get3A_591 = arith.constant 16 : index
      %get3A_592 = tpu.vector_load %arg6[%get3A_590, %get3A_591] {strides = array<i32>} : memref<200x128xi32, #tpu.memory_space<vmem>>, vector<16xi32>,
      %and3A_593 = arith.constant 3 : i32
      %and3A_594 = vector.broadcast %and3A_593 : i32 to vector<16xi32>
      %and3A_595 = arith.andi %get3A_592, %and3A_594 : vector<16xi32>
      %get3A_596 = arith.index_cast %add3A_549 : i32 to index
      %get3A_597 = arith.constant 32 : index
      %get3A_598 = tpu.vector_load %arg6[%get3A_596, %get3A_597] {strides = array<i32>} : memref<200x128xi32, #tpu.memory_space<vmem>>, vector<16xi32>,
      %and3A_599 = arith.constant 3 : i32
      %and3A_600 = vector.broadcast %and3A_599 : i32 to vector<16xi32>
      %and3A_601 = arith.andi %get3A_598, %and3A_600 : vector<16xi32>
      %get3A_602 = arith.index_cast %add3A_549 : i32 to index
      %get3A_603 = arith.constant 48 : index
      %get3A_604 = tpu.vector_load %arg6[%get3A_602, %get3A_603] {strides = array<i32>} : memref<200x128xi32, #tpu.memory_space<vmem>>, vector<16xi32>,
      %and3A_605 = arith.constant 3 : i32
      %and3A_606 = vector.broadcast %and3A_605 : i32 to vector<16xi32>
      %and3A_607 = arith.andi %get3A_604, %and3A_606 : vector<16xi32>
      %get3A_608 = arith.index_cast %add3A_549 : i32 to index
      %get3A_609 = arith.constant 64 : index
      %get3A_610 = tpu.vector_load %arg6[%get3A_608, %get3A_609] {strides = array<i32>} : memref<200x128xi32, #tpu.memory_space<vmem>>, vector<16xi32>,
      %and3A_611 = arith.constant 3 : i32
      %and3A_612 = vector.broadcast %and3A_611 : i32 to vector<16xi32>
      %and3A_613 = arith.andi %get3A_610, %and3A_612 : vector<16xi32>
      %get3A_614 = arith.index_cast %add3A_549 : i32 to index
      %get3A_615 = arith.constant 80 : index
      %get3A_616 = tpu.vector_load %arg6[%get3A_614, %get3A_615] {strides = array<i32>} : memref<200x128xi32, #tpu.memory_space<vmem>>, vector<16xi32>,
      %and3A_617 = arith.constant 3 : i32
      %and3A_618 = vector.broadcast %and3A_617 : i32 to vector<16xi32>
      %and3A_619 = arith.andi %get3A_616, %and3A_618 : vector<16xi32>
      %get3A_620 = arith.index_cast %add3A_549 : i32 to index
      %get3A_621 = arith.constant 96 : index
      %get3A_622 = tpu.vector_load %arg6[%get3A_620, %get3A_621] {strides = array<i32>} : memref<200x128xi32, #tpu.memory_space<vmem>>, vector<16xi32>,
      %and3A_623 = arith.constant 3 : i32
      %and3A_624 = vector.broadcast %and3A_623 : i32 to vector<16xi32>
      %and3A_625 = arith.andi %get3A_622, %and3A_624 : vector<16xi32>
      %get3A_626 = arith.index_cast %add3A_549 : i32 to index
      %get3A_627 = arith.constant 112 : index
      %get3A_628 = tpu.vector_load %arg6[%get3A_626, %get3A_627] {strides = array<i32>} : memref<200x128xi32, #tpu.memory_space<vmem>>, vector<16xi32>,
      %and3A_629 = arith.constant 3 : i32
      %and3A_630 = vector.broadcast %and3A_629 : i32 to vector<16xi32>
      %and3A_631 = arith.andi %get3A_628, %and3A_630 : vector<16xi32>
      %mul3A_632 = arith.constant 32 : i32
      %mul3A_633 = arith.muli %add3A_549, %mul3A_632 : i32
      %div3A_634 = arith.constant 128 : i32
      %div3A_635 = arith.divsi %mul3A_633, %div3A_634 : i32
      %broadcast_in_dim3A_636 = vector.broadcast %div3A_635 : i32 to vector<16xi32>
      %mul3A_637 = arith.constant 32 : i32
      %mul3A_638 = arith.muli %add3A_549, %mul3A_637 : i32
      %rem3A_639 = arith.constant 128 : i32
      %rem3A_640 = arith.remsi %mul3A_638, %rem3A_639 : i32
      %parallel_loop3A_641 = arith.constant 0 : i32
      %parallel_loop3A_642 = arith.constant 32 : i32
      %parallel_loop3A_643 = arith.constant 1 : i32
      scf.for %parallel_loop3A_659 = %parallel_loop3A_641 to %parallel_loop3A_642 step %parallel_loop3A_643  : i32 {
        %parallel_loop3A_660 = arith.addi %rem3A_640, %parallel_loop3A_659 : i32
        %parallel_loop3A_661 = vector.broadcast %parallel_loop3A_660 : i32 to vector<16xi32>
        %parallel_loop3A_662 = tpu.vector_load_idx %arg7[%broadcast_in_dim3A_636, %parallel_loop3A_661] : memref<50x128xf32, #tpu.memory_space<vmem>>[vector<16xi32>, vector<16xi32>], vector<16xf32>,
        %parallel_loop3A_663 = arith.constant 0 : i32
        %parallel_loop3A_664 = vector.broadcast %parallel_loop3A_663 : i32 to vector<16xi32>
        %parallel_loop3A_665 = arith.addi %iota3A, %parallel_loop3A_664 : vector<16xi32>
        %parallel_loop3A_666 = arith.constant 4 : i32
        %parallel_loop3A_667 = arith.muli %parallel_loop3A_666, %parallel_loop3A_659 : i32
        %parallel_loop3A_668 = vector.broadcast %parallel_loop3A_667 : i32 to vector<16xi32>
        %parallel_loop3A_669 = arith.addi %and3A_589, %parallel_loop3A_668 : vector<16xi32>
        %parallel_loop3A_670 = arith.constant 3 : i32
        %parallel_loop3A_671 = arith.constant 0 : i32
        %parallel_loop3A_672 = arith.constant 0 : i32
        %parallel_loop3A_673 = tpu.memref_slice %arg9[%parallel_loop3A_670, %parallel_loop3A_671, %parallel_loop3A_672] : memref<4x128x128xf32, #tpu.memory_space<vmem>> -> memref<1x128x128xf32, #tpu.memory_space<vmem>>
        %parallel_loop3A_674 = tpu.memref_squeeze %parallel_loop3A_673 : memref<1x128x128xf32, #tpu.memory_space<vmem>> -> memref<128x128xf32, #tpu.memory_space<vmem>>
        %parallel_loop3A_675 = tpu.vector_load_idx %parallel_loop3A_674[%parallel_loop3A_665, %parallel_loop3A_669] : memref<128x128xf32, #tpu.memory_space<vmem>>[vector<16xi32>, vector<16xi32>], vector<16xf32>,
        %parallel_loop3A_676 = arith.addf %parallel_loop3A_675, %parallel_loop3A_662 : vector<16xf32>
        %parallel_loop3A_677 = arith.constant 1 : i32
        %parallel_loop3A_678 = arith.index_cast %parallel_loop3A_677 : i32 to index
        %parallel_loop3A_679 = arith.index_cast %parallel_loop3A_659 : i32 to index
        %parallel_loop3A_680 = arith.constant 0 : index
        %parallel_loop3A_681 = tpu.vector_load %arg10[%parallel_loop3A_678, %parallel_loop3A_679, %parallel_loop3A_680] {strides = array<i32>} : memref<2x32x128xf32, #tpu.memory_space<vmem>>, vector<16xf32>,
        tpu.vector_store %arg10[%parallel_loop3A_678, %parallel_loop3A_679, %parallel_loop3A_680], %parallel_loop3A_676 {strides = array<i32>} : memref<2x32x128xf32, #tpu.memory_space<vmem>>, vector<16xf32>,
        %parallel_loop3A_682 = arith.constant 16 : i32
        %parallel_loop3A_683 = vector.broadcast %parallel_loop3A_682 : i32 to vector<16xi32>
        %parallel_loop3A_684 = arith.addi %iota3A, %parallel_loop3A_683 : vector<16xi32>
        %parallel_loop3A_685 = arith.constant 4 : i32
        %parallel_loop3A_686 = arith.muli %parallel_loop3A_685, %parallel_loop3A_659 : i32
        %parallel_loop3A_687 = vector.broadcast %parallel_loop3A_686 : i32 to vector<16xi32>
        %parallel_loop3A_688 = arith.addi %and3A_595, %parallel_loop3A_687 : vector<16xi32>
        %parallel_loop3A_689 = arith.constant 3 : i32
        %parallel_loop3A_690 = arith.constant 0 : i32
        %parallel_loop3A_691 = arith.constant 0 : i32
        %parallel_loop3A_692 = tpu.memref_slice %arg9[%parallel_loop3A_689, %parallel_loop3A_690, %parallel_loop3A_691] : memref<4x128x128xf32, #tpu.memory_space<vmem>> -> memref<1x128x128xf32, #tpu.memory_space<vmem>>
        %parallel_loop3A_693 = tpu.memref_squeeze %parallel_loop3A_692 : memref<1x128x128xf32, #tpu.memory_space<vmem>> -> memref<128x128xf32, #tpu.memory_space<vmem>>
        %parallel_loop3A_694 = tpu.vector_load_idx %parallel_loop3A_693[%parallel_loop3A_684, %parallel_loop3A_688] : memref<128x128xf32, #tpu.memory_space<vmem>>[vector<16xi32>, vector<16xi32>], vector<16xf32>,
        %parallel_loop3A_695 = arith.addf %parallel_loop3A_694, %parallel_loop3A_662 : vector<16xf32>
        %parallel_loop3A_696 = arith.constant 1 : i32
        %parallel_loop3A_697 = arith.index_cast %parallel_loop3A_696 : i32 to index
        %parallel_loop3A_698 = arith.index_cast %parallel_loop3A_659 : i32 to index
        %parallel_loop3A_699 = arith.constant 16 : index
        %parallel_loop3A_700 = tpu.vector_load %arg10[%parallel_loop3A_697, %parallel_loop3A_698, %parallel_loop3A_699] {strides = array<i32>} : memref<2x32x128xf32, #tpu.memory_space<vmem>>, vector<16xf32>,
        tpu.vector_store %arg10[%parallel_loop3A_697, %parallel_loop3A_698, %parallel_loop3A_699], %parallel_loop3A_695 {strides = array<i32>} : memref<2x32x128xf32, #tpu.memory_space<vmem>>, vector<16xf32>,
        %parallel_loop3A_701 = arith.constant 32 : i32
        %parallel_loop3A_702 = vector.broadcast %parallel_loop3A_701 : i32 to vector<16xi32>
        %parallel_loop3A_703 = arith.addi %iota3A, %parallel_loop3A_702 : vector<16xi32>
        %parallel_loop3A_704 = arith.constant 4 : i32
        %parallel_loop3A_705 = arith.muli %parallel_loop3A_704, %parallel_loop3A_659 : i32
        %parallel_loop3A_706 = vector.broadcast %parallel_loop3A_705 : i32 to vector<16xi32>
        %parallel_loop3A_707 = arith.addi %and3A_601, %parallel_loop3A_706 : vector<16xi32>
        %parallel_loop3A_708 = arith.constant 3 : i32
        %parallel_loop3A_709 = arith.constant 0 : i32
        %parallel_loop3A_710 = arith.constant 0 : i32
        %parallel_loop3A_711 = tpu.memref_slice %arg9[%parallel_loop3A_708, %parallel_loop3A_709, %parallel_loop3A_710] : memref<4x128x128xf32, #tpu.memory_space<vmem>> -> memref<1x128x128xf32, #tpu.memory_space<vmem>>
        %parallel_loop3A_712 = tpu.memref_squeeze %parallel_loop3A_711 : memref<1x128x128xf32, #tpu.memory_space<vmem>> -> memref<128x128xf32, #tpu.memory_space<vmem>>
        %parallel_loop3A_713 = tpu.vector_load_idx %parallel_loop3A_712[%parallel_loop3A_703, %parallel_loop3A_707] : memref<128x128xf32, #tpu.memory_space<vmem>>[vector<16xi32>, vector<16xi32>], vector<16xf32>,
        %parallel_loop3A_714 = arith.addf %parallel_loop3A_713, %parallel_loop3A_662 : vector<16xf32>
        %parallel_loop3A_715 = arith.constant 1 : i32
        %parallel_loop3A_716 = arith.index_cast %parallel_loop3A_715 : i32 to index
        %parallel_loop3A_717 = arith.index_cast %parallel_loop3A_659 : i32 to index
        %parallel_loop3A_718 = arith.constant 32 : index
        %parallel_loop3A_719 = tpu.vector_load %arg10[%parallel_loop3A_716, %parallel_loop3A_717, %parallel_loop3A_718] {strides = array<i32>} : memref<2x32x128xf32, #tpu.memory_space<vmem>>, vector<16xf32>,
        tpu.vector_store %arg10[%parallel_loop3A_716, %parallel_loop3A_717, %parallel_loop3A_718], %parallel_loop3A_714 {strides = array<i32>} : memref<2x32x128xf32, #tpu.memory_space<vmem>>, vector<16xf32>,
        %parallel_loop3A_720 = arith.constant 48 : i32
        %parallel_loop3A_721 = vector.broadcast %parallel_loop3A_720 : i32 to vector<16xi32>
        %parallel_loop3A_722 = arith.addi %iota3A, %parallel_loop3A_721 : vector<16xi32>
        %parallel_loop3A_723 = arith.constant 4 : i32
        %parallel_loop3A_724 = arith.muli %parallel_loop3A_723, %parallel_loop3A_659 : i32
        %parallel_loop3A_725 = vector.broadcast %parallel_loop3A_724 : i32 to vector<16xi32>
        %parallel_loop3A_726 = arith.addi %and3A_607, %parallel_loop3A_725 : vector<16xi32>
        %parallel_loop3A_727 = arith.constant 3 : i32
        %parallel_loop3A_728 = arith.constant 0 : i32
        %parallel_loop3A_729 = arith.constant 0 : i32
        %parallel_loop3A_730 = tpu.memref_slice %arg9[%parallel_loop3A_727, %parallel_loop3A_728, %parallel_loop3A_729] : memref<4x128x128xf32, #tpu.memory_space<vmem>> -> memref<1x128x128xf32, #tpu.memory_space<vmem>>
        %parallel_loop3A_731 = tpu.memref_squeeze %parallel_loop3A_730 : memref<1x128x128xf32, #tpu.memory_space<vmem>> -> memref<128x128xf32, #tpu.memory_space<vmem>>
        %parallel_loop3A_732 = tpu.vector_load_idx %parallel_loop3A_731[%parallel_loop3A_722, %parallel_loop3A_726] : memref<128x128xf32, #tpu.memory_space<vmem>>[vector<16xi32>, vector<16xi32>], vector<16xf32>,
        %parallel_loop3A_733 = arith.addf %parallel_loop3A_732, %parallel_loop3A_662 : vector<16xf32>
        %parallel_loop3A_734 = arith.constant 1 : i32
        %parallel_loop3A_735 = arith.index_cast %parallel_loop3A_734 : i32 to index
        %parallel_loop3A_736 = arith.index_cast %parallel_loop3A_659 : i32 to index
        %parallel_loop3A_737 = arith.constant 48 : index
        %parallel_loop3A_738 = tpu.vector_load %arg10[%parallel_loop3A_735, %parallel_loop3A_736, %parallel_loop3A_737] {strides = array<i32>} : memref<2x32x128xf32, #tpu.memory_space<vmem>>, vector<16xf32>,
        tpu.vector_store %arg10[%parallel_loop3A_735, %parallel_loop3A_736, %parallel_loop3A_737], %parallel_loop3A_733 {strides = array<i32>} : memref<2x32x128xf32, #tpu.memory_space<vmem>>, vector<16xf32>,
        %parallel_loop3A_739 = arith.constant 64 : i32
        %parallel_loop3A_740 = vector.broadcast %parallel_loop3A_739 : i32 to vector<16xi32>
        %parallel_loop3A_741 = arith.addi %iota3A, %parallel_loop3A_740 : vector<16xi32>
        %parallel_loop3A_742 = arith.constant 4 : i32
        %parallel_loop3A_743 = arith.muli %parallel_loop3A_742, %parallel_loop3A_659 : i32
        %parallel_loop3A_744 = vector.broadcast %parallel_loop3A_743 : i32 to vector<16xi32>
        %parallel_loop3A_745 = arith.addi %and3A_613, %parallel_loop3A_744 : vector<16xi32>
        %parallel_loop3A_746 = arith.constant 3 : i32
        %parallel_loop3A_747 = arith.constant 0 : i32
        %parallel_loop3A_748 = arith.constant 0 : i32
        %parallel_loop3A_749 = tpu.memref_slice %arg9[%parallel_loop3A_746, %parallel_loop3A_747, %parallel_loop3A_748] : memref<4x128x128xf32, #tpu.memory_space<vmem>> -> memref<1x128x128xf32, #tpu.memory_space<vmem>>
        %parallel_loop3A_750 = tpu.memref_squeeze %parallel_loop3A_749 : memref<1x128x128xf32, #tpu.memory_space<vmem>> -> memref<128x128xf32, #tpu.memory_space<vmem>>
        %parallel_loop3A_751 = tpu.vector_load_idx %parallel_loop3A_750[%parallel_loop3A_741, %parallel_loop3A_745] : memref<128x128xf32, #tpu.memory_space<vmem>>[vector<16xi32>, vector<16xi32>], vector<16xf32>,
        %parallel_loop3A_752 = arith.addf %parallel_loop3A_751, %parallel_loop3A_662 : vector<16xf32>
        %parallel_loop3A_753 = arith.constant 1 : i32
        %parallel_loop3A_754 = arith.index_cast %parallel_loop3A_753 : i32 to index
        %parallel_loop3A_755 = arith.index_cast %parallel_loop3A_659 : i32 to index
        %parallel_loop3A_756 = arith.constant 64 : index
        %parallel_loop3A_757 = tpu.vector_load %arg10[%parallel_loop3A_754, %parallel_loop3A_755, %parallel_loop3A_756] {strides = array<i32>} : memref<2x32x128xf32, #tpu.memory_space<vmem>>, vector<16xf32>,
        tpu.vector_store %arg10[%parallel_loop3A_754, %parallel_loop3A_755, %parallel_loop3A_756], %parallel_loop3A_752 {strides = array<i32>} : memref<2x32x128xf32, #tpu.memory_space<vmem>>, vector<16xf32>,
        %parallel_loop3A_758 = arith.constant 80 : i32
        %parallel_loop3A_759 = vector.broadcast %parallel_loop3A_758 : i32 to vector<16xi32>
        %parallel_loop3A_760 = arith.addi %iota3A, %parallel_loop3A_759 : vector<16xi32>
        %parallel_loop3A_761 = arith.constant 4 : i32
        %parallel_loop3A_762 = arith.muli %parallel_loop3A_761, %parallel_loop3A_659 : i32
        %parallel_loop3A_763 = vector.broadcast %parallel_loop3A_762 : i32 to vector<16xi32>
        %parallel_loop3A_764 = arith.addi %and3A_619, %parallel_loop3A_763 : vector<16xi32>
        %parallel_loop3A_765 = arith.constant 3 : i32
        %parallel_loop3A_766 = arith.constant 0 : i32
        %parallel_loop3A_767 = arith.constant 0 : i32
        %parallel_loop3A_768 = tpu.memref_slice %arg9[%parallel_loop3A_765, %parallel_loop3A_766, %parallel_loop3A_767] : memref<4x128x128xf32, #tpu.memory_space<vmem>> -> memref<1x128x128xf32, #tpu.memory_space<vmem>>
        %parallel_loop3A_769 = tpu.memref_squeeze %parallel_loop3A_768 : memref<1x128x128xf32, #tpu.memory_space<vmem>> -> memref<128x128xf32, #tpu.memory_space<vmem>>
        %parallel_loop3A_770 = tpu.vector_load_idx %parallel_loop3A_769[%parallel_loop3A_760, %parallel_loop3A_764] : memref<128x128xf32, #tpu.memory_space<vmem>>[vector<16xi32>, vector<16xi32>], vector<16xf32>,
        %parallel_loop3A_771 = arith.addf %parallel_loop3A_770, %parallel_loop3A_662 : vector<16xf32>
        %parallel_loop3A_772 = arith.constant 1 : i32
        %parallel_loop3A_773 = arith.index_cast %parallel_loop3A_772 : i32 to index
        %parallel_loop3A_774 = arith.index_cast %parallel_loop3A_659 : i32 to index
        %parallel_loop3A_775 = arith.constant 80 : index
        %parallel_loop3A_776 = tpu.vector_load %arg10[%parallel_loop3A_773, %parallel_loop3A_774, %parallel_loop3A_775] {strides = array<i32>} : memref<2x32x128xf32, #tpu.memory_space<vmem>>, vector<16xf32>,
        tpu.vector_store %arg10[%parallel_loop3A_773, %parallel_loop3A_774, %parallel_loop3A_775], %parallel_loop3A_771 {strides = array<i32>} : memref<2x32x128xf32, #tpu.memory_space<vmem>>, vector<16xf32>,
        %parallel_loop3A_777 = arith.constant 96 : i32
        %parallel_loop3A_778 = vector.broadcast %parallel_loop3A_777 : i32 to vector<16xi32>
        %parallel_loop3A_779 = arith.addi %iota3A, %parallel_loop3A_778 : vector<16xi32>
        %parallel_loop3A_780 = arith.constant 4 : i32
        %parallel_loop3A_781 = arith.muli %parallel_loop3A_780, %parallel_loop3A_659 : i32
        %parallel_loop3A_782 = vector.broadcast %parallel_loop3A_781 : i32 to vector<16xi32>
        %parallel_loop3A_783 = arith.addi %and3A_625, %parallel_loop3A_782 : vector<16xi32>
        %parallel_loop3A_784 = arith.constant 3 : i32
        %parallel_loop3A_785 = arith.constant 0 : i32
        %parallel_loop3A_786 = arith.constant 0 : i32
        %parallel_loop3A_787 = tpu.memref_slice %arg9[%parallel_loop3A_784, %parallel_loop3A_785, %parallel_loop3A_786] : memref<4x128x128xf32, #tpu.memory_space<vmem>> -> memref<1x128x128xf32, #tpu.memory_space<vmem>>
        %parallel_loop3A_788 = tpu.memref_squeeze %parallel_loop3A_787 : memref<1x128x128xf32, #tpu.memory_space<vmem>> -> memref<128x128xf32, #tpu.memory_space<vmem>>
        %parallel_loop3A_789 = tpu.vector_load_idx %parallel_loop3A_788[%parallel_loop3A_779, %parallel_loop3A_783] : memref<128x128xf32, #tpu.memory_space<vmem>>[vector<16xi32>, vector<16xi32>], vector<16xf32>,
        %parallel_loop3A_790 = arith.addf %parallel_loop3A_789, %parallel_loop3A_662 : vector<16xf32>
        %parallel_loop3A_791 = arith.constant 1 : i32
        %parallel_loop3A_792 = arith.index_cast %parallel_loop3A_791 : i32 to index
        %parallel_loop3A_793 = arith.index_cast %parallel_loop3A_659 : i32 to index
        %parallel_loop3A_794 = arith.constant 96 : index
        %parallel_loop3A_795 = tpu.vector_load %arg10[%parallel_loop3A_792, %parallel_loop3A_793, %parallel_loop3A_794] {strides = array<i32>} : memref<2x32x128xf32, #tpu.memory_space<vmem>>, vector<16xf32>,
        tpu.vector_store %arg10[%parallel_loop3A_792, %parallel_loop3A_793, %parallel_loop3A_794], %parallel_loop3A_790 {strides = array<i32>} : memref<2x32x128xf32, #tpu.memory_space<vmem>>, vector<16xf32>,
        %parallel_loop3A_796 = arith.constant 112 : i32
        %parallel_loop3A_797 = vector.broadcast %parallel_loop3A_796 : i32 to vector<16xi32>
        %parallel_loop3A_798 = arith.addi %iota3A, %parallel_loop3A_797 : vector<16xi32>
        %parallel_loop3A_799 = arith.constant 4 : i32
        %parallel_loop3A_800 = arith.muli %parallel_loop3A_799, %parallel_loop3A_659 : i32
        %parallel_loop3A_801 = vector.broadcast %parallel_loop3A_800 : i32 to vector<16xi32>
        %parallel_loop3A_802 = arith.addi %and3A_631, %parallel_loop3A_801 : vector<16xi32>
        %parallel_loop3A_803 = arith.constant 3 : i32
        %parallel_loop3A_804 = arith.constant 0 : i32
        %parallel_loop3A_805 = arith.constant 0 : i32
        %parallel_loop3A_806 = tpu.memref_slice %arg9[%parallel_loop3A_803, %parallel_loop3A_804, %parallel_loop3A_805] : memref<4x128x128xf32, #tpu.memory_space<vmem>> -> memref<1x128x128xf32, #tpu.memory_space<vmem>>
        %parallel_loop3A_807 = tpu.memref_squeeze %parallel_loop3A_806 : memref<1x128x128xf32, #tpu.memory_space<vmem>> -> memref<128x128xf32, #tpu.memory_space<vmem>>
        %parallel_loop3A_808 = tpu.vector_load_idx %parallel_loop3A_807[%parallel_loop3A_798, %parallel_loop3A_802] : memref<128x128xf32, #tpu.memory_space<vmem>>[vector<16xi32>, vector<16xi32>], vector<16xf32>,
        %parallel_loop3A_809 = arith.addf %parallel_loop3A_808, %parallel_loop3A_662 : vector<16xf32>
        %parallel_loop3A_810 = arith.constant 1 : i32
        %parallel_loop3A_811 = arith.index_cast %parallel_loop3A_810 : i32 to index
        %parallel_loop3A_812 = arith.index_cast %parallel_loop3A_659 : i32 to index
        %parallel_loop3A_813 = arith.constant 112 : index
        %parallel_loop3A_814 = tpu.vector_load %arg10[%parallel_loop3A_811, %parallel_loop3A_812, %parallel_loop3A_813] {strides = array<i32>} : memref<2x32x128xf32, #tpu.memory_space<vmem>>, vector<16xf32>,
        tpu.vector_store %arg10[%parallel_loop3A_811, %parallel_loop3A_812, %parallel_loop3A_813], %parallel_loop3A_809 {strides = array<i32>} : memref<2x32x128xf32, #tpu.memory_space<vmem>>, vector<16xf32>,
      } {sc.loop_unroll_factor = 4 : i64, sc.parallel_access}
      %dma_start3A_644 = arith.constant 1 : i32
      %dma_start3A_645 = arith.constant 0 : i32
      %dma_start3A_646 = arith.constant 0 : i32
      %dma_start3A_647 = tpu.memref_slice %arg10[%dma_start3A_644, %dma_start3A_645, %dma_start3A_646] : memref<2x32x128xf32, #tpu.memory_space<vmem>> -> memref<1x32x128xf32, #tpu.memory_space<vmem>>
      %dma_start3A_648 = tpu.memref_squeeze %dma_start3A_647 : memref<1x32x128xf32, #tpu.memory_space<vmem>> -> memref<32x128xf32, #tpu.memory_space<vmem>>
      %dma_start3A_649 = arith.constant 0 : i32
      %dma_start3A_650 = tpu.memref_slice %arg5[%add3A_549, %dma_start3A_649, %mul3A_2] : memref<200x32x4096xf32, #tpu.memory_space<hbm>> -> memref<1x32x128xf32, #tpu.memory_space<hbm>>
      %dma_start3A_651 = tpu.memref_squeeze %dma_start3A_650 : memref<1x32x128xf32, #tpu.memory_space<hbm>> -> memref<32x128xf32, #tpu.memory_space<hbm>>
      %dma_start3A_652 = arith.constant 0 : i32
      %dma_start3A_653 = tpu.memref_slice %arg5[%add3A_549, %dma_start3A_652, %mul3A_2] : memref<200x32x4096xf32, #tpu.memory_space<hbm>> -> memref<1x32x128xf32, #tpu.memory_space<hbm>>
      %dma_start3A_654 = tpu.memref_squeeze %dma_start3A_653 : memref<1x32x128xf32, #tpu.memory_space<hbm>> -> memref<32x128xf32, #tpu.memory_space<hbm>>
      %dma_start3A_655 = arith.constant 0 : i32
      %dma_start3A_656 = arith.constant 0 : i32
      %dma_start3A_657 = tpu.memref_slice %arg10[%dma_start3A_644, %dma_start3A_655, %dma_start3A_656] : memref<2x32x128xf32, #tpu.memory_space<vmem>> -> memref<1x32x128xf32, #tpu.memory_space<vmem>>
      %dma_start3A_658 = tpu.memref_squeeze %dma_start3A_657 : memref<1x32x128xf32, #tpu.memory_space<vmem>> -> memref<32x128xf32, #tpu.memory_space<vmem>>
      tpu.enqueue_dma source(%dma_start3A_658 : memref<32x128xf32, #tpu.memory_space<vmem>>) target(%dma_start3A_654 : memref<32x128xf32, #tpu.memory_space<hbm>>) target_semaphore(%arg16 : memref<!tpu.dma_semaphore, #tpu.memory_space<semaphore_mem>>)
    }
    %scan3A_203 = arith.constant 50 : i32
    %dma_wait3A = arith.constant 0 : i32
    %dma_wait3A_204 = arith.constant 198 : i32
    %dma_wait3A_205 = arith.constant 0 : i32
    %dma_wait3A_206 = arith.constant 0 : i32
    %dma_wait3A_207 = tpu.memref_slice %arg10[%dma_wait3A, %dma_wait3A_205, %dma_wait3A_206] : memref<2x32x128xf32, #tpu.memory_space<vmem>> -> memref<1x32x128xf32, #tpu.memory_space<vmem>>
    %dma_wait3A_208 = tpu.memref_squeeze %dma_wait3A_207 : memref<1x32x128xf32, #tpu.memory_space<vmem>> -> memref<32x128xf32, #tpu.memory_space<vmem>>
    %dma_wait3A_209 = arith.constant 0 : i32
    %dma_wait3A_210 = tpu.memref_slice %arg5[%dma_wait3A_204, %dma_wait3A_209, %mul3A_2] : memref<200x32x4096xf32, #tpu.memory_space<hbm>> -> memref<1x32x128xf32, #tpu.memory_space<hbm>>
    %dma_wait3A_211 = tpu.memref_squeeze %dma_wait3A_210 : memref<1x32x128xf32, #tpu.memory_space<hbm>> -> memref<32x128xf32, #tpu.memory_space<hbm>>
    %dma_wait3A_212 = arith.constant 0 : i32
    %dma_wait3A_213 = tpu.memref_slice %arg5[%dma_wait3A_204, %dma_wait3A_212, %mul3A_2] : memref<200x32x4096xf32, #tpu.memory_space<hbm>> -> memref<1x32x128xf32, #tpu.memory_space<hbm>>
    %dma_wait3A_214 = tpu.memref_squeeze %dma_wait3A_213 : memref<1x32x128xf32, #tpu.memory_space<hbm>> -> memref<32x128xf32, #tpu.memory_space<hbm>>
    %dma_wait3A_215 = arith.constant 0 : i32
    %dma_wait3A_216 = arith.constant 0 : i32
    %dma_wait3A_217 = tpu.memref_slice %arg10[%dma_wait3A, %dma_wait3A_215, %dma_wait3A_216] : memref<2x32x128xf32, #tpu.memory_space<vmem>> -> memref<1x32x128xf32, #tpu.memory_space<vmem>>
    %dma_wait3A_218 = tpu.memref_squeeze %dma_wait3A_217 : memref<1x32x128xf32, #tpu.memory_space<vmem>> -> memref<32x128xf32, #tpu.memory_space<vmem>>
    tpu.wait_dma2 semaphore(%arg15 : memref<!tpu.dma_semaphore, #tpu.memory_space<semaphore_mem>>) src(%dma_wait3A_218 : memref<32x128xf32, #tpu.memory_space<vmem>>) dst(%dma_wait3A_214 : memref<32x128xf32, #tpu.memory_space<hbm>>)
    %dma_wait3A_219 = arith.constant 1 : i32
    %dma_wait3A_220 = arith.constant 199 : i32
    %dma_wait3A_221 = arith.constant 0 : i32
    %dma_wait3A_222 = arith.constant 0 : i32
    %dma_wait3A_223 = tpu.memref_slice %arg10[%dma_wait3A_219, %dma_wait3A_221, %dma_wait3A_222] : memref<2x32x128xf32, #tpu.memory_space<vmem>> -> memref<1x32x128xf32, #tpu.memory_space<vmem>>
    %dma_wait3A_224 = tpu.memref_squeeze %dma_wait3A_223 : memref<1x32x128xf32, #tpu.memory_space<vmem>> -> memref<32x128xf32, #tpu.memory_space<vmem>>
    %dma_wait3A_225 = arith.constant 0 : i32
    %dma_wait3A_226 = tpu.memref_slice %arg5[%dma_wait3A_220, %dma_wait3A_225, %mul3A_2] : memref<200x32x4096xf32, #tpu.memory_space<hbm>> -> memref<1x32x128xf32, #tpu.memory_space<hbm>>
    %dma_wait3A_227 = tpu.memref_squeeze %dma_wait3A_226 : memref<1x32x128xf32, #tpu.memory_space<hbm>> -> memref<32x128xf32, #tpu.memory_space<hbm>>
    %dma_wait3A_228 = arith.constant 0 : i32
    %dma_wait3A_229 = tpu.memref_slice %arg5[%dma_wait3A_220, %dma_wait3A_228, %mul3A_2] : memref<200x32x4096xf32, #tpu.memory_space<hbm>> -> memref<1x32x128xf32, #tpu.memory_space<hbm>>
    %dma_wait3A_230 = tpu.memref_squeeze %dma_wait3A_229 : memref<1x32x128xf32, #tpu.memory_space<hbm>> -> memref<32x128xf32, #tpu.memory_space<hbm>>
    %dma_wait3A_231 = arith.constant 0 : i32
    %dma_wait3A_232 = arith.constant 0 : i32
    %dma_wait3A_233 = tpu.memref_slice %arg10[%dma_wait3A_219, %dma_wait3A_231, %dma_wait3A_232] : memref<2x32x128xf32, #tpu.memory_space<vmem>> -> memref<1x32x128xf32, #tpu.memory_space<vmem>>
    %dma_wait3A_234 = tpu.memref_squeeze %dma_wait3A_233 : memref<1x32x128xf32, #tpu.memory_space<vmem>> -> memref<32x128xf32, #tpu.memory_space<vmem>>
    tpu.wait_dma2 semaphore(%arg16 : memref<!tpu.dma_semaphore, #tpu.memory_space<semaphore_mem>>) src(%dma_wait3A_234 : memref<32x128xf32, #tpu.memory_space<vmem>>) dst(%dma_wait3A_230 : memref<32x128xf32, #tpu.memory_space<hbm>>)
    return
  }
}

#map = affine_map<(d0, d1) -> (0, 0)>
module attributes {stable_mosaic.version = 14 : i64} {
  func.func @_pack_table(%arg0: i32, %arg1: i32, %arg2: memref<32x1000000xf32, #tpu.memory_space<hbm>>, %arg3: memref<16x128xf32, #tpu.memory_space<hbm>>, %arg4: memref<250000x128xf32, #tpu.memory_space<hbm>>, %arg5: memref<2x32x128xf32, #tpu.memory_space<vmem>>, %arg6: memref<2x32x128xf32, #tpu.memory_space<vmem>>, %arg7: memref<!tpu.dma_semaphore, #tpu.memory_space<semaphore_mem>>, %arg8: memref<!tpu.dma_semaphore, #tpu.memory_space<semaphore_mem>>, %arg9: memref<!tpu.dma_semaphore, #tpu.memory_space<semaphore_mem>>, %arg10: memref<!tpu.dma_semaphore, #tpu.memory_space<semaphore_mem>>) attributes {dimension_semantics = [#tpu.dimension_semantics<core_parallel>, #tpu.dimension_semantics<subcore_parallel>], iteration_bounds = array<i64: 2, 16>, scalar_prefetch = 0 : i64, scratch_operands = 6 : i64, tpu.core_type = #tpu.core_type<sc_vector_subcore>, window_params = [{transform_indices = #map}, {transform_indices = #map}, {transform_indices = #map}]} {
    %mul3A = arith.constant 2 : i32
    %mul3A_0 = arith.muli %arg1, %mul3A : i32
    %add3A = arith.addi %mul3A_0, %arg0 : i32
    %iota3A = tpu.iota {dimensions = array<i32: 0>} : vector<16xi32>
    %add3A_1 = arith.constant 0 : i32
    %add3A_2 = vector.broadcast %add3A_1 : i32 to vector<16xi32>
    %add3A_3 = arith.addi %iota3A, %add3A_2 : vector<16xi32>
    %shift_right_logical3A = arith.constant 2 : i32
    %shift_right_logical3A_4 = vector.broadcast %shift_right_logical3A : i32 to vector<16xi32>
    %shift_right_logical3A_5 = arith.shrui %add3A_3, %shift_right_logical3A_4 : vector<16xi32>
    %add3A_6 = arith.constant 16 : i32
    %add3A_7 = vector.broadcast %add3A_6 : i32 to vector<16xi32>
    %add3A_8 = arith.addi %iota3A, %add3A_7 : vector<16xi32>
    %shift_right_logical3A_9 = arith.constant 2 : i32
    %shift_right_logical3A_10 = vector.broadcast %shift_right_logical3A_9 : i32 to vector<16xi32>
    %shift_right_logical3A_11 = arith.shrui %add3A_8, %shift_right_logical3A_10 : vector<16xi32>
    %add3A_12 = arith.constant 32 : i32
    %add3A_13 = vector.broadcast %add3A_12 : i32 to vector<16xi32>
    %add3A_14 = arith.addi %iota3A, %add3A_13 : vector<16xi32>
    %shift_right_logical3A_15 = arith.constant 2 : i32
    %shift_right_logical3A_16 = vector.broadcast %shift_right_logical3A_15 : i32 to vector<16xi32>
    %shift_right_logical3A_17 = arith.shrui %add3A_14, %shift_right_logical3A_16 : vector<16xi32>
    %add3A_18 = arith.constant 48 : i32
    %add3A_19 = vector.broadcast %add3A_18 : i32 to vector<16xi32>
    %add3A_20 = arith.addi %iota3A, %add3A_19 : vector<16xi32>
    %shift_right_logical3A_21 = arith.constant 2 : i32
    %shift_right_logical3A_22 = vector.broadcast %shift_right_logical3A_21 : i32 to vector<16xi32>
    %shift_right_logical3A_23 = arith.shrui %add3A_20, %shift_right_logical3A_22 : vector<16xi32>
    %add3A_24 = arith.constant 64 : i32
    %add3A_25 = vector.broadcast %add3A_24 : i32 to vector<16xi32>
    %add3A_26 = arith.addi %iota3A, %add3A_25 : vector<16xi32>
    %shift_right_logical3A_27 = arith.constant 2 : i32
    %shift_right_logical3A_28 = vector.broadcast %shift_right_logical3A_27 : i32 to vector<16xi32>
    %shift_right_logical3A_29 = arith.shrui %add3A_26, %shift_right_logical3A_28 : vector<16xi32>
    %add3A_30 = arith.constant 80 : i32
    %add3A_31 = vector.broadcast %add3A_30 : i32 to vector<16xi32>
    %add3A_32 = arith.addi %iota3A, %add3A_31 : vector<16xi32>
    %shift_right_logical3A_33 = arith.constant 2 : i32
    %shift_right_logical3A_34 = vector.broadcast %shift_right_logical3A_33 : i32 to vector<16xi32>
    %shift_right_logical3A_35 = arith.shrui %add3A_32, %shift_right_logical3A_34 : vector<16xi32>
    %add3A_36 = arith.constant 96 : i32
    %add3A_37 = vector.broadcast %add3A_36 : i32 to vector<16xi32>
    %add3A_38 = arith.addi %iota3A, %add3A_37 : vector<16xi32>
    %shift_right_logical3A_39 = arith.constant 2 : i32
    %shift_right_logical3A_40 = vector.broadcast %shift_right_logical3A_39 : i32 to vector<16xi32>
    %shift_right_logical3A_41 = arith.shrui %add3A_38, %shift_right_logical3A_40 : vector<16xi32>
    %add3A_42 = arith.constant 112 : i32
    %add3A_43 = vector.broadcast %add3A_42 : i32 to vector<16xi32>
    %add3A_44 = arith.addi %iota3A, %add3A_43 : vector<16xi32>
    %shift_right_logical3A_45 = arith.constant 2 : i32
    %shift_right_logical3A_46 = vector.broadcast %shift_right_logical3A_45 : i32 to vector<16xi32>
    %shift_right_logical3A_47 = arith.shrui %add3A_44, %shift_right_logical3A_46 : vector<16xi32>
    %add3A_48 = arith.constant 0 : i32
    %add3A_49 = vector.broadcast %add3A_48 : i32 to vector<16xi32>
    %add3A_50 = arith.addi %iota3A, %add3A_49 : vector<16xi32>
    %and3A = arith.constant 3 : i32
    %and3A_51 = vector.broadcast %and3A : i32 to vector<16xi32>
    %and3A_52 = arith.andi %add3A_50, %and3A_51 : vector<16xi32>
    %add3A_53 = arith.constant 16 : i32
    %add3A_54 = vector.broadcast %add3A_53 : i32 to vector<16xi32>
    %add3A_55 = arith.addi %iota3A, %add3A_54 : vector<16xi32>
    %and3A_56 = arith.constant 3 : i32
    %and3A_57 = vector.broadcast %and3A_56 : i32 to vector<16xi32>
    %and3A_58 = arith.andi %add3A_55, %and3A_57 : vector<16xi32>
    %add3A_59 = arith.constant 32 : i32
    %add3A_60 = vector.broadcast %add3A_59 : i32 to vector<16xi32>
    %add3A_61 = arith.addi %iota3A, %add3A_60 : vector<16xi32>
    %and3A_62 = arith.constant 3 : i32
    %and3A_63 = vector.broadcast %and3A_62 : i32 to vector<16xi32>
    %and3A_64 = arith.andi %add3A_61, %and3A_63 : vector<16xi32>
    %add3A_65 = arith.constant 48 : i32
    %add3A_66 = vector.broadcast %add3A_65 : i32 to vector<16xi32>
    %add3A_67 = arith.addi %iota3A, %add3A_66 : vector<16xi32>
    %and3A_68 = arith.constant 3 : i32
    %and3A_69 = vector.broadcast %and3A_68 : i32 to vector<16xi32>
    %and3A_70 = arith.andi %add3A_67, %and3A_69 : vector<16xi32>
    %add3A_71 = arith.constant 64 : i32
    %add3A_72 = vector.broadcast %add3A_71 : i32 to vector<16xi32>
    %add3A_73 = arith.addi %iota3A, %add3A_72 : vector<16xi32>
    %and3A_74 = arith.constant 3 : i32
    %and3A_75 = vector.broadcast %and3A_74 : i32 to vector<16xi32>
    %and3A_76 = arith.andi %add3A_73, %and3A_75 : vector<16xi32>
    %add3A_77 = arith.constant 80 : i32
    %add3A_78 = vector.broadcast %add3A_77 : i32 to vector<16xi32>
    %add3A_79 = arith.addi %iota3A, %add3A_78 : vector<16xi32>
    %and3A_80 = arith.constant 3 : i32
    %and3A_81 = vector.broadcast %and3A_80 : i32 to vector<16xi32>
    %and3A_82 = arith.andi %add3A_79, %and3A_81 : vector<16xi32>
    %add3A_83 = arith.constant 96 : i32
    %add3A_84 = vector.broadcast %add3A_83 : i32 to vector<16xi32>
    %add3A_85 = arith.addi %iota3A, %add3A_84 : vector<16xi32>
    %and3A_86 = arith.constant 3 : i32
    %and3A_87 = vector.broadcast %and3A_86 : i32 to vector<16xi32>
    %and3A_88 = arith.andi %add3A_85, %and3A_87 : vector<16xi32>
    %add3A_89 = arith.constant 112 : i32
    %add3A_90 = vector.broadcast %add3A_89 : i32 to vector<16xi32>
    %add3A_91 = arith.addi %iota3A, %add3A_90 : vector<16xi32>
    %and3A_92 = arith.constant 3 : i32
    %and3A_93 = vector.broadcast %and3A_92 : i32 to vector<16xi32>
    %and3A_94 = arith.andi %add3A_91, %and3A_93 : vector<16xi32>
    %mul3A_95 = arith.constant 244 : i32
    %mul3A_96 = arith.muli %add3A, %mul3A_95 : i32
    %mul3A_97 = arith.constant 128 : i32
    %mul3A_98 = arith.muli %mul3A_96, %mul3A_97 : i32
    %dma_start3A = arith.constant 0 : i32
    %dma_start3A_99 = arith.constant 0 : i32
    %dma_start3A_100 = arith.constant 0 : i32
    %dma_start3A_101 = tpu.memref_slice %arg5[%dma_start3A, %dma_start3A_99, %dma_start3A_100] : memref<2x32x128xf32, #tpu.memory_space<vmem>> -> memref<1x32x128xf32, #tpu.memory_space<vmem>>
    %dma_start3A_102 = tpu.memref_squeeze %dma_start3A_101 : memref<1x32x128xf32, #tpu.memory_space<vmem>> -> memref<32x128xf32, #tpu.memory_space<vmem>>
    %dma_start3A_103 = arith.constant 0 : i32
    %dma_start3A_104 = tpu.memref_slice %arg2[%dma_start3A_103, %mul3A_98] : memref<32x1000000xf32, #tpu.memory_space<hbm>> -> memref<32x128xf32, #tpu.memory_space<hbm>>
    %dma_start3A_105 = arith.constant 0 : i32
    %dma_start3A_106 = arith.constant 0 : i32
    %dma_start3A_107 = tpu.memref_slice %arg5[%dma_start3A, %dma_start3A_105, %dma_start3A_106] : memref<2x32x128xf32, #tpu.memory_space<vmem>> -> memref<1x32x128xf32, #tpu.memory_space<vmem>>
    %dma_start3A_108 = tpu.memref_squeeze %dma_start3A_107 : memref<1x32x128xf32, #tpu.memory_space<vmem>> -> memref<32x128xf32, #tpu.memory_space<vmem>>
    %dma_start3A_109 = arith.constant 0 : i32
    %dma_start3A_110 = tpu.memref_slice %arg2[%dma_start3A_109, %mul3A_98] : memref<32x1000000xf32, #tpu.memory_space<hbm>> -> memref<32x128xf32, #tpu.memory_space<hbm>>
    tpu.enqueue_dma source(%dma_start3A_110 : memref<32x128xf32, #tpu.memory_space<hbm>>) target(%dma_start3A_108 : memref<32x128xf32, #tpu.memory_space<vmem>>) target_semaphore(%arg7 : memref<!tpu.dma_semaphore, #tpu.memory_space<semaphore_mem>>)
    %scan3A = arith.constant 0 : i32
    %scan3A_111 = arith.constant 0 : i32
    %scan3A_112 = arith.constant 122 : i32
    %scan3A_113 = arith.addi %scan3A_111, %scan3A_112 : i32
    %scan3A_114 = arith.constant 1 : i32
    scf.for %scan3A_151 = %scan3A_111 to %scan3A_113 step %scan3A_114  : i32 {
      %mul3A_152 = arith.constant 2 : i32
      %mul3A_153 = arith.muli %mul3A_152, %scan3A_151 : i32
      %add3A_154 = arith.addi %mul3A_96, %mul3A_153 : i32
      %add3A_155 = arith.constant 0 : i32
      %add3A_156 = arith.addi %add3A_154, %add3A_155 : i32
      %add3A_157 = arith.constant 1 : i32
      %add3A_158 = arith.addi %add3A_156, %add3A_157 : i32
      %add3A_159 = arith.constant 244 : i32
      %add3A_160 = arith.addi %mul3A_96, %add3A_159 : i32
      %lt3A_161 = arith.cmpi slt, %add3A_158, %add3A_160 : i32
      %convert_element_type3A_162 = arith.extui %lt3A_161 : i1 to i32
      %cond3A_163 = arith.constant 0 : i32
      %cond3A_164 = arith.cmpi ne, %convert_element_type3A_162, %cond3A_163 : i32
      scf.if %cond3A_164 {
        %mul3A_252 = arith.constant 128 : i32
        %mul3A_253 = arith.muli %add3A_158, %mul3A_252 : i32
        %dma_start3A_254 = arith.constant 1 : i32
        %dma_start3A_255 = arith.constant 0 : i32
        %dma_start3A_256 = arith.constant 0 : i32
        %dma_start3A_257 = tpu.memref_slice %arg5[%dma_start3A_254, %dma_start3A_255, %dma_start3A_256] : memref<2x32x128xf32, #tpu.memory_space<vmem>> -> memref<1x32x128xf32, #tpu.memory_space<vmem>>
        %dma_start3A_258 = tpu.memref_squeeze %dma_start3A_257 : memref<1x32x128xf32, #tpu.memory_space<vmem>> -> memref<32x128xf32, #tpu.memory_space<vmem>>
        %dma_start3A_259 = arith.constant 0 : i32
        %dma_start3A_260 = tpu.memref_slice %arg2[%dma_start3A_259, %mul3A_253] : memref<32x1000000xf32, #tpu.memory_space<hbm>> -> memref<32x128xf32, #tpu.memory_space<hbm>>
        %dma_start3A_261 = arith.constant 0 : i32
        %dma_start3A_262 = arith.constant 0 : i32
        %dma_start3A_263 = tpu.memref_slice %arg5[%dma_start3A_254, %dma_start3A_261, %dma_start3A_262] : memref<2x32x128xf32, #tpu.memory_space<vmem>> -> memref<1x32x128xf32, #tpu.memory_space<vmem>>
        %dma_start3A_264 = tpu.memref_squeeze %dma_start3A_263 : memref<1x32x128xf32, #tpu.memory_space<vmem>> -> memref<32x128xf32, #tpu.memory_space<vmem>>
        %dma_start3A_265 = arith.constant 0 : i32
        %dma_start3A_266 = tpu.memref_slice %arg2[%dma_start3A_265, %mul3A_253] : memref<32x1000000xf32, #tpu.memory_space<hbm>> -> memref<32x128xf32, #tpu.memory_space<hbm>>
        tpu.enqueue_dma source(%dma_start3A_266 : memref<32x128xf32, #tpu.memory_space<hbm>>) target(%dma_start3A_264 : memref<32x128xf32, #tpu.memory_space<vmem>>) target_semaphore(%arg8 : memref<!tpu.dma_semaphore, #tpu.memory_space<semaphore_mem>>)
      } else {
      }
      %mul3A_165 = arith.constant 128 : i32
      %mul3A_166 = arith.muli %add3A_156, %mul3A_165 : i32
      %dma_wait3A_167 = arith.constant 0 : i32
      %dma_wait3A_168 = arith.constant 0 : i32
      %dma_wait3A_169 = arith.constant 0 : i32
      %dma_wait3A_170 = tpu.memref_slice %arg5[%dma_wait3A_167, %dma_wait3A_168, %dma_wait3A_169] : memref<2x32x128xf32, #tpu.memory_space<vmem>> -> memref<1x32x128xf32, #tpu.memory_space<vmem>>
      %dma_wait3A_171 = tpu.memref_squeeze %dma_wait3A_170 : memref<1x32x128xf32, #tpu.memory_space<vmem>> -> memref<32x128xf32, #tpu.memory_space<vmem>>
      %dma_wait3A_172 = arith.constant 0 : i32
      %dma_wait3A_173 = tpu.memref_slice %arg2[%dma_wait3A_172, %mul3A_166] : memref<32x1000000xf32, #tpu.memory_space<hbm>> -> memref<32x128xf32, #tpu.memory_space<hbm>>
      %dma_wait3A_174 = arith.constant 0 : i32
      %dma_wait3A_175 = arith.constant 0 : i32
      %dma_wait3A_176 = tpu.memref_slice %arg5[%dma_wait3A_167, %dma_wait3A_174, %dma_wait3A_175] : memref<2x32x128xf32, #tpu.memory_space<vmem>> -> memref<1x32x128xf32, #tpu.memory_space<vmem>>
      %dma_wait3A_177 = tpu.memref_squeeze %dma_wait3A_176 : memref<1x32x128xf32, #tpu.memory_space<vmem>> -> memref<32x128xf32, #tpu.memory_space<vmem>>
      %dma_wait3A_178 = arith.constant 0 : i32
      %dma_wait3A_179 = tpu.memref_slice %arg2[%dma_wait3A_178, %mul3A_166] : memref<32x1000000xf32, #tpu.memory_space<hbm>> -> memref<32x128xf32, #tpu.memory_space<hbm>>
      tpu.wait_dma2 semaphore(%arg7 : memref<!tpu.dma_semaphore, #tpu.memory_space<semaphore_mem>>) src(%dma_wait3A_179 : memref<32x128xf32, #tpu.memory_space<hbm>>) dst(%dma_wait3A_177 : memref<32x128xf32, #tpu.memory_space<vmem>>)
      %gt3A = arith.constant 0 : i32
      %gt3A_180 = arith.cmpi sgt, %scan3A_151, %gt3A : i32
      %convert_element_type3A_181 = arith.extui %gt3A_180 : i1 to i32
      %cond3A_182 = arith.constant 0 : i32
      %cond3A_183 = arith.cmpi ne, %convert_element_type3A_181, %cond3A_182 : i32
      scf.if %cond3A_183 {
        %mul3A_252 = arith.constant 32 : i32
        %mul3A_253 = arith.muli %add3A_156, %mul3A_252 : i32
        %dma_wait3A_254 = arith.constant 0 : i32
        %dma_wait3A_255 = arith.constant 0 : i32
        %dma_wait3A_256 = arith.constant 0 : i32
        %dma_wait3A_257 = tpu.memref_slice %arg6[%dma_wait3A_254, %dma_wait3A_255, %dma_wait3A_256] : memref<2x32x128xf32, #tpu.memory_space<vmem>> -> memref<1x32x128xf32, #tpu.memory_space<vmem>>
        %dma_wait3A_258 = tpu.memref_squeeze %dma_wait3A_257 : memref<1x32x128xf32, #tpu.memory_space<vmem>> -> memref<32x128xf32, #tpu.memory_space<vmem>>
        %dma_wait3A_259 = arith.constant 0 : i32
        %dma_wait3A_260 = tpu.memref_slice %arg4[%mul3A_253, %dma_wait3A_259] : memref<250000x128xf32, #tpu.memory_space<hbm>> -> memref<32x128xf32, #tpu.memory_space<hbm>>
        %dma_wait3A_261 = arith.constant 0 : i32
        %dma_wait3A_262 = tpu.memref_slice %arg4[%mul3A_253, %dma_wait3A_261] : memref<250000x128xf32, #tpu.memory_space<hbm>> -> memref<32x128xf32, #tpu.memory_space<hbm>>
        %dma_wait3A_263 = arith.constant 0 : i32
        %dma_wait3A_264 = arith.constant 0 : i32
        %dma_wait3A_265 = tpu.memref_slice %arg6[%dma_wait3A_254, %dma_wait3A_263, %dma_wait3A_264] : memref<2x32x128xf32, #tpu.memory_space<vmem>> -> memref<1x32x128xf32, #tpu.memory_space<vmem>>
        %dma_wait3A_266 = tpu.memref_squeeze %dma_wait3A_265 : memref<1x32x128xf32, #tpu.memory_space<vmem>> -> memref<32x128xf32, #tpu.memory_space<vmem>>
        tpu.wait_dma2 semaphore(%arg9 : memref<!tpu.dma_semaphore, #tpu.memory_space<semaphore_mem>>) src(%dma_wait3A_266 : memref<32x128xf32, #tpu.memory_space<vmem>>) dst(%dma_wait3A_262 : memref<32x128xf32, #tpu.memory_space<hbm>>)
      } else {
      }
      %parallel_loop3A = arith.constant 0 : i32
      %parallel_loop3A_184 = arith.constant 32 : i32
      %parallel_loop3A_185 = arith.constant 1 : i32
      scf.for %parallel_loop3A_252 = %parallel_loop3A to %parallel_loop3A_184 step %parallel_loop3A_185  : i32 {
        %parallel_loop3A_253 = arith.constant 4 : i32
        %parallel_loop3A_254 = arith.muli %parallel_loop3A_253, %parallel_loop3A_252 : i32
        %parallel_loop3A_255 = vector.broadcast %parallel_loop3A_254 : i32 to vector<16xi32>
        %parallel_loop3A_256 = arith.constant 0 : i32
        %parallel_loop3A_257 = arith.index_cast %parallel_loop3A_256 : i32 to index
        %parallel_loop3A_258 = arith.index_cast %parallel_loop3A_252 : i32 to index
        %parallel_loop3A_259 = arith.constant 0 : index
        %parallel_loop3A_260 = tpu.vector_load %arg5[%parallel_loop3A_257, %parallel_loop3A_258, %parallel_loop3A_259] {strides = array<i32>} : memref<2x32x128xf32, #tpu.memory_space<vmem>>, vector<16xf32>,
        %parallel_loop3A_261 = arith.addi %and3A_52, %parallel_loop3A_255 : vector<16xi32>
        %parallel_loop3A_262 = arith.constant 0 : i32
        %parallel_loop3A_263 = arith.constant 0 : i32
        %parallel_loop3A_264 = arith.constant 0 : i32
        %parallel_loop3A_265 = tpu.memref_slice %arg6[%parallel_loop3A_262, %parallel_loop3A_263, %parallel_loop3A_264] : memref<2x32x128xf32, #tpu.memory_space<vmem>> -> memref<1x32x128xf32, #tpu.memory_space<vmem>>
        %parallel_loop3A_266 = tpu.memref_squeeze %parallel_loop3A_265 : memref<1x32x128xf32, #tpu.memory_space<vmem>> -> memref<32x128xf32, #tpu.memory_space<vmem>>
        tpu.vector_store_idx %parallel_loop3A_266[%shift_right_logical3A_5, %parallel_loop3A_261], %parallel_loop3A_260 : memref<32x128xf32, #tpu.memory_space<vmem>>[vector<16xi32>, vector<16xi32>], vector<16xf32>,
        %parallel_loop3A_267 = arith.constant 0 : i32
        %parallel_loop3A_268 = arith.index_cast %parallel_loop3A_267 : i32 to index
        %parallel_loop3A_269 = arith.index_cast %parallel_loop3A_252 : i32 to index
        %parallel_loop3A_270 = arith.constant 16 : index
        %parallel_loop3A_271 = tpu.vector_load %arg5[%parallel_loop3A_268, %parallel_loop3A_269, %parallel_loop3A_270] {strides = array<i32>} : memref<2x32x128xf32, #tpu.memory_space<vmem>>, vector<16xf32>,
        %parallel_loop3A_272 = arith.addi %and3A_58, %parallel_loop3A_255 : vector<16xi32>
        %parallel_loop3A_273 = arith.constant 0 : i32
        %parallel_loop3A_274 = arith.constant 0 : i32
        %parallel_loop3A_275 = arith.constant 0 : i32
        %parallel_loop3A_276 = tpu.memref_slice %arg6[%parallel_loop3A_273, %parallel_loop3A_274, %parallel_loop3A_275] : memref<2x32x128xf32, #tpu.memory_space<vmem>> -> memref<1x32x128xf32, #tpu.memory_space<vmem>>
        %parallel_loop3A_277 = tpu.memref_squeeze %parallel_loop3A_276 : memref<1x32x128xf32, #tpu.memory_space<vmem>> -> memref<32x128xf32, #tpu.memory_space<vmem>>
        tpu.vector_store_idx %parallel_loop3A_277[%shift_right_logical3A_11, %parallel_loop3A_272], %parallel_loop3A_271 : memref<32x128xf32, #tpu.memory_space<vmem>>[vector<16xi32>, vector<16xi32>], vector<16xf32>,
        %parallel_loop3A_278 = arith.constant 0 : i32
        %parallel_loop3A_279 = arith.index_cast %parallel_loop3A_278 : i32 to index
        %parallel_loop3A_280 = arith.index_cast %parallel_loop3A_252 : i32 to index
        %parallel_loop3A_281 = arith.constant 32 : index
        %parallel_loop3A_282 = tpu.vector_load %arg5[%parallel_loop3A_279, %parallel_loop3A_280, %parallel_loop3A_281] {strides = array<i32>} : memref<2x32x128xf32, #tpu.memory_space<vmem>>, vector<16xf32>,
        %parallel_loop3A_283 = arith.addi %and3A_64, %parallel_loop3A_255 : vector<16xi32>
        %parallel_loop3A_284 = arith.constant 0 : i32
        %parallel_loop3A_285 = arith.constant 0 : i32
        %parallel_loop3A_286 = arith.constant 0 : i32
        %parallel_loop3A_287 = tpu.memref_slice %arg6[%parallel_loop3A_284, %parallel_loop3A_285, %parallel_loop3A_286] : memref<2x32x128xf32, #tpu.memory_space<vmem>> -> memref<1x32x128xf32, #tpu.memory_space<vmem>>
        %parallel_loop3A_288 = tpu.memref_squeeze %parallel_loop3A_287 : memref<1x32x128xf32, #tpu.memory_space<vmem>> -> memref<32x128xf32, #tpu.memory_space<vmem>>
        tpu.vector_store_idx %parallel_loop3A_288[%shift_right_logical3A_17, %parallel_loop3A_283], %parallel_loop3A_282 : memref<32x128xf32, #tpu.memory_space<vmem>>[vector<16xi32>, vector<16xi32>], vector<16xf32>,
        %parallel_loop3A_289 = arith.constant 0 : i32
        %parallel_loop3A_290 = arith.index_cast %parallel_loop3A_289 : i32 to index
        %parallel_loop3A_291 = arith.index_cast %parallel_loop3A_252 : i32 to index
        %parallel_loop3A_292 = arith.constant 48 : index
        %parallel_loop3A_293 = tpu.vector_load %arg5[%parallel_loop3A_290, %parallel_loop3A_291, %parallel_loop3A_292] {strides = array<i32>} : memref<2x32x128xf32, #tpu.memory_space<vmem>>, vector<16xf32>,
        %parallel_loop3A_294 = arith.addi %and3A_70, %parallel_loop3A_255 : vector<16xi32>
        %parallel_loop3A_295 = arith.constant 0 : i32
        %parallel_loop3A_296 = arith.constant 0 : i32
        %parallel_loop3A_297 = arith.constant 0 : i32
        %parallel_loop3A_298 = tpu.memref_slice %arg6[%parallel_loop3A_295, %parallel_loop3A_296, %parallel_loop3A_297] : memref<2x32x128xf32, #tpu.memory_space<vmem>> -> memref<1x32x128xf32, #tpu.memory_space<vmem>>
        %parallel_loop3A_299 = tpu.memref_squeeze %parallel_loop3A_298 : memref<1x32x128xf32, #tpu.memory_space<vmem>> -> memref<32x128xf32, #tpu.memory_space<vmem>>
        tpu.vector_store_idx %parallel_loop3A_299[%shift_right_logical3A_23, %parallel_loop3A_294], %parallel_loop3A_293 : memref<32x128xf32, #tpu.memory_space<vmem>>[vector<16xi32>, vector<16xi32>], vector<16xf32>,
        %parallel_loop3A_300 = arith.constant 0 : i32
        %parallel_loop3A_301 = arith.index_cast %parallel_loop3A_300 : i32 to index
        %parallel_loop3A_302 = arith.index_cast %parallel_loop3A_252 : i32 to index
        %parallel_loop3A_303 = arith.constant 64 : index
        %parallel_loop3A_304 = tpu.vector_load %arg5[%parallel_loop3A_301, %parallel_loop3A_302, %parallel_loop3A_303] {strides = array<i32>} : memref<2x32x128xf32, #tpu.memory_space<vmem>>, vector<16xf32>,
        %parallel_loop3A_305 = arith.addi %and3A_76, %parallel_loop3A_255 : vector<16xi32>
        %parallel_loop3A_306 = arith.constant 0 : i32
        %parallel_loop3A_307 = arith.constant 0 : i32
        %parallel_loop3A_308 = arith.constant 0 : i32
        %parallel_loop3A_309 = tpu.memref_slice %arg6[%parallel_loop3A_306, %parallel_loop3A_307, %parallel_loop3A_308] : memref<2x32x128xf32, #tpu.memory_space<vmem>> -> memref<1x32x128xf32, #tpu.memory_space<vmem>>
        %parallel_loop3A_310 = tpu.memref_squeeze %parallel_loop3A_309 : memref<1x32x128xf32, #tpu.memory_space<vmem>> -> memref<32x128xf32, #tpu.memory_space<vmem>>
        tpu.vector_store_idx %parallel_loop3A_310[%shift_right_logical3A_29, %parallel_loop3A_305], %parallel_loop3A_304 : memref<32x128xf32, #tpu.memory_space<vmem>>[vector<16xi32>, vector<16xi32>], vector<16xf32>,
        %parallel_loop3A_311 = arith.constant 0 : i32
        %parallel_loop3A_312 = arith.index_cast %parallel_loop3A_311 : i32 to index
        %parallel_loop3A_313 = arith.index_cast %parallel_loop3A_252 : i32 to index
        %parallel_loop3A_314 = arith.constant 80 : index
        %parallel_loop3A_315 = tpu.vector_load %arg5[%parallel_loop3A_312, %parallel_loop3A_313, %parallel_loop3A_314] {strides = array<i32>} : memref<2x32x128xf32, #tpu.memory_space<vmem>>, vector<16xf32>,
        %parallel_loop3A_316 = arith.addi %and3A_82, %parallel_loop3A_255 : vector<16xi32>
        %parallel_loop3A_317 = arith.constant 0 : i32
        %parallel_loop3A_318 = arith.constant 0 : i32
        %parallel_loop3A_319 = arith.constant 0 : i32
        %parallel_loop3A_320 = tpu.memref_slice %arg6[%parallel_loop3A_317, %parallel_loop3A_318, %parallel_loop3A_319] : memref<2x32x128xf32, #tpu.memory_space<vmem>> -> memref<1x32x128xf32, #tpu.memory_space<vmem>>
        %parallel_loop3A_321 = tpu.memref_squeeze %parallel_loop3A_320 : memref<1x32x128xf32, #tpu.memory_space<vmem>> -> memref<32x128xf32, #tpu.memory_space<vmem>>
        tpu.vector_store_idx %parallel_loop3A_321[%shift_right_logical3A_35, %parallel_loop3A_316], %parallel_loop3A_315 : memref<32x128xf32, #tpu.memory_space<vmem>>[vector<16xi32>, vector<16xi32>], vector<16xf32>,
        %parallel_loop3A_322 = arith.constant 0 : i32
        %parallel_loop3A_323 = arith.index_cast %parallel_loop3A_322 : i32 to index
        %parallel_loop3A_324 = arith.index_cast %parallel_loop3A_252 : i32 to index
        %parallel_loop3A_325 = arith.constant 96 : index
        %parallel_loop3A_326 = tpu.vector_load %arg5[%parallel_loop3A_323, %parallel_loop3A_324, %parallel_loop3A_325] {strides = array<i32>} : memref<2x32x128xf32, #tpu.memory_space<vmem>>, vector<16xf32>,
        %parallel_loop3A_327 = arith.addi %and3A_88, %parallel_loop3A_255 : vector<16xi32>
        %parallel_loop3A_328 = arith.constant 0 : i32
        %parallel_loop3A_329 = arith.constant 0 : i32
        %parallel_loop3A_330 = arith.constant 0 : i32
        %parallel_loop3A_331 = tpu.memref_slice %arg6[%parallel_loop3A_328, %parallel_loop3A_329, %parallel_loop3A_330] : memref<2x32x128xf32, #tpu.memory_space<vmem>> -> memref<1x32x128xf32, #tpu.memory_space<vmem>>
        %parallel_loop3A_332 = tpu.memref_squeeze %parallel_loop3A_331 : memref<1x32x128xf32, #tpu.memory_space<vmem>> -> memref<32x128xf32, #tpu.memory_space<vmem>>
        tpu.vector_store_idx %parallel_loop3A_332[%shift_right_logical3A_41, %parallel_loop3A_327], %parallel_loop3A_326 : memref<32x128xf32, #tpu.memory_space<vmem>>[vector<16xi32>, vector<16xi32>], vector<16xf32>,
        %parallel_loop3A_333 = arith.constant 0 : i32
        %parallel_loop3A_334 = arith.index_cast %parallel_loop3A_333 : i32 to index
        %parallel_loop3A_335 = arith.index_cast %parallel_loop3A_252 : i32 to index
        %parallel_loop3A_336 = arith.constant 112 : index
        %parallel_loop3A_337 = tpu.vector_load %arg5[%parallel_loop3A_334, %parallel_loop3A_335, %parallel_loop3A_336] {strides = array<i32>} : memref<2x32x128xf32, #tpu.memory_space<vmem>>, vector<16xf32>,
        %parallel_loop3A_338 = arith.addi %and3A_94, %parallel_loop3A_255 : vector<16xi32>
        %parallel_loop3A_339 = arith.constant 0 : i32
        %parallel_loop3A_340 = arith.constant 0 : i32
        %parallel_loop3A_341 = arith.constant 0 : i32
        %parallel_loop3A_342 = tpu.memref_slice %arg6[%parallel_loop3A_339, %parallel_loop3A_340, %parallel_loop3A_341] : memref<2x32x128xf32, #tpu.memory_space<vmem>> -> memref<1x32x128xf32, #tpu.memory_space<vmem>>
        %parallel_loop3A_343 = tpu.memref_squeeze %parallel_loop3A_342 : memref<1x32x128xf32, #tpu.memory_space<vmem>> -> memref<32x128xf32, #tpu.memory_space<vmem>>
        tpu.vector_store_idx %parallel_loop3A_343[%shift_right_logical3A_47, %parallel_loop3A_338], %parallel_loop3A_337 : memref<32x128xf32, #tpu.memory_space<vmem>>[vector<16xi32>, vector<16xi32>], vector<16xf32>,
      } {sc.loop_unroll_factor = 4 : i64, sc.parallel_access}
      %mul3A_186 = arith.constant 32 : i32
      %mul3A_187 = arith.muli %add3A_156, %mul3A_186 : i32
      %dma_start3A_188 = arith.constant 0 : i32
      %dma_start3A_189 = arith.constant 0 : i32
      %dma_start3A_190 = arith.constant 0 : i32
      %dma_start3A_191 = tpu.memref_slice %arg6[%dma_start3A_188, %dma_start3A_189, %dma_start3A_190] : memref<2x32x128xf32, #tpu.memory_space<vmem>> -> memref<1x32x128xf32, #tpu.memory_space<vmem>>
      %dma_start3A_192 = tpu.memref_squeeze %dma_start3A_191 : memref<1x32x128xf32, #tpu.memory_space<vmem>> -> memref<32x128xf32, #tpu.memory_space<vmem>>
      %dma_start3A_193 = arith.constant 0 : i32
      %dma_start3A_194 = tpu.memref_slice %arg4[%mul3A_187, %dma_start3A_193] : memref<250000x128xf32, #tpu.memory_space<hbm>> -> memref<32x128xf32, #tpu.memory_space<hbm>>
      %dma_start3A_195 = arith.constant 0 : i32
      %dma_start3A_196 = tpu.memref_slice %arg4[%mul3A_187, %dma_start3A_195] : memref<250000x128xf32, #tpu.memory_space<hbm>> -> memref<32x128xf32, #tpu.memory_space<hbm>>
      %dma_start3A_197 = arith.constant 0 : i32
      %dma_start3A_198 = arith.constant 0 : i32
      %dma_start3A_199 = tpu.memref_slice %arg6[%dma_start3A_188, %dma_start3A_197, %dma_start3A_198] : memref<2x32x128xf32, #tpu.memory_space<vmem>> -> memref<1x32x128xf32, #tpu.memory_space<vmem>>
      %dma_start3A_200 = tpu.memref_squeeze %dma_start3A_199 : memref<1x32x128xf32, #tpu.memory_space<vmem>> -> memref<32x128xf32, #tpu.memory_space<vmem>>
      tpu.enqueue_dma source(%dma_start3A_200 : memref<32x128xf32, #tpu.memory_space<vmem>>) target(%dma_start3A_196 : memref<32x128xf32, #tpu.memory_space<hbm>>) target_semaphore(%arg9 : memref<!tpu.dma_semaphore, #tpu.memory_space<semaphore_mem>>)
      %mul3A_201 = arith.constant 2 : i32
      %mul3A_202 = arith.muli %mul3A_201, %scan3A_151 : i32
      %add3A_203 = arith.addi %mul3A_96, %mul3A_202 : i32
      %add3A_204 = arith.constant 1 : i32
      %add3A_205 = arith.addi %add3A_203, %add3A_204 : i32
      %add3A_206 = arith.constant 1 : i32
      %add3A_207 = arith.addi %add3A_205, %add3A_206 : i32
      %add3A_208 = arith.constant 244 : i32
      %add3A_209 = arith.addi %mul3A_96, %add3A_208 : i32
      %lt3A_210 = arith.cmpi slt, %add3A_207, %add3A_209 : i32
      %convert_element_type3A_211 = arith.extui %lt3A_210 : i1 to i32
      %cond3A_212 = arith.constant 0 : i32
      %cond3A_213 = arith.cmpi ne, %convert_element_type3A_211, %cond3A_212 : i32
      scf.if %cond3A_213 {
        %mul3A_252 = arith.constant 128 : i32
        %mul3A_253 = arith.muli %add3A_207, %mul3A_252 : i32
        %dma_start3A_254 = arith.constant 0 : i32
        %dma_start3A_255 = arith.constant 0 : i32
        %dma_start3A_256 = arith.constant 0 : i32
        %dma_start3A_257 = tpu.memref_slice %arg5[%dma_start3A_254, %dma_start3A_255, %dma_start3A_256] : memref<2x32x128xf32, #tpu.memory_space<vmem>> -> memref<1x32x128xf32, #tpu.memory_space<vmem>>
        %dma_start3A_258 = tpu.memref_squeeze %dma_start3A_257 : memref<1x32x128xf32, #tpu.memory_space<vmem>> -> memref<32x128xf32, #tpu.memory_space<vmem>>
        %dma_start3A_259 = arith.constant 0 : i32
        %dma_start3A_260 = tpu.memref_slice %arg2[%dma_start3A_259, %mul3A_253] : memref<32x1000000xf32, #tpu.memory_space<hbm>> -> memref<32x128xf32, #tpu.memory_space<hbm>>
        %dma_start3A_261 = arith.constant 0 : i32
        %dma_start3A_262 = arith.constant 0 : i32
        %dma_start3A_263 = tpu.memref_slice %arg5[%dma_start3A_254, %dma_start3A_261, %dma_start3A_262] : memref<2x32x128xf32, #tpu.memory_space<vmem>> -> memref<1x32x128xf32, #tpu.memory_space<vmem>>
        %dma_start3A_264 = tpu.memref_squeeze %dma_start3A_263 : memref<1x32x128xf32, #tpu.memory_space<vmem>> -> memref<32x128xf32, #tpu.memory_space<vmem>>
        %dma_start3A_265 = arith.constant 0 : i32
        %dma_start3A_266 = tpu.memref_slice %arg2[%dma_start3A_265, %mul3A_253] : memref<32x1000000xf32, #tpu.memory_space<hbm>> -> memref<32x128xf32, #tpu.memory_space<hbm>>
        tpu.enqueue_dma source(%dma_start3A_266 : memref<32x128xf32, #tpu.memory_space<hbm>>) target(%dma_start3A_264 : memref<32x128xf32, #tpu.memory_space<vmem>>) target_semaphore(%arg7 : memref<!tpu.dma_semaphore, #tpu.memory_space<semaphore_mem>>)
      } else {
      }
      %mul3A_214 = arith.constant 128 : i32
      %mul3A_215 = arith.muli %add3A_205, %mul3A_214 : i32
      %dma_wait3A_216 = arith.constant 1 : i32
      %dma_wait3A_217 = arith.constant 0 : i32
      %dma_wait3A_218 = arith.constant 0 : i32
      %dma_wait3A_219 = tpu.memref_slice %arg5[%dma_wait3A_216, %dma_wait3A_217, %dma_wait3A_218] : memref<2x32x128xf32, #tpu.memory_space<vmem>> -> memref<1x32x128xf32, #tpu.memory_space<vmem>>
      %dma_wait3A_220 = tpu.memref_squeeze %dma_wait3A_219 : memref<1x32x128xf32, #tpu.memory_space<vmem>> -> memref<32x128xf32, #tpu.memory_space<vmem>>
      %dma_wait3A_221 = arith.constant 0 : i32
      %dma_wait3A_222 = tpu.memref_slice %arg2[%dma_wait3A_221, %mul3A_215] : memref<32x1000000xf32, #tpu.memory_space<hbm>> -> memref<32x128xf32, #tpu.memory_space<hbm>>
      %dma_wait3A_223 = arith.constant 0 : i32
      %dma_wait3A_224 = arith.constant 0 : i32
      %dma_wait3A_225 = tpu.memref_slice %arg5[%dma_wait3A_216, %dma_wait3A_223, %dma_wait3A_224] : memref<2x32x128xf32, #tpu.memory_space<vmem>> -> memref<1x32x128xf32, #tpu.memory_space<vmem>>
      %dma_wait3A_226 = tpu.memref_squeeze %dma_wait3A_225 : memref<1x32x128xf32, #tpu.memory_space<vmem>> -> memref<32x128xf32, #tpu.memory_space<vmem>>
      %dma_wait3A_227 = arith.constant 0 : i32
      %dma_wait3A_228 = tpu.memref_slice %arg2[%dma_wait3A_227, %mul3A_215] : memref<32x1000000xf32, #tpu.memory_space<hbm>> -> memref<32x128xf32, #tpu.memory_space<hbm>>
      tpu.wait_dma2 semaphore(%arg8 : memref<!tpu.dma_semaphore, #tpu.memory_space<semaphore_mem>>) src(%dma_wait3A_228 : memref<32x128xf32, #tpu.memory_space<hbm>>) dst(%dma_wait3A_226 : memref<32x128xf32, #tpu.memory_space<vmem>>)
      %gt3A_229 = arith.constant 0 : i32
      %gt3A_230 = arith.cmpi sgt, %scan3A_151, %gt3A_229 : i32
      %convert_element_type3A_231 = arith.extui %gt3A_230 : i1 to i32
      %cond3A_232 = arith.constant 0 : i32
      %cond3A_233 = arith.cmpi ne, %convert_element_type3A_231, %cond3A_232 : i32
      scf.if %cond3A_233 {
        %mul3A_252 = arith.constant 32 : i32
        %mul3A_253 = arith.muli %add3A_205, %mul3A_252 : i32
        %dma_wait3A_254 = arith.constant 1 : i32
        %dma_wait3A_255 = arith.constant 0 : i32
        %dma_wait3A_256 = arith.constant 0 : i32
        %dma_wait3A_257 = tpu.memref_slice %arg6[%dma_wait3A_254, %dma_wait3A_255, %dma_wait3A_256] : memref<2x32x128xf32, #tpu.memory_space<vmem>> -> memref<1x32x128xf32, #tpu.memory_space<vmem>>
        %dma_wait3A_258 = tpu.memref_squeeze %dma_wait3A_257 : memref<1x32x128xf32, #tpu.memory_space<vmem>> -> memref<32x128xf32, #tpu.memory_space<vmem>>
        %dma_wait3A_259 = arith.constant 0 : i32
        %dma_wait3A_260 = tpu.memref_slice %arg4[%mul3A_253, %dma_wait3A_259] : memref<250000x128xf32, #tpu.memory_space<hbm>> -> memref<32x128xf32, #tpu.memory_space<hbm>>
        %dma_wait3A_261 = arith.constant 0 : i32
        %dma_wait3A_262 = tpu.memref_slice %arg4[%mul3A_253, %dma_wait3A_261] : memref<250000x128xf32, #tpu.memory_space<hbm>> -> memref<32x128xf32, #tpu.memory_space<hbm>>
        %dma_wait3A_263 = arith.constant 0 : i32
        %dma_wait3A_264 = arith.constant 0 : i32
        %dma_wait3A_265 = tpu.memref_slice %arg6[%dma_wait3A_254, %dma_wait3A_263, %dma_wait3A_264] : memref<2x32x128xf32, #tpu.memory_space<vmem>> -> memref<1x32x128xf32, #tpu.memory_space<vmem>>
        %dma_wait3A_266 = tpu.memref_squeeze %dma_wait3A_265 : memref<1x32x128xf32, #tpu.memory_space<vmem>> -> memref<32x128xf32, #tpu.memory_space<vmem>>
        tpu.wait_dma2 semaphore(%arg10 : memref<!tpu.dma_semaphore, #tpu.memory_space<semaphore_mem>>) src(%dma_wait3A_266 : memref<32x128xf32, #tpu.memory_space<vmem>>) dst(%dma_wait3A_262 : memref<32x128xf32, #tpu.memory_space<hbm>>)
      } else {
      }
      %parallel_loop3A_234 = arith.constant 0 : i32
      %parallel_loop3A_235 = arith.constant 32 : i32
      %parallel_loop3A_236 = arith.constant 1 : i32
      scf.for %parallel_loop3A_252 = %parallel_loop3A_234 to %parallel_loop3A_235 step %parallel_loop3A_236  : i32 {
        %parallel_loop3A_253 = arith.constant 4 : i32
        %parallel_loop3A_254 = arith.muli %parallel_loop3A_253, %parallel_loop3A_252 : i32
        %parallel_loop3A_255 = vector.broadcast %parallel_loop3A_254 : i32 to vector<16xi32>
        %parallel_loop3A_256 = arith.constant 1 : i32
        %parallel_loop3A_257 = arith.index_cast %parallel_loop3A_256 : i32 to index
        %parallel_loop3A_258 = arith.index_cast %parallel_loop3A_252 : i32 to index
        %parallel_loop3A_259 = arith.constant 0 : index
        %parallel_loop3A_260 = tpu.vector_load %arg5[%parallel_loop3A_257, %parallel_loop3A_258, %parallel_loop3A_259] {strides = array<i32>} : memref<2x32x128xf32, #tpu.memory_space<vmem>>, vector<16xf32>,
        %parallel_loop3A_261 = arith.addi %and3A_52, %parallel_loop3A_255 : vector<16xi32>
        %parallel_loop3A_262 = arith.constant 1 : i32
        %parallel_loop3A_263 = arith.constant 0 : i32
        %parallel_loop3A_264 = arith.constant 0 : i32
        %parallel_loop3A_265 = tpu.memref_slice %arg6[%parallel_loop3A_262, %parallel_loop3A_263, %parallel_loop3A_264] : memref<2x32x128xf32, #tpu.memory_space<vmem>> -> memref<1x32x128xf32, #tpu.memory_space<vmem>>
        %parallel_loop3A_266 = tpu.memref_squeeze %parallel_loop3A_265 : memref<1x32x128xf32, #tpu.memory_space<vmem>> -> memref<32x128xf32, #tpu.memory_space<vmem>>
        tpu.vector_store_idx %parallel_loop3A_266[%shift_right_logical3A_5, %parallel_loop3A_261], %parallel_loop3A_260 : memref<32x128xf32, #tpu.memory_space<vmem>>[vector<16xi32>, vector<16xi32>], vector<16xf32>,
        %parallel_loop3A_267 = arith.constant 1 : i32
        %parallel_loop3A_268 = arith.index_cast %parallel_loop3A_267 : i32 to index
        %parallel_loop3A_269 = arith.index_cast %parallel_loop3A_252 : i32 to index
        %parallel_loop3A_270 = arith.constant 16 : index
        %parallel_loop3A_271 = tpu.vector_load %arg5[%parallel_loop3A_268, %parallel_loop3A_269, %parallel_loop3A_270] {strides = array<i32>} : memref<2x32x128xf32, #tpu.memory_space<vmem>>, vector<16xf32>,
        %parallel_loop3A_272 = arith.addi %and3A_58, %parallel_loop3A_255 : vector<16xi32>
        %parallel_loop3A_273 = arith.constant 1 : i32
        %parallel_loop3A_274 = arith.constant 0 : i32
        %parallel_loop3A_275 = arith.constant 0 : i32
        %parallel_loop3A_276 = tpu.memref_slice %arg6[%parallel_loop3A_273, %parallel_loop3A_274, %parallel_loop3A_275] : memref<2x32x128xf32, #tpu.memory_space<vmem>> -> memref<1x32x128xf32, #tpu.memory_space<vmem>>
        %parallel_loop3A_277 = tpu.memref_squeeze %parallel_loop3A_276 : memref<1x32x128xf32, #tpu.memory_space<vmem>> -> memref<32x128xf32, #tpu.memory_space<vmem>>
        tpu.vector_store_idx %parallel_loop3A_277[%shift_right_logical3A_11, %parallel_loop3A_272], %parallel_loop3A_271 : memref<32x128xf32, #tpu.memory_space<vmem>>[vector<16xi32>, vector<16xi32>], vector<16xf32>,
        %parallel_loop3A_278 = arith.constant 1 : i32
        %parallel_loop3A_279 = arith.index_cast %parallel_loop3A_278 : i32 to index
        %parallel_loop3A_280 = arith.index_cast %parallel_loop3A_252 : i32 to index
        %parallel_loop3A_281 = arith.constant 32 : index
        %parallel_loop3A_282 = tpu.vector_load %arg5[%parallel_loop3A_279, %parallel_loop3A_280, %parallel_loop3A_281] {strides = array<i32>} : memref<2x32x128xf32, #tpu.memory_space<vmem>>, vector<16xf32>,
        %parallel_loop3A_283 = arith.addi %and3A_64, %parallel_loop3A_255 : vector<16xi32>
        %parallel_loop3A_284 = arith.constant 1 : i32
        %parallel_loop3A_285 = arith.constant 0 : i32
        %parallel_loop3A_286 = arith.constant 0 : i32
        %parallel_loop3A_287 = tpu.memref_slice %arg6[%parallel_loop3A_284, %parallel_loop3A_285, %parallel_loop3A_286] : memref<2x32x128xf32, #tpu.memory_space<vmem>> -> memref<1x32x128xf32, #tpu.memory_space<vmem>>
        %parallel_loop3A_288 = tpu.memref_squeeze %parallel_loop3A_287 : memref<1x32x128xf32, #tpu.memory_space<vmem>> -> memref<32x128xf32, #tpu.memory_space<vmem>>
        tpu.vector_store_idx %parallel_loop3A_288[%shift_right_logical3A_17, %parallel_loop3A_283], %parallel_loop3A_282 : memref<32x128xf32, #tpu.memory_space<vmem>>[vector<16xi32>, vector<16xi32>], vector<16xf32>,
        %parallel_loop3A_289 = arith.constant 1 : i32
        %parallel_loop3A_290 = arith.index_cast %parallel_loop3A_289 : i32 to index
        %parallel_loop3A_291 = arith.index_cast %parallel_loop3A_252 : i32 to index
        %parallel_loop3A_292 = arith.constant 48 : index
        %parallel_loop3A_293 = tpu.vector_load %arg5[%parallel_loop3A_290, %parallel_loop3A_291, %parallel_loop3A_292] {strides = array<i32>} : memref<2x32x128xf32, #tpu.memory_space<vmem>>, vector<16xf32>,
        %parallel_loop3A_294 = arith.addi %and3A_70, %parallel_loop3A_255 : vector<16xi32>
        %parallel_loop3A_295 = arith.constant 1 : i32
        %parallel_loop3A_296 = arith.constant 0 : i32
        %parallel_loop3A_297 = arith.constant 0 : i32
        %parallel_loop3A_298 = tpu.memref_slice %arg6[%parallel_loop3A_295, %parallel_loop3A_296, %parallel_loop3A_297] : memref<2x32x128xf32, #tpu.memory_space<vmem>> -> memref<1x32x128xf32, #tpu.memory_space<vmem>>
        %parallel_loop3A_299 = tpu.memref_squeeze %parallel_loop3A_298 : memref<1x32x128xf32, #tpu.memory_space<vmem>> -> memref<32x128xf32, #tpu.memory_space<vmem>>
        tpu.vector_store_idx %parallel_loop3A_299[%shift_right_logical3A_23, %parallel_loop3A_294], %parallel_loop3A_293 : memref<32x128xf32, #tpu.memory_space<vmem>>[vector<16xi32>, vector<16xi32>], vector<16xf32>,
        %parallel_loop3A_300 = arith.constant 1 : i32
        %parallel_loop3A_301 = arith.index_cast %parallel_loop3A_300 : i32 to index
        %parallel_loop3A_302 = arith.index_cast %parallel_loop3A_252 : i32 to index
        %parallel_loop3A_303 = arith.constant 64 : index
        %parallel_loop3A_304 = tpu.vector_load %arg5[%parallel_loop3A_301, %parallel_loop3A_302, %parallel_loop3A_303] {strides = array<i32>} : memref<2x32x128xf32, #tpu.memory_space<vmem>>, vector<16xf32>,
        %parallel_loop3A_305 = arith.addi %and3A_76, %parallel_loop3A_255 : vector<16xi32>
        %parallel_loop3A_306 = arith.constant 1 : i32
        %parallel_loop3A_307 = arith.constant 0 : i32
        %parallel_loop3A_308 = arith.constant 0 : i32
        %parallel_loop3A_309 = tpu.memref_slice %arg6[%parallel_loop3A_306, %parallel_loop3A_307, %parallel_loop3A_308] : memref<2x32x128xf32, #tpu.memory_space<vmem>> -> memref<1x32x128xf32, #tpu.memory_space<vmem>>
        %parallel_loop3A_310 = tpu.memref_squeeze %parallel_loop3A_309 : memref<1x32x128xf32, #tpu.memory_space<vmem>> -> memref<32x128xf32, #tpu.memory_space<vmem>>
        tpu.vector_store_idx %parallel_loop3A_310[%shift_right_logical3A_29, %parallel_loop3A_305], %parallel_loop3A_304 : memref<32x128xf32, #tpu.memory_space<vmem>>[vector<16xi32>, vector<16xi32>], vector<16xf32>,
        %parallel_loop3A_311 = arith.constant 1 : i32
        %parallel_loop3A_312 = arith.index_cast %parallel_loop3A_311 : i32 to index
        %parallel_loop3A_313 = arith.index_cast %parallel_loop3A_252 : i32 to index
        %parallel_loop3A_314 = arith.constant 80 : index
        %parallel_loop3A_315 = tpu.vector_load %arg5[%parallel_loop3A_312, %parallel_loop3A_313, %parallel_loop3A_314] {strides = array<i32>} : memref<2x32x128xf32, #tpu.memory_space<vmem>>, vector<16xf32>,
        %parallel_loop3A_316 = arith.addi %and3A_82, %parallel_loop3A_255 : vector<16xi32>
        %parallel_loop3A_317 = arith.constant 1 : i32
        %parallel_loop3A_318 = arith.constant 0 : i32
        %parallel_loop3A_319 = arith.constant 0 : i32
        %parallel_loop3A_320 = tpu.memref_slice %arg6[%parallel_loop3A_317, %parallel_loop3A_318, %parallel_loop3A_319] : memref<2x32x128xf32, #tpu.memory_space<vmem>> -> memref<1x32x128xf32, #tpu.memory_space<vmem>>
        %parallel_loop3A_321 = tpu.memref_squeeze %parallel_loop3A_320 : memref<1x32x128xf32, #tpu.memory_space<vmem>> -> memref<32x128xf32, #tpu.memory_space<vmem>>
        tpu.vector_store_idx %parallel_loop3A_321[%shift_right_logical3A_35, %parallel_loop3A_316], %parallel_loop3A_315 : memref<32x128xf32, #tpu.memory_space<vmem>>[vector<16xi32>, vector<16xi32>], vector<16xf32>,
        %parallel_loop3A_322 = arith.constant 1 : i32
        %parallel_loop3A_323 = arith.index_cast %parallel_loop3A_322 : i32 to index
        %parallel_loop3A_324 = arith.index_cast %parallel_loop3A_252 : i32 to index
        %parallel_loop3A_325 = arith.constant 96 : index
        %parallel_loop3A_326 = tpu.vector_load %arg5[%parallel_loop3A_323, %parallel_loop3A_324, %parallel_loop3A_325] {strides = array<i32>} : memref<2x32x128xf32, #tpu.memory_space<vmem>>, vector<16xf32>,
        %parallel_loop3A_327 = arith.addi %and3A_88, %parallel_loop3A_255 : vector<16xi32>
        %parallel_loop3A_328 = arith.constant 1 : i32
        %parallel_loop3A_329 = arith.constant 0 : i32
        %parallel_loop3A_330 = arith.constant 0 : i32
        %parallel_loop3A_331 = tpu.memref_slice %arg6[%parallel_loop3A_328, %parallel_loop3A_329, %parallel_loop3A_330] : memref<2x32x128xf32, #tpu.memory_space<vmem>> -> memref<1x32x128xf32, #tpu.memory_space<vmem>>
        %parallel_loop3A_332 = tpu.memref_squeeze %parallel_loop3A_331 : memref<1x32x128xf32, #tpu.memory_space<vmem>> -> memref<32x128xf32, #tpu.memory_space<vmem>>
        tpu.vector_store_idx %parallel_loop3A_332[%shift_right_logical3A_41, %parallel_loop3A_327], %parallel_loop3A_326 : memref<32x128xf32, #tpu.memory_space<vmem>>[vector<16xi32>, vector<16xi32>], vector<16xf32>,
        %parallel_loop3A_333 = arith.constant 1 : i32
        %parallel_loop3A_334 = arith.index_cast %parallel_loop3A_333 : i32 to index
        %parallel_loop3A_335 = arith.index_cast %parallel_loop3A_252 : i32 to index
        %parallel_loop3A_336 = arith.constant 112 : index
        %parallel_loop3A_337 = tpu.vector_load %arg5[%parallel_loop3A_334, %parallel_loop3A_335, %parallel_loop3A_336] {strides = array<i32>} : memref<2x32x128xf32, #tpu.memory_space<vmem>>, vector<16xf32>,
        %parallel_loop3A_338 = arith.addi %and3A_94, %parallel_loop3A_255 : vector<16xi32>
        %parallel_loop3A_339 = arith.constant 1 : i32
        %parallel_loop3A_340 = arith.constant 0 : i32
        %parallel_loop3A_341 = arith.constant 0 : i32
        %parallel_loop3A_342 = tpu.memref_slice %arg6[%parallel_loop3A_339, %parallel_loop3A_340, %parallel_loop3A_341] : memref<2x32x128xf32, #tpu.memory_space<vmem>> -> memref<1x32x128xf32, #tpu.memory_space<vmem>>
        %parallel_loop3A_343 = tpu.memref_squeeze %parallel_loop3A_342 : memref<1x32x128xf32, #tpu.memory_space<vmem>> -> memref<32x128xf32, #tpu.memory_space<vmem>>
        tpu.vector_store_idx %parallel_loop3A_343[%shift_right_logical3A_47, %parallel_loop3A_338], %parallel_loop3A_337 : memref<32x128xf32, #tpu.memory_space<vmem>>[vector<16xi32>, vector<16xi32>], vector<16xf32>,
      } {sc.loop_unroll_factor = 4 : i64, sc.parallel_access}
      %mul3A_237 = arith.constant 32 : i32
      %mul3A_238 = arith.muli %add3A_205, %mul3A_237 : i32
      %dma_start3A_239 = arith.constant 1 : i32
      %dma_start3A_240 = arith.constant 0 : i32
      %dma_start3A_241 = arith.constant 0 : i32
      %dma_start3A_242 = tpu.memref_slice %arg6[%dma_start3A_239, %dma_start3A_240, %dma_start3A_241] : memref<2x32x128xf32, #tpu.memory_space<vmem>> -> memref<1x32x128xf32, #tpu.memory_space<vmem>>
      %dma_start3A_243 = tpu.memref_squeeze %dma_start3A_242 : memref<1x32x128xf32, #tpu.memory_space<vmem>> -> memref<32x128xf32, #tpu.memory_space<vmem>>
      %dma_start3A_244 = arith.constant 0 : i32
      %dma_start3A_245 = tpu.memref_slice %arg4[%mul3A_238, %dma_start3A_244] : memref<250000x128xf32, #tpu.memory_space<hbm>> -> memref<32x128xf32, #tpu.memory_space<hbm>>
      %dma_start3A_246 = arith.constant 0 : i32
      %dma_start3A_247 = tpu.memref_slice %arg4[%mul3A_238, %dma_start3A_246] : memref<250000x128xf32, #tpu.memory_space<hbm>> -> memref<32x128xf32, #tpu.memory_space<hbm>>
      %dma_start3A_248 = arith.constant 0 : i32
      %dma_start3A_249 = arith.constant 0 : i32
      %dma_start3A_250 = tpu.memref_slice %arg6[%dma_start3A_239, %dma_start3A_248, %dma_start3A_249] : memref<2x32x128xf32, #tpu.memory_space<vmem>> -> memref<1x32x128xf32, #tpu.memory_space<vmem>>
      %dma_start3A_251 = tpu.memref_squeeze %dma_start3A_250 : memref<1x32x128xf32, #tpu.memory_space<vmem>> -> memref<32x128xf32, #tpu.memory_space<vmem>>
      tpu.enqueue_dma source(%dma_start3A_251 : memref<32x128xf32, #tpu.memory_space<vmem>>) target(%dma_start3A_247 : memref<32x128xf32, #tpu.memory_space<hbm>>) target_semaphore(%arg10 : memref<!tpu.dma_semaphore, #tpu.memory_space<semaphore_mem>>)
    }
    %scan3A_115 = arith.constant 122 : i32
    %dma_wait3A = arith.constant 0 : i32
    %dma_wait3A_116 = arith.constant 0 : i32
    %dma_wait3A_117 = arith.constant 0 : i32
    %dma_wait3A_118 = tpu.memref_slice %arg6[%dma_wait3A, %dma_wait3A_116, %dma_wait3A_117] : memref<2x32x128xf32, #tpu.memory_space<vmem>> -> memref<1x32x128xf32, #tpu.memory_space<vmem>>
    %dma_wait3A_119 = tpu.memref_squeeze %dma_wait3A_118 : memref<1x32x128xf32, #tpu.memory_space<vmem>> -> memref<32x128xf32, #tpu.memory_space<vmem>>
    %dma_wait3A_120 = arith.constant 0 : i32
    %dma_wait3A_121 = arith.constant 0 : i32
    %dma_wait3A_122 = tpu.memref_slice %arg4[%dma_wait3A_120, %dma_wait3A_121] : memref<250000x128xf32, #tpu.memory_space<hbm>> -> memref<32x128xf32, #tpu.memory_space<hbm>>
    %dma_wait3A_123 = arith.constant 0 : i32
    %dma_wait3A_124 = arith.constant 0 : i32
    %dma_wait3A_125 = tpu.memref_slice %arg4[%dma_wait3A_123, %dma_wait3A_124] : memref<250000x128xf32, #tpu.memory_space<hbm>> -> memref<32x128xf32, #tpu.memory_space<hbm>>
    %dma_wait3A_126 = arith.constant 0 : i32
    %dma_wait3A_127 = arith.constant 0 : i32
    %dma_wait3A_128 = tpu.memref_slice %arg6[%dma_wait3A, %dma_wait3A_126, %dma_wait3A_127] : memref<2x32x128xf32, #tpu.memory_space<vmem>> -> memref<1x32x128xf32, #tpu.memory_space<vmem>>
    %dma_wait3A_129 = tpu.memref_squeeze %dma_wait3A_128 : memref<1x32x128xf32, #tpu.memory_space<vmem>> -> memref<32x128xf32, #tpu.memory_space<vmem>>
    tpu.wait_dma2 semaphore(%arg9 : memref<!tpu.dma_semaphore, #tpu.memory_space<semaphore_mem>>) src(%dma_wait3A_129 : memref<32x128xf32, #tpu.memory_space<vmem>>) dst(%dma_wait3A_125 : memref<32x128xf32, #tpu.memory_space<hbm>>)
    %dma_wait3A_130 = arith.constant 1 : i32
    %dma_wait3A_131 = arith.constant 0 : i32
    %dma_wait3A_132 = arith.constant 0 : i32
    %dma_wait3A_133 = tpu.memref_slice %arg6[%dma_wait3A_130, %dma_wait3A_131, %dma_wait3A_132] : memref<2x32x128xf32, #tpu.memory_space<vmem>> -> memref<1x32x128xf32, #tpu.memory_space<vmem>>
    %dma_wait3A_134 = tpu.memref_squeeze %dma_wait3A_133 : memref<1x32x128xf32, #tpu.memory_space<vmem>> -> memref<32x128xf32, #tpu.memory_space<vmem>>
    %dma_wait3A_135 = arith.constant 0 : i32
    %dma_wait3A_136 = arith.constant 0 : i32
    %dma_wait3A_137 = tpu.memref_slice %arg4[%dma_wait3A_135, %dma_wait3A_136] : memref<250000x128xf32, #tpu.memory_space<hbm>> -> memref<32x128xf32, #tpu.memory_space<hbm>>
    %dma_wait3A_138 = arith.constant 0 : i32
    %dma_wait3A_139 = arith.constant 0 : i32
    %dma_wait3A_140 = tpu.memref_slice %arg4[%dma_wait3A_138, %dma_wait3A_139] : memref<250000x128xf32, #tpu.memory_space<hbm>> -> memref<32x128xf32, #tpu.memory_space<hbm>>
    %dma_wait3A_141 = arith.constant 0 : i32
    %dma_wait3A_142 = arith.constant 0 : i32
    %dma_wait3A_143 = tpu.memref_slice %arg6[%dma_wait3A_130, %dma_wait3A_141, %dma_wait3A_142] : memref<2x32x128xf32, #tpu.memory_space<vmem>> -> memref<1x32x128xf32, #tpu.memory_space<vmem>>
    %dma_wait3A_144 = tpu.memref_squeeze %dma_wait3A_143 : memref<1x32x128xf32, #tpu.memory_space<vmem>> -> memref<32x128xf32, #tpu.memory_space<vmem>>
    tpu.wait_dma2 semaphore(%arg10 : memref<!tpu.dma_semaphore, #tpu.memory_space<semaphore_mem>>) src(%dma_wait3A_144 : memref<32x128xf32, #tpu.memory_space<vmem>>) dst(%dma_wait3A_140 : memref<32x128xf32, #tpu.memory_space<hbm>>)
    %lt3A = arith.constant 4 : i32
    %lt3A_145 = arith.cmpi slt, %add3A, %lt3A : i32
    %convert_element_type3A = arith.extui %lt3A_145 : i1 to i32
    %cond3A = arith.constant 0 : i32
    %cond3A_146 = arith.cmpi ne, %convert_element_type3A, %cond3A : i32
    scf.if %cond3A_146 {
      %add3A_151 = arith.constant 7808 : i32
      %add3A_152 = arith.addi %add3A_151, %add3A : i32
      %mul3A_153 = arith.constant 128 : i32
      %mul3A_154 = arith.muli %add3A_152, %mul3A_153 : i32
      %run_scoped3A = arith.constant 0 : i32
      "tpu.region"() ({
        %run_scoped3A_160 = tpu.sem_alloc : memref<!tpu.dma_semaphore, #tpu.memory_space<semaphore_mem>>
        %dma_start3A_161 = arith.constant 0 : i32
        %dma_start3A_162 = arith.constant 0 : i32
        %dma_start3A_163 = tpu.memref_slice %arg5[%run_scoped3A, %dma_start3A_161, %dma_start3A_162] : memref<2x32x128xf32, #tpu.memory_space<vmem>> -> memref<1x32x128xf32, #tpu.memory_space<vmem>>
        %dma_start3A_164 = tpu.memref_squeeze %dma_start3A_163 : memref<1x32x128xf32, #tpu.memory_space<vmem>> -> memref<32x128xf32, #tpu.memory_space<vmem>>
        %dma_start3A_165 = arith.constant 0 : i32
        %dma_start3A_166 = tpu.memref_slice %arg2[%dma_start3A_165, %mul3A_154] : memref<32x1000000xf32, #tpu.memory_space<hbm>> -> memref<32x128xf32, #tpu.memory_space<hbm>>
        %dma_start3A_167 = arith.constant 0 : i32
        %dma_start3A_168 = arith.constant 0 : i32
        %dma_start3A_169 = tpu.memref_slice %arg5[%run_scoped3A, %dma_start3A_167, %dma_start3A_168] : memref<2x32x128xf32, #tpu.memory_space<vmem>> -> memref<1x32x128xf32, #tpu.memory_space<vmem>>
        %dma_start3A_170 = tpu.memref_squeeze %dma_start3A_169 : memref<1x32x128xf32, #tpu.memory_space<vmem>> -> memref<32x128xf32, #tpu.memory_space<vmem>>
        %dma_start3A_171 = arith.constant 0 : i32
        %dma_start3A_172 = tpu.memref_slice %arg2[%dma_start3A_171, %mul3A_154] : memref<32x1000000xf32, #tpu.memory_space<hbm>> -> memref<32x128xf32, #tpu.memory_space<hbm>>
        tpu.enqueue_dma source(%dma_start3A_172 : memref<32x128xf32, #tpu.memory_space<hbm>>) target(%dma_start3A_170 : memref<32x128xf32, #tpu.memory_space<vmem>>) target_semaphore(%run_scoped3A_160 : memref<!tpu.dma_semaphore, #tpu.memory_space<semaphore_mem>>)
        %dma_wait3A_173 = arith.constant 0 : i32
        %dma_wait3A_174 = arith.constant 0 : i32
        %dma_wait3A_175 = tpu.memref_slice %arg5[%run_scoped3A, %dma_wait3A_173, %dma_wait3A_174] : memref<2x32x128xf32, #tpu.memory_space<vmem>> -> memref<1x32x128xf32, #tpu.memory_space<vmem>>
        %dma_wait3A_176 = tpu.memref_squeeze %dma_wait3A_175 : memref<1x32x128xf32, #tpu.memory_space<vmem>> -> memref<32x128xf32, #tpu.memory_space<vmem>>
        %dma_wait3A_177 = arith.constant 0 : i32
        %dma_wait3A_178 = tpu.memref_slice %arg2[%dma_wait3A_177, %mul3A_154] : memref<32x1000000xf32, #tpu.memory_space<hbm>> -> memref<32x128xf32, #tpu.memory_space<hbm>>
        %dma_wait3A_179 = arith.constant 0 : i32
        %dma_wait3A_180 = arith.constant 0 : i32
        %dma_wait3A_181 = tpu.memref_slice %arg5[%run_scoped3A, %dma_wait3A_179, %dma_wait3A_180] : memref<2x32x128xf32, #tpu.memory_space<vmem>> -> memref<1x32x128xf32, #tpu.memory_space<vmem>>
        %dma_wait3A_182 = tpu.memref_squeeze %dma_wait3A_181 : memref<1x32x128xf32, #tpu.memory_space<vmem>> -> memref<32x128xf32, #tpu.memory_space<vmem>>
        %dma_wait3A_183 = arith.constant 0 : i32
        %dma_wait3A_184 = tpu.memref_slice %arg2[%dma_wait3A_183, %mul3A_154] : memref<32x1000000xf32, #tpu.memory_space<hbm>> -> memref<32x128xf32, #tpu.memory_space<hbm>>
        tpu.wait_dma2 semaphore(%run_scoped3A_160 : memref<!tpu.dma_semaphore, #tpu.memory_space<semaphore_mem>>) src(%dma_wait3A_184 : memref<32x128xf32, #tpu.memory_space<hbm>>) dst(%dma_wait3A_182 : memref<32x128xf32, #tpu.memory_space<vmem>>)
        tpu.yield
      }) : () -> ()
      %parallel_loop3A = arith.constant 0 : i32
      %parallel_loop3A_155 = arith.constant 32 : i32
      %parallel_loop3A_156 = arith.constant 1 : i32
      scf.for %parallel_loop3A_160 = %parallel_loop3A to %parallel_loop3A_155 step %parallel_loop3A_156  : i32 {
        %parallel_loop3A_161 = arith.constant 4 : i32
        %parallel_loop3A_162 = arith.muli %parallel_loop3A_161, %parallel_loop3A_160 : i32
        %parallel_loop3A_163 = vector.broadcast %parallel_loop3A_162 : i32 to vector<16xi32>
        %parallel_loop3A_164 = arith.constant 0 : i32
        %parallel_loop3A_165 = arith.index_cast %parallel_loop3A_164 : i32 to index
        %parallel_loop3A_166 = arith.index_cast %parallel_loop3A_160 : i32 to index
        %parallel_loop3A_167 = arith.constant 0 : index
        %parallel_loop3A_168 = tpu.vector_load %arg5[%parallel_loop3A_165, %parallel_loop3A_166, %parallel_loop3A_167] {strides = array<i32>} : memref<2x32x128xf32, #tpu.memory_space<vmem>>, vector<16xf32>,
        %parallel_loop3A_169 = arith.addi %and3A_52, %parallel_loop3A_163 : vector<16xi32>
        %parallel_loop3A_170 = arith.constant 0 : i32
        %parallel_loop3A_171 = arith.constant 0 : i32
        %parallel_loop3A_172 = arith.constant 0 : i32
        %parallel_loop3A_173 = tpu.memref_slice %arg6[%parallel_loop3A_170, %parallel_loop3A_171, %parallel_loop3A_172] : memref<2x32x128xf32, #tpu.memory_space<vmem>> -> memref<1x32x128xf32, #tpu.memory_space<vmem>>
        %parallel_loop3A_174 = tpu.memref_squeeze %parallel_loop3A_173 : memref<1x32x128xf32, #tpu.memory_space<vmem>> -> memref<32x128xf32, #tpu.memory_space<vmem>>
        tpu.vector_store_idx %parallel_loop3A_174[%shift_right_logical3A_5, %parallel_loop3A_169], %parallel_loop3A_168 : memref<32x128xf32, #tpu.memory_space<vmem>>[vector<16xi32>, vector<16xi32>], vector<16xf32>,
        %parallel_loop3A_175 = arith.constant 0 : i32
        %parallel_loop3A_176 = arith.index_cast %parallel_loop3A_175 : i32 to index
        %parallel_loop3A_177 = arith.index_cast %parallel_loop3A_160 : i32 to index
        %parallel_loop3A_178 = arith.constant 16 : index
        %parallel_loop3A_179 = tpu.vector_load %arg5[%parallel_loop3A_176, %parallel_loop3A_177, %parallel_loop3A_178] {strides = array<i32>} : memref<2x32x128xf32, #tpu.memory_space<vmem>>, vector<16xf32>,
        %parallel_loop3A_180 = arith.addi %and3A_58, %parallel_loop3A_163 : vector<16xi32>
        %parallel_loop3A_181 = arith.constant 0 : i32
        %parallel_loop3A_182 = arith.constant 0 : i32
        %parallel_loop3A_183 = arith.constant 0 : i32
        %parallel_loop3A_184 = tpu.memref_slice %arg6[%parallel_loop3A_181, %parallel_loop3A_182, %parallel_loop3A_183] : memref<2x32x128xf32, #tpu.memory_space<vmem>> -> memref<1x32x128xf32, #tpu.memory_space<vmem>>
        %parallel_loop3A_185 = tpu.memref_squeeze %parallel_loop3A_184 : memref<1x32x128xf32, #tpu.memory_space<vmem>> -> memref<32x128xf32, #tpu.memory_space<vmem>>
        tpu.vector_store_idx %parallel_loop3A_185[%shift_right_logical3A_11, %parallel_loop3A_180], %parallel_loop3A_179 : memref<32x128xf32, #tpu.memory_space<vmem>>[vector<16xi32>, vector<16xi32>], vector<16xf32>,
        %parallel_loop3A_186 = arith.constant 0 : i32
        %parallel_loop3A_187 = arith.index_cast %parallel_loop3A_186 : i32 to index
        %parallel_loop3A_188 = arith.index_cast %parallel_loop3A_160 : i32 to index
        %parallel_loop3A_189 = arith.constant 32 : index
        %parallel_loop3A_190 = tpu.vector_load %arg5[%parallel_loop3A_187, %parallel_loop3A_188, %parallel_loop3A_189] {strides = array<i32>} : memref<2x32x128xf32, #tpu.memory_space<vmem>>, vector<16xf32>,
        %parallel_loop3A_191 = arith.addi %and3A_64, %parallel_loop3A_163 : vector<16xi32>
        %parallel_loop3A_192 = arith.constant 0 : i32
        %parallel_loop3A_193 = arith.constant 0 : i32
        %parallel_loop3A_194 = arith.constant 0 : i32
        %parallel_loop3A_195 = tpu.memref_slice %arg6[%parallel_loop3A_192, %parallel_loop3A_193, %parallel_loop3A_194] : memref<2x32x128xf32, #tpu.memory_space<vmem>> -> memref<1x32x128xf32, #tpu.memory_space<vmem>>
        %parallel_loop3A_196 = tpu.memref_squeeze %parallel_loop3A_195 : memref<1x32x128xf32, #tpu.memory_space<vmem>> -> memref<32x128xf32, #tpu.memory_space<vmem>>
        tpu.vector_store_idx %parallel_loop3A_196[%shift_right_logical3A_17, %parallel_loop3A_191], %parallel_loop3A_190 : memref<32x128xf32, #tpu.memory_space<vmem>>[vector<16xi32>, vector<16xi32>], vector<16xf32>,
        %parallel_loop3A_197 = arith.constant 0 : i32
        %parallel_loop3A_198 = arith.index_cast %parallel_loop3A_197 : i32 to index
        %parallel_loop3A_199 = arith.index_cast %parallel_loop3A_160 : i32 to index
        %parallel_loop3A_200 = arith.constant 48 : index
        %parallel_loop3A_201 = tpu.vector_load %arg5[%parallel_loop3A_198, %parallel_loop3A_199, %parallel_loop3A_200] {strides = array<i32>} : memref<2x32x128xf32, #tpu.memory_space<vmem>>, vector<16xf32>,
        %parallel_loop3A_202 = arith.addi %and3A_70, %parallel_loop3A_163 : vector<16xi32>
        %parallel_loop3A_203 = arith.constant 0 : i32
        %parallel_loop3A_204 = arith.constant 0 : i32
        %parallel_loop3A_205 = arith.constant 0 : i32
        %parallel_loop3A_206 = tpu.memref_slice %arg6[%parallel_loop3A_203, %parallel_loop3A_204, %parallel_loop3A_205] : memref<2x32x128xf32, #tpu.memory_space<vmem>> -> memref<1x32x128xf32, #tpu.memory_space<vmem>>
        %parallel_loop3A_207 = tpu.memref_squeeze %parallel_loop3A_206 : memref<1x32x128xf32, #tpu.memory_space<vmem>> -> memref<32x128xf32, #tpu.memory_space<vmem>>
        tpu.vector_store_idx %parallel_loop3A_207[%shift_right_logical3A_23, %parallel_loop3A_202], %parallel_loop3A_201 : memref<32x128xf32, #tpu.memory_space<vmem>>[vector<16xi32>, vector<16xi32>], vector<16xf32>,
        %parallel_loop3A_208 = arith.constant 0 : i32
        %parallel_loop3A_209 = arith.index_cast %parallel_loop3A_208 : i32 to index
        %parallel_loop3A_210 = arith.index_cast %parallel_loop3A_160 : i32 to index
        %parallel_loop3A_211 = arith.constant 64 : index
        %parallel_loop3A_212 = tpu.vector_load %arg5[%parallel_loop3A_209, %parallel_loop3A_210, %parallel_loop3A_211] {strides = array<i32>} : memref<2x32x128xf32, #tpu.memory_space<vmem>>, vector<16xf32>,
        %parallel_loop3A_213 = arith.addi %and3A_76, %parallel_loop3A_163 : vector<16xi32>
        %parallel_loop3A_214 = arith.constant 0 : i32
        %parallel_loop3A_215 = arith.constant 0 : i32
        %parallel_loop3A_216 = arith.constant 0 : i32
        %parallel_loop3A_217 = tpu.memref_slice %arg6[%parallel_loop3A_214, %parallel_loop3A_215, %parallel_loop3A_216] : memref<2x32x128xf32, #tpu.memory_space<vmem>> -> memref<1x32x128xf32, #tpu.memory_space<vmem>>
        %parallel_loop3A_218 = tpu.memref_squeeze %parallel_loop3A_217 : memref<1x32x128xf32, #tpu.memory_space<vmem>> -> memref<32x128xf32, #tpu.memory_space<vmem>>
        tpu.vector_store_idx %parallel_loop3A_218[%shift_right_logical3A_29, %parallel_loop3A_213], %parallel_loop3A_212 : memref<32x128xf32, #tpu.memory_space<vmem>>[vector<16xi32>, vector<16xi32>], vector<16xf32>,
        %parallel_loop3A_219 = arith.constant 0 : i32
        %parallel_loop3A_220 = arith.index_cast %parallel_loop3A_219 : i32 to index
        %parallel_loop3A_221 = arith.index_cast %parallel_loop3A_160 : i32 to index
        %parallel_loop3A_222 = arith.constant 80 : index
        %parallel_loop3A_223 = tpu.vector_load %arg5[%parallel_loop3A_220, %parallel_loop3A_221, %parallel_loop3A_222] {strides = array<i32>} : memref<2x32x128xf32, #tpu.memory_space<vmem>>, vector<16xf32>,
        %parallel_loop3A_224 = arith.addi %and3A_82, %parallel_loop3A_163 : vector<16xi32>
        %parallel_loop3A_225 = arith.constant 0 : i32
        %parallel_loop3A_226 = arith.constant 0 : i32
        %parallel_loop3A_227 = arith.constant 0 : i32
        %parallel_loop3A_228 = tpu.memref_slice %arg6[%parallel_loop3A_225, %parallel_loop3A_226, %parallel_loop3A_227] : memref<2x32x128xf32, #tpu.memory_space<vmem>> -> memref<1x32x128xf32, #tpu.memory_space<vmem>>
        %parallel_loop3A_229 = tpu.memref_squeeze %parallel_loop3A_228 : memref<1x32x128xf32, #tpu.memory_space<vmem>> -> memref<32x128xf32, #tpu.memory_space<vmem>>
        tpu.vector_store_idx %parallel_loop3A_229[%shift_right_logical3A_35, %parallel_loop3A_224], %parallel_loop3A_223 : memref<32x128xf32, #tpu.memory_space<vmem>>[vector<16xi32>, vector<16xi32>], vector<16xf32>,
        %parallel_loop3A_230 = arith.constant 0 : i32
        %parallel_loop3A_231 = arith.index_cast %parallel_loop3A_230 : i32 to index
        %parallel_loop3A_232 = arith.index_cast %parallel_loop3A_160 : i32 to index
        %parallel_loop3A_233 = arith.constant 96 : index
        %parallel_loop3A_234 = tpu.vector_load %arg5[%parallel_loop3A_231, %parallel_loop3A_232, %parallel_loop3A_233] {strides = array<i32>} : memref<2x32x128xf32, #tpu.memory_space<vmem>>, vector<16xf32>,
        %parallel_loop3A_235 = arith.addi %and3A_88, %parallel_loop3A_163 : vector<16xi32>
        %parallel_loop3A_236 = arith.constant 0 : i32
        %parallel_loop3A_237 = arith.constant 0 : i32
        %parallel_loop3A_238 = arith.constant 0 : i32
        %parallel_loop3A_239 = tpu.memref_slice %arg6[%parallel_loop3A_236, %parallel_loop3A_237, %parallel_loop3A_238] : memref<2x32x128xf32, #tpu.memory_space<vmem>> -> memref<1x32x128xf32, #tpu.memory_space<vmem>>
        %parallel_loop3A_240 = tpu.memref_squeeze %parallel_loop3A_239 : memref<1x32x128xf32, #tpu.memory_space<vmem>> -> memref<32x128xf32, #tpu.memory_space<vmem>>
        tpu.vector_store_idx %parallel_loop3A_240[%shift_right_logical3A_41, %parallel_loop3A_235], %parallel_loop3A_234 : memref<32x128xf32, #tpu.memory_space<vmem>>[vector<16xi32>, vector<16xi32>], vector<16xf32>,
        %parallel_loop3A_241 = arith.constant 0 : i32
        %parallel_loop3A_242 = arith.index_cast %parallel_loop3A_241 : i32 to index
        %parallel_loop3A_243 = arith.index_cast %parallel_loop3A_160 : i32 to index
        %parallel_loop3A_244 = arith.constant 112 : index
        %parallel_loop3A_245 = tpu.vector_load %arg5[%parallel_loop3A_242, %parallel_loop3A_243, %parallel_loop3A_244] {strides = array<i32>} : memref<2x32x128xf32, #tpu.memory_space<vmem>>, vector<16xf32>,
        %parallel_loop3A_246 = arith.addi %and3A_94, %parallel_loop3A_163 : vector<16xi32>
        %parallel_loop3A_247 = arith.constant 0 : i32
        %parallel_loop3A_248 = arith.constant 0 : i32
        %parallel_loop3A_249 = arith.constant 0 : i32
        %parallel_loop3A_250 = tpu.memref_slice %arg6[%parallel_loop3A_247, %parallel_loop3A_248, %parallel_loop3A_249] : memref<2x32x128xf32, #tpu.memory_space<vmem>> -> memref<1x32x128xf32, #tpu.memory_space<vmem>>
        %parallel_loop3A_251 = tpu.memref_squeeze %parallel_loop3A_250 : memref<1x32x128xf32, #tpu.memory_space<vmem>> -> memref<32x128xf32, #tpu.memory_space<vmem>>
        tpu.vector_store_idx %parallel_loop3A_251[%shift_right_logical3A_47, %parallel_loop3A_246], %parallel_loop3A_245 : memref<32x128xf32, #tpu.memory_space<vmem>>[vector<16xi32>, vector<16xi32>], vector<16xf32>,
      } {sc.loop_unroll_factor = 4 : i64, sc.parallel_access}
      %mul3A_157 = arith.constant 32 : i32
      %mul3A_158 = arith.muli %add3A_152, %mul3A_157 : i32
      %run_scoped3A_159 = arith.constant 0 : i32
      "tpu.region"() ({
        %run_scoped3A_160 = tpu.sem_alloc : memref<!tpu.dma_semaphore, #tpu.memory_space<semaphore_mem>>
        %dma_start3A_161 = arith.constant 0 : i32
        %dma_start3A_162 = arith.constant 0 : i32
        %dma_start3A_163 = tpu.memref_slice %arg6[%run_scoped3A_159, %dma_start3A_161, %dma_start3A_162] : memref<2x32x128xf32, #tpu.memory_space<vmem>> -> memref<1x32x128xf32, #tpu.memory_space<vmem>>
        %dma_start3A_164 = tpu.memref_squeeze %dma_start3A_163 : memref<1x32x128xf32, #tpu.memory_space<vmem>> -> memref<32x128xf32, #tpu.memory_space<vmem>>
        %dma_start3A_165 = arith.constant 0 : i32
        %dma_start3A_166 = tpu.memref_slice %arg4[%mul3A_158, %dma_start3A_165] : memref<250000x128xf32, #tpu.memory_space<hbm>> -> memref<32x128xf32, #tpu.memory_space<hbm>>
        %dma_start3A_167 = arith.constant 0 : i32
        %dma_start3A_168 = tpu.memref_slice %arg4[%mul3A_158, %dma_start3A_167] : memref<250000x128xf32, #tpu.memory_space<hbm>> -> memref<32x128xf32, #tpu.memory_space<hbm>>
        %dma_start3A_169 = arith.constant 0 : i32
        %dma_start3A_170 = arith.constant 0 : i32
        %dma_start3A_171 = tpu.memref_slice %arg6[%run_scoped3A_159, %dma_start3A_169, %dma_start3A_170] : memref<2x32x128xf32, #tpu.memory_space<vmem>> -> memref<1x32x128xf32, #tpu.memory_space<vmem>>
        %dma_start3A_172 = tpu.memref_squeeze %dma_start3A_171 : memref<1x32x128xf32, #tpu.memory_space<vmem>> -> memref<32x128xf32, #tpu.memory_space<vmem>>
        tpu.enqueue_dma source(%dma_start3A_172 : memref<32x128xf32, #tpu.memory_space<vmem>>) target(%dma_start3A_168 : memref<32x128xf32, #tpu.memory_space<hbm>>) target_semaphore(%run_scoped3A_160 : memref<!tpu.dma_semaphore, #tpu.memory_space<semaphore_mem>>)
        %dma_wait3A_173 = arith.constant 0 : i32
        %dma_wait3A_174 = arith.constant 0 : i32
        %dma_wait3A_175 = tpu.memref_slice %arg6[%run_scoped3A_159, %dma_wait3A_173, %dma_wait3A_174] : memref<2x32x128xf32, #tpu.memory_space<vmem>> -> memref<1x32x128xf32, #tpu.memory_space<vmem>>
        %dma_wait3A_176 = tpu.memref_squeeze %dma_wait3A_175 : memref<1x32x128xf32, #tpu.memory_space<vmem>> -> memref<32x128xf32, #tpu.memory_space<vmem>>
        %dma_wait3A_177 = arith.constant 0 : i32
        %dma_wait3A_178 = tpu.memref_slice %arg4[%mul3A_158, %dma_wait3A_177] : memref<250000x128xf32, #tpu.memory_space<hbm>> -> memref<32x128xf32, #tpu.memory_space<hbm>>
        %dma_wait3A_179 = arith.constant 0 : i32
        %dma_wait3A_180 = tpu.memref_slice %arg4[%mul3A_158, %dma_wait3A_179] : memref<250000x128xf32, #tpu.memory_space<hbm>> -> memref<32x128xf32, #tpu.memory_space<hbm>>
        %dma_wait3A_181 = arith.constant 0 : i32
        %dma_wait3A_182 = arith.constant 0 : i32
        %dma_wait3A_183 = tpu.memref_slice %arg6[%run_scoped3A_159, %dma_wait3A_181, %dma_wait3A_182] : memref<2x32x128xf32, #tpu.memory_space<vmem>> -> memref<1x32x128xf32, #tpu.memory_space<vmem>>
        %dma_wait3A_184 = tpu.memref_squeeze %dma_wait3A_183 : memref<1x32x128xf32, #tpu.memory_space<vmem>> -> memref<32x128xf32, #tpu.memory_space<vmem>>
        tpu.wait_dma2 semaphore(%run_scoped3A_160 : memref<!tpu.dma_semaphore, #tpu.memory_space<semaphore_mem>>) src(%dma_wait3A_184 : memref<32x128xf32, #tpu.memory_space<vmem>>) dst(%dma_wait3A_180 : memref<32x128xf32, #tpu.memory_space<hbm>>)
        tpu.yield
      }) : () -> ()
    } else {
    }
    %eq3A = arith.constant 4 : i32
    %eq3A_147 = arith.cmpi eq, %add3A, %eq3A : i32
    %convert_element_type3A_148 = arith.extui %eq3A_147 : i1 to i32
    %cond3A_149 = arith.constant 0 : i32
    %cond3A_150 = arith.cmpi ne, %convert_element_type3A_148, %cond3A_149 : i32
    scf.if %cond3A_150 {
      "tpu.region"() ({
        %run_scoped3A = tpu.sem_alloc : memref<!tpu.dma_semaphore, #tpu.memory_space<semaphore_mem>>
        %dma_start3A_151 = arith.constant 249984 : i32
        %dma_start3A_152 = arith.constant 0 : i32
        %dma_start3A_153 = tpu.memref_slice %arg4[%dma_start3A_151, %dma_start3A_152] : memref<250000x128xf32, #tpu.memory_space<hbm>> -> memref<16x128xf32, #tpu.memory_space<hbm>>
        tpu.enqueue_dma source(%arg3 : memref<16x128xf32, #tpu.memory_space<hbm>>) target(%dma_start3A_153 : memref<16x128xf32, #tpu.memory_space<hbm>>) target_semaphore(%run_scoped3A : memref<!tpu.dma_semaphore, #tpu.memory_space<semaphore_mem>>)
        %dma_wait3A_154 = arith.constant 249984 : i32
        %dma_wait3A_155 = arith.constant 0 : i32
        %dma_wait3A_156 = tpu.memref_slice %arg4[%dma_wait3A_154, %dma_wait3A_155] : memref<250000x128xf32, #tpu.memory_space<hbm>> -> memref<16x128xf32, #tpu.memory_space<hbm>>
        tpu.wait_dma2 semaphore(%run_scoped3A : memref<!tpu.dma_semaphore, #tpu.memory_space<semaphore_mem>>) src(%arg3 : memref<16x128xf32, #tpu.memory_space<hbm>>) dst(%dma_wait3A_156 : memref<16x128xf32, #tpu.memory_space<hbm>>)
        tpu.yield
      }) : () -> ()
    } else {
    }
    return
  }
}

</mosaic_0001>

<sc_bundles>
// kernel: kernel.4.cloned.1.call-start
scs
__scs_entry_jumppad:
0x0: {  	(pc) =	sbr.rel $0x88, $3  }
0x1: {  	(tag) =	ssettag $0x0;
	lr =	simm.s32 $0x1  }
0x2: {  	[smem:$0x3F9E] =	sst lr;
	_ =	strace $0xD0000000  }
0x3: {  	_ = 	snop  }
0x4: {  	_ = 	snop  }
0x5: {  	_ = 	snop  }
0x6: {  	_ = 	snop  }
0x7: {  	_ = 	snop  }
__scs_overlays_trampoline_lowered:
0x8: {  	[smem:$0x3FAD] =	sst s0  }
0x9: {  	[smem:$0x3FAE] =	sst s1  }
0xa: {  	[smem:$0x3FAF] =	sst s2  }
0xb: {  	[smem:$0x3FB0] =	sst s3  }
0xc: {  	[smem:$0x3FB1] =	sst s4  }
0xd: {  	[smem:$0x3FB2] =	sst s5  }
0xe: {  	[smem:$0x3FB3] =	sst s6  }
0xf: {  	[smem:$0x3FB4] =	sst s7  }
0x10: {  	[smem:$0x3FB5] =	sst s8  }
0x11: {  	[smem:$0x3FB6] =	sst s9;
	s0 =	simm.s32 @!p0 $0x0  }
0x12: {  	s1 =	sld [smem:$0x3F9C];
	s0 =	simm.s32 @p0 $0x1  }
0x13: {  	[smem:$0x3FB7] =	sst s0;
	s0 =	simm.s32 @!p1 $0x0  }
0x14: {  	s2 =	sld [smem:$0x3F9B];
	s0 =	simm.s32 @p1 $0x1  }
0x15: {  	[smem:$0x3FB8] =	sst s0;
	s0 =	simm.s32 @!p2 $0x0  }
0x16: {  	s3 =	sld [smem:$0x3FDB];
	s0 =	simm.s32 @p2 $0x1  }
0x17: {  	s4 =	simm.s32 $0x1BF5;
	[smem:$0x3FBA] =	sst s0  }
0x18: {  	s0 =	sld [smem:$0x3F9D];
	_ =	swait.ge [sflag:s4], $0x0  }
0x19: {  	s7 =	sld [smem:$0x3F9E]  }
0x1a: {  	s8 =	sadd.s32 $0xFFFFE003, lr  }
0x1b: {  	s9 =	sadd.s32 $0xFFFFFEF7, lr;
	s5 =	simm.s32 $0xFFFFFFFF;
	p2 =	slt.u32 s8, $0xFFFFF086  }
0x1c: {  	p1 =	slt.u32 s9, $0xF7A;
	s5 =	simm.s32 @!p2 $0x0  }
0x1d: {  	s5 =	simm.s32 @p1 $0x1;
	p0 =	seq.s32 s7, s2  }
0x1e: {  	s7 =	smul.u32 @!p0 $0xF7A, s2;
	p2 =	seq.s32 @!p0 s5, $0x0  }
0x1f: {  	s9 =	smul.u32 $0xF7A, s1;
	s8 =	simm.s32 @!p0 $0x1BF5;
	p2 =	por !p2, p0  }
0x20: {  	[sflag:s8] =	ssyncset.s32 @!p0 $0xFFFFF086;
	s6 =	sadd.s32 @!p0 s3, s7;
	s7 =	simm.s32 @!p0 $0x108  }
0x21: {  	s3 =	sadd.s32 s3, s9;
	s6 =	sadd.s32 @!p0 $0x88, s6;
	s7 =	simm.s32 @p2 $0x1082  }
0x22: {  	[simem:s7], [sflag:s8] =	dma.local @!p0 [hbm:s6], $0xF7A  }
0x23: {  	s9 =	sor.u32 $0xD0000000, s2;
	s6 =	simm.s32 $0x108;
	_ =	swait.ge @!p0 [sflag:s8], $0x0  }
0x24: {  	s3 =	sadd.s32 $0x88, s3;
	s6 =	simm.s32 @!p1 $0x1082;
	[sflag:s4] =	ssyncset.s32 $0xFFFFF086  }
0x25: {  	[simem:s6], [sflag:s4] =	dma.local [hbm:s3], $0xF7A  }
0x26: {  	[smem:$0x3F9E] =	sst s1;
	(tag) =	ssettag s2;
	_ =	strace s9  }
0x27: {  	s1 =	sld [smem:$0x3FAE]  }
0x28: {  	s2 =	sld [smem:$0x3FAF]  }
0x29: {  	s4 =	sld [smem:$0x3FB1]  }
0x2a: {  	p0 =	seq.s32 s5, $0x0;
	s5 =	sld [smem:$0x3FB2]  }
0x2b: {  	s6 =	sld [smem:$0x3FB3]  }
0x2c: {  	s7 =	sld [smem:$0x3FB4]  }
0x2d: {  	s3 =	simm.s32 $0x108;
	s8 =	sld [smem:$0x3FB5]  }
0x2e: {  	s3 =	simm.s32 @!p0 $0x1082;
	s9 =	sld [smem:$0x3FB6]  }
0x2f: {  	lr =	sadd.s32 s0, s3;
	s0 =	sld [smem:$0x3FAD]  }
0x30: {  	s3 =	sld [smem:$0x3FB0]  }
0x31: {  	[smem:$0x3FB9] =	sst s10  }
0x32: {  	s10 =	sld [smem:$0x3FB7];
	_ =	sdelay $0x3  }
0x33: {  	p0 =	seq.s32 s10, $0x1;
	s10 =	sld [smem:$0x3FB9];
	_ =	sdelay $0x3  }
0x34: {  	[smem:$0x3FB9] =	sst s10  }
0x35: {  	s10 =	sld [smem:$0x3FB8];
	_ =	sdelay $0x3  }
0x36: {  	p1 =	seq.s32 s10, $0x1;
	s10 =	sld [smem:$0x3FB9];
	_ =	sdelay $0x3  }
0x37: {  	[smem:$0x3FB9] =	sst s10  }
0x38: {  	s10 =	sld [smem:$0x3FBA]  }
0x39: {  	_ = 	snop;
	(pc) =	sbr.ind lr, $3  }
0x3a: {  	_ = 	snop  }
0x3b: {  	_ = 	snop  }
0x3c: {  	p2 =	seq.s32 s10, $0x1;
	s10 =	sld [smem:$0x3FB9]  }
0x3d: {  	_ =	shalt  }
0x3e: {  	_ =	shalt  }
0x3f: {  	_ =	shalt  }
0x40: {  	_ =	shalt  }
0x41: {  	_ =	shalt  }
0x42: {  	_ =	shalt  }
0x43: {  	_ =	shalt  }
0x44: {  	_ =	shalt  }
0x45: {  	_ =	shalt  }
0x46: {  	_ =	shalt  }
0x47: {  	_ =	shalt  }
0x48: {  	_ =	shalt  }
0x49: {  	_ =	shalt  }
0x4a: {  	_ =	shalt  }
0x4b: {  	_ =	shalt  }
0x4c: {  	_ =	shalt  }
0x4d: {  	_ =	shalt  }
0x4e: {  	_ =	shalt  }
0x4f: {  	_ =	shalt  }
0x50: {  	_ =	shalt  }
0x51: {  	_ =	shalt  }
0x52: {  	_ =	shalt  }
0x53: {  	_ =	shalt  }
0x54: {  	_ =	shalt  }
0x55: {  	_ =	shalt  }
0x56: {  	_ =	shalt  }
0x57: {  	_ =	shalt  }
0x58: {  	_ =	shalt  }
0x59: {  	_ =	shalt  }
0x5a: {  	_ =	shalt  }
0x5b: {  	_ =	shalt  }
0x5c: {  	_ =	shalt  }
0x5d: {  	_ =	shalt  }
0x5e: {  	_ =	shalt  }
0x5f: {  	_ =	shalt  }
0x60: {  	_ =	shalt  }
0x61: {  	_ =	shalt  }
0x62: {  	_ =	shalt  }
0x63: {  	_ =	shalt  }
0x64: {  	_ =	shalt  }
0x65: {  	_ =	shalt  }
0x66: {  	_ =	shalt  }
0x67: {  	_ =	shalt  }
0x68: {  	_ =	shalt  }
0x69: {  	_ =	shalt  }
0x6a: {  	_ =	shalt  }
0x6b: {  	_ =	shalt  }
0x6c: {  	_ =	shalt  }
0x6d: {  	_ =	shalt  }
0x6e: {  	_ =	shalt  }
0x6f: {  	_ =	shalt  }
0x70: {  	_ =	shalt  }
0x71: {  	_ =	shalt  }
0x72: {  	_ =	shalt  }
0x73: {  	_ =	shalt  }
0x74: {  	_ =	shalt  }
0x75: {  	_ =	shalt  }
0x76: {  	_ =	shalt  }
0x77: {  	_ =	shalt  }
0x78: {  	_ =	shalt  }
0x79: {  	_ =	shalt  }
0x7a: {  	_ =	shalt  }
0x7b: {  	_ =	shalt  }
0x7c: {  	_ =	shalt  }
0x7d: {  	_ =	shalt  }
0x7e: {  	_ =	shalt  }
0x7f: {  	_ =	shalt  }
0x80: {  	_ =	shalt  }
0x81: {  	_ =	shalt  }
0x82: {  	_ =	shalt  }
0x83: {  	_ =	shalt  }
0x84: {  	_ =	shalt  }
0x85: {  	_ =	shalt  }
0x86: {  	_ =	shalt  }
0x87: {  	_ =	shalt  }
.Lfunc_end0:
.L_simem_size_0:
called_computation_lowered:
.L_overlay_start_0:
0x88: {  	s2 =	sld [smem:$0x3FD9]  }
0x89: {  	s3 =	sld [smem:$0x3FFE];
	_ =	sdelay $0x1  }
0x8a: {  	s1 =	srdreg.scid  }
0x8b: {  	s0 =	sand.u32 $0x1, s1  }
0x8c: {  	s17 =	sshll.u32 s0, $0xA;
	s2 =	sadd.s32 s3, s2  }
0x8d: {  	s2 =	sadd.s32 s2, s17  }
0x8e: {  	[smem:$0x3FC5] =	sst s2  }
0x8f: {  	_ = 	snop  }
0x90: {  	s2 =	sld [smem:$0x3FC8]  }
0x91: {  	s18 =	sld [smem:$0x3FD0];
	(tm) =	ssettm $0x1  }
0x92: {  	s4 =	sld [smem:$0x3FFB];
	_ =	sdelay $0x3  }
0x93: {  	_ =	strace s4  }
0x94: {  	s4 =	sld [smem:$0x3FFC];
	_ =	sdelay $0x3  }
0x95: {  	_ =	strace s4  }
0x96: {  	s4 =	sld [smem:$0x3FFD];
	_ =	sdelay $0x3  }
0x97: {  	_ =	strace s4  }
0x98: {  	_ =	strace $0x8FFFFFFF  }
0x99: {  	s19 =	sld [smem:$0x3FDB];
	_ =	sdelay $0x1  }
0x9a: {  	s5 =	simm.s32 $_scs_section_size  }
0x9b: {  	s6 =	simm.s32 $_size__tile_overlayer_lowered;
	s7 =	simm.s32 $_tile_overlayer_lowered  }
0x9c: {  	s22 =	simm.s32 $0x1BFF;
	s21 =	sshll.u32 s7, $0x1;
	s4 =	sadd.s32 s5, s19  }
0x9d: {  	s8 =	simm.s32 $0x0;
	s20 =	sshll.u32 s6, $0x1;
	s6 =	sadd.s32 s21, s4  }
0x9e: {  	[timem:s8], [sflag:s22] =	dma.local [hbm:s6], s20  }
0x9f: {  	_ =	swait.ge [sflag:s22], s20  }
0xa0: {  	s5 =	ssub.s32 $0x0, s20;
	[sflag:s22] =	ssyncset.done $0x0  }
0xa1: {  	[sflag:s22] =	ssyncadd.s32 s5;
	_ =	sdelay $0x1  }
0xa2: {  	s23 =	simm.s32 $0x1B8B  }
0xa3: {  	_ =	swait.ge [sflag:s23], $0x1  }
0xa4: {  	[sflag:s23] =	ssyncset.done $0x0  }
0xa5: {  	s25 =	simm.s32 $0x1B8E;
	s24 =	sld [smem:$0x3FFE];
	[sflag:s23] =	ssyncadd.s32 $0xFFFFFFFF  }
0xa6: {  	s26 =	simm.s32 $execute0_lowered;
	[smem:$0x3FD2] =	sst s25  }
0xa7: {  	s6 =	sshll.u32 s26, $0x1;
	_ =	strace $0x80000046;
	[dreg:$0x1] =	wrdreg $0xFFFFFFFF  }
0xa8: {  	s28 =	simm.s32 $_size_execute0_lowered;
	s4 =	sadd.s32 s4, s6;
	[dreg:$0x0] =	wrdreg $0x0  }
0xa9: {  	s6 =	sshll.u32 s28, $0x1;
	[dreg:$0x2] =	wrdreg s4  }
0xaa: {  	[dreg:$0x3] =	wrdreg s6  }
0xab: {  	[dreg:$0x4] =	wrdreg $0xC0  }
0xac: {  	_ =	task [dreg:s8], $0x5FFFF  }
0xad: {  	[dreg:$0x1] =	wrdreg $0xFFFFFFFF  }
0xae: {  	[dreg:$0x0] =	wrdreg $0x60  }
0xaf: {  	[dreg:$0x2] =	wrdreg s2  }
0xb0: {  	[dreg:$0x3] =	wrdreg s18  }
0xb1: {  	[dreg:$0x4] =	wrdreg s24  }
0xb2: {  	[dreg:$0x5] =	wrdreg $0x9  }
0xb3: {  	_ =	task.clear_ibuf [dreg:s8], $0x6FFFF;
	_ =	strace $0x90000046  }
0xb4: {  	s29 =	simm.s32 $0x9;
	_ =	strace $0x80000048  }
0xb5: {  	_ =	swait.ge [sflag:s29], $0x1  }
0xb6: {  	[sflag:s29] =	ssyncadd.s32 $0xFFFFFFFF  }
0xb7: {  	_ =	strace $0x90000048  }
0xb8: {  	_ =	sfence  }
0xb9: {  	s30 =	sld [smem:$0x0];
	_ =	sdelay $0x2  }
0xba: {  	s31 =	sshll.u32 s1, $0xD;
	s1 =	sshrl.u32 s1, $0x2  }
0xbb: {  	s3 =	sand.u32 $0x4000, s31;
	s1 =	sadd.s32 s1, s30  }
0xbc: {  	s0 =	sor.u32 s3, s0;
	s1 =	sshll.u32 s1, $0x11  }
0xbd: {  	s0 =	sor.u32 s1, s0  }
0xbe: {  	s0 =	sadd.s32 $0x8F2B, s0  }
0xbf: {  	[sflag:s0] =	ssyncadd.remote.s32 $0x1  }
0xc0: {  	_ =	sfence.sel $0xFFFF  }
0xc1: {  	[dreg:$0x0] =	wrdreg $0xFFFFFFFF;
	(pc) =	sbr.abs _section_cstart, $3  }
0xc2: {  	[dreg:$0x1] =	wrdreg $0xFFFFFFFF  }
0xc3: {  	_ =	task.clear_ibuf [dreg:s8], $0x2FFFF;
	_ =	strace $0x9FFFFFFF  }
0xc4: {  	(tm) =	ssettm $0x7FFFFFFF  }
0xc5: {  	_ =	shalt  }
tec
execute0_lowered:
.L_overlay_start_1:
0x0: {  	(tag) =	ssettag $0x1  }
0x1: {  	v0 =	vimm.s32 $0x3210;
	v1 =	vimm.s32 $0x383;
	vm14 =	vcmask $0x300  }
0x2: {  	vm13 =	vcmask $0x704;
	vm0 =	vcmask $0xF00;
	vm12 =	vcmask $0xB08  }
0x3: {  	v2 =	vimm.s32 $0x83828180;
	vm11 =	vcmask $0xF0C;
	vm10 =	vcmask $0x1310  }
0x4: {  	vm9 =	vcmask $0x1714;
	vm8 =	vcmask $0x1B18;
	vm15 =	vcmask $0x1F10  }
0x5: {  	vm7 =	vcmask $0x1F1C;
	vm6 =	vcmask $0x2320;
	vm5 =	vcmask $0x2724  }
0x6: {  	vm4 =	vcmask $0x2B28;
	vm3 =	vcmask $0x2F2C;
	vm2 =	vcmask $0x3330  }
0x7: {  	vm1 =	vcmask $0x3734;
	v3 =	vimm.s32 $0x783;
	v4 =	vimm.s32 $0x983  }
0x8: {  	v5 =	vimm.s32 $0xB83;
	v6 =	vimm.s32 $0xD83;
	v7 =	vimm.s32 $0xF83  }
0x9: {  	v0 =	vunpack.c.l.s4.s8 v0;
	v1 =	vsel vm14, $0x200, v1;
	v2 =	vunpack.c.0.s8.s32 v2  }
0xa: {  	v3 =	vsel vm14, $0x600, v3;
	v4 =	vsel vm14, $0x800, v4;
	v5 =	vsel vm14, $0xA00, v5  }
0xb: {  	v6 =	vsel vm14, $0xC00, v6;
	v7 =	vsel vm14, $0xE00, v7;
	v1 =	vsel vm13, $0x201, v1  }
0xc: {  	v3 =	vsel vm13, $0x601, v3;
	v4 =	vsel vm13, $0x801, v4;
	v5 =	vsel vm13, $0xA01, v5  }
0xd: {  	v6 =	vsel vm13, $0xC01, v6;
	v7 =	vsel vm13, $0xE01, v7;
	v0 =	vunpack.c.0.s8.s32 v0  }
0xe: {  	v1 =	vsel vm12, $0x202, v1;
	v2 =	vand.u32 $0xFF, v2;
	v3 =	vsel vm12, $0x602, v3  }
0xf: {  	v4 =	vsel vm12, $0x802, v4;
	v5 =	vsel vm12, $0xA02, v5;
	v6 =	vsel vm12, $0xC02, v6  }
0x10: {  	v7 =	vsel vm12, $0xE02, v7;
	v1 =	vsel vm11, $0x203, v1;
	v3 =	vsel vm11, $0x603, v3  }
0x11: {  	v4 =	vsel vm11, $0x803, v4;
	v5 =	vsel vm11, $0xA03, v5;
	v6 =	vsel vm11, $0xC03, v6  }
0x12: {  	v7 =	vsel vm11, $0xE03, v7;
	v0 =	vnsel vm0, $0x183, v0;
	v1 =	vsel vm10, $0x280, v1  }
0x13: {  	v3 =	vsel vm10, $0x680, v3;
	v4 =	vsel vm10, $0x880, v4;
	v5 =	vsel vm10, $0xA80, v5  }
0x14: {  	v6 =	vsel vm10, $0xC80, v6;
	v7 =	vsel vm10, $0xE80, v7;
	v1 =	vsel vm9, $0x281, v1  }
0x15: {  	v0 =	vsel vm15, v2, v0;
	vm15 =	vcmask $0x3B38;
	v2 =	vimm.s32 $0x583  }
0x16: {  	v3 =	vsel vm9, $0x681, v3;
	v4 =	vsel vm9, $0x881, v4;
	v5 =	vsel vm9, $0xA81, v5  }
0x17: {  	v6 =	vsel vm9, $0xC81, v6;
	v7 =	vsel vm9, $0xE81, v7;
	v1 =	vsel vm8, $0x282, v1  }
0x18: {  	v0 =	vsel vm6, $0x100, v0;
	v2 =	vsel vm14, $0x400, v2;
	v3 =	vsel vm8, $0x682, v3  }
0x19: {  	v4 =	vsel vm8, $0x882, v4;
	v5 =	vsel vm8, $0xA82, v5;
	v6 =	vsel vm8, $0xC82, v6  }
0x1a: {  	v7 =	vsel vm8, $0xE82, v7;
	v1 =	vsel vm7, $0x283, v1;
	v0 =	vsel vm5, $0x101, v0  }
0x1b: {  	v2 =	vsel vm13, $0x401, v2;
	v3 =	vsel vm7, $0x683, v3;
	v4 =	vsel vm7, $0x883, v4  }
0x1c: {  	v5 =	vsel vm7, $0xA83, v5;
	v6 =	vsel vm7, $0xC83, v6;
	v7 =	vsel vm7, $0xE83, v7  }
0x1d: {  	v1 =	vsel vm6, $0x300, v1;
	v0 =	vsel vm4, $0x102, v0;
	v2 =	vsel vm12, $0x402, v2  }
0x1e: {  	v3 =	vsel vm6, $0x700, v3;
	v4 =	vsel vm6, $0x900, v4;
	v5 =	vsel vm6, $0xB00, v5  }
0x1f: {  	v6 =	vsel vm6, $0xD00, v6;
	v7 =	vsel vm6, $0xF00, v7;
	v1 =	vsel vm5, $0x301, v1  }
0x20: {  	v0 =	vsel vm3, $0x103, v0;
	v2 =	vsel vm11, $0x403, v2;
	v3 =	vsel vm5, $0x701, v3  }
0x21: {  	s0 =	rddreg [dreg:$0x0];
	v4 =	vsel vm5, $0x901, v4;
	v5 =	vsel vm5, $0xB01, v5;
	v6 =	vsel vm5, $0xD01, v6  }
0x22: {  	s1 =	rddreg [dreg:$0x2];
	v7 =	vsel vm5, $0xF01, v7;
	v1 =	vsel vm4, $0x302, v1;
	v0 =	vsel vm2, $0x180, v0  }
0x23: {  	s4 =	simm.s32 $0x0;
	s2 =	srdreg.scid;
	s13 =	simm.s32 $0x400;
	v2 =	vsel vm10, $0x480, v2;
	v3 =	vsel vm4, $0x702, v3;
	v4 =	vsel vm4, $0x902, v4  }
0x24: {  	s10 =	stileid.u32;
	s14 =	simm.s32 $0x7A1400;
	s15 =	simm.s32 $0x1000;
	v5 =	vsel vm4, $0xB02, v5;
	v6 =	vsel vm4, $0xD02, v6;
	v7 =	vsel vm4, $0xF02, v7  }
0x25: {  	s16 =	simm.s32 $0x1;
	s17 =	simm.s32 $0x2000;
	s18 =	simm.s32 $0x2;
	v1 =	vsel vm3, $0x303, v1;
	v0 =	vsel vm1, $0x181, v0;
	v2 =	vsel vm9, $0x481, v2  }
0x26: {  	s19 =	simm.s32 $0x3000;
	s20 =	simm.s32 $0x3;
	s21 =	simm.s32 $0x4;
	v3 =	vsel vm3, $0x703, v3;
	v4 =	vsel vm3, $0x903, v4;
	v5 =	vsel vm3, $0xB03, v5  }
0x27: {  	s22 =	simm.s32 $0x5;
	s23 =	simm.s32 $0x0;
	[smem:$0x7FF] =	sst s4;
	v6 =	vsel vm3, $0xD03, v6;
	v7 =	vsel vm3, $0xF03, v7;
	v1 =	vsel vm2, $0x380, v1  }
0x28: {  	s2 =	sand.u32 $0x1, s2;
	s3 =	sshll.u32 s10, $0x1;
	s5 =	sadd.s32 $0xA00, s1;
	v0 =	vsel vm15, $0x182, v0;
	v2 =	vsel vm8, $0x482, v2;
	v3 =	vsel vm2, $0x780, v3  }
0x29: {  	s1 =	sadd.s32 $0x3D1200, s1;
	s6 =	ssub.s32 $0x2, s2;
	s2 =	sor.u32 s2, s3;
	v4 =	vsel vm2, $0x980, v4;
	v5 =	vsel vm2, $0xB80, v5;
	v2 =	vsel vm7, $0x483, v2  }
0x2a: {  	_ =	strace $0x80000047;
	s28 =	sshrl.u32 s6, $0x1;
	s7 =	smul.u32 $0x7A00, s2;
	v6 =	vsel vm2, $0xD80, v6;
	v7 =	vsel vm2, $0xF80, v7;
	v2 =	vsel vm6, $0x500, v2  }
0x2b: {  	[dreg:$0x7] =	wrdreg s1;
	s8 =	sor.u32 $0x1E80, s2;
	s3 =	ssub.s32 s6, s28;
	v1 =	vsel vm1, $0x381, v1;
	v3 =	vsel vm1, $0x781, v3;
	v2 =	vsel vm5, $0x501, v2  }
.Ltmp0:
0x2c: {  	s9 =	sshll.u32 s8, $0x9;
	s7 =	sadd.s32 s0, s7;
	v4 =	vsel vm1, $0x981, v4;
	v5 =	vsel vm1, $0xB81, v5;
	v2 =	vsel vm4, $0x502, v2;
	(pc) =	sbr.rel .LBB2_1-.Ltmp0, $4  }
0x2d: {  	s6 =	smul.u32 $0xF4, s2;
	s30 =	sadd.s32 s5, s9;
	[dreg:$0x4] =	wrdreg s7;
	v6 =	vsel vm1, $0xD81, v6;
	v7 =	vsel vm1, $0xF81, v7;
	v2 =	vsel vm3, $0x503, v2  }
0x2e: {  	s29 =	sshll.u32 s8, $0x7;
	s31 =	smax.u32 s3, $0x1;
	[dreg:$0x6] =	wrdreg s30;
	v1 =	vsel vm15, $0x382, v1;
	v3 =	vsel vm15, $0x782, v3;
	v2 =	vsel vm2, $0x580, v2  }
0x2f: {  	p0 =	sgt.u32 s10, $0x1;
	s7 =	sadd.s32 s0, s29;
	[dreg:$0x8] =	wrdreg s31;
	v4 =	vsel vm15, $0x982, v4;
	v5 =	vsel vm15, $0xB82, v5;
	v2 =	vsel vm1, $0x581, v2  }
0x30: {  	p1 =	sne.s32 s2, $0x4;
	s8 =	sadd.s32 $0xF4, s6;
	[dreg:$0x5] =	wrdreg s7;
	v6 =	vsel vm15, $0xD82, v6;
	v7 =	vsel vm15, $0xF82, v7;
	v2 =	vsel vm15, $0x582, v2  }
.LBB2_11:
0x31: {  	s1 =	stileid.u32  }
0x32: {  	s2 =	rddreg [dreg:$0x1];
	s1 =	sshll.u32 @!p1 s1, $0x6  }
0x33: {  	s3 =	rddreg [dreg:$0x7];
	s1 =	sor.u32 @!p1 $0x1C05, s1  }
0x34: {  	[hbm:s3], [sflag:s1] =	dma.local @!p1 [hbm:s2], $0x100  }
0x35: {  	s1 =	simm.s32 @!p1 $0x5  }
0x36: {  	_ =	swait.ge @!p1 [sflag:s1], $0x100  }
0x37: {  	s23 =	sadd.s32 $0x1, s23;
	s31 =	rddreg [dreg:$0x8]  }
0x38: {  	p2 =	sne.s32 s23, s31  }
.Ltmp1:
0x39: {  	_ = 	snop;
	(pc) =	sbr.rel @!p2 .LBB2_12-.Ltmp1, $3  }
0x3a: {  	_ =	sdelay $0x1  }
0x3b: {  	[sflag:s1] =	ssyncset.done @!p1 $0x0  }
0x3c: {  	[sflag:s1] =	ssyncadd.s32 @!p1 $0xFFFFFF00  }
.LBB2_1:
0x3d: {  	s1 =	rddreg [dreg:$0x4];
	s24 =	simm.s32 $0x0  }
0x3e: {  	[tilespmem:s4], [sflag:$0x1] =	stream.strided.gather [hbm4b:s1+s13], $0x1000, s14, s13, $0x38;
	[tilespmem:$0x4000] =	vst v63  }
.LBB2_2:
0x3f: {  	s1 =	sshll.u32 s24, $0x1  }
0x40: {  	s26 =	sadd.s32 s6, s1  }
0x41: {  	s25 =	sor.u32 $0x1, s26  }
0x42: {  	s12 =	sshll.u32 s25, $0x7  }
0x43: {  	s1 =	sand.u32 $0x1FFFFF80, s12  }
0x44: {  	s1 =	sadd.s32 s0, s1  }
0x45: {  	[tilespmem:s15], [sflag:$0x2] =	stream.strided.gather [hbm4b:s1+s13], $0x1000, s14, s13, $0x38;
	[tilespmem:$0x4000] =	vst v63  }
0x46: {  	_ =	swait.ge [sflag:s16], $0x1000  }
0x47: {  	p2 =	seq.s32 s24, $0x0;
	[sflag:s16] =	ssyncset.done $0x0  }
0x48: {  	s1 =	simm.s32 @!p2 $0x3;
	[sflag:s16] =	ssyncadd.s32 $0xFFFFF000  }
0x49: {  	_ =	swait.ge @!p2 [sflag:s1], $0x1000  }
0x4a: {  	[sflag:s1] =	ssyncset.done @!p2 $0x0  }
0x4b: {  	s28 =	simm.s32 $0x100;
	s3 =	simm.s32 $0x8;
	[sflag:s1] =	ssyncadd.s32 @!p2 $0xFFFFF000  }
0x4c: {  	s29 =	simm.s32 $0x0;
	v9 =	vor.u32 s3, v0;
	v8 =	vld [tilespmem:s28+$0x0]  }
0x4d: {  	s31 =	simm.s32 $0xC;
	v13 =	vor.u32 s29, v0;
	v12 =	vld [tilespmem:s28+$0xFFFFFF00]  }
0x4e: {  	s30 =	simm.s32 $0x4;
	v11 =	vor.u32 s31, v0;
	v10 =	vld [tilespmem:s28+$0x80]  }
0x4f: {  	v15 =	vor.u32 s30, v0;
	v14 =	vld [tilespmem:s28+$0xFFFFFF80];
	_ =	sdelay $0x1  }
0x50: {  	[tilespmem:v9+s17+$0x0] =	vst.idx.msk $0xffff, v8  }
0x51: {  	v9 =	vor.u32 s3, v1;
	[tilespmem:v13+s17+$0x0] =	vst.idx.msk $0xffff, v12;
	v8 =	vld [tilespmem:s28+$0x10]  }
0x52: {  	[tilespmem:v11+s17+$0x0] =	vst.idx.msk $0xffff, v10;
	v13 =	vor.u32 s29, v1;
	v12 =	vld [tilespmem:s28+$0xFFFFFF10]  }
0x53: {  	v11 =	vor.u32 s31, v1;
	[tilespmem:v15+s17+$0x0] =	vst.idx.msk $0xffff, v14;
	v10 =	vld [tilespmem:s28+$0x90]  }
0x54: {  	v15 =	vor.u32 s30, v1;
	v14 =	vld [tilespmem:s28+$0xFFFFFF90];
	_ =	sdelay $0x1  }
0x55: {  	[tilespmem:v9+s17+$0x0] =	vst.idx.msk $0xffff, v8  }
0x56: {  	v9 =	vor.u32 s3, v2;
	[tilespmem:v13+s17+$0x0] =	vst.idx.msk $0xffff, v12;
	v8 =	vld [tilespmem:s28+$0x20]  }
0x57: {  	[tilespmem:v11+s17+$0x0] =	vst.idx.msk $0xffff, v10;
	v13 =	vor.u32 s29, v2;
	v12 =	vld [tilespmem:s28+$0xFFFFFF20]  }
0x58: {  	v11 =	vor.u32 s31, v2;
	[tilespmem:v15+s17+$0x0] =	vst.idx.msk $0xffff, v14;
	v10 =	vld [tilespmem:s28+$0xA0]  }
0x59: {  	v16 =	vor.u32 s30, v2;
	v14 =	vld [tilespmem:s28+$0xFFFFFFA0];
	_ =	sdelay $0x1  }
0x5a: {  	s10 =	simm.s32 $0x300;
	s9 =	simm.s32 $0x18;
	[tilespmem:v9+s17+$0x0] =	vst.idx.msk $0xffff, v8  }
0x5b: {  	[tilespmem:v13+s17+$0x0] =	vst.idx.msk $0xffff, v12;
	v12 =	vld [tilespmem:s10+$0x0];
	v13 =	vor.u32 s9, v0  }
0x5c: {  	s2 =	simm.s32 $0x10;
	v9 =	vor.u32 s3, v3;
	[tilespmem:v11+s17+$0x0] =	vst.idx.msk $0xffff, v10;
	v8 =	vld [tilespmem:s28+$0x30]  }
0x5d: {  	[tilespmem:v16+s17+$0x0] =	vst.idx.msk $0xffff, v14;
	v14 =	vld [tilespmem:s10+$0xFFFFFF00];
	v16 =	vor.u32 s2, v0  }
0x5e: {  	v18 =	vor.u32 s31, v3;
	v17 =	vld [tilespmem:s28+$0xB0];
	_ =	sdelay $0x1  }
0x5f: {  	s1 =	simm.s32 $0x14;
	[tilespmem:v13+s17+$0x0] =	vst.idx.msk $0xffff, v12  }
0x60: {  	s7 =	simm.s32 $0x1C;
	v15 =	vld [tilespmem:s10+$0xFFFFFF80];
	[tilespmem:v9+s17+$0x0] =	vst.idx.msk $0xffff, v8;
	v8 =	vor.u32 s1, v0  }
0x61: {  	[tilespmem:v16+s17+$0x0] =	vst.idx.msk $0xffff, v14;
	v16 =	vor.u32 s7, v0;
	v9 =	vld [tilespmem:s10+$0x80]  }
0x62: {  	[tilespmem:v18+s17+$0x0] =	vst.idx.msk $0xffff, v17;
	v14 =	vld [tilespmem:s10+$0x10];
	v18 =	vor.u32 s9, v1  }
0x63: {  	v11 =	vor.u32 s3, v4;
	v10 =	vld [tilespmem:s28+$0x40]  }
0x64: {  	v13 =	vor.u32 s31, v4;
	v12 =	vld [tilespmem:s28+$0xC0]  }
0x65: {  	[tilespmem:v8+s17+$0x0] =	vst.idx.msk $0xffff, v15;
	v8 =	vld [tilespmem:s28+$0xFFFFFFB0];
	v15 =	vor.u32 s30, v3  }
0x66: {  	[tilespmem:v16+s17+$0x0] =	vst.idx.msk $0xffff, v9  }
0x67: {  	v20 =	vor.u32 s29, v3;
	v19 =	vld [tilespmem:s28+$0xFFFFFF30];
	[tilespmem:v18+s17+$0x0] =	vst.idx.msk $0xffff, v14  }
0x68: {  	[tilespmem:v11+s17+$0x0] =	vst.idx.msk $0xffff, v10  }
0x69: {  	v11 =	vor.u32 s3, v5;
	[tilespmem:v13+s17+$0x0] =	vst.idx.msk $0xffff, v12;
	v10 =	vld [tilespmem:s28+$0x50]  }
0x6a: {  	v14 =	vor.u32 s7, v1;
	v13 =	vld [tilespmem:s10+$0x90];
	[tilespmem:v15+s17+$0x0] =	vst.idx.msk $0xffff, v8  }
0x6b: {  	v15 =	vor.u32 s30, v4;
	v8 =	vld [tilespmem:s28+$0xFFFFFFC0]  }
0x6c: {  	v17 =	vld [tilespmem:s10+$0xFFFFFF10];
	[tilespmem:v20+s17+$0x0] =	vst.idx.msk $0xffff, v19  }
0x6d: {  	v20 =	vor.u32 s29, v4;
	v19 =	vld [tilespmem:s28+$0xFFFFFF40]  }
0x6e: {  	v21 =	vld [tilespmem:s10+$0xFFFFFF90];
	[tilespmem:v11+s17+$0x0] =	vst.idx.msk $0xffff, v10;
	v10 =	vor.u32 s2, v1  }
0x6f: {  	v24 =	vor.u32 s1, v1;
	v12 =	vld [tilespmem:s28+$0xD0];
	[tilespmem:v14+s17+$0x0] =	vst.idx.msk $0xffff, v13  }
0x70: {  	v16 =	vld [tilespmem:s10+$0xA0];
	[tilespmem:v15+s17+$0x0] =	vst.idx.msk $0xffff, v8;
	v15 =	vor.u32 s31, v5  }
0x71: {  	v9 =	vor.u32 s3, v6;
	v11 =	vld [tilespmem:s28+$0x60]  }
0x72: {  	v22 =	vor.u32 s30, v5;
	[tilespmem:v20+s17+$0x0] =	vst.idx.msk $0xffff, v19;
	v20 =	vld [tilespmem:s28+$0xFFFFFFD0]  }
0x73: {  	v23 =	vor.u32 s29, v5;
	[tilespmem:v10+s17+$0x0] =	vst.idx.msk $0xffff, v17;
	v10 =	vld [tilespmem:s28+$0xFFFFFF50]  }
0x74: {  	v19 =	vor.u32 s9, v2;
	[tilespmem:v24+s17+$0x0] =	vst.idx.msk $0xffff, v21;
	v17 =	vld [tilespmem:s10+$0x20]  }
0x75: {  	v18 =	vor.u32 s7, v2;
	v8 =	vld [tilespmem:s10+$0xFFFFFF20];
	[tilespmem:v15+s17+$0x0] =	vst.idx.msk $0xffff, v12  }
0x76: {  	[tilespmem:v9+s17+$0x0] =	vst.idx.msk $0xffff, v11;
	v15 =	vor.u32 s31, v6;
	v14 =	vld [tilespmem:s28+$0xE0]  }
0x77: {  	v13 =	vor.u32 s3, v7;
	v11 =	vld [tilespmem:s28+$0x70];
	[tilespmem:v22+s17+$0x0] =	vst.idx.msk $0xffff, v20  }
0x78: {  	s11 =	simm.s32 $0x4;
	s3 =	simm.s32 $0x300;
	v9 =	vor.u32 s29, v6;
	[tilespmem:v23+s17+$0x0] =	vst.idx.msk $0xffff, v10;
	v10 =	vor.u32 s30, v6;
	v12 =	vld [tilespmem:s28+$0xFFFFFFE0]  }
.LBB2_3:
0x79: {  	s11 =	sadd.s32 $0x4, s11;
	[tilespmem:v19+s17+$0x0] =	vst.idx.msk $0xffff, v17;
	v17 =	vld [tilespmem:s28+$0xFFFFFF60]  }
0x7a: {  	v20 =	vor.u32 s9, v3;
	p3 =	slt.u32 s11, $0x1C;
	v19 =	vld [tilespmem:s10+$0x30];
	[tilespmem:v18+s17+$0x0] =	vst.idx.msk $0xffff, v16  }
0x7b: {  	v16 =	vor.u32 s2, v2;
	v18 =	vld [tilespmem:s10+$0xFFFFFFA0];
	[tilespmem:v15+s17+$0x0] =	vst.idx.msk $0xffff, v14  }
0x7c: {  	s10 =	sadd.s32 $0x200, s10;
	[tilespmem:v13+s17+$0x0] =	vst.idx.msk $0xffff, v11;
	v11 =	vld [tilespmem:s28+$0xF0];
	v13 =	vor.u32 s31, v7;
	s31 =	smov.u32 s7  }
0x7d: {  	v15 =	vor.u32 s1, v2;
	v14 =	vld [tilespmem:s10+$0xFFFFFF80];
	[tilespmem:v10+s17+$0x0] =	vst.idx.msk $0xffff, v12;
	v10 =	vor.u32 s30, v7;
	s30 =	smov.u32 s1  }
0x7e: {  	[tilespmem:v9+s17+$0x0] =	vst.idx.msk $0xffff, v17;
	v9 =	vor.u32 s29, v7;
	v12 =	vld [tilespmem:s28+$0xFFFFFFF0];
	s29 =	smov.u32 s2;
	s2 =	sadd.s32 $0x10, s2  }
0x7f: {  	s1 =	sadd.s32 $0x4, s2;
	[tilespmem:v20+s17+$0x0] =	vst.idx.msk $0xffff, v19;
	v17 =	vld [tilespmem:s28+$0xFFFFFF70];
	s28 =	smov.u32 s3;
	s3 =	smov.u32 s10  }
0x80: {  	v19 =	vor.u32 s1, v0;
	v20 =	vld [tilespmem:s10+$0x80];
	[tilespmem:v16+s17+$0x0] =	vst.idx.msk $0xffff, v8  }
0x81: {  	v16 =	vor.u32 s9, v4;
	v8 =	vld [tilespmem:s28+$0x40];
	[tilespmem:v13+s17+$0x0] =	vst.idx.msk $0xffff, v11  }
0x82: {  	s12 =	sadd.s32 $0x8, s2;
	v13 =	vor.u32 s31, v3;
	[tilespmem:v15+s17+$0x0] =	vst.idx.msk $0xffff, v18;
	v11 =	vld [tilespmem:s28+$0xB0]  }
0x83: {  	v18 =	vor.u32 s12, v0;
	v15 =	vld [tilespmem:s10+$0x0];
	[tilespmem:v10+s17+$0x0] =	vst.idx.msk $0xffff, v12  }
0x84: {  	v12 =	vor.u32 s2, v0;
	v10 =	vld [tilespmem:s10+$0xFFFFFF00];
	[tilespmem:v9+s17+$0x0] =	vst.idx.msk $0xffff, v17  }
0x85: {  	[tilespmem:v19+s17+$0x0] =	vst.idx.msk $0xffff, v14;
	v9 =	vld [tilespmem:s28+$0xFFFFFFB0];
	v14 =	vor.u32 s30, v3  }
0x86: {  	v19 =	vor.u32 s29, v3;
	v17 =	vld [tilespmem:s28+$0xFFFFFF30];
	[tilespmem:v16+s17+$0x0] =	vst.idx.msk $0xffff, v8  }
0x87: {  	v16 =	vor.u32 s9, v5;
	v8 =	vld [tilespmem:s28+$0x50];
	[tilespmem:v13+s17+$0x0] =	vst.idx.msk $0xffff, v11  }
0x88: {  	s7 =	sadd.s32 $0xC, s2;
	v13 =	vor.u32 s31, v4;
	[tilespmem:v18+s17+$0x0] =	vst.idx.msk $0xffff, v15;
	v11 =	vld [tilespmem:s28+$0xC0]  }
0x89: {  	[tilespmem:v12+s17+$0x0] =	vst.idx.msk $0xffff, v10;
	v10 =	vld [tilespmem:s10+$0x10];
	v12 =	vor.u32 s7, v0  }
0x8a: {  	v18 =	vor.u32 s12, v1;
	v15 =	vld [tilespmem:s10+$0xFFFFFF10];
	[tilespmem:v14+s17+$0x0] =	vst.idx.msk $0xffff, v9  }
0x8b: {  	v14 =	vor.u32 s30, v4;
	[tilespmem:v19+s17+$0x0] =	vst.idx.msk $0xffff, v17;
	v9 =	vld [tilespmem:s28+$0xFFFFFFC0]  }
0x8c: {  	v19 =	vor.u32 s29, v4;
	v17 =	vld [tilespmem:s28+$0xFFFFFF40];
	[tilespmem:v16+s17+$0x0] =	vst.idx.msk $0xffff, v8  }
0x8d: {  	v8 =	vor.u32 s2, v1;
	v16 =	vld [tilespmem:s28+$0x60];
	[tilespmem:v13+s17+$0x0] =	vst.idx.msk $0xffff, v11  }
0x8e: {  	v11 =	vor.u32 s9, v6;
	[tilespmem:v12+s17+$0x0] =	vst.idx.msk $0xffff, v20;
	v12 =	vld [tilespmem:s28+$0xD0]  }
0x8f: {  	v13 =	vor.u32 s7, v1;
	[tilespmem:v18+s17+$0x0] =	vst.idx.msk $0xffff, v10;
	v10 =	vld [tilespmem:s10+$0x90]  }
0x90: {  	v20 =	vld [tilespmem:s10+$0xFFFFFF90];
	[tilespmem:v14+s17+$0x0] =	vst.idx.msk $0xffff, v9;
	v9 =	vor.u32 s31, v5  }
0x91: {  	v21 =	vor.u32 s30, v5;
	[tilespmem:v19+s17+$0x0] =	vst.idx.msk $0xffff, v17;
	v14 =	vld [tilespmem:s28+$0xFFFFFFD0]  }
0x92: {  	v23 =	vor.u32 s29, v5;
	[tilespmem:v8+s17+$0x0] =	vst.idx.msk $0xffff, v15;
	v22 =	vld [tilespmem:s28+$0xFFFFFF50]  }
0x93: {  	v24 =	vor.u32 s1, v1;
	v8 =	vld [tilespmem:s10+$0xFFFFFF20];
	[tilespmem:v11+s17+$0x0] =	vst.idx.msk $0xffff, v16  }
.Ltmp2:
0x94: {  	v19 =	vor.u32 s12, v2;
	v17 =	vld [tilespmem:s10+$0x20];
	[tilespmem:v13+s17+$0x0] =	vst.idx.msk $0xffff, v10;
	(pc) =	sbr.rel @p3 .LBB2_3-.Ltmp2, $4  }
0x95: {  	v18 =	vor.u32 s7, v2;
	v16 =	vld [tilespmem:s10+$0xA0];
	[tilespmem:v9+s17+$0x0] =	vst.idx.msk $0xffff, v12  }
0x96: {  	v15 =	vor.u32 s31, v6;
	[tilespmem:v21+s17+$0x0] =	vst.idx.msk $0xffff, v14;
	v14 =	vld [tilespmem:s28+$0xE0]  }
0x97: {  	v10 =	vor.u32 s30, v6;
	v13 =	vor.u32 s9, v7;
	s9 =	smov.u32 s12;
	[tilespmem:v23+s17+$0x0] =	vst.idx.msk $0xffff, v22;
	v11 =	vld [tilespmem:s28+$0x70]  }
0x98: {  	v9 =	vor.u32 s29, v6;
	[tilespmem:v24+s17+$0x0] =	vst.idx.msk $0xffff, v20;
	v12 =	vld [tilespmem:s28+$0xFFFFFFE0]  }
0x99: {  	_ = 	snop  }
0x9a: {  	v20 =	vld [tilespmem:s10+$0xFFFFFFA0];
	v21 =	vor.u32 s1, v2  }
0x9b: {  	v22 =	vor.u32 s2, v2;
	_ =	sdelay $0x1  }
0x9c: {  	[tilespmem:v19+s17+$0x0] =	vst.idx.msk $0xffff, v17  }
0x9d: {  	v19 =	vor.u32 s9, v3;
	v17 =	vld [tilespmem:s10+$0x30];
	[tilespmem:v18+s17+$0x0] =	vst.idx.msk $0xffff, v16  }
0x9e: {  	v18 =	vor.u32 s7, v3;
	v16 =	vld [tilespmem:s3+$0xB0];
	[tilespmem:v21+s17+$0x0] =	vst.idx.msk $0xffff, v20  }
0x9f: {  	[tilespmem:v22+s17+$0x0] =	vst.idx.msk $0xffff, v8;
	v20 =	vor.u32 s1, v3;
	v8 =	vld [tilespmem:s3+$0xFFFFFFB0]  }
0xa0: {  	v60 =	vor.u32 s2, v3;
	v59 =	vld [tilespmem:s3+$0xFFFFFF30];
	_ =	sdelay $0x1  }
0xa1: {  	[tilespmem:v19+s17+$0x0] =	vst.idx.msk $0xffff, v17  }
0xa2: {  	v19 =	vor.u32 s9, v4;
	v17 =	vld [tilespmem:s3+$0x40];
	[tilespmem:v18+s17+$0x0] =	vst.idx.msk $0xffff, v16  }
0xa3: {  	v18 =	vor.u32 s7, v4;
	v16 =	vld [tilespmem:s3+$0xC0];
	[tilespmem:v20+s17+$0x0] =	vst.idx.msk $0xffff, v8  }
0xa4: {  	[tilespmem:v60+s17+$0x0] =	vst.idx.msk $0xffff, v59;
	v20 =	vor.u32 s1, v4;
	v8 =	vld [tilespmem:s3+$0xFFFFFFC0]  }
0xa5: {  	v61 =	vor.u32 s2, v4;
	v21 =	vld [tilespmem:s3+$0xFFFFFF40]  }
0xa6: {  	[tilespmem:v15+s17+$0x0] =	vst.idx.msk $0xffff, v14  }
0xa7: {  	[tilespmem:v19+s17+$0x0] =	vst.idx.msk $0xffff, v17  }
0xa8: {  	v15 =	vor.u32 s9, v5;
	v14 =	vld [tilespmem:s3+$0x50];
	[tilespmem:v18+s17+$0x0] =	vst.idx.msk $0xffff, v16  }
0xa9: {  	v16 =	vld [tilespmem:s3+$0xD0];
	[tilespmem:v20+s17+$0x0] =	vst.idx.msk $0xffff, v8;
	v8 =	vor.u32 s7, v5  }
0xaa: {  	v18 =	vor.u32 s1, v5;
	[tilespmem:v61+s17+$0x0] =	vst.idx.msk $0xffff, v21;
	v17 =	vld [tilespmem:s3+$0xFFFFFFD0]  }
0xab: {  	[tilespmem:v13+s17+$0x0] =	vst.idx.msk $0xffff, v11;
	v13 =	vor.u32 s2, v5;
	v11 =	vld [tilespmem:s3+$0xFFFFFF50]  }
0xac: {  	[tilespmem:v10+s17+$0x0] =	vst.idx.msk $0xffff, v12;
	v19 =	vld [tilespmem:s28+$0xFFFFFF60]  }
0xad: {  	v10 =	vld [tilespmem:s28+$0xF0];
	v12 =	vor.u32 s31, v7;
	[tilespmem:v15+s17+$0x0] =	vst.idx.msk $0xffff, v14  }
0xae: {  	v15 =	vor.u32 s9, v6;
	v14 =	vld [tilespmem:s3+$0x60];
	[tilespmem:v8+s17+$0x0] =	vst.idx.msk $0xffff, v16  }
0xaf: {  	v16 =	vor.u32 s7, v6;
	[tilespmem:v18+s17+$0x0] =	vst.idx.msk $0xffff, v17;
	v8 =	vld [tilespmem:s3+$0xE0]  }
0xb0: {  	[tilespmem:v13+s17+$0x0] =	vst.idx.msk $0xffff, v11;
	v11 =	vor.u32 s1, v6;
	v13 =	vld [tilespmem:s3+$0xFFFFFFE0]  }
0xb1: {  	[tilespmem:v9+s17+$0x0] =	vst.idx.msk $0xffff, v19;
	v9 =	vor.u32 s2, v6;
	v17 =	vld [tilespmem:s3+$0xFFFFFF60]  }
0xb2: {  	[tilespmem:v12+s17+$0x0] =	vst.idx.msk $0xffff, v10;
	v10 =	vor.u32 s29, v7;
	v12 =	vld [tilespmem:s28+$0xFFFFFF70]  }
0xb3: {  	v19 =	vld [tilespmem:s28+$0xFFFFFFF0];
	v18 =	vor.u32 s30, v7;
	[tilespmem:v15+s17+$0x0] =	vst.idx.msk $0xffff, v14  }
0xb4: {  	v15 =	vor.u32 s9, v7;
	v14 =	vld [tilespmem:s3+$0x70];
	[tilespmem:v16+s17+$0x0] =	vst.idx.msk $0xffff, v8  }
0xb5: {  	v16 =	vor.u32 s7, v7;
	v8 =	vld [tilespmem:s3+$0xF0];
	[tilespmem:v11+s17+$0x0] =	vst.idx.msk $0xffff, v13  }
0xb6: {  	v11 =	vor.u32 s1, v7;
	[tilespmem:v9+s17+$0x0] =	vst.idx.msk $0xffff, v17;
	v9 =	vld [tilespmem:s3+$0xFFFFFFF0]  }
0xb7: {  	[tilespmem:v10+s17+$0x0] =	vst.idx.msk $0xffff, v12;
	v13 =	vor.u32 s2, v7;
	v17 =	vld [tilespmem:s3+$0xFFFFFF70]  }
0xb8: {  	[tilespmem:v18+s17+$0x0] =	vst.idx.msk $0xffff, v19  }
0xb9: {  	[tilespmem:v15+s17+$0x0] =	vst.idx.msk $0xffff, v14  }
0xba: {  	[tilespmem:v16+s17+$0x0] =	vst.idx.msk $0xffff, v8  }
0xbb: {  	s12 =	sshll.u32 s26, $0x9;
	[tilespmem:v11+s17+$0x0] =	vst.idx.msk $0xffff, v9  }
0xbc: {  	s1 =	sadd.s32 s5, s12;
	[tilespmem:v13+s17+$0x0] =	vst.idx.msk $0xffff, v17  }
0xbd: {  	[hbm4b:s1+s4] =	stream.linear.scatter [tilespmem:s17], [sflag:$0x3], $0x1000, $0x38;
	[tilespmem:$0x4000] =	vst v63  }
0xbe: {  	s1 =	sadd.s32 $0x2, s26  }
0xbf: {  	p3 =	sge.u32 s1, s8  }
0xc0: {  	s1 =	sshll.u32 @!p3 s1, $0x7  }
0xc1: {  	s2 =	simm.s32 @!p3 $0x400;
	s1 =	sand.u32 @!p3 $0x1FFFFF00, s1  }
0xc2: {  	s3 =	simm.s32 @!p3 $0x7A1400;
	s7 =	simm.s32 @!p3 $0x0;
	s1 =	sadd.s32 @!p3 s0, s1  }
0xc3: {  	[tilespmem:s7], [sflag:$0x1] =	stream.strided.gather @!p3 [hbm4b:s1+s2], $0x1000, s3, s2, $0x38;
	[tilespmem:$0x4000] =	vst v63  }
0xc4: {  	_ =	swait.ge [sflag:s18], $0x1000  }
0xc5: {  	[sflag:s18] =	ssyncset.done $0x0  }
0xc6: {  	s1 =	simm.s32 @!p2 $0x4;
	[sflag:s18] =	ssyncadd.s32 $0xFFFFF000  }
0xc7: {  	_ =	swait.ge @!p2 [sflag:s1], $0x1000  }
0xc8: {  	[sflag:s1] =	ssyncset.done @!p2 $0x0  }
0xc9: {  	s31 =	simm.s32 $0x8;
	s26 =	simm.s32 $0x11F0;
	[sflag:s1] =	ssyncadd.s32 @!p2 $0xFFFFF000  }
0xca: {  	s28 =	simm.s32 $0x0;
	v9 =	vor.u32 s31, v0;
	v8 =	vld [tilespmem:s26+$0xFFFFFF10]  }
0xcb: {  	s30 =	simm.s32 $0xC;
	v13 =	vor.u32 s28, v0;
	v12 =	vld [tilespmem:s26+$0xFFFFFE10]  }
0xcc: {  	s29 =	simm.s32 $0x4;
	v11 =	vor.u32 s30, v0;
	v10 =	vld [tilespmem:s26+$0xFFFFFF90]  }
0xcd: {  	v15 =	vor.u32 s29, v0;
	v14 =	vld [tilespmem:s26+$0xFFFFFE90];
	_ =	sdelay $0x1  }
0xce: {  	[tilespmem:v9+s19+$0x0] =	vst.idx.msk $0xffff, v8  }
0xcf: {  	v9 =	vor.u32 s31, v1;
	[tilespmem:v13+s19+$0x0] =	vst.idx.msk $0xffff, v12;
	v8 =	vld [tilespmem:s26+$0xFFFFFF20]  }
0xd0: {  	[tilespmem:v11+s19+$0x0] =	vst.idx.msk $0xffff, v10;
	v13 =	vor.u32 s28, v1;
	v12 =	vld [tilespmem:s26+$0xFFFFFE20]  }
0xd1: {  	v11 =	vor.u32 s30, v1;
	[tilespmem:v15+s19+$0x0] =	vst.idx.msk $0xffff, v14;
	v10 =	vld [tilespmem:s26+$0xFFFFFFA0]  }
0xd2: {  	v15 =	vor.u32 s29, v1;
	v14 =	vld [tilespmem:s26+$0xFFFFFEA0];
	_ =	sdelay $0x1  }
0xd3: {  	[tilespmem:v9+s19+$0x0] =	vst.idx.msk $0xffff, v8  }
0xd4: {  	v9 =	vor.u32 s31, v2;
	[tilespmem:v13+s19+$0x0] =	vst.idx.msk $0xffff, v12;
	v8 =	vld [tilespmem:s26+$0xFFFFFF30]  }
0xd5: {  	[tilespmem:v11+s19+$0x0] =	vst.idx.msk $0xffff, v10;
	v13 =	vor.u32 s28, v2;
	v12 =	vld [tilespmem:s26+$0xFFFFFE30]  }
0xd6: {  	v11 =	vor.u32 s30, v2;
	[tilespmem:v15+s19+$0x0] =	vst.idx.msk $0xffff, v14;
	v10 =	vld [tilespmem:s26+$0xFFFFFFB0]  }
0xd7: {  	v16 =	vor.u32 s29, v2;
	v14 =	vld [tilespmem:s26+$0xFFFFFEB0];
	_ =	sdelay $0x1  }
0xd8: {  	s10 =	simm.s32 $0x13F0;
	s9 =	simm.s32 $0x18;
	[tilespmem:v9+s19+$0x0] =	vst.idx.msk $0xffff, v8  }
0xd9: {  	[tilespmem:v13+s19+$0x0] =	vst.idx.msk $0xffff, v12;
	v12 =	vld [tilespmem:s10+$0xFFFFFF10];
	v13 =	vor.u32 s9, v0  }
0xda: {  	s2 =	simm.s32 $0x10;
	v9 =	vor.u32 s31, v3;
	[tilespmem:v11+s19+$0x0] =	vst.idx.msk $0xffff, v10;
	v8 =	vld [tilespmem:s26+$0xFFFFFF40]  }
0xdb: {  	[tilespmem:v16+s19+$0x0] =	vst.idx.msk $0xffff, v14;
	v14 =	vld [tilespmem:s10+$0xFFFFFE10];
	v16 =	vor.u32 s2, v0  }
0xdc: {  	v18 =	vor.u32 s30, v3;
	v17 =	vld [tilespmem:s26+$0xFFFFFFC0];
	_ =	sdelay $0x1  }
0xdd: {  	s1 =	simm.s32 $0x14;
	[tilespmem:v13+s19+$0x0] =	vst.idx.msk $0xffff, v12  }
0xde: {  	s7 =	simm.s32 $0x1C;
	v15 =	vld [tilespmem:s10+$0xFFFFFE90];
	[tilespmem:v9+s19+$0x0] =	vst.idx.msk $0xffff, v8;
	v8 =	vor.u32 s1, v0  }
0xdf: {  	[tilespmem:v16+s19+$0x0] =	vst.idx.msk $0xffff, v14;
	v16 =	vor.u32 s7, v0;
	v9 =	vld [tilespmem:s10+$0xFFFFFF90]  }
0xe0: {  	[tilespmem:v18+s19+$0x0] =	vst.idx.msk $0xffff, v17;
	v14 =	vld [tilespmem:s10+$0xFFFFFF20];
	v18 =	vor.u32 s9, v1  }
0xe1: {  	v11 =	vor.u32 s31, v4;
	v10 =	vld [tilespmem:s26+$0xFFFFFF50]  }
0xe2: {  	v13 =	vor.u32 s30, v4;
	v12 =	vld [tilespmem:s26+$0xFFFFFFD0]  }
0xe3: {  	[tilespmem:v8+s19+$0x0] =	vst.idx.msk $0xffff, v15;
	v8 =	vld [tilespmem:s26+$0xFFFFFEC0];
	v15 =	vor.u32 s29, v3  }
0xe4: {  	[tilespmem:v16+s19+$0x0] =	vst.idx.msk $0xffff, v9  }
0xe5: {  	v20 =	vor.u32 s28, v3;
	v19 =	vld [tilespmem:s26+$0xFFFFFE40];
	[tilespmem:v18+s19+$0x0] =	vst.idx.msk $0xffff, v14  }
0xe6: {  	[tilespmem:v11+s19+$0x0] =	vst.idx.msk $0xffff, v10  }
0xe7: {  	v11 =	vor.u32 s31, v5;
	[tilespmem:v13+s19+$0x0] =	vst.idx.msk $0xffff, v12;
	v10 =	vld [tilespmem:s26+$0xFFFFFF60]  }
0xe8: {  	v14 =	vor.u32 s7, v1;
	v13 =	vld [tilespmem:s10+$0xFFFFFFA0];
	[tilespmem:v15+s19+$0x0] =	vst.idx.msk $0xffff, v8  }
0xe9: {  	v15 =	vor.u32 s29, v4;
	v8 =	vld [tilespmem:s26+$0xFFFFFED0]  }
0xea: {  	v17 =	vld [tilespmem:s10+$0xFFFFFE20];
	[tilespmem:v20+s19+$0x0] =	vst.idx.msk $0xffff, v19  }
0xeb: {  	v20 =	vor.u32 s28, v4;
	v19 =	vld [tilespmem:s26+$0xFFFFFE50]  }
0xec: {  	v62 =	vld [tilespmem:s10+$0xFFFFFEA0];
	[tilespmem:v11+s19+$0x0] =	vst.idx.msk $0xffff, v10;
	v10 =	vor.u32 s2, v1  }
0xed: {  	v24 =	vor.u32 s1, v1;
	v12 =	vld [tilespmem:s26+$0xFFFFFFE0];
	[tilespmem:v14+s19+$0x0] =	vst.idx.msk $0xffff, v13  }
0xee: {  	v16 =	vld [tilespmem:s10+$0xFFFFFFB0];
	[tilespmem:v15+s19+$0x0] =	vst.idx.msk $0xffff, v8;
	v15 =	vor.u32 s30, v5  }
0xef: {  	v9 =	vor.u32 s31, v6;
	v11 =	vld [tilespmem:s26+$0xFFFFFF70]  }
0xf0: {  	v63 =	vor.u32 s29, v5;
	[tilespmem:v20+s19+$0x0] =	vst.idx.msk $0xffff, v19;
	v20 =	vld [tilespmem:s26+$0xFFFFFEE0]  }
0xf1: {  	v23 =	vor.u32 s28, v5;
	[tilespmem:v10+s19+$0x0] =	vst.idx.msk $0xffff, v17;
	v10 =	vld [tilespmem:s26+$0xFFFFFE60]  }
0xf2: {  	v19 =	vor.u32 s9, v2;
	[tilespmem:v24+s19+$0x0] =	vst.idx.msk $0xffff, v62;
	v17 =	vld [tilespmem:s10+$0xFFFFFF30]  }
0xf3: {  	v18 =	vor.u32 s7, v2;
	v8 =	vld [tilespmem:s10+$0xFFFFFE30];
	[tilespmem:v15+s19+$0x0] =	vst.idx.msk $0xffff, v12  }
0xf4: {  	[tilespmem:v9+s19+$0x0] =	vst.idx.msk $0xffff, v11;
	v15 =	vor.u32 s30, v6;
	v14 =	vld [tilespmem:s26+$0xFFFFFFF0]  }
0xf5: {  	v13 =	vor.u32 s31, v7;
	v11 =	vld [tilespmem:s26+$0xFFFFFF80];
	[tilespmem:v63+s19+$0x0] =	vst.idx.msk $0xffff, v20  }
0xf6: {  	s11 =	simm.s32 $0x4;
	s3 =	simm.s32 $0x13F0;
	v9 =	vor.u32 s28, v6;
	[tilespmem:v23+s19+$0x0] =	vst.idx.msk $0xffff, v10;
	v10 =	vor.u32 s29, v6;
	v12 =	vld [tilespmem:s26+$0xFFFFFEF0]  }
.LBB2_5:
0xf7: {  	s11 =	sadd.s32 $0x4, s11;
	[tilespmem:v19+s19+$0x0] =	vst.idx.msk $0xffff, v17;
	v17 =	vld [tilespmem:s26+$0xFFFFFE70]  }
0xf8: {  	v20 =	vor.u32 s9, v3;
	p2 =	slt.u32 s11, $0x1C;
	v19 =	vld [tilespmem:s10+$0xFFFFFF40];
	[tilespmem:v18+s19+$0x0] =	vst.idx.msk $0xffff, v16  }
0xf9: {  	v16 =	vor.u32 s2, v2;
	v18 =	vld [tilespmem:s10+$0xFFFFFEB0];
	[tilespmem:v15+s19+$0x0] =	vst.idx.msk $0xffff, v14  }
0xfa: {  	s10 =	sadd.s32 $0x200, s10;
	[tilespmem:v13+s19+$0x0] =	vst.idx.msk $0xffff, v11;
	v11 =	vld [tilespmem:s26+$0x0];
	v13 =	vor.u32 s30, v7;
	s30 =	smov.u32 s7  }
0xfb: {  	v15 =	vor.u32 s1, v2;
	v14 =	vld [tilespmem:s10+$0xFFFFFE90];
	[tilespmem:v10+s19+$0x0] =	vst.idx.msk $0xffff, v12;
	v10 =	vor.u32 s29, v7;
	s29 =	smov.u32 s1  }
0xfc: {  	[tilespmem:v9+s19+$0x0] =	vst.idx.msk $0xffff, v17;
	v9 =	vor.u32 s28, v7;
	v12 =	vld [tilespmem:s26+$0xFFFFFF00];
	s28 =	smov.u32 s2;
	s2 =	sadd.s32 $0x10, s2  }
0xfd: {  	s1 =	sadd.s32 $0x4, s2;
	[tilespmem:v20+s19+$0x0] =	vst.idx.msk $0xffff, v19;
	v17 =	vld [tilespmem:s26+$0xFFFFFE80];
	s26 =	smov.u32 s3;
	s3 =	smov.u32 s10  }
0xfe: {  	v19 =	vor.u32 s1, v0;
	v20 =	vld [tilespmem:s10+$0xFFFFFF90];
	[tilespmem:v16+s19+$0x0] =	vst.idx.msk $0xffff, v8  }
0xff: {  	v16 =	vor.u32 s9, v4;
	v8 =	vld [tilespmem:s26+$0xFFFFFF50];
	[tilespmem:v13+s19+$0x0] =	vst.idx.msk $0xffff, v11  }
0x100: {  	s12 =	sadd.s32 $0x8, s2;
	v13 =	vor.u32 s30, v3;
	[tilespmem:v15+s19+$0x0] =	vst.idx.msk $0xffff, v18;
	v11 =	vld [tilespmem:s26+$0xFFFFFFC0]  }
0x101: {  	v18 =	vor.u32 s12, v0;
	v15 =	vld [tilespmem:s10+$0xFFFFFF10];
	[tilespmem:v10+s19+$0x0] =	vst.idx.msk $0xffff, v12  }
0x102: {  	v12 =	vor.u32 s2, v0;
	v10 =	vld [tilespmem:s10+$0xFFFFFE10];
	[tilespmem:v9+s19+$0x0] =	vst.idx.msk $0xffff, v17  }
0x103: {  	[tilespmem:v19+s19+$0x0] =	vst.idx.msk $0xffff, v14;
	v9 =	vld [tilespmem:s26+$0xFFFFFEC0];
	v14 =	vor.u32 s29, v3  }
0x104: {  	v19 =	vor.u32 s28, v3;
	v17 =	vld [tilespmem:s26+$0xFFFFFE40];
	[tilespmem:v16+s19+$0x0] =	vst.idx.msk $0xffff, v8  }
0x105: {  	v16 =	vor.u32 s9, v5;
	v8 =	vld [tilespmem:s26+$0xFFFFFF60];
	[tilespmem:v13+s19+$0x0] =	vst.idx.msk $0xffff, v11  }
0x106: {  	s7 =	sadd.s32 $0xC, s2;
	v13 =	vor.u32 s30, v4;
	[tilespmem:v18+s19+$0x0] =	vst.idx.msk $0xffff, v15;
	v11 =	vld [tilespmem:s26+$0xFFFFFFD0]  }
0x107: {  	[tilespmem:v12+s19+$0x0] =	vst.idx.msk $0xffff, v10;
	v10 =	vld [tilespmem:s10+$0xFFFFFF20];
	v12 =	vor.u32 s7, v0  }
0x108: {  	v18 =	vor.u32 s12, v1;
	v15 =	vld [tilespmem:s10+$0xFFFFFE20];
	[tilespmem:v14+s19+$0x0] =	vst.idx.msk $0xffff, v9  }
0x109: {  	v14 =	vor.u32 s29, v4;
	[tilespmem:v19+s19+$0x0] =	vst.idx.msk $0xffff, v17;
	v9 =	vld [tilespmem:s26+$0xFFFFFED0]  }
0x10a: {  	v19 =	vor.u32 s28, v4;
	v17 =	vld [tilespmem:s26+$0xFFFFFE50];
	[tilespmem:v16+s19+$0x0] =	vst.idx.msk $0xffff, v8  }
0x10b: {  	v8 =	vor.u32 s2, v1;
	v16 =	vld [tilespmem:s26+$0xFFFFFF70];
	[tilespmem:v13+s19+$0x0] =	vst.idx.msk $0xffff, v11  }
0x10c: {  	v11 =	vor.u32 s9, v6;
	[tilespmem:v12+s19+$0x0] =	vst.idx.msk $0xffff, v20;
	v12 =	vld [tilespmem:s26+$0xFFFFFFE0]  }
0x10d: {  	v13 =	vor.u32 s7, v1;
	[tilespmem:v18+s19+$0x0] =	vst.idx.msk $0xffff, v10;
	v10 =	vld [tilespmem:s10+$0xFFFFFFA0]  }
0x10e: {  	v20 =	vld [tilespmem:s10+$0xFFFFFEA0];
	[tilespmem:v14+s19+$0x0] =	vst.idx.msk $0xffff, v9;
	v9 =	vor.u32 s30, v5  }
0x10f: {  	v21 =	vor.u32 s29, v5;
	[tilespmem:v19+s19+$0x0] =	vst.idx.msk $0xffff, v17;
	v14 =	vld [tilespmem:s26+$0xFFFFFEE0]  }
0x110: {  	v23 =	vor.u32 s28, v5;
	[tilespmem:v8+s19+$0x0] =	vst.idx.msk $0xffff, v15;
	v22 =	vld [tilespmem:s26+$0xFFFFFE60]  }
0x111: {  	v24 =	vor.u32 s1, v1;
	v8 =	vld [tilespmem:s10+$0xFFFFFE30];
	[tilespmem:v11+s19+$0x0] =	vst.idx.msk $0xffff, v16  }
.Ltmp3:
0x112: {  	v19 =	vor.u32 s12, v2;
	v17 =	vld [tilespmem:s10+$0xFFFFFF30];
	[tilespmem:v13+s19+$0x0] =	vst.idx.msk $0xffff, v10;
	(pc) =	sbr.rel @p2 .LBB2_5-.Ltmp3, $4  }
0x113: {  	v18 =	vor.u32 s7, v2;
	v16 =	vld [tilespmem:s10+$0xFFFFFFB0];
	[tilespmem:v9+s19+$0x0] =	vst.idx.msk $0xffff, v12  }
0x114: {  	v15 =	vor.u32 s30, v6;
	[tilespmem:v21+s19+$0x0] =	vst.idx.msk $0xffff, v14;
	v14 =	vld [tilespmem:s26+$0xFFFFFFF0]  }
0x115: {  	v10 =	vor.u32 s29, v6;
	v13 =	vor.u32 s9, v7;
	s9 =	smov.u32 s12;
	[tilespmem:v23+s19+$0x0] =	vst.idx.msk $0xffff, v22;
	v11 =	vld [tilespmem:s26+$0xFFFFFF80]  }
0x116: {  	v9 =	vor.u32 s28, v6;
	[tilespmem:v24+s19+$0x0] =	vst.idx.msk $0xffff, v20;
	v12 =	vld [tilespmem:s26+$0xFFFFFEF0]  }
0x117: {  	_ = 	snop  }
0x118: {  	v20 =	vld [tilespmem:s10+$0xFFFFFEB0];
	v21 =	vor.u32 s1, v2  }
0x119: {  	v22 =	vor.u32 s2, v2;
	_ =	sdelay $0x1  }
0x11a: {  	[tilespmem:v19+s19+$0x0] =	vst.idx.msk $0xffff, v17  }
0x11b: {  	v31 =	vor.u32 s9, v3;
	v17 =	vld [tilespmem:s10+$0xFFFFFF40];
	[tilespmem:v18+s19+$0x0] =	vst.idx.msk $0xffff, v16  }
0x11c: {  	v32 =	vor.u32 s7, v3;
	v16 =	vld [tilespmem:s3+$0xFFFFFFC0];
	[tilespmem:v21+s19+$0x0] =	vst.idx.msk $0xffff, v20  }
0x11d: {  	v33 =	vor.u32 s1, v3;
	[tilespmem:v22+s19+$0x0] =	vst.idx.msk $0xffff, v8;
	v8 =	vld [tilespmem:s3+$0xFFFFFEC0]  }
0x11e: {  	v35 =	vor.u32 s2, v3;
	v34 =	vld [tilespmem:s3+$0xFFFFFE40];
	_ =	sdelay $0x1  }
0x11f: {  	[tilespmem:v31+s19+$0x0] =	vst.idx.msk $0xffff, v17  }
0x120: {  	v36 =	vor.u32 s9, v4;
	v17 =	vld [tilespmem:s3+$0xFFFFFF50];
	[tilespmem:v32+s19+$0x0] =	vst.idx.msk $0xffff, v16  }
0x121: {  	v37 =	vor.u32 s7, v4;
	v16 =	vld [tilespmem:s3+$0xFFFFFFD0];
	[tilespmem:v33+s19+$0x0] =	vst.idx.msk $0xffff, v8  }
0x122: {  	v38 =	vor.u32 s1, v4;
	[tilespmem:v35+s19+$0x0] =	vst.idx.msk $0xffff, v34;
	v8 =	vld [tilespmem:s3+$0xFFFFFED0]  }
0x123: {  	v39 =	vor.u32 s2, v4;
	v21 =	vld [tilespmem:s3+$0xFFFFFE50]  }
0x124: {  	[tilespmem:v15+s19+$0x0] =	vst.idx.msk $0xffff, v14  }
0x125: {  	[tilespmem:v36+s19+$0x0] =	vst.idx.msk $0xffff, v17  }
0x126: {  	v41 =	vor.u32 s9, v5;
	v40 =	vld [tilespmem:s3+$0xFFFFFF60];
	[tilespmem:v37+s19+$0x0] =	vst.idx.msk $0xffff, v16  }
0x127: {  	v16 =	vld [tilespmem:s3+$0xFFFFFFE0];
	[tilespmem:v38+s19+$0x0] =	vst.idx.msk $0xffff, v8;
	v8 =	vor.u32 s7, v5  }
0x128: {  	v43 =	vor.u32 s1, v5;
	[tilespmem:v39+s19+$0x0] =	vst.idx.msk $0xffff, v21;
	v42 =	vld [tilespmem:s3+$0xFFFFFEE0]  }
0x129: {  	v45 =	vor.u32 s2, v5;
	[tilespmem:v13+s19+$0x0] =	vst.idx.msk $0xffff, v11;
	v44 =	vld [tilespmem:s3+$0xFFFFFE60]  }
0x12a: {  	v46 =	vld [tilespmem:s26+$0xFFFFFE70];
	[tilespmem:v10+s19+$0x0] =	vst.idx.msk $0xffff, v12  }
0x12b: {  	v48 =	vor.u32 s30, v7;
	v47 =	vld [tilespmem:s26+$0x0];
	[tilespmem:v41+s19+$0x0] =	vst.idx.msk $0xffff, v40  }
0x12c: {  	v49 =	vor.u32 s9, v6;
	v14 =	vld [tilespmem:s3+$0xFFFFFF70];
	[tilespmem:v8+s19+$0x0] =	vst.idx.msk $0xffff, v16  }
0x12d: {  	v50 =	vor.u32 s7, v6;
	[tilespmem:v43+s19+$0x0] =	vst.idx.msk $0xffff, v42;
	v8 =	vld [tilespmem:s3+$0xFFFFFFF0]  }
0x12e: {  	v51 =	vor.u32 s1, v6;
	[tilespmem:v45+s19+$0x0] =	vst.idx.msk $0xffff, v44;
	v52 =	vld [tilespmem:s3+$0xFFFFFEF0]  }
0x12f: {  	v53 =	vor.u32 s2, v6;
	[tilespmem:v9+s19+$0x0] =	vst.idx.msk $0xffff, v46;
	v54 =	vld [tilespmem:s3+$0xFFFFFE70]  }
0x130: {  	v55 =	vor.u32 s29, v7;
	v56 =	vld [tilespmem:s26+$0xFFFFFF00];
	[tilespmem:v48+s19+$0x0] =	vst.idx.msk $0xffff, v47  }
0x131: {  	v57 =	vor.u32 s28, v7;
	v58 =	vld [tilespmem:s26+$0xFFFFFE80];
	[tilespmem:v49+s19+$0x0] =	vst.idx.msk $0xffff, v14  }
0x132: {  	v59 =	vor.u32 s9, v7;
	v14 =	vld [tilespmem:s3+$0xFFFFFF80];
	[tilespmem:v50+s19+$0x0] =	vst.idx.msk $0xffff, v8  }
0x133: {  	v60 =	vor.u32 s7, v7;
	v8 =	vld [tilespmem:s3+$0x0];
	[tilespmem:v51+s19+$0x0] =	vst.idx.msk $0xffff, v52  }
0x134: {  	v61 =	vor.u32 s1, v7;
	[tilespmem:v53+s19+$0x0] =	vst.idx.msk $0xffff, v54;
	v62 =	vld [tilespmem:s3+$0xFFFFFF00]  }
0x135: {  	v63 =	vor.u32 s2, v7;
	s24 =	sadd.s32 $0x1, s24;
	[tilespmem:v55+s19+$0x0] =	vst.idx.msk $0xffff, v56;
	v17 =	vld [tilespmem:s3+$0xFFFFFE80]  }
0x136: {  	p2 =	sne.s32 s24, $0x7A;
	[tilespmem:v57+s19+$0x0] =	vst.idx.msk $0xffff, v58  }
.Ltmp4:
0x137: {  	[tilespmem:v59+s19+$0x0] =	vst.idx.msk $0xffff, v14;
	(pc) =	sbr.rel @p2 .LBB2_2-.Ltmp4, $4  }
0x138: {  	s31 =	sshll.u32 s25, $0x9;
	[tilespmem:v60+s19+$0x0] =	vst.idx.msk $0xffff, v8  }
0x139: {  	s1 =	sand.u32 $0x1FFFFE00, s31;
	[tilespmem:v61+s19+$0x0] =	vst.idx.msk $0xffff, v62  }
0x13a: {  	s1 =	sadd.s32 s5, s1;
	[tilespmem:v63+s19+$0x0] =	vst.idx.msk $0xffff, v17  }
0x13b: {  	[hbm4b:s1+s4] =	stream.linear.scatter [tilespmem:s19], [sflag:$0x4], $0x1000, $0x38;
	[tilespmem:$0x4000] =	vst v63  }
0x13c: {  	_ =	swait.ge [sflag:s20], $0x1000  }
.Ltmp5:
0x13d: {  	[sflag:s20] =	ssyncset.done $0x0;
	(pc) =	sbr.rel @p0 .LBB2_11-.Ltmp5, $4  }
0x13e: {  	[sflag:s20] =	ssyncadd.s32 $0xFFFFF000  }
0x13f: {  	_ =	swait.ge [sflag:s21], $0x1000  }
0x140: {  	[sflag:s21] =	ssyncset.done $0x0  }
0x141: {  	[sflag:s21] =	ssyncadd.s32 $0xFFFFF000  }
0x142: {  	s24 =	simm.s32 $0x0;
	s1 =	rddreg [dreg:$0x5]  }
0x143: {  	[tilespmem:s24], [sflag:$0x5] =	stream.strided.gather [hbm4b:s1+s13], $0x1000, s14, s13, $0x38;
	[tilespmem:$0x4000] =	vst v63  }
0x144: {  	_ =	swait.ge [sflag:s22], $0x1000  }
0x145: {  	[sflag:s22] =	ssyncset.done $0x0  }
0x146: {  	s25 =	simm.s32 $0x100;
	s3 =	simm.s32 $0x8;
	[sflag:s22] =	ssyncadd.s32 $0xFFFFF000  }
0x147: {  	v9 =	vor.u32 s3, v0;
	v8 =	vld [tilespmem:s25+$0x0]  }
0x148: {  	s28 =	simm.s32 $0xC;
	v13 =	vor.u32 s24, v0;
	v12 =	vld [tilespmem:s25+$0xFFFFFF00]  }
0x149: {  	s26 =	simm.s32 $0x4;
	v11 =	vor.u32 s28, v0;
	v10 =	vld [tilespmem:s25+$0x80]  }
0x14a: {  	v15 =	vor.u32 s26, v0;
	v14 =	vld [tilespmem:s25+$0xFFFFFF80];
	_ =	sdelay $0x1  }
0x14b: {  	[tilespmem:v9+s17+$0x0] =	vst.idx.msk $0xffff, v8  }
0x14c: {  	v9 =	vor.u32 s3, v1;
	[tilespmem:v13+s17+$0x0] =	vst.idx.msk $0xffff, v12;
	v8 =	vld [tilespmem:s25+$0x10]  }
0x14d: {  	[tilespmem:v11+s17+$0x0] =	vst.idx.msk $0xffff, v10;
	v13 =	vor.u32 s24, v1;
	v12 =	vld [tilespmem:s25+$0xFFFFFF10]  }
0x14e: {  	v11 =	vor.u32 s28, v1;
	[tilespmem:v15+s17+$0x0] =	vst.idx.msk $0xffff, v14;
	v10 =	vld [tilespmem:s25+$0x90]  }
0x14f: {  	v15 =	vor.u32 s26, v1;
	v14 =	vld [tilespmem:s25+$0xFFFFFF90];
	_ =	sdelay $0x1  }
0x150: {  	[tilespmem:v9+s17+$0x0] =	vst.idx.msk $0xffff, v8  }
0x151: {  	v9 =	vor.u32 s3, v2;
	[tilespmem:v13+s17+$0x0] =	vst.idx.msk $0xffff, v12;
	v8 =	vld [tilespmem:s25+$0x20]  }
0x152: {  	[tilespmem:v11+s17+$0x0] =	vst.idx.msk $0xffff, v10;
	v13 =	vor.u32 s24, v2;
	v12 =	vld [tilespmem:s25+$0xFFFFFF20]  }
0x153: {  	v11 =	vor.u32 s28, v2;
	[tilespmem:v15+s17+$0x0] =	vst.idx.msk $0xffff, v14;
	v10 =	vld [tilespmem:s25+$0xA0]  }
0x154: {  	v16 =	vor.u32 s26, v2;
	v14 =	vld [tilespmem:s25+$0xFFFFFFA0];
	_ =	sdelay $0x1  }
0x155: {  	s10 =	simm.s32 $0x300;
	s9 =	simm.s32 $0x18;
	[tilespmem:v9+s17+$0x0] =	vst.idx.msk $0xffff, v8  }
0x156: {  	[tilespmem:v13+s17+$0x0] =	vst.idx.msk $0xffff, v12;
	v12 =	vld [tilespmem:s10+$0x0];
	v13 =	vor.u32 s9, v0  }
0x157: {  	s2 =	simm.s32 $0x10;
	v9 =	vor.u32 s3, v3;
	[tilespmem:v11+s17+$0x0] =	vst.idx.msk $0xffff, v10;
	v8 =	vld [tilespmem:s25+$0x30]  }
0x158: {  	[tilespmem:v16+s17+$0x0] =	vst.idx.msk $0xffff, v14;
	v14 =	vld [tilespmem:s10+$0xFFFFFF00];
	v16 =	vor.u32 s2, v0  }
0x159: {  	v18 =	vor.u32 s28, v3;
	v17 =	vld [tilespmem:s25+$0xB0];
	_ =	sdelay $0x1  }
0x15a: {  	s1 =	simm.s32 $0x14;
	[tilespmem:v13+s17+$0x0] =	vst.idx.msk $0xffff, v12  }
0x15b: {  	s7 =	simm.s32 $0x1C;
	v15 =	vld [tilespmem:s10+$0xFFFFFF80];
	[tilespmem:v9+s17+$0x0] =	vst.idx.msk $0xffff, v8;
	v8 =	vor.u32 s1, v0  }
0x15c: {  	[tilespmem:v16+s17+$0x0] =	vst.idx.msk $0xffff, v14;
	v16 =	vor.u32 s7, v0;
	v9 =	vld [tilespmem:s10+$0x80]  }
0x15d: {  	[tilespmem:v18+s17+$0x0] =	vst.idx.msk $0xffff, v17;
	v14 =	vld [tilespmem:s10+$0x10];
	v18 =	vor.u32 s9, v1  }
0x15e: {  	v11 =	vor.u32 s3, v4;
	v10 =	vld [tilespmem:s25+$0x40]  }
0x15f: {  	v13 =	vor.u32 s28, v4;
	v12 =	vld [tilespmem:s25+$0xC0]  }
0x160: {  	[tilespmem:v8+s17+$0x0] =	vst.idx.msk $0xffff, v15;
	v8 =	vld [tilespmem:s25+$0xFFFFFFB0];
	v15 =	vor.u32 s26, v3  }
0x161: {  	[tilespmem:v16+s17+$0x0] =	vst.idx.msk $0xffff, v9  }
0x162: {  	v20 =	vor.u32 s24, v3;
	v19 =	vld [tilespmem:s25+$0xFFFFFF30];
	[tilespmem:v18+s17+$0x0] =	vst.idx.msk $0xffff, v14  }
0x163: {  	[tilespmem:v11+s17+$0x0] =	vst.idx.msk $0xffff, v10  }
0x164: {  	v11 =	vor.u32 s3, v5;
	[tilespmem:v13+s17+$0x0] =	vst.idx.msk $0xffff, v12;
	v10 =	vld [tilespmem:s25+$0x50]  }
0x165: {  	v14 =	vor.u32 s7, v1;
	v13 =	vld [tilespmem:s10+$0x90];
	[tilespmem:v15+s17+$0x0] =	vst.idx.msk $0xffff, v8  }
0x166: {  	v15 =	vor.u32 s26, v4;
	v8 =	vld [tilespmem:s25+$0xFFFFFFC0]  }
0x167: {  	v17 =	vld [tilespmem:s10+$0xFFFFFF10];
	[tilespmem:v20+s17+$0x0] =	vst.idx.msk $0xffff, v19  }
0x168: {  	v20 =	vor.u32 s24, v4;
	v19 =	vld [tilespmem:s25+$0xFFFFFF40]  }
0x169: {  	v21 =	vld [tilespmem:s10+$0xFFFFFF90];
	[tilespmem:v11+s17+$0x0] =	vst.idx.msk $0xffff, v10;
	v10 =	vor.u32 s2, v1  }
0x16a: {  	v24 =	vor.u32 s1, v1;
	v12 =	vld [tilespmem:s25+$0xD0];
	[tilespmem:v14+s17+$0x0] =	vst.idx.msk $0xffff, v13  }
0x16b: {  	v16 =	vld [tilespmem:s10+$0xA0];
	[tilespmem:v15+s17+$0x0] =	vst.idx.msk $0xffff, v8;
	v15 =	vor.u32 s28, v5  }
0x16c: {  	v9 =	vor.u32 s3, v6;
	v11 =	vld [tilespmem:s25+$0x60]  }
0x16d: {  	v22 =	vor.u32 s26, v5;
	[tilespmem:v20+s17+$0x0] =	vst.idx.msk $0xffff, v19;
	v20 =	vld [tilespmem:s25+$0xFFFFFFD0]  }
0x16e: {  	v23 =	vor.u32 s24, v5;
	[tilespmem:v10+s17+$0x0] =	vst.idx.msk $0xffff, v17;
	v10 =	vld [tilespmem:s25+$0xFFFFFF50]  }
0x16f: {  	v19 =	vor.u32 s9, v2;
	[tilespmem:v24+s17+$0x0] =	vst.idx.msk $0xffff, v21;
	v17 =	vld [tilespmem:s10+$0x20]  }
0x170: {  	v18 =	vor.u32 s7, v2;
	v8 =	vld [tilespmem:s10+$0xFFFFFF20];
	[tilespmem:v15+s17+$0x0] =	vst.idx.msk $0xffff, v12  }
0x171: {  	[tilespmem:v9+s17+$0x0] =	vst.idx.msk $0xffff, v11;
	v15 =	vor.u32 s28, v6;
	v14 =	vld [tilespmem:s25+$0xE0]  }
0x172: {  	v13 =	vor.u32 s3, v7;
	v11 =	vld [tilespmem:s25+$0x70];
	[tilespmem:v22+s17+$0x0] =	vst.idx.msk $0xffff, v20  }
0x173: {  	s11 =	simm.s32 $0x4;
	s3 =	simm.s32 $0x300;
	v9 =	vor.u32 s24, v6;
	[tilespmem:v23+s17+$0x0] =	vst.idx.msk $0xffff, v10;
	v10 =	vor.u32 s26, v6;
	v12 =	vld [tilespmem:s25+$0xFFFFFFE0]  }
.LBB2_9:
0x174: {  	s11 =	sadd.s32 $0x4, s11;
	[tilespmem:v19+s17+$0x0] =	vst.idx.msk $0xffff, v17;
	v17 =	vld [tilespmem:s25+$0xFFFFFF60]  }
0x175: {  	v20 =	vor.u32 s9, v3;
	p2 =	slt.u32 s11, $0x1C;
	v19 =	vld [tilespmem:s10+$0x30];
	[tilespmem:v18+s17+$0x0] =	vst.idx.msk $0xffff, v16  }
0x176: {  	v16 =	vor.u32 s2, v2;
	v18 =	vld [tilespmem:s10+$0xFFFFFFA0];
	[tilespmem:v15+s17+$0x0] =	vst.idx.msk $0xffff, v14  }
0x177: {  	s10 =	sadd.s32 $0x200, s10;
	[tilespmem:v13+s17+$0x0] =	vst.idx.msk $0xffff, v11;
	v11 =	vld [tilespmem:s25+$0xF0];
	v13 =	vor.u32 s28, v7;
	s28 =	smov.u32 s7  }
0x178: {  	v15 =	vor.u32 s1, v2;
	v14 =	vld [tilespmem:s10+$0xFFFFFF80];
	[tilespmem:v10+s17+$0x0] =	vst.idx.msk $0xffff, v12;
	v10 =	vor.u32 s26, v7;
	s26 =	smov.u32 s1  }
0x179: {  	[tilespmem:v9+s17+$0x0] =	vst.idx.msk $0xffff, v17;
	v9 =	vor.u32 s24, v7;
	v12 =	vld [tilespmem:s25+$0xFFFFFFF0];
	s24 =	smov.u32 s2;
	s2 =	sadd.s32 $0x10, s2  }
0x17a: {  	s1 =	sadd.s32 $0x4, s2;
	[tilespmem:v20+s17+$0x0] =	vst.idx.msk $0xffff, v19;
	v17 =	vld [tilespmem:s25+$0xFFFFFF70];
	s25 =	smov.u32 s3;
	s3 =	smov.u32 s10  }
0x17b: {  	v19 =	vor.u32 s1, v0;
	v20 =	vld [tilespmem:s10+$0x80];
	[tilespmem:v16+s17+$0x0] =	vst.idx.msk $0xffff, v8  }
0x17c: {  	v16 =	vor.u32 s9, v4;
	v8 =	vld [tilespmem:s25+$0x40];
	[tilespmem:v13+s17+$0x0] =	vst.idx.msk $0xffff, v11  }
0x17d: {  	s12 =	sadd.s32 $0x8, s2;
	v13 =	vor.u32 s28, v3;
	[tilespmem:v15+s17+$0x0] =	vst.idx.msk $0xffff, v18;
	v11 =	vld [tilespmem:s25+$0xB0]  }
0x17e: {  	v18 =	vor.u32 s12, v0;
	v15 =	vld [tilespmem:s10+$0x0];
	[tilespmem:v10+s17+$0x0] =	vst.idx.msk $0xffff, v12  }
0x17f: {  	v12 =	vor.u32 s2, v0;
	v10 =	vld [tilespmem:s10+$0xFFFFFF00];
	[tilespmem:v9+s17+$0x0] =	vst.idx.msk $0xffff, v17  }
0x180: {  	[tilespmem:v19+s17+$0x0] =	vst.idx.msk $0xffff, v14;
	v9 =	vld [tilespmem:s25+$0xFFFFFFB0];
	v14 =	vor.u32 s26, v3  }
0x181: {  	v19 =	vor.u32 s24, v3;
	v17 =	vld [tilespmem:s25+$0xFFFFFF30];
	[tilespmem:v16+s17+$0x0] =	vst.idx.msk $0xffff, v8  }
0x182: {  	v16 =	vor.u32 s9, v5;
	v8 =	vld [tilespmem:s25+$0x50];
	[tilespmem:v13+s17+$0x0] =	vst.idx.msk $0xffff, v11  }
0x183: {  	s7 =	sadd.s32 $0xC, s2;
	v13 =	vor.u32 s28, v4;
	[tilespmem:v18+s17+$0x0] =	vst.idx.msk $0xffff, v15;
	v11 =	vld [tilespmem:s25+$0xC0]  }
0x184: {  	[tilespmem:v12+s17+$0x0] =	vst.idx.msk $0xffff, v10;
	v10 =	vld [tilespmem:s10+$0x10];
	v12 =	vor.u32 s7, v0  }
0x185: {  	v18 =	vor.u32 s12, v1;
	v15 =	vld [tilespmem:s10+$0xFFFFFF10];
	[tilespmem:v14+s17+$0x0] =	vst.idx.msk $0xffff, v9  }
0x186: {  	v14 =	vor.u32 s26, v4;
	[tilespmem:v19+s17+$0x0] =	vst.idx.msk $0xffff, v17;
	v9 =	vld [tilespmem:s25+$0xFFFFFFC0]  }
0x187: {  	v19 =	vor.u32 s24, v4;
	v17 =	vld [tilespmem:s25+$0xFFFFFF40];
	[tilespmem:v16+s17+$0x0] =	vst.idx.msk $0xffff, v8  }
0x188: {  	v8 =	vor.u32 s2, v1;
	v16 =	vld [tilespmem:s25+$0x60];
	[tilespmem:v13+s17+$0x0] =	vst.idx.msk $0xffff, v11  }
0x189: {  	v11 =	vor.u32 s9, v6;
	[tilespmem:v12+s17+$0x0] =	vst.idx.msk $0xffff, v20;
	v12 =	vld [tilespmem:s25+$0xD0]  }
0x18a: {  	v13 =	vor.u32 s7, v1;
	[tilespmem:v18+s17+$0x0] =	vst.idx.msk $0xffff, v10;
	v10 =	vld [tilespmem:s10+$0x90]  }
0x18b: {  	v20 =	vld [tilespmem:s10+$0xFFFFFF90];
	[tilespmem:v14+s17+$0x0] =	vst.idx.msk $0xffff, v9;
	v9 =	vor.u32 s28, v5  }
0x18c: {  	v21 =	vor.u32 s26, v5;
	[tilespmem:v19+s17+$0x0] =	vst.idx.msk $0xffff, v17;
	v14 =	vld [tilespmem:s25+$0xFFFFFFD0]  }
0x18d: {  	v23 =	vor.u32 s24, v5;
	[tilespmem:v8+s17+$0x0] =	vst.idx.msk $0xffff, v15;
	v22 =	vld [tilespmem:s25+$0xFFFFFF50]  }
0x18e: {  	v24 =	vor.u32 s1, v1;
	v8 =	vld [tilespmem:s10+$0xFFFFFF20];
	[tilespmem:v11+s17+$0x0] =	vst.idx.msk $0xffff, v16  }
.Ltmp6:
0x18f: {  	v19 =	vor.u32 s12, v2;
	v17 =	vld [tilespmem:s10+$0x20];
	[tilespmem:v13+s17+$0x0] =	vst.idx.msk $0xffff, v10;
	(pc) =	sbr.rel @p2 .LBB2_9-.Ltmp6, $4  }
0x190: {  	v18 =	vor.u32 s7, v2;
	v16 =	vld [tilespmem:s10+$0xA0];
	[tilespmem:v9+s17+$0x0] =	vst.idx.msk $0xffff, v12  }
0x191: {  	v15 =	vor.u32 s28, v6;
	[tilespmem:v21+s17+$0x0] =	vst.idx.msk $0xffff, v14;
	v14 =	vld [tilespmem:s25+$0xE0]  }
0x192: {  	v10 =	vor.u32 s26, v6;
	v13 =	vor.u32 s9, v7;
	s9 =	smov.u32 s12;
	[tilespmem:v23+s17+$0x0] =	vst.idx.msk $0xffff, v22;
	v11 =	vld [tilespmem:s25+$0x70]  }
0x193: {  	v9 =	vor.u32 s24, v6;
	[tilespmem:v24+s17+$0x0] =	vst.idx.msk $0xffff, v20;
	v12 =	vld [tilespmem:s25+$0xFFFFFFE0]  }
0x194: {  	_ = 	snop  }
0x195: {  	v20 =	vld [tilespmem:s10+$0xFFFFFFA0];
	v21 =	vor.u32 s1, v2  }
0x196: {  	v22 =	vor.u32 s2, v2;
	_ =	sdelay $0x1  }
0x197: {  	[tilespmem:v19+s17+$0x0] =	vst.idx.msk $0xffff, v17  }
0x198: {  	v31 =	vor.u32 s9, v3;
	v17 =	vld [tilespmem:s10+$0x30];
	[tilespmem:v18+s17+$0x0] =	vst.idx.msk $0xffff, v16  }
0x199: {  	v32 =	vor.u32 s7, v3;
	v16 =	vld [tilespmem:s3+$0xB0];
	[tilespmem:v21+s17+$0x0] =	vst.idx.msk $0xffff, v20  }
0x19a: {  	v33 =	vor.u32 s1, v3;
	[tilespmem:v22+s17+$0x0] =	vst.idx.msk $0xffff, v8;
	v8 =	vld [tilespmem:s3+$0xFFFFFFB0]  }
0x19b: {  	v35 =	vor.u32 s2, v3;
	v34 =	vld [tilespmem:s3+$0xFFFFFF30];
	_ =	sdelay $0x1  }
0x19c: {  	[tilespmem:v31+s17+$0x0] =	vst.idx.msk $0xffff, v17  }
0x19d: {  	v36 =	vor.u32 s9, v4;
	v17 =	vld [tilespmem:s3+$0x40];
	[tilespmem:v32+s17+$0x0] =	vst.idx.msk $0xffff, v16  }
0x19e: {  	v37 =	vor.u32 s7, v4;
	v16 =	vld [tilespmem:s3+$0xC0];
	[tilespmem:v33+s17+$0x0] =	vst.idx.msk $0xffff, v8  }
0x19f: {  	v38 =	vor.u32 s1, v4;
	[tilespmem:v35+s17+$0x0] =	vst.idx.msk $0xffff, v34;
	v8 =	vld [tilespmem:s3+$0xFFFFFFC0]  }
0x1a0: {  	v39 =	vor.u32 s2, v4;
	v21 =	vld [tilespmem:s3+$0xFFFFFF40]  }
0x1a1: {  	[tilespmem:v15+s17+$0x0] =	vst.idx.msk $0xffff, v14  }
0x1a2: {  	[tilespmem:v36+s17+$0x0] =	vst.idx.msk $0xffff, v17  }
0x1a3: {  	v41 =	vor.u32 s9, v5;
	v40 =	vld [tilespmem:s3+$0x50];
	[tilespmem:v37+s17+$0x0] =	vst.idx.msk $0xffff, v16  }
0x1a4: {  	v16 =	vld [tilespmem:s3+$0xD0];
	[tilespmem:v38+s17+$0x0] =	vst.idx.msk $0xffff, v8;
	v8 =	vor.u32 s7, v5  }
0x1a5: {  	v43 =	vor.u32 s1, v5;
	[tilespmem:v39+s17+$0x0] =	vst.idx.msk $0xffff, v21;
	v42 =	vld [tilespmem:s3+$0xFFFFFFD0]  }
0x1a6: {  	v45 =	vor.u32 s2, v5;
	[tilespmem:v13+s17+$0x0] =	vst.idx.msk $0xffff, v11;
	v44 =	vld [tilespmem:s3+$0xFFFFFF50]  }
0x1a7: {  	v46 =	vld [tilespmem:s25+$0xFFFFFF60];
	[tilespmem:v10+s17+$0x0] =	vst.idx.msk $0xffff, v12  }
0x1a8: {  	v48 =	vor.u32 s28, v7;
	v47 =	vld [tilespmem:s25+$0xF0];
	[tilespmem:v41+s17+$0x0] =	vst.idx.msk $0xffff, v40  }
0x1a9: {  	v49 =	vor.u32 s9, v6;
	v14 =	vld [tilespmem:s3+$0x60];
	[tilespmem:v8+s17+$0x0] =	vst.idx.msk $0xffff, v16  }
0x1aa: {  	v50 =	vor.u32 s7, v6;
	[tilespmem:v43+s17+$0x0] =	vst.idx.msk $0xffff, v42;
	v8 =	vld [tilespmem:s3+$0xE0]  }
0x1ab: {  	v51 =	vor.u32 s1, v6;
	[tilespmem:v45+s17+$0x0] =	vst.idx.msk $0xffff, v44;
	v52 =	vld [tilespmem:s3+$0xFFFFFFE0]  }
0x1ac: {  	v53 =	vor.u32 s2, v6;
	[tilespmem:v9+s17+$0x0] =	vst.idx.msk $0xffff, v46;
	v54 =	vld [tilespmem:s3+$0xFFFFFF60]  }
0x1ad: {  	v55 =	vor.u32 s26, v7;
	v56 =	vld [tilespmem:s25+$0xFFFFFFF0];
	[tilespmem:v48+s17+$0x0] =	vst.idx.msk $0xffff, v47  }
0x1ae: {  	v57 =	vor.u32 s24, v7;
	v58 =	vld [tilespmem:s25+$0xFFFFFF70];
	[tilespmem:v49+s17+$0x0] =	vst.idx.msk $0xffff, v14  }
0x1af: {  	v59 =	vor.u32 s9, v7;
	v14 =	vld [tilespmem:s3+$0x70];
	[tilespmem:v50+s17+$0x0] =	vst.idx.msk $0xffff, v8  }
0x1b0: {  	v60 =	vor.u32 s7, v7;
	v8 =	vld [tilespmem:s3+$0xF0];
	[tilespmem:v51+s17+$0x0] =	vst.idx.msk $0xffff, v52  }
0x1b1: {  	v61 =	vor.u32 s1, v7;
	[tilespmem:v53+s17+$0x0] =	vst.idx.msk $0xffff, v54;
	v62 =	vld [tilespmem:s3+$0xFFFFFFF0]  }
0x1b2: {  	v63 =	vor.u32 s2, v7;
	[tilespmem:v55+s17+$0x0] =	vst.idx.msk $0xffff, v56;
	v17 =	vld [tilespmem:s3+$0xFFFFFF70]  }
0x1b3: {  	[tilespmem:v57+s17+$0x0] =	vst.idx.msk $0xffff, v58  }
0x1b4: {  	[tilespmem:v59+s17+$0x0] =	vst.idx.msk $0xffff, v14  }
0x1b5: {  	[tilespmem:v60+s17+$0x0] =	vst.idx.msk $0xffff, v8  }
0x1b6: {  	[tilespmem:v61+s17+$0x0] =	vst.idx.msk $0xffff, v62  }
0x1b7: {  	[tilespmem:v63+s17+$0x0] =	vst.idx.msk $0xffff, v17  }
.Ltmp7:
0x1b8: {  	s31 =	rddreg [dreg:$0x6];
	(pc) =	sbr.rel .LBB2_11-.Ltmp7, $4  }
0x1b9: {  	[hbm4b:s31+s4] =	stream.linear.scatter [tilespmem:s17], [sflag:$0x5], $0x1000, $0x38;
	[tilespmem:$0x4000] =	vst v63  }
0x1ba: {  	_ =	swait.ge [sflag:s22], $0x1000  }
0x1bb: {  	[sflag:s22] =	ssyncset.done $0x0  }
0x1bc: {  	[sflag:s22] =	ssyncadd.s32 $0xFFFFF000  }
.LBB2_12:
0x1bd: {  	_ =	sfence.sel $0x180000  }
0x1be: {  	[bflag:$0x0] =	sbarrier.arrive $0xFFFF  }
0x1bf: {  	_ =	strace $0x90000047  }
0x1c0: {  	s0 =	stileid.u32;
	[bflag:$0x2] =	sbarrier.arrive $0xFFFF  }
0x1c1: {  	p0 =	sne.s32 s0, $0x0;
	s0 =	rddreg [dreg:$0x3]  }
0x1c2: {  	s0 =	sadd.s32 @!p0 $0x100000, s0  }
0x1c3: {  	[sflag:s0] =	ssyncadd.tile.s32 @!p0 $0x1;
	_ =	shalt  }
.Lfunc_end2:
_tile_overlayer_lowered:
.L_overlay_start_2:
0x1c4: {  	(tag) =	ssettag $0x2  }
0x1c5: {  	s0 =	rddreg [dreg:$0x0];
	s2 =	stileid.u32  }
0x1c6: {  	s1 =	rddreg [dreg:$0x1];
	p0 =	sne.s32 s2, $0x0  }
0x1c7: {  	s3 =	rddreg [dreg:$0x2];
	[bflag:$0x3] =	sbarrier.arrive $0xFFFF;
	s2 =	simm.s32 @!p0 $0x1C05  }
0x1c8: {  	[timem:s3], [sflag:s2] =	dma.local @!p0 [hbm:s0], s1  }
0x1c9: {  	s0 =	simm.s32 @!p0 $0x5  }
0x1ca: {  	_ =	swait.ge @!p0 [sflag:s0], s1  }
0x1cb: {  	s1 =	ssub.s32 @!p0 $0x0, s1;
	[sflag:s0] =	ssyncset.done @!p0 $0x0  }
0x1cc: {  	[sflag:s0] =	ssyncadd.s32 @!p0 s1  }
0x1cd: {  	[bflag:$0x3] =	sbarrier.arrive $0xFFFF  }
0x1ce: {  	_ =	shalt  }

// kernel: kernel.7.cloned.1.call-start
scs
__scs_entry_jumppad:
0x0: {  	(pc) =	sbr.rel $0x88, $3  }
0x1: {  	(tag) =	ssettag $0x0;
	lr =	simm.s32 $0x1  }
0x2: {  	[smem:$0x3F9E] =	sst lr;
	_ =	strace $0xD0000000  }
0x3: {  	_ = 	snop  }
0x4: {  	_ = 	snop  }
0x5: {  	_ = 	snop  }
0x6: {  	_ = 	snop  }
0x7: {  	_ = 	snop  }
__scs_overlays_trampoline_lowered:
0x8: {  	[smem:$0x3FAD] =	sst s0  }
0x9: {  	[smem:$0x3FAE] =	sst s1  }
0xa: {  	[smem:$0x3FAF] =	sst s2  }
0xb: {  	[smem:$0x3FB0] =	sst s3  }
0xc: {  	[smem:$0x3FB1] =	sst s4  }
0xd: {  	[smem:$0x3FB2] =	sst s5  }
0xe: {  	[smem:$0x3FB3] =	sst s6  }
0xf: {  	[smem:$0x3FB4] =	sst s7  }
0x10: {  	[smem:$0x3FB5] =	sst s8  }
0x11: {  	[smem:$0x3FB6] =	sst s9;
	s0 =	simm.s32 @!p0 $0x0  }
0x12: {  	s1 =	sld [smem:$0x3F9C];
	s0 =	simm.s32 @p0 $0x1  }
0x13: {  	[smem:$0x3FB7] =	sst s0;
	s0 =	simm.s32 @!p1 $0x0  }
0x14: {  	s2 =	sld [smem:$0x3F9B];
	s0 =	simm.s32 @p1 $0x1  }
0x15: {  	[smem:$0x3FB8] =	sst s0;
	s0 =	simm.s32 @!p2 $0x0  }
0x16: {  	s3 =	sld [smem:$0x3FDB];
	s0 =	simm.s32 @p2 $0x1  }
0x17: {  	s4 =	simm.s32 $0x1BF5;
	[smem:$0x3FBA] =	sst s0  }
0x18: {  	s0 =	sld [smem:$0x3F9D];
	_ =	swait.ge [sflag:s4], $0x0  }
0x19: {  	s7 =	sld [smem:$0x3F9E]  }
0x1a: {  	s8 =	sadd.s32 $0xFFFFE003, lr  }
0x1b: {  	s9 =	sadd.s32 $0xFFFFFEF7, lr;
	s5 =	simm.s32 $0xFFFFFFFF;
	p2 =	slt.u32 s8, $0xFFFFF086  }
0x1c: {  	p1 =	slt.u32 s9, $0xF7A;
	s5 =	simm.s32 @!p2 $0x0  }
0x1d: {  	s5 =	simm.s32 @p1 $0x1;
	p0 =	seq.s32 s7, s2  }
0x1e: {  	s7 =	smul.u32 @!p0 $0xF7A, s2;
	p2 =	seq.s32 @!p0 s5, $0x0  }
0x1f: {  	s9 =	smul.u32 $0xF7A, s1;
	s8 =	simm.s32 @!p0 $0x1BF5;
	p2 =	por !p2, p0  }
0x20: {  	[sflag:s8] =	ssyncset.s32 @!p0 $0xFFFFF086;
	s6 =	sadd.s32 @!p0 s3, s7;
	s7 =	simm.s32 @!p0 $0x108  }
0x21: {  	s3 =	sadd.s32 s3, s9;
	s6 =	sadd.s32 @!p0 $0x88, s6;
	s7 =	simm.s32 @p2 $0x1082  }
0x22: {  	[simem:s7], [sflag:s8] =	dma.local @!p0 [hbm:s6], $0xF7A  }
0x23: {  	s9 =	sor.u32 $0xD0000000, s2;
	s6 =	simm.s32 $0x108;
	_ =	swait.ge @!p0 [sflag:s8], $0x0  }
0x24: {  	s3 =	sadd.s32 $0x88, s3;
	s6 =	simm.s32 @!p1 $0x1082;
	[sflag:s4] =	ssyncset.s32 $0xFFFFF086  }
0x25: {  	[simem:s6], [sflag:s4] =	dma.local [hbm:s3], $0xF7A  }
0x26: {  	[smem:$0x3F9E] =	sst s1;
	(tag) =	ssettag s2;
	_ =	strace s9  }
0x27: {  	s1 =	sld [smem:$0x3FAE]  }
0x28: {  	s2 =	sld [smem:$0x3FAF]  }
0x29: {  	s4 =	sld [smem:$0x3FB1]  }
0x2a: {  	p0 =	seq.s32 s5, $0x0;
	s5 =	sld [smem:$0x3FB2]  }
0x2b: {  	s6 =	sld [smem:$0x3FB3]  }
0x2c: {  	s7 =	sld [smem:$0x3FB4]  }
0x2d: {  	s3 =	simm.s32 $0x108;
	s8 =	sld [smem:$0x3FB5]  }
0x2e: {  	s3 =	simm.s32 @!p0 $0x1082;
	s9 =	sld [smem:$0x3FB6]  }
0x2f: {  	lr =	sadd.s32 s0, s3;
	s0 =	sld [smem:$0x3FAD]  }
0x30: {  	s3 =	sld [smem:$0x3FB0]  }
0x31: {  	[smem:$0x3FB9] =	sst s10  }
0x32: {  	s10 =	sld [smem:$0x3FB7];
	_ =	sdelay $0x3  }
0x33: {  	p0 =	seq.s32 s10, $0x1;
	s10 =	sld [smem:$0x3FB9];
	_ =	sdelay $0x3  }
0x34: {  	[smem:$0x3FB9] =	sst s10  }
0x35: {  	s10 =	sld [smem:$0x3FB8];
	_ =	sdelay $0x3  }
0x36: {  	p1 =	seq.s32 s10, $0x1;
	s10 =	sld [smem:$0x3FB9];
	_ =	sdelay $0x3  }
0x37: {  	[smem:$0x3FB9] =	sst s10  }
0x38: {  	s10 =	sld [smem:$0x3FBA]  }
0x39: {  	_ = 	snop;
	(pc) =	sbr.ind lr, $3  }
0x3a: {  	_ = 	snop  }
0x3b: {  	_ = 	snop  }
0x3c: {  	p2 =	seq.s32 s10, $0x1;
	s10 =	sld [smem:$0x3FB9]  }
0x3d: {  	_ =	shalt  }
0x3e: {  	_ =	shalt  }
0x3f: {  	_ =	shalt  }
0x40: {  	_ =	shalt  }
0x41: {  	_ =	shalt  }
0x42: {  	_ =	shalt  }
0x43: {  	_ =	shalt  }
0x44: {  	_ =	shalt  }
0x45: {  	_ =	shalt  }
0x46: {  	_ =	shalt  }
0x47: {  	_ =	shalt  }
0x48: {  	_ =	shalt  }
0x49: {  	_ =	shalt  }
0x4a: {  	_ =	shalt  }
0x4b: {  	_ =	shalt  }
0x4c: {  	_ =	shalt  }
0x4d: {  	_ =	shalt  }
0x4e: {  	_ =	shalt  }
0x4f: {  	_ =	shalt  }
0x50: {  	_ =	shalt  }
0x51: {  	_ =	shalt  }
0x52: {  	_ =	shalt  }
0x53: {  	_ =	shalt  }
0x54: {  	_ =	shalt  }
0x55: {  	_ =	shalt  }
0x56: {  	_ =	shalt  }
0x57: {  	_ =	shalt  }
0x58: {  	_ =	shalt  }
0x59: {  	_ =	shalt  }
0x5a: {  	_ =	shalt  }
0x5b: {  	_ =	shalt  }
0x5c: {  	_ =	shalt  }
0x5d: {  	_ =	shalt  }
0x5e: {  	_ =	shalt  }
0x5f: {  	_ =	shalt  }
0x60: {  	_ =	shalt  }
0x61: {  	_ =	shalt  }
0x62: {  	_ =	shalt  }
0x63: {  	_ =	shalt  }
0x64: {  	_ =	shalt  }
0x65: {  	_ =	shalt  }
0x66: {  	_ =	shalt  }
0x67: {  	_ =	shalt  }
0x68: {  	_ =	shalt  }
0x69: {  	_ =	shalt  }
0x6a: {  	_ =	shalt  }
0x6b: {  	_ =	shalt  }
0x6c: {  	_ =	shalt  }
0x6d: {  	_ =	shalt  }
0x6e: {  	_ =	shalt  }
0x6f: {  	_ =	shalt  }
0x70: {  	_ =	shalt  }
0x71: {  	_ =	shalt  }
0x72: {  	_ =	shalt  }
0x73: {  	_ =	shalt  }
0x74: {  	_ =	shalt  }
0x75: {  	_ =	shalt  }
0x76: {  	_ =	shalt  }
0x77: {  	_ =	shalt  }
0x78: {  	_ =	shalt  }
0x79: {  	_ =	shalt  }
0x7a: {  	_ =	shalt  }
0x7b: {  	_ =	shalt  }
0x7c: {  	_ =	shalt  }
0x7d: {  	_ =	shalt  }
0x7e: {  	_ =	shalt  }
0x7f: {  	_ =	shalt  }
0x80: {  	_ =	shalt  }
0x81: {  	_ =	shalt  }
0x82: {  	_ =	shalt  }
0x83: {  	_ =	shalt  }
0x84: {  	_ =	shalt  }
0x85: {  	_ =	shalt  }
0x86: {  	_ =	shalt  }
0x87: {  	_ =	shalt  }
.Lfunc_end0:
.L_simem_size_0:
called_computation.1_lowered:
.L_overlay_start_0:
0x88: {  	s2 =	sld [smem:$0x3FD9]  }
0x89: {  	s3 =	sld [smem:$0x3FFE];
	_ =	sdelay $0x1  }
0x8a: {  	s1 =	srdreg.scid  }
0x8b: {  	s0 =	sand.u32 $0x1, s1  }
0x8c: {  	s17 =	sshll.u32 s0, $0xA;
	s2 =	sadd.s32 s3, s2  }
0x8d: {  	s2 =	sadd.s32 s2, s17  }
0x8e: {  	[smem:$0x3FC5] =	sst s2  }
0x8f: {  	_ = 	snop  }
0x90: {  	s2 =	sld [smem:$0x3FC9]  }
0x91: {  	s18 =	sld [smem:$0x3FD0];
	(tm) =	ssettm $0x1  }
0x92: {  	s4 =	sld [smem:$0x3FFB];
	_ =	sdelay $0x3  }
0x93: {  	_ =	strace s4  }
0x94: {  	s4 =	sld [smem:$0x3FFC];
	_ =	sdelay $0x3  }
0x95: {  	_ =	strace s4  }
0x96: {  	s4 =	sld [smem:$0x3FFD];
	_ =	sdelay $0x3  }
0x97: {  	_ =	strace s4  }
0x98: {  	_ =	strace $0x8FFFFFFF  }
0x99: {  	s19 =	sld [smem:$0x3FDB];
	_ =	sdelay $0x1  }
0x9a: {  	s5 =	simm.s32 $_scs_section_size  }
0x9b: {  	s6 =	simm.s32 $_size__tile_overlayer_lowered;
	s7 =	simm.s32 $_tile_overlayer_lowered  }
0x9c: {  	s22 =	simm.s32 $0x1BFF;
	s21 =	sshll.u32 s7, $0x1;
	s4 =	sadd.s32 s5, s19  }
0x9d: {  	s8 =	simm.s32 $0x0;
	s20 =	sshll.u32 s6, $0x1;
	s6 =	sadd.s32 s21, s4  }
0x9e: {  	[timem:s8], [sflag:s22] =	dma.local [hbm:s6], s20  }
0x9f: {  	_ =	swait.ge [sflag:s22], s20  }
0xa0: {  	s5 =	ssub.s32 $0x0, s20;
	[sflag:s22] =	ssyncset.done $0x0  }
0xa1: {  	[sflag:s22] =	ssyncadd.s32 s5;
	_ =	sdelay $0x1  }
0xa2: {  	s23 =	simm.s32 $0x1B8B  }
0xa3: {  	_ =	swait.ge [sflag:s23], $0x1  }
0xa4: {  	[sflag:s23] =	ssyncset.done $0x0  }
0xa5: {  	s25 =	simm.s32 $0x1B8E;
	s24 =	sld [smem:$0x3FFE];
	[sflag:s23] =	ssyncadd.s32 $0xFFFFFFFF  }
0xa6: {  	s26 =	simm.s32 $execute0_lowered;
	[smem:$0x3FD2] =	sst s25  }
0xa7: {  	s6 =	sshll.u32 s26, $0x1;
	_ =	strace $0x80000049;
	[dreg:$0x1] =	wrdreg $0xFFFFFFFF  }
0xa8: {  	s28 =	simm.s32 $_size_execute0_lowered;
	s4 =	sadd.s32 s4, s6;
	[dreg:$0x0] =	wrdreg $0x0  }
0xa9: {  	s6 =	sshll.u32 s28, $0x1;
	[dreg:$0x2] =	wrdreg s4  }
0xaa: {  	[dreg:$0x3] =	wrdreg s6  }
0xab: {  	[dreg:$0x4] =	wrdreg $0xC0  }
0xac: {  	_ =	task [dreg:s8], $0x5FFFF  }
0xad: {  	[dreg:$0x1] =	wrdreg $0xFFFFFFFF  }
0xae: {  	[dreg:$0x0] =	wrdreg $0x60  }
0xaf: {  	[dreg:$0x2] =	wrdreg s2  }
0xb0: {  	[dreg:$0x3] =	wrdreg s24  }
0xb1: {  	[dreg:$0x4] =	wrdreg s18  }
0xb2: {  	[dreg:$0x5] =	wrdreg $0x9  }
0xb3: {  	_ =	task.clear_ibuf [dreg:s8], $0x6FFFF;
	_ =	strace $0x90000049  }
0xb4: {  	s29 =	simm.s32 $0x9;
	_ =	strace $0x8000004B  }
0xb5: {  	_ =	swait.ge [sflag:s29], $0x1  }
0xb6: {  	[sflag:s29] =	ssyncadd.s32 $0xFFFFFFFF  }
0xb7: {  	_ =	strace $0x9000004B  }
0xb8: {  	_ =	sfence  }
0xb9: {  	s30 =	sld [smem:$0x0];
	_ =	sdelay $0x2  }
0xba: {  	s31 =	sshll.u32 s1, $0xD;
	s1 =	sshrl.u32 s1, $0x2  }
0xbb: {  	s3 =	sand.u32 $0x4000, s31;
	s1 =	sadd.s32 s1, s30  }
0xbc: {  	s0 =	sor.u32 s3, s0;
	s1 =	sshll.u32 s1, $0x11  }
0xbd: {  	s0 =	sor.u32 s1, s0  }
0xbe: {  	s0 =	sadd.s32 $0x8F2B, s0  }
0xbf: {  	[sflag:s0] =	ssyncadd.remote.s32 $0x1  }
0xc0: {  	_ =	sfence.sel $0xFFFF  }
0xc1: {  	[dreg:$0x0] =	wrdreg $0xFFFFFFFF;
	(pc) =	sbr.abs _section_cstart, $3  }
0xc2: {  	[dreg:$0x1] =	wrdreg $0xFFFFFFFF  }
0xc3: {  	_ =	task.clear_ibuf [dreg:s8], $0x2FFFF;
	_ =	strace $0x9FFFFFFF  }
0xc4: {  	(tm) =	ssettm $0x7FFFFFFF  }
0xc5: {  	_ =	shalt  }
tec
execute0_lowered:
.L_overlay_start_1:
0x0: {  	(tag) =	ssettag $0x1  }
0x1: {  	s0 =	rddreg [dreg:$0x0]  }
0x2: {  	s1 =	rddreg [dreg:$0x1];
	s3 =	simm.s32 $0x0;
	s2 =	srdreg.scid  }
0x3: {  	s4 =	stileid.u32;
	s30 =	simm.s32 $0x400;
	s12 =	simm.s32 $0x6400  }
0x4: {  	s14 =	simm.s32 $0x8200;
	s16 =	simm.s32 $0xC200;
	[smem:$0x7FF] =	sst s3  }
0x5: {  	s2 =	sand.u32 $0x1, s2;
	s4 =	sshll.u32 s4, $0xB;
	s29 =	sadd.s32 $0xA00, s1  }
0x6: {  	v0 =	vlaneseq.u32;
	s1 =	sadd.s32 $0x3D1400, s1;
	s25 =	ssub.s32 $0x2, s2;
	s2 =	sshll.u32 s2, $0xA  }
0x7: {  	v0 =	vmul.u32 $0x80, v0;
	_ =	strace $0x8000004A;
	[dreg:$0x6] =	wrdreg s1;
	s4 =	sor.u32 s2, s4  }
0x8: {  	[dreg:$0x5] =	wrdreg s29;
	s5 =	sshrl.u32 s25, $0x1;
	s28 =	sshrl.u32 s4, $0x3  }
0x9: {  	v1 =	vor.u32 $0x800, v0;
	s26 =	ssub.s32 s25, s5;
	[dreg:$0x4] =	wrdreg s4;
	s0 =	sadd.s32 s0, s28  }
0xa: {  	s18 =	simm.s32 $0x10200;
	v2 =	vor.u32 $0x1000, v0;
	v3 =	vor.u32 $0x1800, v0;
	v4 =	vor.u32 $0x2000, v0;
	s31 =	smax.u32 s26, $0x1;
	[dreg:$0x7] =	wrdreg s0  }
0xb: {  	s22 =	simm.s32 $0x14200;
	v5 =	vor.u32 $0x2800, v0;
	v6 =	vor.u32 $0x3000, v0;
	v7 =	vor.u32 $0x3800, v0;
	s2 =	simm.s32 $0x0;
	[dreg:$0x8] =	wrdreg s31  }
.LBB2_1:
0xc: {  	[dreg:$0x9] =	wrdreg s2;
	s0 =	simm.s32 $0x0  }
0xd: {  	s1 =	rddreg [dreg:$0x7];
	s24 =	simm.s32 $0x8000;
	s3 =	simm.s32 $0x7  }
0xe: {  	[tilespmem:s0], [sflag:$0x7] =	stream.strided.gather [hbm4b:s1+s30], $0x6400, s24, s30, $0x38;
	[tilespmem:$0x1A200] =	vst v63  }
0xf: {  	_ =	swait.ge [sflag:s3], $0x6400  }
0x10: {  	[sflag:s3] =	ssyncset.done $0x0  }
0x11: {  	s25 =	rddreg [dreg:$0x6];
	[sflag:s3] =	ssyncadd.s32 $0xFFFF9C00  }
0x12: {  	[tilespmem:s12], [sflag:$0x7] =	stream.linear.gather [hbm4b:s25+s0], $0x1900, $0x38;
	[tilespmem:$0x1A200] =	vst v63  }
0x13: {  	_ =	swait.ge [sflag:s3], $0x1900  }
0x14: {  	[sflag:s3] =	ssyncset.done $0x0  }
0x15: {  	[sflag:s3] =	ssyncadd.s32 $0xFFFFE700  }
0x16: {  	v8 =	vld [tilespmem:$0x0]  }
0x17: {  	v9 =	vld [tilespmem:$0x10]  }
0x18: {  	v10 =	vld [tilespmem:$0x20]  }
0x19: {  	v11 =	vld [tilespmem:$0x30]  }
0x1a: {  	v12 =	vld [tilespmem:$0x40]  }
0x1b: {  	v13 =	vld [tilespmem:$0x50];
	v8 =	vshrl.u32 v8, $0x2  }
0x1c: {  	v55 =	vld [tilespmem:$0x60];
	[tilespmem:$0x8000] =	vst v8;
	v8 =	vshrl.u32 v9, $0x2  }
0x1d: {  	v56 =	vld [tilespmem:$0x70];
	[tilespmem:$0x8010] =	vst v8;
	v8 =	vshrl.u32 v10, $0x2  }
0x1e: {  	[tilespmem:$0x8020] =	vst v8;
	v8 =	vshrl.u32 v11, $0x2  }
0x1f: {  	[tilespmem:$0x8030] =	vst v8;
	v8 =	vshrl.u32 v12, $0x2  }
0x20: {  	[tilespmem:$0x8040] =	vst v8;
	v8 =	vshrl.u32 v13, $0x2  }
0x21: {  	[tilespmem:$0x8050] =	vst v8;
	v8 =	vshrl.u32 v55, $0x2  }
0x22: {  	[tilespmem:$0x8060] =	vst v8;
	v8 =	vshrl.u32 v56, $0x2  }
0x23: {  	s26 =	simm.s32 $0x80;
	[tilespmem:$0x8070] =	vst v8  }
0x24: {  	[tilespmem:s14], [sflag:$0x1] =	stream.indirect.gather [hbm4b:s29+s26], $0x80, s24, s26, $0xb8;
	[tilespmem:$0x1A200] =	vst v63  }
0x25: {  	v8 =	vld [tilespmem:$0x80]  }
0x26: {  	v57 =	vld [tilespmem:$0x90]  }
0x27: {  	v58 =	vld [tilespmem:$0xA0]  }
0x28: {  	v59 =	vld [tilespmem:$0xB0]  }
0x29: {  	v60 =	vld [tilespmem:$0xC0]  }
0x2a: {  	v61 =	vld [tilespmem:$0xD0];
	v8 =	vshrl.u32 v8, $0x2  }
0x2b: {  	v62 =	vld [tilespmem:$0xE0];
	[tilespmem:$0x8080] =	vst v8;
	v8 =	vshrl.u32 v57, $0x2  }
0x2c: {  	v63 =	vld [tilespmem:$0xF0];
	[tilespmem:$0x8090] =	vst v8;
	v8 =	vshrl.u32 v58, $0x2  }
0x2d: {  	[tilespmem:$0x80A0] =	vst v8;
	v8 =	vshrl.u32 v59, $0x2  }
0x2e: {  	[tilespmem:$0x80B0] =	vst v8;
	v8 =	vshrl.u32 v60, $0x2  }
0x2f: {  	[tilespmem:$0x80C0] =	vst v8;
	v8 =	vshrl.u32 v61, $0x2  }
0x30: {  	[tilespmem:$0x80D0] =	vst v8;
	v8 =	vshrl.u32 v62, $0x2  }
0x31: {  	[tilespmem:$0x80E0] =	vst v8;
	v8 =	vshrl.u32 v63, $0x2  }
0x32: {  	s28 =	simm.s32 $0x8080;
	s31 =	simm.s32 $0x0;
	[tilespmem:$0x80F0] =	vst v8  }
0x33: {  	[tilespmem:s16], [sflag:$0x2] =	stream.indirect.gather [hbm4b:s29+s26], $0x80, s28, s26, $0xb8;
	[tilespmem:$0x1A200] =	vst v63  }
.LBB2_2:
0x34: {  	s7 =	sshll.u32 s31, $0x2  }
0x35: {  	s0 =	sor.u32 $0x2, s7  }
0x36: {  	[dreg:$0xb] =	wrdreg s0;
	s0 =	sshll.u32 s0, $0x7  }
0x37: {  	s6 =	sand.u32 $0x3FFFFF00, s0  }
0x38: {  	v8 =	vld [tilespmem:s6+$0x0];
	_ =	sdelay $0x4  }
0x39: {  	v8 =	vshrl.u32 v8, $0x2  }
0x3a: {  	[tilespmem:$0x8100] =	vst v8  }
0x3b: {  	v8 =	vld [tilespmem:s6+$0x10];
	_ =	sdelay $0x4  }
0x3c: {  	v8 =	vshrl.u32 v8, $0x2  }
0x3d: {  	[tilespmem:$0x8110] =	vst v8  }
0x3e: {  	v8 =	vld [tilespmem:s6+$0x20];
	_ =	sdelay $0x4  }
0x3f: {  	v8 =	vshrl.u32 v8, $0x2  }
0x40: {  	[tilespmem:$0x8120] =	vst v8  }
0x41: {  	v8 =	vld [tilespmem:s6+$0x30];
	_ =	sdelay $0x4  }
0x42: {  	v8 =	vshrl.u32 v8, $0x2  }
0x43: {  	[tilespmem:$0x8130] =	vst v8  }
0x44: {  	v8 =	vld [tilespmem:s6+$0x40];
	_ =	sdelay $0x4  }
0x45: {  	v8 =	vshrl.u32 v8, $0x2  }
0x46: {  	[tilespmem:$0x8140] =	vst v8  }
0x47: {  	v8 =	vld [tilespmem:s6+$0x50];
	_ =	sdelay $0x4  }
0x48: {  	v8 =	vshrl.u32 v8, $0x2  }
0x49: {  	[tilespmem:$0x8150] =	vst v8  }
0x4a: {  	v8 =	vld [tilespmem:s6+$0x60];
	_ =	sdelay $0x4  }
0x4b: {  	v8 =	vshrl.u32 v8, $0x2  }
0x4c: {  	[tilespmem:$0x8160] =	vst v8  }
0x4d: {  	v8 =	vld [tilespmem:s6+$0x70];
	_ =	sdelay $0x4  }
0x4e: {  	v8 =	vshrl.u32 v8, $0x2  }
0x4f: {  	s8 =	simm.s32 $0x80;
	s1 =	simm.s32 $0x8100;
	s9 =	simm.s32 $0x1;
	[tilespmem:$0x8170] =	vst v8  }
0x50: {  	[tilespmem:s18], [sflag:$0x3] =	stream.indirect.gather [hbm4b:s29+s8], $0x80, s1, s8, $0xb8;
	[tilespmem:$0x1A200] =	vst v63  }
0x51: {  	_ =	swait.ge [sflag:s9], $0x4000  }
0x52: {  	p0 =	seq.s32 s31, $0x0;
	[sflag:s9] =	ssyncset.done $0x0  }
0x53: {  	s0 =	simm.s32 @!p0 $0x5;
	[sflag:s9] =	ssyncadd.s32 $0xFFFFC000  }
0x54: {  	_ =	swait.ge @!p0 [sflag:s0], $0x1000  }
0x55: {  	s10 =	sshll.u32 s31, $0xB;
	[sflag:s0] =	ssyncset.done @!p0 $0x0  }
0x56: {  	[sflag:s0] =	ssyncadd.s32 @!p0 $0xFFFFF000;
	s0 =	sshra.s32 s10, $0x2  }
0x57: {  	v8 =	vld [tilespmem:s0+$0x0];
	_ =	sdelay $0x2  }
0x58: {  	s11 =	simm.s32 $0x3  }
0x59: {  	s2 =	sshll.u32 s31, $0x7;
	v9 =	vmov s11  }
0x5a: {  	s21 =	simm.s32 $0x0;
	v9 =	vand.u32 $0x7F, v9;
	v10 =	vand.u32 $0x3, v8;
	v8 =	vmov s2  }
0x5b: {  	s10 =	simm.s32 $0xC;
	v16 =	vor.u32 v0, v10;
	v9 =	vor.u32 v8, v9;
	v10 =	vmov s21  }
0x5c: {  	v11 =	vor.u32 s10, v16;
	v9 =	vbroadcast v9, $0x0;
	v10 =	vand.u32 $0x7C, v10  }
0x5d: {  	v10 =	vor.u32 v8, v10  }
0x5e: {  	v12 =	vld [tilespmem:s0+$0x10];
	v10 =	vbroadcast v10, $0x0  }
0x5f: {  	s13 =	simm.s32 $0x2;
	v13 =	vld [tilespmem:s0+$0x20]  }
0x60: {  	v14 =	vmov s13;
	v19 =	vld [tilespmem:s0+$0x30];
	v17 =	vor.u32 s21, v16  }
0x61: {  	v14 =	vand.u32 $0x7E, v14;
	v11 =	vld.idx.msk [tilespmem:v11+s14+$0x0], $0xffff  }
0x62: {  	v14 =	vor.u32 v8, v14;
	v15 =	vld.idx.msk [tilespmem:v9+s12+$0x0], $0xffff  }
0x63: {  	v24 =	vld [tilespmem:s0+$0x40];
	v14 =	vbroadcast v14, $0x0;
	v9 =	vand.u32 $0x3, v12  }
0x64: {  	v20 =	vor.u32 v1, v9;
	v12 =	vld.idx.msk [tilespmem:v10+s12+$0x0], $0xffff  }
0x65: {  	s24 =	simm.s32 $0x8;
	v10 =	vld.idx.msk [tilespmem:v17+s14+$0x0], $0xffff;
	v17 =	vor.u32 s10, v20  }
0x66: {  	v18 =	vld [tilespmem:s0+$0x50];
	v9 =	vor.u32 s24, v16  }
0x67: {  	v23 =	vld [tilespmem:s0+$0x60];
	v11 =	vadd.f32 v11, v15  }
0x68: {  	s15 =	simm.s32 $0x1;
	s11 =	simm.s32 $0x18300;
	v27 =	vld [tilespmem:s0+$0x70]  }
0x69: {  	v21 =	vmov s15;
	v14 =	vld.idx.msk [tilespmem:v14+s12+$0x0], $0xffff;
	v22 =	vor.u32 s21, v20;
	[tilespmem:s11+$0x80] =	vst v11  }
0x6a: {  	v11 =	vand.u32 $0x7D, v21;
	v17 =	vld.idx.msk [tilespmem:v17+s14+$0x0], $0xffff  }
0x6b: {  	s25 =	simm.s32 $0x4;
	v9 =	vld.idx.msk [tilespmem:v9+s14+$0x0], $0xffff;
	v10 =	vadd.f32 v10, v12;
	v11 =	vor.u32 v8, v11  }
0x6c: {  	s17 =	simm.s32 $0x7;
	v13 =	vand.u32 $0x3, v13;
	v25 =	vor.u32 s25, v16;
	v11 =	vbroadcast v11, $0x0  }
0x6d: {  	v26 =	vmov s17;
	s2 =	simm.s32 $0x1C;
	v21 =	vor.u32 v2, v13;
	[tilespmem:s11+$0xFFFFFF00] =	vst v10  }
0x6e: {  	v30 =	vor.u32 s2, v16;
	v10 =	vor.u32 s24, v20;
	v13 =	vld.idx.msk [tilespmem:v22+s14+$0x0], $0xffff;
	v22 =	vor.u32 s10, v21  }
0x6f: {  	v28 =	vadd.f32 v17, v15;
	v17 =	vand.u32 $0x7F, v26;
	v26 =	vmov s25  }
0x70: {  	v9 =	vadd.f32 v9, v14;
	v17 =	vor.u32 v8, v17;
	v26 =	vand.u32 $0x7C, v26  }
0x71: {  	v25 =	vld.idx.msk [tilespmem:v25+s14+$0x0], $0xffff;
	v29 =	vor.u32 s21, v21;
	v31 =	vbroadcast v17, $0x0;
	v26 =	vor.u32 v8, v26  }
0x72: {  	s19 =	simm.s32 $0x6;
	[tilespmem:s11+$0x0] =	vst v9;
	v17 =	vld.idx.msk [tilespmem:v11+s12+$0x0], $0xffff;
	v11 =	vbroadcast v26, $0x0  }
0x73: {  	s8 =	simm.s32 $0x10;
	v9 =	vadd.f32 v13, v12;
	v13 =	vld.idx.msk [tilespmem:v10+s14+$0x0], $0xffff;
	v10 =	vmov s19  }
0x74: {  	v30 =	vld.idx.msk [tilespmem:v30+s14+$0x0], $0xffff;
	[tilespmem:s11+$0x90] =	vst v28;
	v28 =	vor.u32 s8, v16;
	v10 =	vand.u32 $0x7E, v10  }
0x75: {  	v32 =	vor.u32 s25, v20;
	v26 =	vld.idx.msk [tilespmem:v22+s14+$0x0], $0xffff;
	[tilespmem:s11+$0xFFFFFF10] =	vst v9;
	v9 =	vor.u32 v8, v10  }
0x76: {  	v34 =	vor.u32 s24, v21;
	v29 =	vld.idx.msk [tilespmem:v29+s14+$0x0], $0xffff;
	v33 =	vbroadcast v9, $0x0  }
0x77: {  	s13 =	simm.s32 $0x18;
	v9 =	vand.u32 $0x3, v19;
	v19 =	vadd.f32 v25, v17;
	v10 =	vld.idx.msk [tilespmem:v31+s12+$0x0], $0xffff  }
0x78: {  	v22 =	vor.u32 v3, v9;
	v13 =	vadd.f32 v13, v14;
	v25 =	vor.u32 s13, v16;
	v9 =	vld.idx.msk [tilespmem:v11+s12+$0x0], $0xffff  }
0x79: {  	v31 =	vor.u32 s10, v22;
	[tilespmem:s11+$0xFFFFFF80] =	vst v19;
	v19 =	vld.idx.msk [tilespmem:v28+s14+$0x0], $0xffff  }
0x7a: {  	s20 =	simm.s32 $0x5;
	v53 =	vor.u32 s21, v22;
	[tilespmem:s11+$0x10] =	vst v13;
	v28 =	vld.idx.msk [tilespmem:v32+s14+$0x0], $0xffff  }
0x7b: {  	s17 =	simm.s32 $0x14;
	v26 =	vadd.f32 v26, v15;
	v13 =	vor.u32 s2, v20;
	v11 =	vmov s20;
	v34 =	vld.idx.msk [tilespmem:v34+s14+$0x0], $0xffff  }
0x7c: {  	v50 =	vor.u32 s17, v16;
	v35 =	vand.u32 $0x7D, v11;
	v29 =	vadd.f32 v29, v12;
	v11 =	vld.idx.msk [tilespmem:v33+s12+$0x0], $0xffff  }
0x7d: {  	v51 =	vor.u32 s8, v20;
	s20 =	simm.s32 $0x28;
	[tilespmem:s11+$0xA0] =	vst v26;
	v25 =	vld.idx.msk [tilespmem:v25+s14+$0x0], $0xffff;
	v30 =	vadd.f32 v30, v10  }
0x7e: {  	s3 =	simm.s32 $0x18500;
	v61 =	vor.u32 s20, v16;
	v35 =	vor.u32 v8, v35;
	[tilespmem:s11+$0xFFFFFF20] =	vst v29;
	v31 =	vld.idx.msk [tilespmem:v31+s14+$0x0], $0xffff  }
0x7f: {  	v26 =	vor.u32 s25, v21;
	v35 =	vbroadcast v35, $0x0;
	v33 =	vld.idx.msk [tilespmem:v53+s14+$0x0], $0xffff;
	v19 =	vadd.f32 v19, v9;
	[tilespmem:s3+$0x80] =	vst v30  }
0x80: {  	v36 =	vld.idx.msk [tilespmem:v13+s14+$0x0], $0xffff  }
0x81: {  	s19 =	simm.s32 $0x24;
	v30 =	vor.u32 s24, v22;
	v13 =	vadd.f32 v28, v17;
	v28 =	vld.idx.msk [tilespmem:v50+s14+$0x0], $0xffff;
	[tilespmem:s3+$0xFFFFFF00] =	vst v19  }
0x82: {  	v24 =	vand.u32 $0x3, v24;
	v58 =	vor.u32 s19, v16;
	v19 =	vld.idx.msk [tilespmem:v51+s14+$0x0], $0xffff  }
0x83: {  	v24 =	vor.u32 v4, v24;
	v52 =	vor.u32 s13, v20;
	v34 =	vadd.f32 v34, v14;
	v51 =	vld.idx.msk [tilespmem:v61+s14+$0x0], $0xffff;
	[tilespmem:s11+$0xFFFFFF90] =	vst v13  }
0x84: {  	v37 =	vor.u32 s10, v24;
	v26 =	vld.idx.msk [tilespmem:v26+s14+$0x0], $0xffff  }
0x85: {  	v54 =	vor.u32 s2, v21;
	v25 =	vadd.f32 v25, v11;
	[tilespmem:s11+$0x20] =	vst v34;
	v13 =	vld.idx.msk [tilespmem:v35+s12+$0x0], $0xffff  }
0x86: {  	s23 =	simm.s32 $0xB;
	v55 =	vor.u32 s8, v21;
	v31 =	vadd.f32 v31, v15;
	v30 =	vld.idx.msk [tilespmem:v30+s14+$0x0], $0xffff  }
0x87: {  	v56 =	vmov s23;
	s1 =	simm.s32 $0x2C;
	v38 =	vor.u32 s25, v22;
	v35 =	vld.idx.msk [tilespmem:v58+s14+$0x0], $0xffff;
	[tilespmem:s3+$0x0] =	vst v25;
	v25 =	vadd.f32 v36, v10  }
0x88: {  	v29 =	vld.idx.msk [tilespmem:v52+s14+$0x0], $0xffff;
	[tilespmem:s11+$0xB0] =	vst v31;
	v31 =	vor.u32 s1, v16;
	v36 =	vand.u32 $0x7F, v56;
	v19 =	vadd.f32 v19, v9  }
0x89: {  	s4 =	simm.s32 $0xA;
	v44 =	vor.u32 s17, v20;
	v37 =	vld.idx.msk [tilespmem:v37+s14+$0x0], $0xffff;
	v36 =	vor.u32 v8, v36;
	[tilespmem:s3+$0x90] =	vst v25;
	v26 =	vadd.f32 v26, v17  }
0x8a: {  	v57 =	vor.u32 s24, v24;
	v25 =	vmov s4;
	v36 =	vbroadcast v36, $0x0;
	v34 =	vld.idx.msk [tilespmem:v54+s14+$0x0], $0xffff;
	[tilespmem:s3+$0xFFFFFF10] =	vst v19  }
0x8b: {  	v28 =	vadd.f32 v28, v13;
	v25 =	vand.u32 $0x7E, v25;
	v19 =	vadd.f32 v30, v14;
	v30 =	vld.idx.msk [tilespmem:v55+s14+$0x0], $0xffff;
	[tilespmem:s11+$0xFFFFFFA0] =	vst v26  }
0x8c: {  	v52 =	vor.u32 s13, v21;
	v25 =	vor.u32 v8, v25;
	v38 =	vld.idx.msk [tilespmem:v38+s14+$0x0], $0xffff  }
0x8d: {  	v31 =	vld.idx.msk [tilespmem:v31+s14+$0x0], $0xffff;
	[tilespmem:s3+$0xFFFFFF80] =	vst v28;
	v26 =	vor.u32 s21, v24;
	v39 =	vbroadcast v25, $0x0  }
0x8e: {  	v29 =	vadd.f32 v29, v11;
	v54 =	vld.idx.msk [tilespmem:v44+s14+$0x0], $0xffff;
	[tilespmem:s11+$0x30] =	vst v19  }
0x8f: {  	s26 =	simm.s32 $0x8;
	v18 =	vand.u32 $0x3, v18;
	v41 =	vor.u32 s25, v24;
	v19 =	vadd.f32 v33, v12;
	v32 =	vld.idx.msk [tilespmem:v57+s14+$0x0], $0xffff  }
0x90: {  	v40 =	vmov s26;
	v59 =	vor.u32 s2, v22;
	v25 =	vor.u32 v5, v18;
	[tilespmem:s3+$0x10] =	vst v29;
	v18 =	vld.idx.msk [tilespmem:v36+s12+$0x0], $0xffff  }
0x91: {  	s9 =	simm.s32 $0x20;
	v60 =	vor.u32 s10, v25;
	[tilespmem:s11+$0xFFFFFF30] =	vst v19;
	v19 =	vand.u32 $0x7C, v40;
	v40 =	vld.idx.msk [tilespmem:v52+s14+$0x0], $0xffff;
	v38 =	vadd.f32 v38, v17  }
0x92: {  	v63 =	vor.u32 s9, v16;
	v34 =	vadd.f32 v34, v10;
	v19 =	vor.u32 v8, v19;
	v26 =	vld.idx.msk [tilespmem:v26+s14+$0x0], $0xffff  }
0x93: {  	v37 =	vadd.f32 v37, v15;
	v62 =	vor.u32 s24, v25;
	v42 =	vbroadcast v19, $0x0;
	v19 =	vld.idx.msk [tilespmem:v39+s12+$0x0], $0xffff;
	[tilespmem:s11+$0xFFFFFFB0] =	vst v38  }
0x94: {  	s28 =	simm.s32 $0x9;
	v49 =	vand.u32 $0x3, v23;
	[tilespmem:s3+$0xA0] =	vst v34;
	v48 =	vld.idx.msk [tilespmem:v41+s14+$0x0], $0xffff  }
0x95: {  	v23 =	vmov s28;
	v53 =	vor.u32 s1, v20;
	[tilespmem:s11+$0xC0] =	vst v37;
	v33 =	vld.idx.msk [tilespmem:v59+s14+$0x0], $0xffff;
	v32 =	vadd.f32 v32, v14  }
0x96: {  	v23 =	vand.u32 $0x7D, v23;
	v50 =	vor.u32 s21, v25;
	v36 =	vld.idx.msk [tilespmem:v60+s14+$0x0], $0xffff;
	v31 =	vadd.f32 v31, v18  }
0x97: {  	s23 =	simm.s32 $0x18700;
	v23 =	vor.u32 v8, v23;
	v28 =	vor.u32 s25, v25;
	v38 =	vld.idx.msk [tilespmem:v63+s14+$0x0], $0xffff;
	[tilespmem:s11+$0x40] =	vst v32;
	v43 =	vadd.f32 v26, v12  }
0x98: {  	v45 =	vbroadcast v23, $0x0;
	v46 =	vor.u32 s17, v21;
	v34 =	vld.idx.msk [tilespmem:v62+s14+$0x0], $0xffff;
	[tilespmem:s23+$0x80] =	vst v31;
	v62 =	vadd.f32 v54, v13  }
0x99: {  	v26 =	vor.u32 v6, v49;
	v23 =	vld.idx.msk [tilespmem:v42+s12+$0x0], $0xffff;
	[tilespmem:s11+$0xFFFFFF40] =	vst v43;
	v37 =	vadd.f32 v48, v17  }
0x9a: {  	v39 =	vor.u32 s10, v26;
	v31 =	vadd.f32 v33, v10;
	v47 =	vld.idx.msk [tilespmem:v53+s14+$0x0], $0xffff;
	[tilespmem:s3+$0xFFFFFF90] =	vst v62  }
0x9b: {  	v56 =	vor.u32 s20, v20;
	v30 =	vadd.f32 v30, v9;
	v29 =	vld.idx.msk [tilespmem:v50+s14+$0x0], $0xffff;
	[tilespmem:s11+$0xFFFFFFC0] =	vst v37  }
0x9c: {  	v36 =	vadd.f32 v36, v15;
	v55 =	vor.u32 s24, v26;
	[tilespmem:s3+$0xB0] =	vst v31;
	v31 =	vld.idx.msk [tilespmem:v28+s14+$0x0], $0xffff  }
0x9d: {  	v57 =	vor.u32 s9, v20;
	[tilespmem:s3+$0xFFFFFF20] =	vst v30;
	v61 =	vadd.f32 v40, v11;
	v32 =	vadd.f32 v51, v19;
	v40 =	vld.idx.msk [tilespmem:v46+s14+$0x0], $0xffff  }
0x9e: {  	v27 =	vand.u32 $0x3, v27;
	v58 =	vor.u32 s21, v26;
	[tilespmem:s11+$0xD0] =	vst v36;
	v34 =	vadd.f32 v34, v14;
	v28 =	vld.idx.msk [tilespmem:v45+s12+$0x0], $0xffff  }
0x9f: {  	v27 =	vor.u32 v7, v27;
	[tilespmem:s23+$0x0] =	vst v32;
	v48 =	vor.u32 s25, v26;
	v59 =	vld.idx.msk [tilespmem:v39+s14+$0x0], $0xffff;
	v60 =	vadd.f32 v38, v23  }
0xa0: {  	v41 =	vor.u32 s10, v27;
	v42 =	vor.u32 s13, v22;
	v36 =	vld.idx.msk [tilespmem:v56+s14+$0x0], $0xffff;
	[tilespmem:s11+$0x50] =	vst v34;
	v30 =	vadd.f32 v29, v12  }
0xa1: {  	v33 =	vor.u32 s2, v24;
	v43 =	vor.u32 s8, v22;
	v39 =	vld.idx.msk [tilespmem:v55+s14+$0x0], $0xffff;
	[tilespmem:s23+$0xFFFFFF00] =	vst v60;
	v63 =	vadd.f32 v31, v17  }
0xa2: {  	v32 =	vor.u32 s13, v24;
	v38 =	vor.u32 s1, v21;
	v37 =	vld.idx.msk [tilespmem:v57+s14+$0x0], $0xffff;
	[tilespmem:s11+$0xFFFFFF50] =	vst v30  }
0xa3: {  	v34 =	vor.u32 s24, v27;
	v45 =	vadd.f32 v47, v18;
	v30 =	vadd.f32 v35, v28;
	v35 =	vld.idx.msk [tilespmem:v58+s14+$0x0], $0xffff;
	[tilespmem:s11+$0xFFFFFFD0] =	vst v63  }
0xa4: {  	s5 =	simm.s32 $0xC;
	s4 =	simm.s32 $0x30;
	[tilespmem:s3+$0x20] =	vst v61;
	v29 =	vor.u32 s21, v27;
	s21 =	simm.s32 $0x18700;
	v46 =	vadd.f32 v59, v15;
	v31 =	vor.u32 s25, v27;
	v44 =	vld.idx.msk [tilespmem:v48+s14+$0x0], $0xffff  }
.LBB2_3:
0xa5: {  	s15 =	sadd.s32 $0x1, s5  }
0xa6: {  	s24 =	sadd.s32 $0xC, s4;
	v47 =	vor.u32 s9, v21;
	v48 =	vor.u32 s17, v22;
	v42 =	vld.idx.msk [tilespmem:v42+s14+$0x0], $0xffff;
	v39 =	vadd.f32 v39, v14;
	[tilespmem:s11+$0xE0] =	vst v46;
	s28 =	smov.u32 s5;
	s10 =	sadd.s32 $0x4, s5  }
0xa7: {  	p1 =	slt.u32 s5, $0x1C;
	v36 =	vadd.f32 v36, v19;
	v46 =	vmov s15;
	s15 =	sadd.s32 $0x2, s28;
	v49 =	vor.u32 s24, v16;
	[tilespmem:s23+$0x90] =	vst v45;
	v33 =	vld.idx.msk [tilespmem:v33+s14+$0x0], $0xffff  }
0xa8: {  	s25 =	sadd.s32 $0x8, s4;
	s5 =	sadd.s32 $0x3, s28;
	v37 =	vadd.f32 v37, v23;
	v45 =	vand.u32 $0x7D, v46;
	v46 =	vmov s15;
	v38 =	vld.idx.msk [tilespmem:v38+s14+$0x0], $0xffff;
	[tilespmem:s11+$0x60] =	vst v39  }
0xa9: {  	s26 =	sadd.s32 $0x4, s4;
	v35 =	vadd.f32 v35, v12;
	v39 =	vand.u32 $0x7E, v46;
	v46 =	vmov s5;
	v41 =	vld.idx.msk [tilespmem:v41+s14+$0x0], $0xffff  }
0xaa: {  	v50 =	vor.u32 s26, v16;
	v40 =	vadd.f32 v40, v13;
	v46 =	vand.u32 $0x7F, v46;
	[tilespmem:s23+$0xFFFFFF10] =	vst v37;
	v37 =	vld.idx.msk [tilespmem:v43+s14+$0x0], $0xffff  }
0xab: {  	v39 =	vor.u32 v8, v39;
	v44 =	vadd.f32 v44, v17;
	v43 =	vor.u32 v8, v46;
	v34 =	vld.idx.msk [tilespmem:v34+s14+$0x0], $0xffff  }
0xac: {  	v45 =	vor.u32 v8, v45;
	v43 =	vbroadcast v43, $0x0;
	v46 =	vld.idx.msk [tilespmem:v47+s14+$0x0], $0xffff;
	[tilespmem:s3+$0xFFFFFFA0] =	vst v40;
	v40 =	vadd.f32 v42, v11  }
0xad: {  	v42 =	vmov s28;
	v47 =	vor.u32 s8, v24;
	v33 =	vadd.f32 v33, v10;
	v48 =	vld.idx.msk [tilespmem:v48+s14+$0x0], $0xffff;
	[tilespmem:s11+$0xFFFFFFE0] =	vst v44  }
0xae: {  	v39 =	vbroadcast v39, $0x0;
	v42 =	vand.u32 $0x7C, v42;
	v38 =	vadd.f32 v38, v18;
	[tilespmem:s3+$0x30] =	vst v40;
	v31 =	vld.idx.msk [tilespmem:v31+s14+$0x0], $0xffff  }
0xaf: {  	v40 =	vor.u32 v8, v42;
	v32 =	vld.idx.msk [tilespmem:v32+s14+$0x0], $0xffff;
	[tilespmem:s11+$0xFFFFFF60] =	vst v35;
	v35 =	vadd.f32 v41, v15;
	v15 =	vmov v10  }
0xb0: {  	v40 =	vbroadcast v40, $0x0;
	v41 =	vor.u32 s4, v16;
	v37 =	vadd.f32 v37, v9;
	v10 =	vmovc v18;
	[tilespmem:s23+$0xA0] =	vst v38;
	v29 =	vld.idx.msk [tilespmem:v29+s14+$0x0], $0xffff  }
0xb1: {  	v44 =	vor.u32 s17, v24;
	v42 =	vor.u32 s1, v22;
	v34 =	vadd.f32 v34, v14;
	v14 =	vmovc v11;
	v38 =	vld.idx.msk [tilespmem:v49+s14+$0x0], $0xffff;
	[tilespmem:s11+$0xF0] =	vst v35  }
0xb2: {  	v11 =	vmov v19;
	v35 =	vor.u32 s25, v16;
	v18 =	vld.idx.msk [tilespmem:v43+s12+$0x0], $0xffff;
	v43 =	vadd.f32 v46, v23;
	[tilespmem:s3+$0xFFFFFF30] =	vst v37  }
0xb3: {  	v46 =	vadd.f32 v48, v13;
	v37 =	vld.idx.msk [tilespmem:v47+s14+$0x0], $0xffff;
	v47 =	vor.u32 s2, v25;
	[tilespmem:s11+$0x70] =	vst v34  }
0xb4: {  	v34 =	vbroadcast v45, $0x0;
	v31 =	vadd.f32 v31, v17;
	v17 =	vmovc v13;
	v13 =	vmov v28;
	v45 =	vld.idx.msk [tilespmem:v50+s14+$0x0], $0xffff;
	[tilespmem:s3+$0xC0] =	vst v33  }
0xb5: {  	v33 =	vor.u32 s25, v20;
	v28 =	vadd.f32 v32, v14;
	v32 =	vor.u32 s13, v25;
	v19 =	vld.idx.msk [tilespmem:v39+s12+$0x0], $0xffff;
	[tilespmem:s3+$0xFFFFFFB0] =	vst v46  }
0xb6: {  	v29 =	vadd.f32 v29, v12;
	v12 =	vmov v9;
	v9 =	vmov v23;
	v39 =	vld.idx.msk [tilespmem:v42+s14+$0x0], $0xffff;
	[tilespmem:s11+$0xFFFFFFF0] =	vst v31  }
0xb7: {  	s23 =	sadd.s32 $0x200, s23;
	v31 =	vld.idx.msk [tilespmem:v44+s14+$0x0], $0xffff;
	[tilespmem:s3+$0x40] =	vst v28  }
0xb8: {  	v28 =	vor.u32 s8, v25;
	v42 =	vld.idx.msk [tilespmem:v47+s14+$0x0], $0xffff;
	[tilespmem:s11+$0xFFFFFF70] =	vst v29;
	s11 =	smov.u32 s3;
	s3 =	smov.u32 s21;
	s21 =	smov.u32 s23  }
0xb9: {  	v37 =	vadd.f32 v37, v12;
	v29 =	vld.idx.msk [tilespmem:v35+s14+$0x0], $0xffff;
	v35 =	vadd.f32 v38, v18;
	v38 =	vor.u32 s20, v21  }
0xba: {  	v44 =	vor.u32 s17, v25;
	[tilespmem:s3+$0xFFFFFF80] =	vst v30;
	v30 =	vor.u32 s19, v20;
	v32 =	vld.idx.msk [tilespmem:v32+s14+$0x0], $0xffff  }
0xbb: {  	v23 =	vld.idx.msk [tilespmem:v40+s12+$0x0], $0xffff;
	[tilespmem:s11+$0xFFFFFF40] =	vst v37  }
0xbc: {  	v37 =	vld.idx.msk [tilespmem:v41+s14+$0x0], $0xffff;
	[tilespmem:s23+$0x80] =	vst v35;
	v35 =	vadd.f32 v39, v10  }
0xbd: {  	[tilespmem:s3+$0x10] =	vst v36;
	v36 =	vld.idx.msk [tilespmem:v28+s14+$0x0], $0xffff;
	v28 =	vadd.f32 v31, v17;
	v31 =	vor.u32 s2, v26  }
0xbe: {  	v39 =	vor.u32 s24, v20;
	v38 =	vld.idx.msk [tilespmem:v38+s14+$0x0], $0xffff;
	[tilespmem:s3+$0xB0] =	vst v35;
	v35 =	vadd.f32 v42, v15  }
0xbf: {  	v40 =	vor.u32 s13, v26;
	v30 =	vld.idx.msk [tilespmem:v30+s14+$0x0], $0xffff;
	[tilespmem:s11+$0xFFFFFFC0] =	vst v28  }
0xc0: {  	v32 =	vadd.f32 v32, v14;
	v41 =	vld.idx.msk [tilespmem:v44+s14+$0x0], $0xffff;
	[tilespmem:s11+$0xD0] =	vst v35  }
0xc1: {  	v35 =	vor.u32 s4, v20;
	v28 =	vld.idx.msk [tilespmem:v34+s12+$0x0], $0xffff  }
0xc2: {  	v29 =	vadd.f32 v29, v19;
	v44 =	vor.u32 s8, v26;
	v34 =	vadd.f32 v37, v23;
	[tilespmem:s11+$0x50] =	vst v32;
	v32 =	vld.idx.msk [tilespmem:v31+s14+$0x0], $0xffff  }
0xc3: {  	v31 =	vadd.f32 v36, v12;
	v47 =	vld.idx.msk [tilespmem:v39+s14+$0x0], $0xffff;
	[tilespmem:s3+$0xFFFFFF20] =	vst v43;
	v43 =	vor.u32 s19, v21  }
0xc4: {  	v49 =	vor.u32 s17, v26;
	v48 =	vadd.f32 v38, v11;
	[tilespmem:s23+$0x0] =	vst v29;
	v39 =	vld.idx.msk [tilespmem:v40+s14+$0x0], $0xffff  }
.Ltmp0:
0xc5: {  	v42 =	vor.u32 s20, v22;
	[tilespmem:s23+$0xFFFFFF00] =	vst v34;
	v36 =	vld.idx.msk [tilespmem:v33+s14+$0x0], $0xffff;
	v34 =	vadd.f32 v30, v13;
	(pc) =	sbr.rel @p1 .LBB2_3-.Ltmp0, $4  }
0xc6: {  	v29 =	vor.u32 s8, v27;
	s8 =	smov.u32 s9;
	s9 =	smov.u32 s4;
	v33 =	vor.u32 s1, v24;
	v41 =	vadd.f32 v41, v17;
	v37 =	vld.idx.msk [tilespmem:v35+s14+$0x0], $0xffff;
	[tilespmem:s11+$0xFFFFFF50] =	vst v31  }
0xc7: {  	v38 =	vor.u32 s24, v21;
	v30 =	vadd.f32 v45, v28;
	v31 =	vor.u32 s17, v27;
	s17 =	smov.u32 s19;
	s19 =	smov.u32 s26;
	[tilespmem:s3+$0xFFFFFF90] =	vst v34;
	v35 =	vld.idx.msk [tilespmem:v44+s14+$0x0], $0xffff  }
0xc8: {  	v34 =	vor.u32 s13, v27;
	v46 =	vadd.f32 v32, v15;
	s13 =	smov.u32 s20;
	v40 =	vld.idx.msk [tilespmem:v43+s14+$0x0], $0xffff;
	[tilespmem:s11+$0xFFFFFFD0] =	vst v41;
	v41 =	vor.u32 s2, v27;
	s2 =	smov.u32 s1;
	s1 =	smov.u32 s24  }
0xc9: {  	s5 =	smov.u32 s10;
	s4 =	sadd.s32 $0x10, s4;
	s20 =	smov.u32 s25;
	v45 =	vadd.f32 v47, v18;
	v43 =	vor.u32 s8, v22;
	v32 =	vor.u32 s13, v24;
	[tilespmem:s3+$0x20] =	vst v48;
	v44 =	vld.idx.msk [tilespmem:v49+s14+$0x0], $0xffff  }
0xca: {  	v16 =	vor.u32 s19, v20;
	_ =	sdelay $0x3  }
0xcb: {  	[tilespmem:s21+$0xFFFFFF80] =	vst v30  }
0xcc: {  	v16 =	vld.idx.msk [tilespmem:v16+s14+$0x0], $0xffff  }
0xcd: {  	v20 =	vadd.f32 v39, v14;
	[tilespmem:s11+$0xE0] =	vst v46  }
0xce: {  	v30 =	vld.idx.msk [tilespmem:v42+s14+$0x0], $0xffff;
	v51 =	vor.u32 s20, v21;
	v36 =	vadd.f32 v36, v19;
	[tilespmem:s23+$0x90] =	vst v45  }
0xcf: {  	v52 =	vor.u32 s19, v21;
	v37 =	vadd.f32 v37, v23;
	[tilespmem:s11+$0x60] =	vst v20  }
0xd0: {  	v21 =	vor.u32 s9, v21;
	v53 =	vld.idx.msk [tilespmem:v41+s14+$0x0], $0xffff;
	[tilespmem:s21+$0x10] =	vst v36;
	v20 =	vadd.f32 v40, v13  }
0xd1: {  	v38 =	vld.idx.msk [tilespmem:v38+s14+$0x0], $0xffff;
	[tilespmem:s23+$0xFFFFFF10] =	vst v37;
	v16 =	vadd.f32 v16, v28  }
0xd2: {  	v54 =	vadd.f32 v44, v17;
	[tilespmem:s3+$0xFFFFFFA0] =	vst v20;
	v20 =	vld.idx.msk [tilespmem:v43+s14+$0x0], $0xffff  }
0xd3: {  	v55 =	vor.u32 s17, v22;
	v30 =	vadd.f32 v30, v11;
	v39 =	vld.idx.msk [tilespmem:v51+s14+$0x0], $0xffff;
	[tilespmem:s21+$0xFFFFFF90] =	vst v16  }
0xd4: {  	[tilespmem:s11+$0xFFFFFFE0] =	vst v54;
	v16 =	vadd.f32 v35, v12;
	v56 =	vld.idx.msk [tilespmem:v52+s14+$0x0], $0xffff  }
0xd5: {  	v21 =	vld.idx.msk [tilespmem:v21+s14+$0x0], $0xffff;
	v15 =	vadd.f32 v53, v15;
	[tilespmem:s3+$0x30] =	vst v30;
	v30 =	vor.u32 s1, v22  }
0xd6: {  	v34 =	vld.idx.msk [tilespmem:v34+s14+$0x0], $0xffff;
	v38 =	vadd.f32 v38, v18;
	[tilespmem:s11+$0xFFFFFF60] =	vst v16;
	v16 =	vor.u32 s20, v22  }
0xd7: {  	v33 =	vld.idx.msk [tilespmem:v33+s14+$0x0], $0xffff;
	v57 =	vor.u32 s19, v22;
	[tilespmem:s11+$0xF0] =	vst v15;
	v20 =	vadd.f32 v20, v9  }
0xd8: {  	v36 =	vld.idx.msk [tilespmem:v55+s14+$0x0], $0xffff;
	[tilespmem:s23+$0xA0] =	vst v38;
	v15 =	vadd.f32 v39, v19;
	v22 =	vor.u32 s9, v22  }
0xd9: {  	v31 =	vld.idx.msk [tilespmem:v31+s14+$0x0], $0xffff;
	[tilespmem:s3+$0xFFFFFF30] =	vst v20;
	v20 =	vadd.f32 v56, v28  }
0xda: {  	v21 =	vadd.f32 v21, v23;
	v30 =	vld.idx.msk [tilespmem:v30+s14+$0x0], $0xffff;
	[tilespmem:s21+$0x20] =	vst v15  }
0xdb: {  	v14 =	vadd.f32 v34, v14;
	v15 =	vor.u32 s17, v24;
	v16 =	vld.idx.msk [tilespmem:v16+s14+$0x0], $0xffff;
	[tilespmem:s21+$0xFFFFFFA0] =	vst v20  }
0xdc: {  	v33 =	vadd.f32 v33, v10;
	[tilespmem:s21+$0xFFFFFF20] =	vst v21;
	v20 =	vor.u32 s8, v24;
	v21 =	vld.idx.msk [tilespmem:v57+s14+$0x0], $0xffff  }
0xdd: {  	[tilespmem:s11+$0x70] =	vst v14;
	v14 =	vor.u32 s1, v24;
	v58 =	vadd.f32 v36, v13;
	v22 =	vld.idx.msk [tilespmem:v22+s14+$0x0], $0xffff  }
0xde: {  	[tilespmem:s3+$0xC0] =	vst v33;
	v32 =	vld.idx.msk [tilespmem:v32+s14+$0x0], $0xffff;
	v17 =	vadd.f32 v31, v17;
	v31 =	vor.u32 s20, v24  }
0xdf: {  	v59 =	vor.u32 s19, v24;
	[tilespmem:s3+$0xFFFFFFB0] =	vst v58;
	v29 =	vld.idx.msk [tilespmem:v29+s14+$0x0], $0xffff;
	v30 =	vadd.f32 v30, v18  }
0xe0: {  	[tilespmem:s11+$0xFFFFFFF0] =	vst v17;
	v17 =	vor.u32 s9, v24;
	v15 =	vld.idx.msk [tilespmem:v15+s14+$0x0], $0xffff;
	v16 =	vadd.f32 v16, v19  }
0xe1: {  	[tilespmem:s21+$0xB0] =	vst v30;
	v24 =	vor.u32 s2, v25;
	v20 =	vld.idx.msk [tilespmem:v20+s14+$0x0], $0xffff;
	v21 =	vadd.f32 v21, v28  }
0xe2: {  	v30 =	vor.u32 s13, v25;
	v14 =	vld.idx.msk [tilespmem:v14+s14+$0x0], $0xffff;
	[tilespmem:s21+$0x30] =	vst v16;
	v16 =	vadd.f32 v22, v23  }
0xe3: {  	v60 =	vor.u32 s17, v25;
	v22 =	vadd.f32 v32, v11;
	v31 =	vld.idx.msk [tilespmem:v31+s14+$0x0], $0xffff;
	[tilespmem:s21+$0xFFFFFFB0] =	vst v21  }
0xe4: {  	v12 =	vadd.f32 v29, v12;
	v21 =	vor.u32 s8, v25;
	[tilespmem:s21+$0xFFFFFF30] =	vst v16;
	v16 =	vld.idx.msk [tilespmem:v59+s14+$0x0], $0xffff  }
0xe5: {  	v15 =	vadd.f32 v15, v13;
	[tilespmem:s3+$0x40] =	vst v22;
	v22 =	vor.u32 s1, v25;
	v17 =	vld.idx.msk [tilespmem:v17+s14+$0x0], $0xffff  }
0xe6: {  	[tilespmem:s11+$0xFFFFFF70] =	vst v12;
	v24 =	vld.idx.msk [tilespmem:v24+s14+$0x0], $0xffff;
	v12 =	vadd.f32 v20, v9;
	v20 =	vor.u32 s20, v25  }
0xe7: {  	[tilespmem:s3+$0xFFFFFFC0] =	vst v15;
	v15 =	vor.u32 s19, v25;
	v14 =	vadd.f32 v14, v18;
	v29 =	vld.idx.msk [tilespmem:v30+s14+$0x0], $0xffff  }
0xe8: {  	v25 =	vor.u32 s9, v25;
	[tilespmem:s3+$0xFFFFFF40] =	vst v12;
	v12 =	vld.idx.msk [tilespmem:v60+s14+$0x0], $0xffff;
	v30 =	vadd.f32 v31, v19  }
0xe9: {  	[tilespmem:s21+$0xC0] =	vst v14;
	v31 =	vor.u32 s2, v26;
	v21 =	vld.idx.msk [tilespmem:v21+s14+$0x0], $0xffff;
	v14 =	vadd.f32 v16, v28  }
0xea: {  	v22 =	vld.idx.msk [tilespmem:v22+s14+$0x0], $0xffff;
	v16 =	vor.u32 s13, v26;
	[tilespmem:s21+$0x40] =	vst v30;
	v17 =	vadd.f32 v17, v23  }
0xeb: {  	v24 =	vadd.f32 v24, v10;
	v30 =	vor.u32 s17, v26;
	v20 =	vld.idx.msk [tilespmem:v20+s14+$0x0], $0xffff;
	[tilespmem:s21+$0xFFFFFFC0] =	vst v14  }
0xec: {  	v14 =	vadd.f32 v29, v11;
	v29 =	vor.u32 s8, v26;
	[tilespmem:s21+$0xFFFFFF40] =	vst v17;
	v15 =	vld.idx.msk [tilespmem:v15+s14+$0x0], $0xffff  }
0xed: {  	[tilespmem:s3+$0xD0] =	vst v24;
	v24 =	vor.u32 s1, v26;
	v12 =	vadd.f32 v12, v13;
	v17 =	vld.idx.msk [tilespmem:v25+s14+$0x0], $0xffff  }
0xee: {  	v25 =	vor.u32 s20, v26;
	[tilespmem:s3+$0x50] =	vst v14;
	v14 =	vld.idx.msk [tilespmem:v31+s14+$0x0], $0xffff;
	v21 =	vadd.f32 v21, v9  }
0xef: {  	v16 =	vld.idx.msk [tilespmem:v16+s14+$0x0], $0xffff;
	[tilespmem:s3+$0xFFFFFFD0] =	vst v12;
	v12 =	vadd.f32 v22, v18;
	v22 =	vor.u32 s19, v26  }
0xf0: {  	v26 =	vor.u32 s9, v26;
	[tilespmem:s3+$0xFFFFFF50] =	vst v21;
	v21 =	vld.idx.msk [tilespmem:v30+s14+$0x0], $0xffff;
	v20 =	vadd.f32 v20, v19  }
0xf1: {  	v30 =	vor.u32 s2, v27;
	v29 =	vld.idx.msk [tilespmem:v29+s14+$0x0], $0xffff;
	[tilespmem:s21+$0xD0] =	vst v12;
	v12 =	vadd.f32 v15, v28  }
0xf2: {  	v15 =	vor.u32 s13, v27;
	[tilespmem:s21+$0x50] =	vst v20;
	v20 =	vld.idx.msk [tilespmem:v24+s14+$0x0], $0xffff;
	v17 =	vadd.f32 v17, v23  }
0xf3: {  	v24 =	vor.u32 s17, v27;
	v14 =	vadd.f32 v14, v10;
	v25 =	vld.idx.msk [tilespmem:v25+s14+$0x0], $0xffff;
	[tilespmem:s21+$0xFFFFFFD0] =	vst v12  }
0xf4: {  	v12 =	vor.u32 s8, v27;
	v16 =	vadd.f32 v16, v11;
	[tilespmem:s21+$0xFFFFFF50] =	vst v17;
	v17 =	vld.idx.msk [tilespmem:v22+s14+$0x0], $0xffff  }
0xf5: {  	[tilespmem:s3+$0xE0] =	vst v14;
	v14 =	vadd.f32 v21, v13;
	v21 =	vld.idx.msk [tilespmem:v26+s14+$0x0], $0xffff;
	v22 =	vor.u32 s1, v27  }
0xf6: {  	[tilespmem:s3+$0x60] =	vst v16;
	v16 =	vadd.f32 v29, v9;
	v26 =	vld.idx.msk [tilespmem:v30+s14+$0x0], $0xffff;
	v29 =	vor.u32 s20, v27  }
0xf7: {  	v15 =	vld.idx.msk [tilespmem:v15+s14+$0x0], $0xffff;
	[tilespmem:s3+$0xFFFFFFE0] =	vst v14;
	v20 =	vadd.f32 v20, v18  }
0xf8: {  	v24 =	vld.idx.msk [tilespmem:v24+s14+$0x0], $0xffff;
	[tilespmem:s3+$0xFFFFFF60] =	vst v16;
	v25 =	vadd.f32 v25, v19  }
0xf9: {  	v14 =	vor.u32 s19, v27;
	v12 =	vld.idx.msk [tilespmem:v12+s14+$0x0], $0xffff;
	[tilespmem:s21+$0xE0] =	vst v20;
	v17 =	vadd.f32 v17, v28  }
0xfa: {  	v16 =	vor.u32 s9, v27;
	[tilespmem:s21+$0x60] =	vst v25;
	v20 =	vadd.f32 v21, v23;
	v21 =	vld.idx.msk [tilespmem:v22+s14+$0x0], $0xffff  }
0xfb: {  	v10 =	vadd.f32 v26, v10;
	v22 =	vld.idx.msk [tilespmem:v29+s14+$0x0], $0xffff;
	[tilespmem:s21+$0xFFFFFFE0] =	vst v17  }
0xfc: {  	v11 =	vadd.f32 v15, v11;
	[tilespmem:s21+$0xFFFFFF60] =	vst v20  }
0xfd: {  	[tilespmem:s3+$0xF0] =	vst v10;
	v10 =	vadd.f32 v24, v13  }
0xfe: {  	v14 =	vld.idx.msk [tilespmem:v14+s14+$0x0], $0xffff;
	[tilespmem:s3+$0x70] =	vst v11;
	v9 =	vadd.f32 v12, v9  }
0xff: {  	v13 =	vld.idx.msk [tilespmem:v16+s14+$0x0], $0xffff;
	[tilespmem:s3+$0xFFFFFFF0] =	vst v10;
	v10 =	vadd.f32 v21, v18  }
0x100: {  	[tilespmem:s3+$0xFFFFFF70] =	vst v9;
	v9 =	vadd.f32 v22, v19  }
0x101: {  	[tilespmem:s21+$0xF0] =	vst v10  }
0x102: {  	[tilespmem:s21+$0x70] =	vst v9  }
0x103: {  	s20 =	sshll.u32 s31, $0x13;
	v10 =	vadd.f32 v14, v28;
	s23 =	rddreg [dreg:$0x4]  }
0x104: {  	v9 =	vadd.f32 v13, v23;
	s1 =	sor.u32 s23, s20  }
0x105: {  	s24 =	rddreg [dreg:$0x2];
	s25 =	simm.s32 $0x8000;
	[tilespmem:s21+$0xFFFFFFF0] =	vst v10;
	s1 =	sshrl.u32 s1, $0x3  }
0x106: {  	s26 =	simm.s32 $0x18200;
	s4 =	sor.u32 $0x3, s7;
	[tilespmem:s21+$0xFFFFFF70] =	vst v9;
	s1 =	sadd.s32 s24, s1  }
0x107: {  	[hbm4b:s1+s30] =	stream.strided.scatter [tilespmem:s26], [sflag:$0x5], $0x1000, s25, s30, $0x38;
	[tilespmem:$0x1A200] =	vst v63  }
0x108: {  	s1 =	sshll.u32 s4, $0x7  }
0x109: {  	s3 =	sand.u32 $0x3FFFFF80, s1  }
0x10a: {  	v9 =	vld [tilespmem:s3+$0x0];
	_ =	sdelay $0x4  }
0x10b: {  	v9 =	vshrl.u32 v9, $0x2  }
0x10c: {  	[tilespmem:$0x8180] =	vst v9  }
0x10d: {  	v9 =	vld [tilespmem:s3+$0x10];
	_ =	sdelay $0x4  }
0x10e: {  	v9 =	vshrl.u32 v9, $0x2  }
0x10f: {  	[tilespmem:$0x8190] =	vst v9  }
0x110: {  	v9 =	vld [tilespmem:s3+$0x20];
	_ =	sdelay $0x4  }
0x111: {  	v9 =	vshrl.u32 v9, $0x2  }
0x112: {  	[tilespmem:$0x81A0] =	vst v9  }
0x113: {  	v9 =	vld [tilespmem:s3+$0x30];
	_ =	sdelay $0x4  }
0x114: {  	v9 =	vshrl.u32 v9, $0x2  }
0x115: {  	[tilespmem:$0x81B0] =	vst v9  }
0x116: {  	v9 =	vld [tilespmem:s3+$0x40];
	_ =	sdelay $0x4  }
0x117: {  	v9 =	vshrl.u32 v9, $0x2  }
0x118: {  	[tilespmem:$0x81C0] =	vst v9  }
0x119: {  	v9 =	vld [tilespmem:s3+$0x50];
	_ =	sdelay $0x4  }
0x11a: {  	v9 =	vshrl.u32 v9, $0x2  }
0x11b: {  	[tilespmem:$0x81D0] =	vst v9  }
0x11c: {  	v9 =	vld [tilespmem:s3+$0x60];
	_ =	sdelay $0x4  }
0x11d: {  	v9 =	vshrl.u32 v9, $0x2  }
0x11e: {  	[tilespmem:$0x81E0] =	vst v9  }
0x11f: {  	v9 =	vld [tilespmem:s3+$0x70];
	_ =	sdelay $0x4  }
0x120: {  	s5 =	simm.s32 $0x80;
	v9 =	vshrl.u32 v9, $0x2  }
0x121: {  	s8 =	simm.s32 $0x8180;
	s9 =	simm.s32 $0x2;
	[dreg:$0xa] =	wrdreg s4;
	[tilespmem:$0x81F0] =	vst v9  }
0x122: {  	[tilespmem:s22], [sflag:$0x4] =	stream.indirect.gather [hbm4b:s29+s5], $0x80, s8, s5, $0xb8;
	[tilespmem:$0x1A200] =	vst v63  }
0x123: {  	_ =	swait.ge [sflag:s9], $0x4000  }
0x124: {  	[sflag:s9] =	ssyncset.done $0x0  }
0x125: {  	s1 =	simm.s32 @!p0 $0x6;
	[sflag:s9] =	ssyncadd.s32 $0xFFFFC000  }
0x126: {  	s10 =	sor.u32 $0x1, s7;
	_ =	swait.ge @!p0 [sflag:s1], $0x1000  }
0x127: {  	s2 =	sshll.u32 s10, $0x7;
	[sflag:s1] =	ssyncset.done @!p0 $0x0  }
0x128: {  	s2 =	sand.u32 $0x3FFFFF80, s2;
	[sflag:s1] =	ssyncadd.s32 @!p0 $0xFFFFF000  }
0x129: {  	v9 =	vld [tilespmem:s2+$0x0]  }
0x12a: {  	s15 =	simm.s32 $0x21  }
0x12b: {  	v14 =	vmov s15  }
0x12c: {  	s11 =	simm.s32 $0x23;
	v14 =	vand.u32 $0x7D, v14  }
0x12d: {  	v10 =	vmov s11;
	v14 =	vor.u32 v8, v14  }
0x12e: {  	v10 =	vand.u32 $0x7F, v10;
	v14 =	vbroadcast v14, $0x0;
	v9 =	vand.u32 $0x3, v9  }
0x12f: {  	s29 =	simm.s32 $0xC;
	v20 =	vor.u32 v0, v9;
	v9 =	vor.u32 v8, v10  }
0x130: {  	v10 =	vor.u32 s29, v20;
	v9 =	vbroadcast v9, $0x0  }
0x131: {  	s13 =	simm.s32 $0x22;
	s9 =	simm.s32 $0x4;
	v11 =	vld [tilespmem:s2+$0x10]  }
0x132: {  	v13 =	vmov s13;
	v12 =	vld [tilespmem:s2+$0x20];
	v18 =	vor.u32 s9, v20  }
0x133: {  	v13 =	vand.u32 $0x7E, v13;
	[dreg:$0xc] =	wrdreg s10;
	v15 =	vld [tilespmem:s2+$0x30]  }
0x134: {  	v13 =	vor.u32 v8, v13;
	v25 =	vld.idx.msk [tilespmem:v14+s12+$0x0], $0xffff  }
0x135: {  	v13 =	vbroadcast v13, $0x0;
	v10 =	vld.idx.msk [tilespmem:v10+s16+$0x0], $0xffff  }
0x136: {  	s1 =	simm.s32 $0x8;
	v30 =	vld.idx.msk [tilespmem:v9+s12+$0x0], $0xffff  }
0x137: {  	v11 =	vand.u32 $0x3, v11;
	v19 =	vor.u32 s1, v20;
	v18 =	vld.idx.msk [tilespmem:v18+s16+$0x0], $0xffff  }
0x138: {  	v17 =	vld [tilespmem:s2+$0x40];
	v16 =	vor.u32 v1, v11  }
0x139: {  	v22 =	vld [tilespmem:s2+$0x60];
	v11 =	vor.u32 s29, v16  }
0x13a: {  	v24 =	vld [tilespmem:s2+$0x70];
	v21 =	vor.u32 s9, v16  }
0x13b: {  	s17 =	simm.s32 $0x20;
	v23 =	vld.idx.msk [tilespmem:v13+s12+$0x0], $0xffff;
	v10 =	vadd.f32 v10, v30  }
0x13c: {  	s28 =	simm.s32 $0x193F0;
	s19 =	simm.s32 $0x27;
	s11 =	simm.s32 $0x24;
	v13 =	vmov s17;
	v19 =	vld.idx.msk [tilespmem:v19+s16+$0x0], $0xffff;
	v18 =	vadd.f32 v18, v25  }
0x13d: {  	v27 =	vmov s19;
	s10 =	simm.s32 $0x0;
	v13 =	vand.u32 $0x7C, v13;
	v47 =	vor.u32 s11, v20;
	v9 =	vld [tilespmem:s2+$0x50];
	[tilespmem:s28+$0xFFFFFF90] =	vst v10  }
0x13e: {  	[tilespmem:s28+$0xFFFFFE90] =	vst v18;
	v10 =	vand.u32 $0x3, v12;
	v12 =	vor.u32 v8, v13;
	v13 =	vor.u32 s10, v20;
	v11 =	vld.idx.msk [tilespmem:v11+s16+$0x0], $0xffff  }
0x13f: {  	v21 =	vld.idx.msk [tilespmem:v21+s16+$0x0], $0xffff;
	v14 =	vor.u32 v2, v10;
	v10 =	vbroadcast v12, $0x0;
	v12 =	vor.u32 s1, v16  }
0x140: {  	v27 =	vand.u32 $0x7F, v27  }
0x141: {  	v27 =	vor.u32 v8, v27;
	s4 =	simm.s32 $0x25;
	v19 =	vadd.f32 v19, v23;
	v28 =	vor.u32 s29, v14  }
0x142: {  	s19 =	simm.s32 $0x1C;
	v31 =	vbroadcast v27, $0x0;
	v26 =	vmov s4;
	v37 =	vld.idx.msk [tilespmem:v47+s16+$0x0], $0xffff;
	v61 =	vor.u32 s9, v14  }
0x143: {  	v26 =	vand.u32 $0x7D, v26;
	[tilespmem:s28+$0xFFFFFF10] =	vst v19;
	v29 =	vld.idx.msk [tilespmem:v13+s16+$0x0], $0xffff;
	v13 =	vor.u32 s19, v20;
	v11 =	vadd.f32 v11, v30  }
0x144: {  	s17 =	simm.s32 $0x14;
	v18 =	vor.u32 v8, v26;
	v21 =	vadd.f32 v21, v25;
	v12 =	vld.idx.msk [tilespmem:v12+s16+$0x0], $0xffff  }
0x145: {  	s20 =	simm.s32 $0x26;
	v19 =	vor.u32 s17, v20;
	v18 =	vbroadcast v18, $0x0;
	v27 =	vld.idx.msk [tilespmem:v10+s12+$0x0], $0xffff;
	[tilespmem:s28+$0xFFFFFFA0] =	vst v11  }
0x146: {  	[tilespmem:s28+$0xFFFFFEA0] =	vst v21;
	v11 =	vmov s20;
	v26 =	vld.idx.msk [tilespmem:v28+s16+$0x0], $0xffff  }
0x147: {  	s8 =	simm.s32 $0x2C;
	v15 =	vand.u32 $0x3, v15;
	v32 =	vld.idx.msk [tilespmem:v61+s16+$0x0], $0xffff;
	v11 =	vand.u32 $0x7E, v11;
	v28 =	vor.u32 s1, v14  }
0x148: {  	v15 =	vor.u32 v3, v15;
	v45 =	vor.u32 s8, v20;
	v10 =	vor.u32 v8, v11;
	v11 =	vld.idx.msk [tilespmem:v13+s16+$0x0], $0xffff  }
0x149: {  	v13 =	vld.idx.msk [tilespmem:v31+s12+$0x0], $0xffff;
	v31 =	vor.u32 s29, v15;
	v62 =	vbroadcast v10, $0x0;
	v12 =	vadd.f32 v12, v23  }
0x14a: {  	v19 =	vld.idx.msk [tilespmem:v19+s16+$0x0], $0xffff;
	s20 =	simm.s32 $0x18;
	v29 =	vadd.f32 v29, v27  }
0x14b: {  	v63 =	vor.u32 s20, v20;
	v10 =	vld.idx.msk [tilespmem:v18+s12+$0x0], $0xffff;
	[tilespmem:s28+$0xFFFFFF20] =	vst v12;
	v18 =	vadd.f32 v26, v30  }
0x14c: {  	v44 =	vor.u32 s9, v15;
	v26 =	vld.idx.msk [tilespmem:v28+s16+$0x0], $0xffff;
	[tilespmem:s28+$0xFFFFFE10] =	vst v29  }
0x14d: {  	s13 =	simm.s32 $0x10;
	s21 =	simm.s32 $0x24;
	v21 =	vor.u32 s19, v16;
	v29 =	vadd.f32 v32, v25;
	v32 =	vld.idx.msk [tilespmem:v45+s16+$0x0], $0xffff;
	[tilespmem:s28+$0xFFFFFFB0] =	vst v18  }
0x14e: {  	v12 =	vmov s21;
	v28 =	vor.u32 s13, v20;
	v11 =	vadd.f32 v11, v13;
	v31 =	vld.idx.msk [tilespmem:v31+s16+$0x0], $0xffff  }
0x14f: {  	s24 =	simm.s32 $0x2B;
	s30 =	simm.s32 $0x195F0;
	v42 =	vor.u32 s17, v16;
	v40 =	vand.u32 $0x7C, v12;
	[tilespmem:s28+$0xFFFFFEB0] =	vst v29;
	v12 =	vld.idx.msk [tilespmem:v62+s12+$0x0], $0xffff  }
0x150: {  	v48 =	vmov s24;
	v18 =	vor.u32 s10, v16;
	[tilespmem:s30+$0xFFFFFF90] =	vst v11;
	v11 =	vld.idx.msk [tilespmem:v63+s16+$0x0], $0xffff  }
0x151: {  	s24 =	simm.s32 $0x28;
	v41 =	vor.u32 s1, v15;
	v35 =	vor.u32 v8, v40;
	v19 =	vadd.f32 v19, v10;
	v29 =	vld.idx.msk [tilespmem:v44+s16+$0x0], $0xffff  }
0x152: {  	s23 =	simm.s32 $0x29;
	v17 =	vand.u32 $0x3, v17;
	v43 =	vbroadcast v35, $0x0;
	v62 =	vor.u32 s24, v20;
	v21 =	vld.idx.msk [tilespmem:v21+s16+$0x0], $0xffff  }
0x153: {  	v17 =	vor.u32 v4, v17;
	[tilespmem:s30+$0xFFFFFE90] =	vst v19;
	v19 =	vmov s23;
	v26 =	vadd.f32 v26, v23;
	v28 =	vld.idx.msk [tilespmem:v28+s16+$0x0], $0xffff  }
0x154: {  	v53 =	vor.u32 s9, v17;
	v19 =	vand.u32 $0x7D, v19;
	v36 =	vld.idx.msk [tilespmem:v42+s16+$0x0], $0xffff  }
0x155: {  	v46 =	vor.u32 s19, v14;
	v19 =	vor.u32 v8, v19;
	v18 =	vld.idx.msk [tilespmem:v18+s16+$0x0], $0xffff;
	[tilespmem:s28+$0xFFFFFF30] =	vst v26  }
0x156: {  	v54 =	vor.u32 s20, v16;
	v19 =	vbroadcast v19, $0x0;
	v26 =	vld.idx.msk [tilespmem:v41+s16+$0x0], $0xffff;
	v29 =	vadd.f32 v29, v25  }
0x157: {  	v38 =	vand.u32 $0x7F, v48;
	v39 =	vld.idx.msk [tilespmem:v62+s16+$0x0], $0xffff;
	v49 =	vadd.f32 v21, v13  }
0x158: {  	v38 =	vor.u32 v8, v38;
	v55 =	vor.u32 s17, v14;
	v56 =	vadd.f32 v11, v12;
	v21 =	vld.idx.msk [tilespmem:v43+s12+$0x0], $0xffff;
	[tilespmem:s28+$0xFFFFFEC0] =	vst v29  }
0x159: {  	v52 =	vbroadcast v38, $0x0;
	v50 =	vor.u32 s10, v14;
	v29 =	vadd.f32 v36, v10;
	[tilespmem:s30+$0xFFFFFFA0] =	vst v49;
	v38 =	vld.idx.msk [tilespmem:v53+s16+$0x0], $0xffff  }
0x15a: {  	v51 =	vor.u32 s1, v17;
	v31 =	vadd.f32 v31, v30;
	[tilespmem:s30+$0xFFFFFF10] =	vst v56;
	v33 =	vld.idx.msk [tilespmem:v46+s16+$0x0], $0xffff  }
0x15b: {  	s23 =	simm.s32 $0x20;
	v18 =	vadd.f32 v18, v27;
	[tilespmem:s30+$0xFFFFFEA0] =	vst v29;
	v29 =	vld.idx.msk [tilespmem:v54+s16+$0x0], $0xffff  }
0x15c: {  	[tilespmem:s28+$0xFFFFFFC0] =	vst v31;
	v49 =	vor.u32 s23, v20;
	v26 =	vadd.f32 v26, v23;
	v11 =	vld.idx.msk [tilespmem:v19+s12+$0x0], $0xffff  }
0x15d: {  	s25 =	simm.s32 $0x2A;
	v9 =	vand.u32 $0x3, v9;
	v19 =	vor.u32 s29, v17;
	v31 =	vld.idx.msk [tilespmem:v55+s16+$0x0], $0xffff;
	[tilespmem:s28+$0xFFFFFE20] =	vst v18  }
0x15e: {  	v61 =	vor.u32 s19, v15;
	v18 =	vor.u32 v5, v9;
	v9 =	vmov s25;
	[tilespmem:s28+$0xFFFFFF40] =	vst v26;
	v26 =	vld.idx.msk [tilespmem:v50+s16+$0x0], $0xffff  }
0x15f: {  	v46 =	vor.u32 s20, v14;
	v9 =	vand.u32 $0x7E, v9;
	v34 =	vld.idx.msk [tilespmem:v51+s16+$0x0], $0xffff;
	v33 =	vadd.f32 v33, v13  }
0x160: {  	v50 =	vor.u32 s11, v16;
	v58 =	vor.u32 v8, v9;
	v9 =	vld.idx.msk [tilespmem:v52+s12+$0x0], $0xffff;
	v29 =	vadd.f32 v29, v12  }
0x161: {  	v57 =	vor.u32 s10, v15;
	v36 =	vld.idx.msk [tilespmem:v49+s16+$0x0], $0xffff;
	v60 =	vbroadcast v58, $0x0;
	[tilespmem:s30+$0xFFFFFFB0] =	vst v33  }
0x162: {  	v63 =	vld.idx.msk [tilespmem:v19+s16+$0x0], $0xffff;
	[tilespmem:s30+$0xFFFFFF20] =	vst v29;
	v29 =	vadd.f32 v37, v11  }
0x163: {  	s21 =	simm.s32 $0x197F0;
	v54 =	vor.u32 s17, v15;
	v26 =	vadd.f32 v26, v27;
	v40 =	vld.idx.msk [tilespmem:v61+s16+$0x0], $0xffff  }
0x164: {  	v28 =	vadd.f32 v28, v21;
	v59 =	vor.u32 s1, v18;
	v53 =	vld.idx.msk [tilespmem:v46+s16+$0x0], $0xffff;
	[tilespmem:s21+$0xFFFFFE90] =	vst v29  }
0x165: {  	v47 =	vor.u32 s8, v16;
	v31 =	vadd.f32 v31, v10;
	[tilespmem:s28+$0xFFFFFE30] =	vst v26;
	v43 =	vld.idx.msk [tilespmem:v50+s16+$0x0], $0xffff  }
0x166: {  	v52 =	vor.u32 s29, v18;
	[tilespmem:s30+$0xFFFFFE10] =	vst v28;
	v34 =	vadd.f32 v34, v23;
	v26 =	vld.idx.msk [tilespmem:v57+s16+$0x0], $0xffff  }
0x167: {  	[tilespmem:s30+$0xFFFFFEB0] =	vst v31;
	v32 =	vadd.f32 v32, v9;
	v29 =	vor.u32 s9, v18;
	v19 =	vld.idx.msk [tilespmem:v60+s12+$0x0], $0xffff  }
0x168: {  	v62 =	vor.u32 s20, v15;
	[tilespmem:s28+$0xFFFFFF50] =	vst v34;
	v42 =	vadd.f32 v63, v30;
	v34 =	vld.idx.msk [tilespmem:v54+s16+$0x0], $0xffff  }
0x169: {  	s25 =	simm.s32 $0x3C;
	v51 =	vor.u32 s10, v17;
	v61 =	vadd.f32 v38, v25;
	[tilespmem:s21+$0xFFFFFF90] =	vst v32;
	v48 =	vld.idx.msk [tilespmem:v59+s16+$0x0], $0xffff  }
0x16a: {  	s26 =	simm.s32 $0x28;
	v22 =	vand.u32 $0x3, v22;
	v63 =	vor.u32 s25, v20;
	v55 =	vld.idx.msk [tilespmem:v47+s16+$0x0], $0xffff;
	[tilespmem:s28+$0xFFFFFFD0] =	vst v42;
	v32 =	vadd.f32 v53, v12  }
0x16b: {  	v58 =	vmov s26;
	s26 =	simm.s32 $0x34;
	[tilespmem:s28+$0xFFFFFED0] =	vst v61;
	v60 =	vor.u32 s13, v16;
	v37 =	vld.idx.msk [tilespmem:v52+s16+$0x0], $0xffff;
	v26 =	vadd.f32 v26, v27  }
0x16c: {  	v22 =	vor.u32 v6, v22;
	v47 =	vor.u32 s26, v20;
	v28 =	vld.idx.msk [tilespmem:v29+s16+$0x0], $0xffff;
	[tilespmem:s30+$0xFFFFFF30] =	vst v32  }
0x16d: {  	v31 =	vor.u32 s1, v22;
	v38 =	vld.idx.msk [tilespmem:v62+s16+$0x0], $0xffff;
	[tilespmem:s28+$0xFFFFFE40] =	vst v26  }
0x16e: {  	v24 =	vand.u32 $0x3, v24;
	v56 =	vor.u32 s8, v14;
	v43 =	vadd.f32 v43, v11;
	v41 =	vld.idx.msk [tilespmem:v51+s16+$0x0], $0xffff  }
0x16f: {  	v24 =	vor.u32 v7, v24;
	v50 =	vor.u32 s29, v22;
	v53 =	vld.idx.msk [tilespmem:v63+s16+$0x0], $0xffff;
	v33 =	vadd.f32 v48, v23  }
0x170: {  	v57 =	vor.u32 s9, v22;
	v59 =	vand.u32 $0x7C, v58;
	v48 =	vld.idx.msk [tilespmem:v60+s16+$0x0], $0xffff;
	v44 =	vadd.f32 v55, v9;
	[tilespmem:s21+$0xFFFFFEA0] =	vst v43  }
0x171: {  	v29 =	vor.u32 s10, v18;
	v43 =	vld.idx.msk [tilespmem:v47+s16+$0x0], $0xffff;
	v26 =	vor.u32 v8, v59;
	[tilespmem:s28+$0xFFFFFF60] =	vst v33;
	v37 =	vadd.f32 v37, v30  }
0x172: {  	s4 =	simm.s32 $0x2D;
	v59 =	vor.u32 s20, v17;
	v26 =	vbroadcast v26, $0x0;
	v28 =	vadd.f32 v28, v25;
	[tilespmem:s21+$0xFFFFFFA0] =	vst v44;
	v31 =	vld.idx.msk [tilespmem:v31+s16+$0x0], $0xffff  }
0x173: {  	s7 =	simm.s32 $0x2E;
	v49 =	vmov s4;
	v61 =	vor.u32 s13, v14;
	v44 =	vld.idx.msk [tilespmem:v56+s16+$0x0], $0xffff;
	[tilespmem:s28+$0xFFFFFFE0] =	vst v37;
	v41 =	vadd.f32 v41, v27  }
0x174: {  	v54 =	vmov s7;
	v32 =	vand.u32 $0x7D, v49;
	[tilespmem:s28+$0xFFFFFEE0] =	vst v28;
	v38 =	vadd.f32 v38, v12;
	v60 =	vld.idx.msk [tilespmem:v50+s16+$0x0], $0xffff  }
0x175: {  	v32 =	vor.u32 v8, v32;
	v62 =	vor.u32 s17, v17;
	v34 =	vadd.f32 v34, v10;
	v46 =	vld.idx.msk [tilespmem:v57+s16+$0x0], $0xffff;
	[tilespmem:s28+$0xFFFFFE50] =	vst v41  }
0x176: {  	s5 =	simm.s32 $0x2F;
	v32 =	vbroadcast v32, $0x0;
	v42 =	vadd.f32 v48, v21;
	v48 =	vor.u32 s24, v16;
	[tilespmem:s30+$0xFFFFFF40] =	vst v38;
	v58 =	vld.idx.msk [tilespmem:v29+s16+$0x0], $0xffff  }
0x177: {  	v52 =	vor.u32 s29, v24;
	v49 =	vand.u32 $0x7E, v54;
	[tilespmem:s30+$0xFFFFFEC0] =	vst v34;
	v37 =	vld.idx.msk [tilespmem:v59+s16+$0x0], $0xffff;
	v29 =	vmov s5  }
0x178: {  	v63 =	vor.u32 s10, v22;
	v57 =	vadd.f32 v39, v19;
	[tilespmem:s30+$0xFFFFFE20] =	vst v42;
	v26 =	vld.idx.msk [tilespmem:v26+s12+$0x0], $0xffff;
	v28 =	vand.u32 $0x7F, v29  }
0x179: {  	v59 =	vor.u32 v8, v49;
	v50 =	vld.idx.msk [tilespmem:v61+s16+$0x0], $0xffff;
	v31 =	vadd.f32 v31, v23;
	v28 =	vor.u32 v8, v28  }
0x17a: {  	s15 =	simm.s32 $0x2C;
	v49 =	vor.u32 s9, v24;
	[tilespmem:s21+$0xFFFFFF10] =	vst v57;
	v41 =	vld.idx.msk [tilespmem:v62+s16+$0x0], $0xffff;
	v56 =	vadd.f32 v60, v30;
	v28 =	vbroadcast v28, $0x0  }
0x17b: {  	v55 =	vmov s15;
	[tilespmem:s28+$0xFFFFFF70] =	vst v31;
	v45 =	vld.idx.msk [tilespmem:v48+s16+$0x0], $0xffff;
	v35 =	vadd.f32 v58, v27  }
0x17c: {  	v51 =	vor.u32 s24, v14;
	v61 =	vadd.f32 v46, v25;
	v29 =	vld.idx.msk [tilespmem:v32+s12+$0x0], $0xffff;
	[tilespmem:s28+$0xFFFFFFF0] =	vst v56;
	v58 =	vor.u32 s11, v14  }
0x17d: {  	v39 =	vor.u32 s8, v15;
	v62 =	vor.u32 s19, v17;
	v38 =	vld.idx.msk [tilespmem:v52+s16+$0x0], $0xffff;
	[tilespmem:s28+$0xFFFFFE60] =	vst v35  }
0x17e: {  	v60 =	vand.u32 $0x7C, v55;
	v31 =	vadd.f32 v40, v13;
	[tilespmem:s28+$0xFFFFFEF0] =	vst v61;
	v56 =	vor.u32 s20, v18;
	v47 =	vld.idx.msk [tilespmem:v63+s16+$0x0], $0xffff  }
0x17f: {  	v33 =	vor.u32 v8, v60;
	v60 =	vadd.f32 v37, v12;
	v49 =	vld.idx.msk [tilespmem:v49+s16+$0x0], $0xffff;
	v63 =	vor.u32 s1, v24  }
0x180: {  	v42 =	vor.u32 s13, v15;
	v34 =	vbroadcast v59, $0x0;
	[tilespmem:s30+$0xFFFFFFC0] =	vst v31;
	v61 =	vadd.f32 v50, v21;
	v28 =	vld.idx.msk [tilespmem:v28+s12+$0x0], $0xffff  }
0x181: {  	s29 =	simm.s32 $0x38;
	v55 =	vor.u32 s10, v24;
	v40 =	vor.u32 s13, v17;
	[tilespmem:s30+$0xFFFFFF50] =	vst v60;
	v43 =	vadd.f32 v43, v29;
	v54 =	vld.idx.msk [tilespmem:v58+s16+$0x0], $0xffff  }
0x182: {  	v32 =	vor.u32 s29, v20;
	v33 =	vbroadcast v33, $0x0;
	v50 =	vld.idx.msk [tilespmem:v62+s16+$0x0], $0xffff;
	[tilespmem:s30+$0xFFFFFE30] =	vst v61;
	s1 =	simm.s32 $0x199F0;
	v30 =	vadd.f32 v38, v30  }
0x183: {  	v31 =	vor.u32 s29, v16;
	v37 =	vor.u32 s25, v16;
	[tilespmem:s1+$0xFFFFFE90] =	vst v43;
	v43 =	vld.idx.msk [tilespmem:v56+s16+$0x0], $0xffff;
	v62 =	vadd.f32 v47, v27  }
0x184: {  	s9 =	simm.s32 $0x30;
	v52 =	vadd.f32 v41, v10;
	v41 =	vor.u32 s19, v18;
	[tilespmem:s28+$0x0] =	vst v30;
	v46 =	vld.idx.msk [tilespmem:v63+s16+$0x0], $0xffff;
	v63 =	vadd.f32 v44, v9  }
0x185: {  	v36 =	vadd.f32 v36, v26;
	v35 =	vor.u32 s9, v20;
	v38 =	vor.u32 s17, v18;
	v47 =	vld.idx.msk [tilespmem:v42+s16+$0x0], $0xffff;
	[tilespmem:s28+$0xFFFFFE70] =	vst v62  }
0x186: {  	s4 =	simm.s32 $0x40;
	s10 =	simm.s32 $0xC;
	v42 =	vor.u32 s11, v15;
	v53 =	vadd.f32 v53, v28;
	v44 =	vadd.f32 v54, v11;
	[tilespmem:s21+$0xFFFFFFB0] =	vst v63;
	v48 =	vld.idx.msk [tilespmem:v55+s16+$0x0], $0xffff  }
.LBB2_5:
0x187: {  	s2 =	sadd.s32 $0x24, s10;
	s5 =	sadd.s32 $0x4, s4;
	s15 =	sadd.s32 $0x27, s10;
	v54 =	vor.u32 s26, v16;
	v45 =	vadd.f32 v45, v19;
	v30 =	vld.idx.msk [tilespmem:v39+s16+$0x0], $0xffff;
	[tilespmem:s30+$0xFFFFFED0] =	vst v52;
	v39 =	vadd.f32 v49, v25  }
0x188: {  	v25 =	vmovc v10;
	v10 =	vmovc v11;
	s7 =	smov.u32 s10;
	v49 =	vmov s2;
	s2 =	sadd.s32 $0x25, s10;
	v52 =	vor.u32 s5, v20;
	v55 =	vld.idx.msk [tilespmem:v34+s12+$0x0], $0xffff;
	[tilespmem:s1+$0xFFFFFF90] =	vst v53;
	v34 =	vadd.f32 v50, v13;
	s10 =	sadd.s32 $0x4, s10  }
0x189: {  	v50 =	vmov s15;
	v56 =	vmov s2;
	s2 =	sadd.s32 $0x26, s7;
	p0 =	slt.u32 s10, $0x1C;
	v53 =	vld.idx.msk [tilespmem:v32+s16+$0x0], $0xffff;
	[tilespmem:s21+$0xFFFFFF20] =	vst v45;
	v45 =	vadd.f32 v46, v23;
	v23 =	vmovc v12;
	v12 =	vmovc v19  }
0x18a: {  	v11 =	vmovc v29;
	v47 =	vadd.f32 v47, v21;
	v19 =	vand.u32 $0x7D, v56;
	v32 =	vmov s2;
	s2 =	sadd.s32 $0x8, s4;
	v46 =	vld.idx.msk [tilespmem:v51+s16+$0x0], $0xffff;
	[tilespmem:s30+$0xFFFFFFD0] =	vst v34  }
0x18b: {  	v48 =	vadd.f32 v48, v27;
	v27 =	vmovc v21;
	v29 =	vand.u32 $0x7E, v32;
	v32 =	vor.u32 s2, v20;
	v37 =	vld.idx.msk [tilespmem:v37+s16+$0x0], $0xffff;
	[tilespmem:s28+$0xFFFFFF00] =	vst v39  }
0x18c: {  	v19 =	vor.u32 v8, v19;
	v51 =	vor.u32 v8, v29;
	v29 =	vld.idx.msk [tilespmem:v35+s16+$0x0], $0xffff;
	v35 =	vor.u32 s23, v16;
	[tilespmem:s30+$0xFFFFFE40] =	vst v47  }
0x18d: {  	v21 =	vmovc v26;
	v39 =	vand.u32 $0x7C, v49;
	v47 =	vand.u32 $0x7F, v50;
	v34 =	vbroadcast v51, $0x0;
	v49 =	vld.idx.msk [tilespmem:v54+s16+$0x0], $0xffff;
	[tilespmem:s28+$0xFFFFFE80] =	vst v48  }
0x18e: {  	s15 =	sadd.s32 $0xC, s4;
	v26 =	vor.u32 v8, v39;
	v39 =	vor.u32 v8, v47;
	v47 =	vor.u32 s24, v15;
	v40 =	vld.idx.msk [tilespmem:v40+s16+$0x0], $0xffff;
	[tilespmem:s28+$0xFFFFFF80] =	vst v45;
	s28 =	smov.u32 s30;
	s30 =	smov.u32 s21  }
0x18f: {  	v48 =	vor.u32 s15, v20;
	v45 =	vbroadcast v19, $0x0;
	v19 =	vmovc v55;
	s21 =	smov.u32 s1;
	[tilespmem:s30+$0xFFFFFEB0] =	vst v44;
	v44 =	vor.u32 s20, v22;
	v41 =	vld.idx.msk [tilespmem:v41+s16+$0x0], $0xffff  }
0x190: {  	v43 =	vadd.f32 v43, v23;
	v46 =	vadd.f32 v46, v12;
	v42 =	vld.idx.msk [tilespmem:v42+s16+$0x0], $0xffff  }
0x191: {  	[tilespmem:s30+$0xFFFFFE10] =	vst v36;
	v36 =	vor.u32 s13, v18;
	v38 =	vld.idx.msk [tilespmem:v38+s16+$0x0], $0xffff  }
0x192: {  	v50 =	vbroadcast v26, $0x0;
	v51 =	vadd.f32 v53, v19;
	v53 =	vld.idx.msk [tilespmem:v35+s16+$0x0], $0xffff;
	[tilespmem:s30+$0xFFFFFF30] =	vst v46;
	v46 =	vor.u32 s19, v22  }
0x193: {  	v54 =	vadd.f32 v37, v28;
	v35 =	vor.u32 s4, v20;
	v49 =	vadd.f32 v49, v11;
	v47 =	vld.idx.msk [tilespmem:v47+s16+$0x0], $0xffff;
	[tilespmem:s28+$0xFFFFFF60] =	vst v43  }
0x194: {  	v39 =	vbroadcast v39, $0x0;
	v43 =	vor.u32 s25, v14;
	v37 =	vadd.f32 v40, v27;
	v40 =	vld.idx.msk [tilespmem:v44+s16+$0x0], $0xffff  }
0x195: {  	v44 =	vor.u32 s17, v22;
	v41 =	vadd.f32 v41, v13;
	v26 =	vld.idx.msk [tilespmem:v33+s12+$0x0], $0xffff;
	[tilespmem:s1+$0xFFFFFEA0] =	vst v49;
	v33 =	vmov v50  }
0x196: {  	v42 =	vadd.f32 v42, v10;
	v55 =	vld.idx.msk [tilespmem:v48+s16+$0x0], $0xffff;
	[tilespmem:s28+$0xFFFFFE50] =	vst v37  }
0x197: {  	v48 =	vor.u32 s2, v16;
	v49 =	vld.idx.msk [tilespmem:v36+s16+$0x0], $0xffff;
	v36 =	vadd.f32 v38, v25;
	[tilespmem:s28+$0xFFFFFFE0] =	vst v41  }
0x198: {  	s1 =	sadd.s32 $0x200, s1;
	v37 =	vor.u32 s15, v16;
	v38 =	vadd.f32 v53, v21;
	v41 =	vor.u32 s24, v17;
	[tilespmem:s21+$0xFFFFFFA0] =	vst v54;
	v46 =	vld.idx.msk [tilespmem:v46+s16+$0x0], $0xffff  }
0x199: {  	v50 =	vor.u32 s23, v14;
	v47 =	vadd.f32 v47, v12;
	v43 =	vld.idx.msk [tilespmem:v43+s16+$0x0], $0xffff;
	[tilespmem:s28+$0xFFFFFEE0] =	vst v36  }
0x19a: {  	v40 =	vadd.f32 v40, v23;
	[tilespmem:s30+$0xFFFFFEC0] =	vst v42;
	v42 =	vor.u32 s11, v17;
	v44 =	vld.idx.msk [tilespmem:v44+s16+$0x0], $0xffff  }
0x19b: {  	v36 =	vadd.f32 v29, v26;
	v52 =	vld.idx.msk [tilespmem:v52+s16+$0x0], $0xffff;
	[tilespmem:s21+$0xFFFFFF10] =	vst v51;
	v51 =	vor.u32 s13, v22  }
0x19c: {  	v29 =	vld.idx.msk [tilespmem:v45+s12+$0x0], $0xffff;
	[tilespmem:s30+$0xFFFFFF40] =	vst v47;
	v45 =	vor.u32 s19, v24;
	s19 =	smov.u32 s8;
	s8 =	smov.u32 s25;
	s25 =	smov.u32 s15  }
0x19d: {  	[tilespmem:s30+$0xFFFFFE20] =	vst v38;
	v38 =	vld.idx.msk [tilespmem:v41+s16+$0x0], $0xffff;
	v41 =	vadd.f32 v49, v27  }
0x19e: {  	v47 =	vld.idx.msk [tilespmem:v50+s16+$0x0], $0xffff;
	[tilespmem:s28+$0xFFFFFF70] =	vst v40;
	v40 =	vadd.f32 v46, v13  }
0x19f: {  	v46 =	vor.u32 s26, v14;
	v43 =	vadd.f32 v43, v28;
	v42 =	vld.idx.msk [tilespmem:v42+s16+$0x0], $0xffff;
	[tilespmem:s28+$0xFFFFFE60] =	vst v41  }
0x1a0: {  	v30 =	vadd.f32 v30, v9;
	v49 =	vor.u32 s17, v24;
	s17 =	smov.u32 s11;
	s11 =	smov.u32 s26;
	s26 =	smov.u32 s5;
	v44 =	vadd.f32 v44, v25;
	v41 =	vld.idx.msk [tilespmem:v51+s16+$0x0], $0xffff;
	[tilespmem:s28+$0xFFFFFFF0] =	vst v40  }
0x1a1: {  	v40 =	vor.u32 s19, v17;
	v51 =	vld.idx.msk [tilespmem:v45+s16+$0x0], $0xffff  }
0x1a2: {  	v50 =	vadd.f32 v52, v29;
	v53 =	vld.idx.msk [tilespmem:v39+s12+$0x0], $0xffff;
	[tilespmem:s28+$0xFFFFFEF0] =	vst v44;
	v44 =	vor.u32 s20, v24;
	s20 =	smov.u32 s24;
	s24 =	smov.u32 s29;
	s29 =	smov.u32 s2  }
0x1a3: {  	v54 =	vor.u32 s23, v15;
	v38 =	vadd.f32 v38, v12;
	v45 =	vld.idx.msk [tilespmem:v31+s16+$0x0], $0xffff;
	[tilespmem:s30+$0xFFFFFFC0] =	vst v30;
	v31 =	vmov v48  }
0x1a4: {  	v48 =	vor.u32 s13, v24;
	s13 =	smov.u32 s23;
	s23 =	smov.u32 s9;
	s9 =	smov.u32 s4;
	[tilespmem:s1+$0xFFFFFE90] =	vst v50;
	v30 =	vld.idx.msk [tilespmem:v46+s16+$0x0], $0xffff;
	v46 =	vadd.f32 v47, v21  }
0x1a5: {  	v56 =	vor.u32 s20, v18;
	v52 =	vadd.f32 v42, v10;
	[tilespmem:s30+$0xFFFFFF50] =	vst v38;
	v49 =	vld.idx.msk [tilespmem:v49+s16+$0x0], $0xffff  }
.Ltmp1:
0x1a6: {  	v39 =	vor.u32 s8, v15;
	v41 =	vadd.f32 v41, v27;
	v50 =	vld.idx.msk [tilespmem:v40+s16+$0x0], $0xffff;
	(pc) =	sbr.rel @p0 .LBB2_5-.Ltmp1, $4  }
0x1a7: {  	v42 =	vadd.f32 v51, v13;
	v13 =	vmov v9;
	v9 =	vmov v28;
	[tilespmem:s30+$0xFFFFFE30] =	vst v46;
	v46 =	vld.idx.msk [tilespmem:v44+s16+$0x0], $0xffff  }
0x1a8: {  	v38 =	vor.u32 s17, v18;
	v40 =	vor.u32 s13, v17;
	v28 =	vmov v53;
	v47 =	vld.idx.msk [tilespmem:v54+s16+$0x0], $0xffff;
	[tilespmem:s28+$0xFFFFFE70] =	vst v41  }
0x1a9: {  	v51 =	vor.u32 s24, v14;
	v41 =	vor.u32 s19, v18;
	v48 =	vld.idx.msk [tilespmem:v48+s16+$0x0], $0xffff;
	[tilespmem:s28+$0x0] =	vst v42  }
0x1aa: {  	s4 =	sadd.s32 $0x10, s4;
	v53 =	vadd.f32 v55, v28;
	v44 =	vadd.f32 v30, v11;
	v42 =	vor.u32 s11, v15;
	[tilespmem:s21+$0xFFFFFFB0] =	vst v43;
	v43 =	vld.idx.msk [tilespmem:v56+s16+$0x0], $0xffff  }
0x1ab: {  	_ =	sdelay $0x1  }
0x1ac: {  	[tilespmem:s30+$0xFFFFFED0] =	vst v52  }
0x1ad: {  	v30 =	vor.u32 s26, v16;
	v45 =	vadd.f32 v45, v19;
	[tilespmem:s21+$0xFFFFFE10] =	vst v36  }
0x1ae: {  	v50 =	vadd.f32 v50, v13;
	v20 =	vld.idx.msk [tilespmem:v34+s12+$0x0], $0xffff;
	[tilespmem:s1+$0xFFFFFF90] =	vst v53  }
0x1af: {  	v25 =	vadd.f32 v49, v25;
	v35 =	vld.idx.msk [tilespmem:v35+s16+$0x0], $0xffff;
	[tilespmem:s21+$0xFFFFFF20] =	vst v45  }
0x1b0: {  	v63 =	vadd.f32 v47, v21;
	[tilespmem:s30+$0xFFFFFFD0] =	vst v50;
	v62 =	vld.idx.msk [tilespmem:v51+s16+$0x0], $0xffff  }
0x1b1: {  	v32 =	vld.idx.msk [tilespmem:v32+s16+$0x0], $0xffff;
	[tilespmem:s28+$0xFFFFFF00] =	vst v25;
	v27 =	vadd.f32 v48, v27  }
0x1b2: {  	[tilespmem:s30+$0xFFFFFE40] =	vst v63;
	v25 =	vld.idx.msk [tilespmem:v30+s16+$0x0], $0xffff  }
0x1b3: {  	v23 =	vadd.f32 v46, v23;
	[tilespmem:s28+$0xFFFFFE80] =	vst v27;
	v27 =	vld.idx.msk [tilespmem:v40+s16+$0x0], $0xffff  }
0x1b4: {  	[tilespmem:s21+$0xFFFFFEB0] =	vst v44;
	v48 =	vor.u32 s24, v15;
	v50 =	vadd.f32 v43, v12;
	v30 =	vld.idx.msk [tilespmem:v41+s16+$0x0], $0xffff  }
0x1b5: {  	v49 =	vor.u32 s23, v16;
	v37 =	vld.idx.msk [tilespmem:v37+s16+$0x0], $0xffff;
	[tilespmem:s28+$0xFFFFFF80] =	vst v23;
	v23 =	vadd.f32 v62, v19  }
0x1b6: {  	v52 =	vor.u32 s20, v22;
	v51 =	vld.idx.msk [tilespmem:v38+s16+$0x0], $0xffff;
	v32 =	vadd.f32 v32, v20;
	[tilespmem:s30+$0xFFFFFF60] =	vst v50  }
0x1b7: {  	v53 =	vor.u32 s13, v18;
	[tilespmem:s21+$0xFFFFFF30] =	vst v23;
	v25 =	vadd.f32 v25, v29;
	v23 =	vld.idx.msk [tilespmem:v33+s12+$0x0], $0xffff  }
0x1b8: {  	v54 =	vor.u32 s19, v22;
	v42 =	vld.idx.msk [tilespmem:v42+s16+$0x0], $0xffff;
	[tilespmem:s1+$0xFFFFFF10] =	vst v32;
	v27 =	vadd.f32 v27, v21  }
0x1b9: {  	v56 =	vor.u32 s17, v22;
	v55 =	vld.idx.msk [tilespmem:v48+s16+$0x0], $0xffff;
	[tilespmem:s1+$0xFFFFFEA0] =	vst v25;
	v25 =	vadd.f32 v30, v13  }
0x1ba: {  	v16 =	vor.u32 s9, v16;
	v30 =	vadd.f32 v37, v28;
	[tilespmem:s30+$0xFFFFFE50] =	vst v27;
	v27 =	vld.idx.msk [tilespmem:v49+s16+$0x0], $0xffff  }
0x1bb: {  	v57 =	vadd.f32 v51, v10;
	[tilespmem:s30+$0xFFFFFFE0] =	vst v25;
	v25 =	vld.idx.msk [tilespmem:v52+s16+$0x0], $0xffff  }
0x1bc: {  	[tilespmem:s1+$0xFFFFFFA0] =	vst v30;
	v30 =	vld.idx.msk [tilespmem:v53+s16+$0x0], $0xffff;
	v59 =	vadd.f32 v35, v23  }
0x1bd: {  	v44 =	vor.u32 s11, v17;
	v58 =	vadd.f32 v42, v11;
	[tilespmem:s30+$0xFFFFFEE0] =	vst v57;
	v33 =	vld.idx.msk [tilespmem:v54+s16+$0x0], $0xffff  }
0x1be: {  	v61 =	vor.u32 s23, v14;
	v62 =	vld.idx.msk [tilespmem:v56+s16+$0x0], $0xffff;
	v37 =	vadd.f32 v55, v19;
	[tilespmem:s1+$0xFFFFFE10] =	vst v59  }
0x1bf: {  	v60 =	vor.u32 s24, v17;
	[tilespmem:s21+$0xFFFFFEC0] =	vst v58;
	v27 =	vadd.f32 v27, v26;
	v16 =	vld.idx.msk [tilespmem:v16+s16+$0x0], $0xffff  }
0x1c0: {  	v40 =	vor.u32 s25, v14;
	v31 =	vld.idx.msk [tilespmem:v31+s16+$0x0], $0xffff;
	[tilespmem:s21+$0xFFFFFF40] =	vst v37;
	v25 =	vadd.f32 v25, v12  }
0x1c1: {  	v41 =	vld.idx.msk [tilespmem:v39+s16+$0x0], $0xffff;
	[tilespmem:s21+$0xFFFFFE20] =	vst v27;
	v27 =	vadd.f32 v30, v21;
	v30 =	vor.u32 s26, v14  }
0x1c2: {  	v42 =	vor.u32 s9, v14;
	v34 =	vld.idx.msk [tilespmem:v44+s16+$0x0], $0xffff;
	[tilespmem:s30+$0xFFFFFF70] =	vst v25;
	v25 =	vadd.f32 v33, v13  }
0x1c3: {  	v14 =	vor.u32 s29, v14;
	v36 =	vld.idx.msk [tilespmem:v61+s16+$0x0], $0xffff;
	[tilespmem:s30+$0xFFFFFE60] =	vst v27;
	v27 =	vadd.f32 v62, v10  }
0x1c4: {  	v43 =	vor.u32 s19, v24;
	v35 =	vld.idx.msk [tilespmem:v60+s16+$0x0], $0xffff;
	[tilespmem:s30+$0xFFFFFFF0] =	vst v25;
	v16 =	vadd.f32 v16, v23  }
0x1c5: {  	v63 =	vor.u32 s13, v22;
	v25 =	vld.idx.msk [tilespmem:v40+s16+$0x0], $0xffff;
	[tilespmem:s30+$0xFFFFFEF0] =	vst v27;
	v27 =	vadd.f32 v31, v20  }
0x1c6: {  	v45 =	vor.u32 s23, v15;
	v31 =	vadd.f32 v41, v9;
	v30 =	vld.idx.msk [tilespmem:v30+s16+$0x0], $0xffff;
	[tilespmem:s1+$0xFFFFFE20] =	vst v16  }
0x1c7: {  	v34 =	vadd.f32 v34, v11;
	v16 =	vor.u32 s8, v17;
	[tilespmem:s1+$0xFFFFFF20] =	vst v27;
	v27 =	vld.idx.msk [tilespmem:v42+s16+$0x0], $0xffff  }
0x1c8: {  	v46 =	vor.u32 s25, v15;
	[tilespmem:s21+$0xFFFFFFC0] =	vst v31;
	v31 =	vadd.f32 v36, v26;
	v14 =	vld.idx.msk [tilespmem:v14+s16+$0x0], $0xffff  }
0x1c9: {  	v48 =	vor.u32 s26, v15;
	[tilespmem:s21+$0xFFFFFED0] =	vst v34;
	v35 =	vadd.f32 v35, v19;
	v47 =	vld.idx.msk [tilespmem:v43+s16+$0x0], $0xffff  }
0x1ca: {  	v32 =	vld.idx.msk [tilespmem:v63+s16+$0x0], $0xffff;
	[tilespmem:s21+$0xFFFFFE30] =	vst v31;
	v31 =	vor.u32 s9, v15;
	v25 =	vadd.f32 v25, v28  }
0x1cb: {  	[tilespmem:s21+$0xFFFFFF50] =	vst v35;
	v15 =	vor.u32 s29, v15;
	v37 =	vld.idx.msk [tilespmem:v45+s16+$0x0], $0xffff;
	v30 =	vadd.f32 v30, v29  }
0x1cc: {  	v49 =	vor.u32 s17, v24;
	v16 =	vld.idx.msk [tilespmem:v16+s16+$0x0], $0xffff;
	[tilespmem:s1+$0xFFFFFFB0] =	vst v25;
	v25 =	vadd.f32 v27, v23  }
0x1cd: {  	v27 =	vor.u32 s13, v24;
	v33 =	vld.idx.msk [tilespmem:v46+s16+$0x0], $0xffff;
	[tilespmem:s1+$0xFFFFFEB0] =	vst v30;
	v14 =	vadd.f32 v14, v20  }
0x1ce: {  	v13 =	vadd.f32 v47, v13;
	v30 =	vor.u32 s23, v17;
	v35 =	vld.idx.msk [tilespmem:v48+s16+$0x0], $0xffff;
	[tilespmem:s1+$0xFFFFFE30] =	vst v25  }
0x1cf: {  	v32 =	vadd.f32 v32, v21;
	v25 =	vor.u32 s20, v24;
	[tilespmem:s1+$0xFFFFFF30] =	vst v14;
	v14 =	vld.idx.msk [tilespmem:v31+s16+$0x0], $0xffff  }
0x1d0: {  	[tilespmem:s30+$0x0] =	vst v13;
	v13 =	vadd.f32 v37, v26;
	v15 =	vld.idx.msk [tilespmem:v15+s16+$0x0], $0xffff;
	v31 =	vor.u32 s25, v17  }
0x1d1: {  	v50 =	vor.u32 s26, v17;
	[tilespmem:s30+$0xFFFFFE70] =	vst v32;
	v32 =	vld.idx.msk [tilespmem:v49+s16+$0x0], $0xffff;
	v16 =	vadd.f32 v16, v9  }
0x1d2: {  	v51 =	vor.u32 s9, v17;
	[tilespmem:s21+$0xFFFFFE40] =	vst v13;
	v27 =	vld.idx.msk [tilespmem:v27+s16+$0x0], $0xffff;
	v13 =	vadd.f32 v33, v28  }
0x1d3: {  	v17 =	vor.u32 s29, v17;
	[tilespmem:s21+$0xFFFFFFD0] =	vst v16;
	v16 =	vld.idx.msk [tilespmem:v30+s16+$0x0], $0xffff;
	v30 =	vadd.f32 v35, v29  }
0x1d4: {  	v52 =	vor.u32 s8, v18;
	v25 =	vld.idx.msk [tilespmem:v25+s16+$0x0], $0xffff;
	[tilespmem:s1+$0xFFFFFFC0] =	vst v13;
	v13 =	vadd.f32 v14, v23  }
0x1d5: {  	v14 =	vor.u32 s11, v18;
	v15 =	vadd.f32 v15, v20;
	[tilespmem:s1+$0xFFFFFEC0] =	vst v30;
	v30 =	vld.idx.msk [tilespmem:v31+s16+$0x0], $0xffff  }
0x1d6: {  	v10 =	vadd.f32 v32, v10;
	v31 =	vor.u32 s23, v18;
	v53 =	vld.idx.msk [tilespmem:v50+s16+$0x0], $0xffff;
	[tilespmem:s1+$0xFFFFFE40] =	vst v13  }
0x1d7: {  	v13 =	vor.u32 s24, v18;
	v21 =	vadd.f32 v27, v21;
	[tilespmem:s1+$0xFFFFFF40] =	vst v15;
	v15 =	vld.idx.msk [tilespmem:v51+s16+$0x0], $0xffff  }
0x1d8: {  	[tilespmem:s30+$0xFFFFFF00] =	vst v10;
	v10 =	vadd.f32 v16, v26;
	v16 =	vld.idx.msk [tilespmem:v17+s16+$0x0], $0xffff;
	v17 =	vor.u32 s25, v18  }
0x1d9: {  	v12 =	vadd.f32 v25, v12;
	[tilespmem:s30+$0xFFFFFE80] =	vst v21;
	v21 =	vld.idx.msk [tilespmem:v52+s16+$0x0], $0xffff;
	v25 =	vor.u32 s26, v18  }
0x1da: {  	v27 =	vor.u32 s9, v18;
	v14 =	vld.idx.msk [tilespmem:v14+s16+$0x0], $0xffff;
	[tilespmem:s21+$0xFFFFFE50] =	vst v10;
	v10 =	vadd.f32 v30, v28  }
0x1db: {  	v18 =	vor.u32 s29, v18;
	[tilespmem:s30+$0xFFFFFF80] =	vst v12;
	v12 =	vld.idx.msk [tilespmem:v31+s16+$0x0], $0xffff;
	v30 =	vadd.f32 v53, v29  }
0x1dc: {  	v31 =	vor.u32 s8, v22;
	v13 =	vld.idx.msk [tilespmem:v13+s16+$0x0], $0xffff;
	[tilespmem:s1+$0xFFFFFFD0] =	vst v10;
	v10 =	vadd.f32 v15, v23  }
0x1dd: {  	v15 =	vor.u32 s11, v22;
	v16 =	vadd.f32 v16, v20;
	[tilespmem:s1+$0xFFFFFED0] =	vst v30;
	v17 =	vld.idx.msk [tilespmem:v17+s16+$0x0], $0xffff  }
0x1de: {  	v30 =	vor.u32 s23, v22;
	v21 =	vadd.f32 v21, v9;
	v25 =	vld.idx.msk [tilespmem:v25+s16+$0x0], $0xffff;
	[tilespmem:s1+$0xFFFFFE50] =	vst v10  }
0x1df: {  	v10 =	vor.u32 s24, v22;
	v14 =	vadd.f32 v14, v11;
	[tilespmem:s1+$0xFFFFFF50] =	vst v16;
	v16 =	vld.idx.msk [tilespmem:v27+s16+$0x0], $0xffff  }
0x1e0: {  	[tilespmem:s21+$0xFFFFFFE0] =	vst v21;
	v12 =	vadd.f32 v12, v26;
	v18 =	vld.idx.msk [tilespmem:v18+s16+$0x0], $0xffff;
	v21 =	vor.u32 s25, v22  }
0x1e1: {  	v13 =	vadd.f32 v13, v19;
	v27 =	vld.idx.msk [tilespmem:v31+s16+$0x0], $0xffff;
	[tilespmem:s21+$0xFFFFFEE0] =	vst v14;
	v14 =	vor.u32 s26, v22  }
0x1e2: {  	v15 =	vld.idx.msk [tilespmem:v15+s16+$0x0], $0xffff;
	[tilespmem:s21+$0xFFFFFE60] =	vst v12;
	v12 =	vadd.f32 v17, v28;
	v17 =	vor.u32 s9, v22  }
0x1e3: {  	v22 =	vor.u32 s29, v22;
	[tilespmem:s21+$0xFFFFFF60] =	vst v13;
	v13 =	vld.idx.msk [tilespmem:v30+s16+$0x0], $0xffff;
	v25 =	vadd.f32 v25, v29  }
0x1e4: {  	v30 =	vor.u32 s8, v24;
	v10 =	vld.idx.msk [tilespmem:v10+s16+$0x0], $0xffff;
	[tilespmem:s1+$0xFFFFFFE0] =	vst v12;
	v12 =	vadd.f32 v16, v23  }
0x1e5: {  	v16 =	vor.u32 s11, v24;
	v18 =	vadd.f32 v18, v20;
	v21 =	vld.idx.msk [tilespmem:v21+s16+$0x0], $0xffff;
	[tilespmem:s1+$0xFFFFFEE0] =	vst v25  }
0x1e6: {  	v25 =	vadd.f32 v27, v9;
	v27 =	vor.u32 s23, v24;
	v14 =	vld.idx.msk [tilespmem:v14+s16+$0x0], $0xffff;
	[tilespmem:s1+$0xFFFFFE60] =	vst v12  }
0x1e7: {  	v12 =	vadd.f32 v15, v11;
	v15 =	vor.u32 s24, v24;
	[tilespmem:s1+$0xFFFFFF60] =	vst v18;
	v17 =	vld.idx.msk [tilespmem:v17+s16+$0x0], $0xffff  }
0x1e8: {  	[tilespmem:s21+$0xFFFFFFF0] =	vst v25;
	v13 =	vadd.f32 v13, v26;
	v18 =	vld.idx.msk [tilespmem:v22+s16+$0x0], $0xffff;
	v22 =	vor.u32 s25, v24  }
0x1e9: {  	v10 =	vadd.f32 v10, v19;
	v25 =	vld.idx.msk [tilespmem:v30+s16+$0x0], $0xffff;
	[tilespmem:s21+$0xFFFFFEF0] =	vst v12;
	v12 =	vor.u32 s26, v24  }
0x1ea: {  	v16 =	vld.idx.msk [tilespmem:v16+s16+$0x0], $0xffff;
	[tilespmem:s21+$0xFFFFFE70] =	vst v13;
	v13 =	vadd.f32 v21, v28  }
0x1eb: {  	[tilespmem:s21+$0xFFFFFF70] =	vst v10;
	v10 =	vld.idx.msk [tilespmem:v27+s16+$0x0], $0xffff;
	v14 =	vadd.f32 v14, v29  }
0x1ec: {  	v21 =	vor.u32 s9, v24;
	v15 =	vld.idx.msk [tilespmem:v15+s16+$0x0], $0xffff;
	[tilespmem:s1+$0xFFFFFFF0] =	vst v13;
	v13 =	vadd.f32 v17, v23  }
0x1ed: {  	v24 =	vor.u32 s29, v24;
	v17 =	vadd.f32 v18, v20;
	v18 =	vld.idx.msk [tilespmem:v22+s16+$0x0], $0xffff;
	[tilespmem:s1+$0xFFFFFEF0] =	vst v14  }
0x1ee: {  	v9 =	vadd.f32 v25, v9;
	v12 =	vld.idx.msk [tilespmem:v12+s16+$0x0], $0xffff;
	[tilespmem:s1+$0xFFFFFE70] =	vst v13  }
0x1ef: {  	v11 =	vadd.f32 v16, v11;
	[tilespmem:s1+$0xFFFFFF70] =	vst v17  }
0x1f0: {  	[tilespmem:s21+$0x0] =	vst v9;
	v9 =	vadd.f32 v10, v26  }
0x1f1: {  	v13 =	vld.idx.msk [tilespmem:v21+s16+$0x0], $0xffff;
	v14 =	vadd.f32 v15, v19;
	[tilespmem:s21+$0xFFFFFF00] =	vst v11  }
0x1f2: {  	v10 =	vld.idx.msk [tilespmem:v24+s16+$0x0], $0xffff;
	[tilespmem:s21+$0xFFFFFE80] =	vst v9;
	v9 =	vadd.f32 v18, v28  }
0x1f3: {  	[tilespmem:s21+$0xFFFFFF80] =	vst v14;
	v11 =	vadd.f32 v12, v29  }
0x1f4: {  	[tilespmem:s1+$0x0] =	vst v9  }
0x1f5: {  	s2 =	rddreg [dreg:$0xc];
	[tilespmem:s1+$0xFFFFFF00] =	vst v11  }
0x1f6: {  	v9 =	vadd.f32 v13, v23;
	s2 =	sshll.u32 s2, $0x11;
	s15 =	rddreg [dreg:$0x4]  }
0x1f7: {  	s5 =	rddreg [dreg:$0x2];
	v10 =	vadd.f32 v10, v20;
	s2 =	sor.u32 s15, s2  }
0x1f8: {  	s4 =	simm.s32 $0x8000;
	s7 =	simm.s32 $0x19200;
	[tilespmem:s1+$0xFFFFFE80] =	vst v9;
	s2 =	sshrl.u32 s2, $0x3  }
0x1f9: {  	p0 =	seq.s32 s31, $0x31;
	s29 =	simm.s32 $0x400;
	[tilespmem:s1+$0xFFFFFF80] =	vst v10;
	s26 =	sadd.s32 s5, s2  }
0x1fa: {  	[hbm4b:s26+s29] =	stream.strided.scatter [tilespmem:s7], [sflag:$0x6], $0x1000, s4, s29, $0x38;
	[tilespmem:$0x1A200] =	vst v63  }
0x1fb: {  	v9 =	vld @!p0 [tilespmem:s0+$0x200];
	_ =	sdelay $0x4  }
0x1fc: {  	v9 =	vshrl.u32 @!p0 v9, $0x2  }
0x1fd: {  	[tilespmem:$0x8000] =	vst @!p0 v9  }
0x1fe: {  	v9 =	vld @!p0 [tilespmem:s0+$0x210];
	_ =	sdelay $0x4  }
0x1ff: {  	v9 =	vshrl.u32 @!p0 v9, $0x2  }
0x200: {  	[tilespmem:$0x8010] =	vst @!p0 v9  }
0x201: {  	v9 =	vld @!p0 [tilespmem:s0+$0x220];
	_ =	sdelay $0x4  }
0x202: {  	v9 =	vshrl.u32 @!p0 v9, $0x2  }
0x203: {  	[tilespmem:$0x8020] =	vst @!p0 v9  }
0x204: {  	v9 =	vld @!p0 [tilespmem:s0+$0x230];
	_ =	sdelay $0x4  }
0x205: {  	v9 =	vshrl.u32 @!p0 v9, $0x2  }
0x206: {  	[tilespmem:$0x8030] =	vst @!p0 v9  }
0x207: {  	v9 =	vld @!p0 [tilespmem:s0+$0x240];
	_ =	sdelay $0x4  }
0x208: {  	v9 =	vshrl.u32 @!p0 v9, $0x2  }
0x209: {  	[tilespmem:$0x8040] =	vst @!p0 v9  }
0x20a: {  	v9 =	vld @!p0 [tilespmem:s0+$0x250];
	_ =	sdelay $0x4  }
0x20b: {  	v9 =	vshrl.u32 @!p0 v9, $0x2  }
0x20c: {  	[tilespmem:$0x8050] =	vst @!p0 v9  }
0x20d: {  	v9 =	vld @!p0 [tilespmem:s0+$0x260];
	_ =	sdelay $0x4  }
0x20e: {  	v9 =	vshrl.u32 @!p0 v9, $0x2  }
0x20f: {  	[tilespmem:$0x8060] =	vst @!p0 v9  }
0x210: {  	v9 =	vld @!p0 [tilespmem:s0+$0x270];
	_ =	sdelay $0x4  }
0x211: {  	s1 =	simm.s32 @!p0 $0x80;
	v9 =	vshrl.u32 @!p0 v9, $0x2  }
0x212: {  	s2 =	simm.s32 @!p0 $0x8000;
	s4 =	simm.s32 @!p0 $0x8200;
	s7 =	rddreg [dreg:$0x5];
	[tilespmem:$0x8070] =	vst @!p0 v9  }
0x213: {  	[tilespmem:s4], [sflag:$0x1] =	stream.indirect.gather @!p0 [hbm4b:s7+s1], $0x80, s2, s1, $0xb8;
	[tilespmem:$0x1A200] =	vst v63  }
0x214: {  	s7 =	simm.s32 $0x3  }
0x215: {  	_ =	swait.ge [sflag:s7], $0x4000  }
0x216: {  	[sflag:s7] =	ssyncset.done $0x0  }
0x217: {  	s8 =	simm.s32 $0x5;
	[sflag:s7] =	ssyncadd.s32 $0xFFFFC000  }
0x218: {  	_ =	swait.ge [sflag:s8], $0x1000  }
0x219: {  	[sflag:s8] =	ssyncset.done $0x0  }
0x21a: {  	[sflag:s8] =	ssyncadd.s32 $0xFFFFF000  }
0x21b: {  	v9 =	vld [tilespmem:s6+$0x0]  }
0x21c: {  	s11 =	simm.s32 $0x41  }
0x21d: {  	v14 =	vmov s11  }
0x21e: {  	s9 =	simm.s32 $0x43;
	v14 =	vand.u32 $0x7D, v14  }
0x21f: {  	v14 =	vor.u32 v8, v14;
	v10 =	vmov s9  }
0x220: {  	v14 =	vbroadcast v14, $0x0;
	v10 =	vand.u32 $0x7F, v10;
	v9 =	vand.u32 $0x3, v9  }
0x221: {  	s26 =	simm.s32 $0xC;
	v20 =	vor.u32 v0, v9;
	v9 =	vor.u32 v8, v10  }
0x222: {  	v10 =	vor.u32 s26, v20;
	v9 =	vbroadcast v9, $0x0  }
0x223: {  	s10 =	simm.s32 $0x42;
	s9 =	simm.s32 $0x4;
	v11 =	vld [tilespmem:s6+$0x10]  }
0x224: {  	v13 =	vmov s10;
	v12 =	vld [tilespmem:s6+$0x20];
	v18 =	vor.u32 s9, v20  }
0x225: {  	v13 =	vand.u32 $0x7E, v13;
	v15 =	vld [tilespmem:s6+$0x30]  }
0x226: {  	v13 =	vor.u32 v8, v13;
	v25 =	vld.idx.msk [tilespmem:v14+s12+$0x0], $0xffff  }
0x227: {  	v13 =	vbroadcast v13, $0x0;
	v10 =	vld.idx.msk [tilespmem:v10+s18+$0x0], $0xffff  }
0x228: {  	s1 =	simm.s32 $0x8;
	v30 =	vld.idx.msk [tilespmem:v9+s12+$0x0], $0xffff  }
0x229: {  	v11 =	vand.u32 $0x3, v11;
	v19 =	vor.u32 s1, v20;
	v18 =	vld.idx.msk [tilespmem:v18+s18+$0x0], $0xffff  }
0x22a: {  	v17 =	vld [tilespmem:s6+$0x40];
	v16 =	vor.u32 v1, v11  }
0x22b: {  	v22 =	vld [tilespmem:s6+$0x60];
	v11 =	vor.u32 s26, v16  }
0x22c: {  	v24 =	vld [tilespmem:s6+$0x70];
	v21 =	vor.u32 s9, v16  }
0x22d: {  	s13 =	simm.s32 $0x40;
	v23 =	vld.idx.msk [tilespmem:v13+s12+$0x0], $0xffff;
	v10 =	vadd.f32 v10, v30  }
0x22e: {  	s17 =	simm.s32 $0x47;
	s23 =	simm.s32 $0x18300;
	s7 =	simm.s32 $0x24;
	v13 =	vmov s13;
	v19 =	vld.idx.msk [tilespmem:v19+s18+$0x0], $0xffff;
	v18 =	vadd.f32 v18, v25  }
0x22f: {  	v27 =	vmov s17;
	s10 =	simm.s32 $0x0;
	v13 =	vand.u32 $0x7C, v13;
	v42 =	vor.u32 s7, v20;
	v9 =	vld [tilespmem:s6+$0x50];
	[tilespmem:s23+$0x80] =	vst v10  }
0x230: {  	[tilespmem:s23+$0xFFFFFF80] =	vst v18;
	v10 =	vand.u32 $0x3, v12;
	v12 =	vor.u32 v8, v13;
	v13 =	vor.u32 s10, v20;
	v11 =	vld.idx.msk [tilespmem:v11+s18+$0x0], $0xffff  }
0x231: {  	v21 =	vld.idx.msk [tilespmem:v21+s18+$0x0], $0xffff;
	v14 =	vor.u32 v2, v10;
	v10 =	vbroadcast v12, $0x0;
	v12 =	vor.u32 s1, v16  }
0x232: {  	v27 =	vand.u32 $0x7F, v27  }
0x233: {  	s19 =	simm.s32 $0x45;
	v27 =	vor.u32 v8, v27;
	v19 =	vadd.f32 v19, v23;
	v28 =	vor.u32 s26, v14  }
0x234: {  	s24 =	simm.s32 $0x1C;
	v31 =	vbroadcast v27, $0x0;
	v26 =	vmov s19;
	v37 =	vld.idx.msk [tilespmem:v42+s18+$0x0], $0xffff;
	v54 =	vor.u32 s9, v14  }
0x235: {  	v26 =	vand.u32 $0x7D, v26;
	[tilespmem:s23+$0x0] =	vst v19;
	v29 =	vld.idx.msk [tilespmem:v13+s18+$0x0], $0xffff;
	v13 =	vor.u32 s24, v20;
	v11 =	vadd.f32 v11, v30  }
0x236: {  	s11 =	simm.s32 $0x14;
	v18 =	vor.u32 v8, v26;
	v21 =	vadd.f32 v21, v25;
	v12 =	vld.idx.msk [tilespmem:v12+s18+$0x0], $0xffff  }
0x237: {  	s20 =	simm.s32 $0x46;
	v19 =	vor.u32 s11, v20;
	v18 =	vbroadcast v18, $0x0;
	v27 =	vld.idx.msk [tilespmem:v10+s12+$0x0], $0xffff;
	[tilespmem:s23+$0x90] =	vst v11  }
0x238: {  	[tilespmem:s23+$0xFFFFFF90] =	vst v21;
	v11 =	vmov s20;
	v26 =	vld.idx.msk [tilespmem:v28+s18+$0x0], $0xffff  }
0x239: {  	v15 =	vand.u32 $0x3, v15;
	s6 =	simm.s32 $0x2C;
	v32 =	vld.idx.msk [tilespmem:v54+s18+$0x0], $0xffff;
	v11 =	vand.u32 $0x7E, v11;
	v28 =	vor.u32 s1, v14  }
0x23a: {  	v15 =	vor.u32 v3, v15;
	v62 =	vor.u32 s6, v20;
	v10 =	vor.u32 v8, v11;
	v11 =	vld.idx.msk [tilespmem:v13+s18+$0x0], $0xffff  }
0x23b: {  	v13 =	vld.idx.msk [tilespmem:v31+s12+$0x0], $0xffff;
	v31 =	vor.u32 s26, v15;
	v55 =	vbroadcast v10, $0x0;
	v12 =	vadd.f32 v12, v23  }
0x23c: {  	s17 =	simm.s32 $0x18;
	v19 =	vld.idx.msk [tilespmem:v19+s18+$0x0], $0xffff;
	v29 =	vadd.f32 v29, v27  }
0x23d: {  	v56 =	vor.u32 s17, v20;
	v10 =	vld.idx.msk [tilespmem:v18+s12+$0x0], $0xffff;
	[tilespmem:s23+$0x10] =	vst v12;
	v18 =	vadd.f32 v26, v30  }
0x23e: {  	v61 =	vor.u32 s9, v15;
	v26 =	vld.idx.msk [tilespmem:v28+s18+$0x0], $0xffff;
	[tilespmem:s23+$0xFFFFFF00] =	vst v29  }
0x23f: {  	s21 =	simm.s32 $0x44;
	v21 =	vor.u32 s24, v16;
	s20 =	simm.s32 $0x10;
	v29 =	vadd.f32 v32, v25;
	v32 =	vld.idx.msk [tilespmem:v62+s18+$0x0], $0xffff;
	[tilespmem:s23+$0xA0] =	vst v18  }
0x240: {  	v12 =	vmov s21;
	v28 =	vor.u32 s20, v20;
	v11 =	vadd.f32 v11, v13;
	v31 =	vld.idx.msk [tilespmem:v31+s18+$0x0], $0xffff  }
0x241: {  	s8 =	simm.s32 $0x18500;
	v59 =	vor.u32 s11, v16;
	s21 =	simm.s32 $0x28;
	v57 =	vand.u32 $0x7C, v12;
	[tilespmem:s23+$0xFFFFFFA0] =	vst v29;
	v12 =	vld.idx.msk [tilespmem:v55+s12+$0x0], $0xffff  }
0x242: {  	v35 =	vor.u32 v8, v57;
	v57 =	vor.u32 s21, v20;
	[tilespmem:s8+$0x80] =	vst v11;
	v11 =	vld.idx.msk [tilespmem:v56+s18+$0x0], $0xffff  }
0x243: {  	v18 =	vor.u32 s10, v16;
	v19 =	vadd.f32 v19, v10;
	v29 =	vld.idx.msk [tilespmem:v61+s18+$0x0], $0xffff  }
0x244: {  	s25 =	simm.s32 $0x49;
	v17 =	vand.u32 $0x3, v17;
	v58 =	vor.u32 s1, v15;
	v60 =	vbroadcast v35, $0x0;
	v21 =	vld.idx.msk [tilespmem:v21+s18+$0x0], $0xffff  }
0x245: {  	v17 =	vor.u32 v4, v17;
	[tilespmem:s8+$0xFFFFFF80] =	vst v19;
	v19 =	vmov s25;
	v28 =	vld.idx.msk [tilespmem:v28+s18+$0x0], $0xffff  }
0x246: {  	s29 =	simm.s32 $0x4B;
	v48 =	vor.u32 s9, v17;
	v26 =	vadd.f32 v26, v23;
	v19 =	vand.u32 $0x7D, v19;
	v36 =	vld.idx.msk [tilespmem:v59+s18+$0x0], $0xffff  }
0x247: {  	v43 =	vmov s29;
	v63 =	vor.u32 s24, v14;
	v19 =	vor.u32 v8, v19;
	v39 =	vld.idx.msk [tilespmem:v57+s18+$0x0], $0xffff  }
0x248: {  	v49 =	vor.u32 s17, v16;
	v18 =	vld.idx.msk [tilespmem:v18+s18+$0x0], $0xffff;
	[tilespmem:s23+$0x20] =	vst v26;
	v19 =	vbroadcast v19, $0x0;
	v29 =	vadd.f32 v29, v25  }
0x249: {  	v38 =	vand.u32 $0x7F, v43;
	v26 =	vld.idx.msk [tilespmem:v58+s18+$0x0], $0xffff;
	v44 =	vadd.f32 v21, v13  }
0x24a: {  	v38 =	vor.u32 v8, v38;
	v50 =	vor.u32 s11, v14;
	v51 =	vadd.f32 v11, v12;
	v21 =	vld.idx.msk [tilespmem:v60+s12+$0x0], $0xffff;
	[tilespmem:s23+$0xFFFFFFB0] =	vst v29  }
0x24b: {  	v47 =	vbroadcast v38, $0x0;
	v45 =	vor.u32 s10, v14;
	v29 =	vadd.f32 v36, v10;
	[tilespmem:s8+$0x90] =	vst v44;
	v38 =	vld.idx.msk [tilespmem:v48+s18+$0x0], $0xffff  }
0x24c: {  	v46 =	vor.u32 s1, v17;
	v31 =	vadd.f32 v31, v30;
	[tilespmem:s8+$0x0] =	vst v51;
	v33 =	vld.idx.msk [tilespmem:v63+s18+$0x0], $0xffff  }
0x24d: {  	v18 =	vadd.f32 v18, v27;
	[tilespmem:s8+$0xFFFFFF90] =	vst v29;
	v29 =	vld.idx.msk [tilespmem:v49+s18+$0x0], $0xffff  }
0x24e: {  	[tilespmem:s23+$0xB0] =	vst v31;
	v26 =	vadd.f32 v26, v23;
	v11 =	vld.idx.msk [tilespmem:v19+s12+$0x0], $0xffff;
	v19 =	vor.u32 s26, v17  }
0x24f: {  	s13 =	simm.s32 $0x4A;
	v9 =	vand.u32 $0x3, v9;
	v56 =	vor.u32 s24, v15;
	v31 =	vld.idx.msk [tilespmem:v50+s18+$0x0], $0xffff;
	[tilespmem:s23+$0xFFFFFF10] =	vst v18  }
0x250: {  	v59 =	vor.u32 s17, v14;
	v18 =	vor.u32 v5, v9;
	v9 =	vmov s13;
	s13 =	simm.s32 $0x20;
	[tilespmem:s23+$0x30] =	vst v26;
	v26 =	vld.idx.msk [tilespmem:v45+s18+$0x0], $0xffff  }
0x251: {  	v9 =	vand.u32 $0x7E, v9;
	v62 =	vor.u32 s13, v20;
	v34 =	vld.idx.msk [tilespmem:v46+s18+$0x0], $0xffff;
	v33 =	vadd.f32 v33, v13  }
0x252: {  	v63 =	vor.u32 s7, v16;
	v53 =	vor.u32 v8, v9;
	v9 =	vld.idx.msk [tilespmem:v47+s12+$0x0], $0xffff;
	v29 =	vadd.f32 v29, v12  }
0x253: {  	v52 =	vor.u32 s10, v15;
	v55 =	vbroadcast v53, $0x0;
	v58 =	vld.idx.msk [tilespmem:v19+s18+$0x0], $0xffff;
	[tilespmem:s8+$0xA0] =	vst v33  }
0x254: {  	[tilespmem:s8+$0x10] =	vst v29;
	v29 =	vadd.f32 v37, v11;
	v40 =	vld.idx.msk [tilespmem:v56+s18+$0x0], $0xffff  }
0x255: {  	s30 =	simm.s32 $0x18700;
	v51 =	vor.u32 s11, v15;
	v26 =	vadd.f32 v26, v27;
	v50 =	vld.idx.msk [tilespmem:v59+s18+$0x0], $0xffff  }
0x256: {  	v54 =	vor.u32 s1, v18;
	v36 =	vld.idx.msk [tilespmem:v62+s18+$0x0], $0xffff;
	[tilespmem:s30+$0xFFFFFF80] =	vst v29  }
0x257: {  	v60 =	vor.u32 s6, v16;
	v31 =	vadd.f32 v31, v10;
	[tilespmem:s23+$0xFFFFFF20] =	vst v26;
	v43 =	vld.idx.msk [tilespmem:v63+s18+$0x0], $0xffff  }
0x258: {  	v49 =	vor.u32 s26, v18;
	v34 =	vadd.f32 v34, v23;
	v26 =	vld.idx.msk [tilespmem:v52+s18+$0x0], $0xffff  }
0x259: {  	[tilespmem:s8+$0xFFFFFFA0] =	vst v31;
	v32 =	vadd.f32 v32, v9;
	v29 =	vor.u32 s9, v18;
	v19 =	vld.idx.msk [tilespmem:v55+s12+$0x0], $0xffff  }
0x25a: {  	[tilespmem:s23+$0x40] =	vst v34;
	v42 =	vadd.f32 v58, v30;
	v55 =	vor.u32 s20, v16;
	v34 =	vld.idx.msk [tilespmem:v51+s18+$0x0], $0xffff  }
0x25b: {  	s19 =	simm.s32 $0x48;
	v22 =	vand.u32 $0x3, v22;
	v48 =	vor.u32 s10, v17;
	v56 =	vadd.f32 v38, v25;
	[tilespmem:s30+$0x80] =	vst v32;
	v61 =	vld.idx.msk [tilespmem:v54+s18+$0x0], $0xffff  }
0x25c: {  	s25 =	simm.s32 $0x4D;
	v57 =	vor.u32 s17, v15;
	v28 =	vadd.f32 v28, v21;
	v53 =	vmov s19;
	s19 =	simm.s32 $0x3C;
	v52 =	vld.idx.msk [tilespmem:v60+s18+$0x0], $0xffff;
	[tilespmem:s23+$0xC0] =	vst v42  }
0x25d: {  	v62 =	vmov s25;
	s25 =	simm.s32 $0x34;
	[tilespmem:s23+$0xFFFFFFC0] =	vst v56;
	v58 =	vor.u32 s19, v20;
	v37 =	vld.idx.msk [tilespmem:v49+s18+$0x0], $0xffff;
	v26 =	vadd.f32 v26, v27  }
0x25e: {  	v22 =	vor.u32 v6, v22;
	[tilespmem:s8+$0xFFFFFF00] =	vst v28;
	v32 =	vadd.f32 v50, v12;
	v50 =	vor.u32 s25, v20;
	v28 =	vld.idx.msk [tilespmem:v29+s18+$0x0], $0xffff  }
0x25f: {  	v31 =	vor.u32 s1, v22;
	v59 =	vld.idx.msk [tilespmem:v55+s18+$0x0], $0xffff;
	[tilespmem:s23+$0xFFFFFF30] =	vst v26  }
0x260: {  	v24 =	vand.u32 $0x3, v24;
	v63 =	vor.u32 s26, v22;
	[tilespmem:s8+$0x20] =	vst v32;
	v43 =	vadd.f32 v43, v11;
	v41 =	vld.idx.msk [tilespmem:v48+s18+$0x0], $0xffff  }
0x261: {  	v54 =	vand.u32 $0x7C, v53;
	v49 =	vor.u32 s9, v22;
	v38 =	vld.idx.msk [tilespmem:v57+s18+$0x0], $0xffff;
	v33 =	vadd.f32 v61, v23  }
0x262: {  	v60 =	vor.u32 s20, v14;
	v53 =	vld.idx.msk [tilespmem:v58+s18+$0x0], $0xffff;
	[tilespmem:s30+$0xFFFFFF90] =	vst v43;
	v48 =	vor.u32 s6, v14;
	v37 =	vadd.f32 v37, v30  }
0x263: {  	v29 =	vor.u32 s10, v18;
	v32 =	vand.u32 $0x7D, v62;
	v43 =	vld.idx.msk [tilespmem:v50+s18+$0x0], $0xffff;
	[tilespmem:s23+$0x50] =	vst v33;
	v28 =	vadd.f32 v28, v25  }
0x264: {  	v55 =	vor.u32 s17, v17;
	v44 =	vadd.f32 v52, v9;
	v26 =	vor.u32 v8, v54;
	v31 =	vld.idx.msk [tilespmem:v31+s18+$0x0], $0xffff;
	[tilespmem:s23+$0xD0] =	vst v37  }
0x265: {  	v32 =	vor.u32 v8, v32;
	v26 =	vbroadcast v26, $0x0;
	[tilespmem:s23+$0xFFFFFFD0] =	vst v28;
	v56 =	vld.idx.msk [tilespmem:v63+s18+$0x0], $0xffff;
	v41 =	vadd.f32 v41, v27  }
0x266: {  	s4 =	simm.s32 $0x4E;
	v24 =	vor.u32 v7, v24;
	v32 =	vbroadcast v32, $0x0;
	[tilespmem:s30+$0x90] =	vst v44;
	v38 =	vadd.f32 v38, v12;
	v46 =	vld.idx.msk [tilespmem:v49+s18+$0x0], $0xffff  }
0x267: {  	v62 =	vmov s4;
	v57 =	vor.u32 s10, v22;
	v42 =	vadd.f32 v59, v21;
	v44 =	vld.idx.msk [tilespmem:v48+s18+$0x0], $0xffff;
	[tilespmem:s23+$0xFFFFFF40] =	vst v41  }
0x268: {  	s29 =	simm.s32 $0x4F;
	v58 =	vor.u32 s26, v24;
	v61 =	vor.u32 s11, v17;
	[tilespmem:s8+$0x30] =	vst v38;
	v54 =	vld.idx.msk [tilespmem:v29+s18+$0x0], $0xffff  }
0x269: {  	v34 =	vadd.f32 v34, v10;
	v59 =	vor.u32 s21, v16;
	[tilespmem:s8+$0xFFFFFF10] =	vst v42;
	v37 =	vld.idx.msk [tilespmem:v55+s18+$0x0], $0xffff;
	v29 =	vmov s29  }
0x26a: {  	v49 =	vor.u32 s9, v24;
	v50 =	vld.idx.msk [tilespmem:v60+s18+$0x0], $0xffff;
	v55 =	vadd.f32 v39, v19;
	v28 =	vand.u32 $0x7F, v29  }
0x26b: {  	s26 =	simm.s32 $0x4C;
	v52 =	vand.u32 $0x7E, v62;
	[tilespmem:s8+$0xFFFFFFB0] =	vst v34;
	v26 =	vld.idx.msk [tilespmem:v26+s12+$0x0], $0xffff;
	v31 =	vadd.f32 v31, v23;
	v28 =	vor.u32 v8, v28  }
0x26c: {  	v63 =	vmov s26;
	[tilespmem:s30+$0x0] =	vst v55;
	v62 =	vadd.f32 v46, v25;
	v29 =	vld.idx.msk [tilespmem:v32+s12+$0x0], $0xffff;
	v28 =	vbroadcast v28, $0x0  }
0x26d: {  	v41 =	vld.idx.msk [tilespmem:v61+s18+$0x0], $0xffff;
	v61 =	vand.u32 $0x7C, v63;
	[tilespmem:s23+$0x60] =	vst v31;
	v35 =	vadd.f32 v54, v27  }
0x26e: {  	v31 =	vadd.f32 v40, v13;
	v45 =	vld.idx.msk [tilespmem:v59+s18+$0x0], $0xffff;
	[tilespmem:s23+$0xFFFFFFE0] =	vst v62;
	v54 =	vadd.f32 v56, v30;
	v56 =	vor.u32 s7, v14  }
0x26f: {  	v63 =	vor.u32 s24, v17;
	v33 =	vor.u32 v8, v61;
	v61 =	vadd.f32 v50, v21;
	v50 =	vld.idx.msk [tilespmem:v49+s18+$0x0], $0xffff;
	[tilespmem:s23+$0xFFFFFF50] =	vst v35  }
0x270: {  	v55 =	vor.u32 s17, v18;
	v59 =	vadd.f32 v37, v12;
	[tilespmem:s23+$0xE0] =	vst v54;
	v47 =	vld.idx.msk [tilespmem:v57+s18+$0x0], $0xffff  }
0x271: {  	v51 =	vor.u32 s21, v14;
	[tilespmem:s8+$0xB0] =	vst v31;
	v43 =	vadd.f32 v43, v29;
	v38 =	vld.idx.msk [tilespmem:v58+s18+$0x0], $0xffff;
	v57 =	vor.u32 s1, v24  }
0x272: {  	s28 =	simm.s32 $0x18900;
	v42 =	vor.u32 s7, v15;
	v60 =	vor.u32 v8, v52;
	[tilespmem:s8+$0x40] =	vst v59;
	v58 =	vor.u32 s20, v15;
	v28 =	vld.idx.msk [tilespmem:v28+s12+$0x0], $0xffff  }
0x273: {  	s26 =	simm.s32 $0x38;
	v39 =	vor.u32 s6, v15;
	v34 =	vbroadcast v60, $0x0;
	v60 =	vor.u32 s10, v24;
	[tilespmem:s28+$0xFFFFFF80] =	vst v43;
	v54 =	vld.idx.msk [tilespmem:v56+s18+$0x0], $0xffff  }
0x274: {  	v40 =	vor.u32 s20, v17;
	v32 =	vor.u32 s26, v20;
	v46 =	vld.idx.msk [tilespmem:v63+s18+$0x0], $0xffff;
	v63 =	vadd.f32 v44, v9;
	s29 =	rddreg [dreg:$0xb]  }
0x275: {  	v33 =	vbroadcast v33, $0x0;
	v31 =	vor.u32 s26, v16;
	v43 =	vld.idx.msk [tilespmem:v55+s18+$0x0], $0xffff;
	[tilespmem:s8+$0xFFFFFF20] =	vst v61;
	s2 =	sshll.u32 s29, $0x11;
	v62 =	vadd.f32 v47, v27  }
0x276: {  	v37 =	vor.u32 s19, v16;
	v36 =	vadd.f32 v36, v26;
	s1 =	simm.s32 $0x30;
	[tilespmem:s30+$0xA0] =	vst v63;
	s2 =	sor.u32 s15, s2;
	v48 =	vld.idx.msk [tilespmem:v57+s18+$0x0], $0xffff;
	v30 =	vadd.f32 v38, v30  }
0x277: {  	v49 =	vadd.f32 v41, v10;
	v41 =	vor.u32 s24, v18;
	v35 =	vor.u32 s1, v20;
	s2 =	sshrl.u32 s2, $0x3;
	v47 =	vld.idx.msk [tilespmem:v58+s18+$0x0], $0xffff;
	[tilespmem:s23+$0xFFFFFF60] =	vst v62  }
0x278: {  	s4 =	simm.s32 $0x40;
	s9 =	simm.s32 $0xC;
	v38 =	vor.u32 s11, v18;
	s15 =	sadd.s32 s5, s2;
	v53 =	vadd.f32 v53, v28;
	[tilespmem:s23+$0xF0] =	vst v30;
	v44 =	vadd.f32 v54, v11;
	v52 =	vld.idx.msk [tilespmem:v60+s18+$0x0], $0xffff  }
.LBB2_7:
0x279: {  	s2 =	sadd.s32 $0x44, s9;
	s5 =	sadd.s32 $0x4, s4;
	s10 =	sadd.s32 $0x47, s9;
	v54 =	vor.u32 s25, v16;
	v45 =	vadd.f32 v45, v19;
	v30 =	vld.idx.msk [tilespmem:v39+s18+$0x0], $0xffff;
	[tilespmem:s8+$0xFFFFFFC0] =	vst v49;
	v39 =	vadd.f32 v50, v25  }
0x27a: {  	v25 =	vmovc v10;
	v10 =	vmovc v11;
	s29 =	smov.u32 s9;
	v49 =	vmov s2;
	s2 =	sadd.s32 $0x45, s9;
	v50 =	vor.u32 s5, v20;
	v55 =	vld.idx.msk [tilespmem:v34+s12+$0x0], $0xffff;
	[tilespmem:s28+$0x80] =	vst v53;
	v34 =	vadd.f32 v46, v13;
	s9 =	sadd.s32 $0x4, s9  }
0x27b: {  	v46 =	vmov s10;
	v56 =	vmov s2;
	s2 =	sadd.s32 $0x46, s29;
	p1 =	slt.u32 s9, $0x1C;
	v53 =	vld.idx.msk [tilespmem:v32+s18+$0x0], $0xffff;
	[tilespmem:s30+$0x10] =	vst v45;
	v45 =	vadd.f32 v48, v23;
	v23 =	vmovc v12;
	v12 =	vmovc v19  }
0x27c: {  	v11 =	vmovc v29;
	v47 =	vadd.f32 v47, v21;
	v19 =	vand.u32 $0x7D, v56;
	v32 =	vmov s2;
	s2 =	sadd.s32 $0x8, s4;
	v48 =	vld.idx.msk [tilespmem:v51+s18+$0x0], $0xffff;
	[tilespmem:s8+$0xC0] =	vst v34  }
0x27d: {  	v51 =	vadd.f32 v52, v27;
	v27 =	vmovc v21;
	v29 =	vand.u32 $0x7E, v32;
	v32 =	vor.u32 s2, v20;
	v37 =	vld.idx.msk [tilespmem:v37+s18+$0x0], $0xffff;
	[tilespmem:s23+$0xFFFFFFF0] =	vst v39  }
0x27e: {  	v19 =	vor.u32 v8, v19;
	v52 =	vor.u32 v8, v29;
	v29 =	vld.idx.msk [tilespmem:v35+s18+$0x0], $0xffff;
	v35 =	vor.u32 s13, v16;
	[tilespmem:s8+$0xFFFFFF30] =	vst v47  }
0x27f: {  	v46 =	vand.u32 $0x7F, v46;
	v21 =	vmovc v26;
	v39 =	vand.u32 $0x7C, v49;
	v34 =	vbroadcast v52, $0x0;
	v47 =	vld.idx.msk [tilespmem:v54+s18+$0x0], $0xffff;
	[tilespmem:s23+$0xFFFFFF70] =	vst v51  }
0x280: {  	s10 =	sadd.s32 $0xC, s4;
	v26 =	vor.u32 v8, v39;
	v39 =	vor.u32 v8, v46;
	v46 =	vor.u32 s21, v15;
	v40 =	vld.idx.msk [tilespmem:v40+s18+$0x0], $0xffff;
	[tilespmem:s23+$0x70] =	vst v45;
	s23 =	smov.u32 s8;
	s8 =	smov.u32 s30  }
0x281: {  	v49 =	vor.u32 s10, v20;
	v45 =	vbroadcast v19, $0x0;
	v19 =	vmovc v55;
	s30 =	smov.u32 s28;
	[tilespmem:s8+$0xFFFFFFA0] =	vst v44;
	v44 =	vor.u32 s17, v22;
	v41 =	vld.idx.msk [tilespmem:v41+s18+$0x0], $0xffff  }
0x282: {  	v43 =	vadd.f32 v43, v23;
	v48 =	vadd.f32 v48, v12;
	v42 =	vld.idx.msk [tilespmem:v42+s18+$0x0], $0xffff  }
0x283: {  	[tilespmem:s8+$0xFFFFFF00] =	vst v36;
	v36 =	vor.u32 s20, v18;
	v38 =	vld.idx.msk [tilespmem:v38+s18+$0x0], $0xffff  }
0x284: {  	v51 =	vbroadcast v26, $0x0;
	v52 =	vadd.f32 v53, v19;
	v53 =	vld.idx.msk [tilespmem:v35+s18+$0x0], $0xffff;
	[tilespmem:s8+$0x20] =	vst v48;
	v48 =	vor.u32 s24, v22  }
0x285: {  	v54 =	vadd.f32 v37, v28;
	v35 =	vor.u32 s4, v20;
	v47 =	vadd.f32 v47, v11;
	v46 =	vld.idx.msk [tilespmem:v46+s18+$0x0], $0xffff;
	[tilespmem:s23+$0x50] =	vst v43  }
0x286: {  	v39 =	vbroadcast v39, $0x0;
	v43 =	vor.u32 s19, v14;
	v37 =	vadd.f32 v40, v27;
	v40 =	vld.idx.msk [tilespmem:v44+s18+$0x0], $0xffff  }
0x287: {  	v44 =	vor.u32 s11, v22;
	v41 =	vadd.f32 v41, v13;
	v26 =	vld.idx.msk [tilespmem:v33+s12+$0x0], $0xffff;
	[tilespmem:s28+$0xFFFFFF90] =	vst v47;
	v33 =	vmov v51  }
0x288: {  	v42 =	vadd.f32 v42, v10;
	v55 =	vld.idx.msk [tilespmem:v49+s18+$0x0], $0xffff;
	[tilespmem:s23+$0xFFFFFF40] =	vst v37  }
0x289: {  	v47 =	vor.u32 s2, v16;
	v49 =	vld.idx.msk [tilespmem:v36+s18+$0x0], $0xffff;
	v36 =	vadd.f32 v38, v25;
	[tilespmem:s23+$0xD0] =	vst v41  }
0x28a: {  	s28 =	sadd.s32 $0x200, s28;
	v37 =	vor.u32 s10, v16;
	v38 =	vadd.f32 v53, v21;
	v41 =	vor.u32 s21, v17;
	[tilespmem:s30+$0x90] =	vst v54;
	v48 =	vld.idx.msk [tilespmem:v48+s18+$0x0], $0xffff  }
0x28b: {  	v51 =	vor.u32 s13, v14;
	v46 =	vadd.f32 v46, v12;
	v43 =	vld.idx.msk [tilespmem:v43+s18+$0x0], $0xffff;
	[tilespmem:s23+$0xFFFFFFD0] =	vst v36  }
0x28c: {  	v40 =	vadd.f32 v40, v23;
	[tilespmem:s8+$0xFFFFFFB0] =	vst v42;
	v42 =	vor.u32 s7, v17;
	v44 =	vld.idx.msk [tilespmem:v44+s18+$0x0], $0xffff  }
0x28d: {  	v36 =	vadd.f32 v29, v26;
	v50 =	vld.idx.msk [tilespmem:v50+s18+$0x0], $0xffff;
	[tilespmem:s30+$0x0] =	vst v52;
	v52 =	vor.u32 s20, v22  }
0x28e: {  	v29 =	vld.idx.msk [tilespmem:v45+s12+$0x0], $0xffff;
	[tilespmem:s8+$0x30] =	vst v46;
	v45 =	vor.u32 s24, v24;
	s24 =	smov.u32 s6;
	s6 =	smov.u32 s19;
	s19 =	smov.u32 s10  }
0x28f: {  	[tilespmem:s8+$0xFFFFFF10] =	vst v38;
	v38 =	vld.idx.msk [tilespmem:v41+s18+$0x0], $0xffff;
	v41 =	vadd.f32 v49, v27  }
0x290: {  	v46 =	vld.idx.msk [tilespmem:v51+s18+$0x0], $0xffff;
	[tilespmem:s23+$0x60] =	vst v40;
	v40 =	vadd.f32 v48, v13  }
0x291: {  	v48 =	vor.u32 s25, v14;
	v43 =	vadd.f32 v43, v28;
	v42 =	vld.idx.msk [tilespmem:v42+s18+$0x0], $0xffff;
	[tilespmem:s23+$0xFFFFFF50] =	vst v41  }
0x292: {  	v30 =	vadd.f32 v30, v9;
	v51 =	vor.u32 s11, v24;
	s11 =	smov.u32 s7;
	s7 =	smov.u32 s25;
	s25 =	smov.u32 s5;
	v44 =	vadd.f32 v44, v25;
	v41 =	vld.idx.msk [tilespmem:v52+s18+$0x0], $0xffff;
	[tilespmem:s23+$0xE0] =	vst v40  }
0x293: {  	v40 =	vor.u32 s24, v17;
	v52 =	vld.idx.msk [tilespmem:v45+s18+$0x0], $0xffff  }
0x294: {  	v49 =	vadd.f32 v50, v29;
	v53 =	vld.idx.msk [tilespmem:v39+s12+$0x0], $0xffff;
	[tilespmem:s23+$0xFFFFFFE0] =	vst v44;
	v44 =	vor.u32 s17, v24;
	s17 =	smov.u32 s21;
	s21 =	smov.u32 s26;
	s26 =	smov.u32 s2  }
0x295: {  	v54 =	vor.u32 s13, v15;
	v38 =	vadd.f32 v38, v12;
	v45 =	vld.idx.msk [tilespmem:v31+s18+$0x0], $0xffff;
	[tilespmem:s8+$0xB0] =	vst v30;
	v31 =	vmov v47  }
0x296: {  	v56 =	vor.u32 s20, v24;
	s20 =	smov.u32 s13;
	s13 =	smov.u32 s1;
	s1 =	smov.u32 s4;
	v47 =	vadd.f32 v46, v21;
	[tilespmem:s28+$0xFFFFFF80] =	vst v49;
	v30 =	vld.idx.msk [tilespmem:v48+s18+$0x0], $0xffff  }
0x297: {  	v57 =	vor.u32 s17, v18;
	v49 =	vadd.f32 v42, v10;
	[tilespmem:s8+$0x40] =	vst v38;
	v50 =	vld.idx.msk [tilespmem:v51+s18+$0x0], $0xffff  }
.Ltmp2:
0x298: {  	v39 =	vor.u32 s6, v15;
	v41 =	vadd.f32 v41, v27;
	v46 =	vld.idx.msk [tilespmem:v40+s18+$0x0], $0xffff;
	(pc) =	sbr.rel @p1 .LBB2_7-.Ltmp2, $4  }
0x299: {  	v42 =	vadd.f32 v52, v13;
	v13 =	vmov v9;
	v9 =	vmov v28;
	[tilespmem:s8+$0xFFFFFF20] =	vst v47;
	v48 =	vld.idx.msk [tilespmem:v44+s18+$0x0], $0xffff  }
0x29a: {  	v38 =	vor.u32 s11, v18;
	v40 =	vor.u32 s20, v17;
	v28 =	vmov v53;
	v47 =	vld.idx.msk [tilespmem:v54+s18+$0x0], $0xffff;
	[tilespmem:s23+$0xFFFFFF60] =	vst v41  }
0x29b: {  	v51 =	vor.u32 s21, v14;
	v41 =	vor.u32 s24, v18;
	v52 =	vld.idx.msk [tilespmem:v56+s18+$0x0], $0xffff;
	[tilespmem:s23+$0xF0] =	vst v42  }
0x29c: {  	s4 =	sadd.s32 $0x10, s4;
	v53 =	vadd.f32 v55, v28;
	v44 =	vadd.f32 v30, v11;
	v42 =	vor.u32 s7, v15;
	[tilespmem:s30+$0xA0] =	vst v43;
	v43 =	vld.idx.msk [tilespmem:v57+s18+$0x0], $0xffff  }
0x29d: {  	_ =	sdelay $0x1  }
0x29e: {  	v20 =	vadd.f32 v45, v19;
	v30 =	vor.u32 s25, v16;
	[tilespmem:s8+$0xFFFFFFC0] =	vst v49  }
0x29f: {  	v25 =	vadd.f32 v50, v25;
	[tilespmem:s28+$0x80] =	vst v53  }
0x2a0: {  	v35 =	vld.idx.msk [tilespmem:v35+s18+$0x0], $0xffff;
	v23 =	vadd.f32 v48, v23;
	[tilespmem:s30+$0x10] =	vst v20  }
0x2a1: {  	v58 =	vld.idx.msk [tilespmem:v38+s18+$0x0], $0xffff;
	[tilespmem:s23+$0xFFFFFFF0] =	vst v25;
	v53 =	vadd.f32 v47, v21  }
0x2a2: {  	v25 =	vld.idx.msk [tilespmem:v51+s18+$0x0], $0xffff;
	[tilespmem:s23+$0x70] =	vst v23;
	v23 =	vadd.f32 v46, v13  }
0x2a3: {  	[tilespmem:s8+$0xFFFFFF30] =	vst v53;
	v30 =	vld.idx.msk [tilespmem:v30+s18+$0x0], $0xffff  }
0x2a4: {  	[tilespmem:s8+$0xC0] =	vst v23;
	v23 =	vld.idx.msk [tilespmem:v40+s18+$0x0], $0xffff  }
0x2a5: {  	[tilespmem:s30+$0xFFFFFF00] =	vst v36;
	v32 =	vld.idx.msk [tilespmem:v32+s18+$0x0], $0xffff;
	v27 =	vadd.f32 v52, v27  }
0x2a6: {  	v55 =	vor.u32 s21, v15;
	[tilespmem:s30+$0xFFFFFFA0] =	vst v44;
	v57 =	vadd.f32 v43, v12;
	v54 =	vld.idx.msk [tilespmem:v41+s18+$0x0], $0xffff  }
0x2a7: {  	v56 =	vor.u32 s13, v16;
	[tilespmem:s23+$0xFFFFFF70] =	vst v27;
	v27 =	vld.idx.msk [tilespmem:v37+s18+$0x0], $0xffff;
	v25 =	vadd.f32 v25, v19  }
0x2a8: {  	v59 =	vor.u32 s17, v22;
	v42 =	vld.idx.msk [tilespmem:v42+s18+$0x0], $0xffff;
	[tilespmem:s8+$0x50] =	vst v57;
	v36 =	vadd.f32 v58, v10  }
0x2a9: {  	[tilespmem:s30+$0x20] =	vst v25;
	v25 =	vadd.f32 v30, v29;
	v30 =	vor.u32 s20, v18;
	v60 =	vadd.f32 v23, v21;
	v23 =	vld.idx.msk [tilespmem:v33+s12+$0x0], $0xffff  }
0x2aa: {  	v61 =	vor.u32 s24, v22;
	v20 =	vld.idx.msk [tilespmem:v34+s12+$0x0], $0xffff;
	[tilespmem:s8+$0xFFFFFFD0] =	vst v36  }
0x2ab: {  	v63 =	vor.u32 s11, v22;
	v62 =	vld.idx.msk [tilespmem:v55+s18+$0x0], $0xffff;
	[tilespmem:s28+$0xFFFFFF90] =	vst v25;
	v25 =	vadd.f32 v54, v13  }
0x2ac: {  	v16 =	vor.u32 s1, v16;
	v40 =	vld.idx.msk [tilespmem:v56+s18+$0x0], $0xffff;
	v27 =	vadd.f32 v27, v28;
	[tilespmem:s8+$0xFFFFFF40] =	vst v60  }
0x2ad: {  	v41 =	vadd.f32 v42, v11;
	[tilespmem:s8+$0xD0] =	vst v25;
	v25 =	vld.idx.msk [tilespmem:v59+s18+$0x0], $0xffff  }
0x2ae: {  	[tilespmem:s28+$0x90] =	vst v27;
	v27 =	vld.idx.msk [tilespmem:v30+s18+$0x0], $0xffff;
	v30 =	vadd.f32 v35, v23  }
0x2af: {  	v49 =	vor.u32 s7, v17;
	v32 =	vadd.f32 v32, v20;
	[tilespmem:s30+$0xFFFFFFB0] =	vst v41;
	v33 =	vld.idx.msk [tilespmem:v61+s18+$0x0], $0xffff  }
0x2b0: {  	v43 =	vor.u32 s13, v14;
	v37 =	vld.idx.msk [tilespmem:v63+s18+$0x0], $0xffff;
	v34 =	vadd.f32 v62, v19;
	[tilespmem:s28+$0xFFFFFF00] =	vst v30  }
0x2b1: {  	v42 =	vor.u32 s21, v17;
	[tilespmem:s28+$0x0] =	vst v32;
	v30 =	vadd.f32 v40, v26;
	v16 =	vld.idx.msk [tilespmem:v16+s18+$0x0], $0xffff  }
0x2b2: {  	v45 =	vor.u32 s19, v14;
	v31 =	vld.idx.msk [tilespmem:v31+s18+$0x0], $0xffff;
	[tilespmem:s30+$0x30] =	vst v34;
	v25 =	vadd.f32 v25, v12  }
0x2b3: {  	v46 =	vld.idx.msk [tilespmem:v39+s18+$0x0], $0xffff;
	[tilespmem:s30+$0xFFFFFF10] =	vst v30;
	v30 =	vor.u32 s25, v14;
	v27 =	vadd.f32 v27, v21  }
0x2b4: {  	v47 =	vor.u32 s1, v14;
	v54 =	vld.idx.msk [tilespmem:v49+s18+$0x0], $0xffff;
	[tilespmem:s8+$0x60] =	vst v25;
	v25 =	vadd.f32 v33, v13  }
0x2b5: {  	v14 =	vor.u32 s26, v14;
	v36 =	vld.idx.msk [tilespmem:v43+s18+$0x0], $0xffff;
	[tilespmem:s8+$0xFFFFFF50] =	vst v27;
	v27 =	vadd.f32 v37, v10  }
0x2b6: {  	v48 =	vor.u32 s24, v24;
	v35 =	vld.idx.msk [tilespmem:v42+s18+$0x0], $0xffff;
	[tilespmem:s8+$0xE0] =	vst v25;
	v16 =	vadd.f32 v16, v23  }
0x2b7: {  	v44 =	vor.u32 s20, v22;
	v25 =	vld.idx.msk [tilespmem:v45+s18+$0x0], $0xffff;
	[tilespmem:s8+$0xFFFFFFE0] =	vst v27;
	v27 =	vadd.f32 v31, v20  }
0x2b8: {  	v50 =	vor.u32 s13, v15;
	v31 =	vadd.f32 v46, v9;
	v30 =	vld.idx.msk [tilespmem:v30+s18+$0x0], $0xffff;
	[tilespmem:s28+$0xFFFFFF10] =	vst v16  }
0x2b9: {  	v56 =	vadd.f32 v54, v11;
	v16 =	vor.u32 s6, v17;
	[tilespmem:s28+$0x10] =	vst v27;
	v27 =	vld.idx.msk [tilespmem:v47+s18+$0x0], $0xffff  }
0x2ba: {  	v51 =	vor.u32 s19, v15;
	[tilespmem:s30+$0xB0] =	vst v31;
	v31 =	vadd.f32 v36, v26;
	v14 =	vld.idx.msk [tilespmem:v14+s18+$0x0], $0xffff  }
0x2bb: {  	v53 =	vor.u32 s25, v15;
	[tilespmem:s30+$0xFFFFFFC0] =	vst v56;
	v35 =	vadd.f32 v35, v19;
	v52 =	vld.idx.msk [tilespmem:v48+s18+$0x0], $0xffff  }
0x2bc: {  	v32 =	vld.idx.msk [tilespmem:v44+s18+$0x0], $0xffff;
	v25 =	vadd.f32 v25, v28;
	[tilespmem:s30+$0xFFFFFF20] =	vst v31;
	v31 =	vor.u32 s1, v15  }
0x2bd: {  	[tilespmem:s30+$0x40] =	vst v35;
	v15 =	vor.u32 s26, v15;
	v34 =	vld.idx.msk [tilespmem:v50+s18+$0x0], $0xffff;
	v30 =	vadd.f32 v30, v29  }
0x2be: {  	v55 =	vor.u32 s11, v24;
	v16 =	vld.idx.msk [tilespmem:v16+s18+$0x0], $0xffff;
	[tilespmem:s28+$0xA0] =	vst v25;
	v25 =	vadd.f32 v27, v23  }
0x2bf: {  	v27 =	vor.u32 s20, v24;
	v33 =	vld.idx.msk [tilespmem:v51+s18+$0x0], $0xffff;
	[tilespmem:s28+$0xFFFFFFA0] =	vst v30;
	v14 =	vadd.f32 v14, v20  }
0x2c0: {  	v13 =	vadd.f32 v52, v13;
	v30 =	vor.u32 s13, v17;
	v35 =	vld.idx.msk [tilespmem:v53+s18+$0x0], $0xffff;
	[tilespmem:s28+$0xFFFFFF20] =	vst v25  }
0x2c1: {  	v32 =	vadd.f32 v32, v21;
	v25 =	vor.u32 s17, v24;
	[tilespmem:s28+$0x20] =	vst v14;
	v14 =	vld.idx.msk [tilespmem:v31+s18+$0x0], $0xffff  }
0x2c2: {  	[tilespmem:s8+$0xF0] =	vst v13;
	v13 =	vadd.f32 v34, v26;
	v31 =	vor.u32 s19, v17;
	v15 =	vld.idx.msk [tilespmem:v15+s18+$0x0], $0xffff  }
0x2c3: {  	v57 =	vor.u32 s25, v17;
	[tilespmem:s8+$0xFFFFFF60] =	vst v32;
	v32 =	vld.idx.msk [tilespmem:v55+s18+$0x0], $0xffff;
	v16 =	vadd.f32 v16, v9  }
0x2c4: {  	v58 =	vor.u32 s1, v17;
	v27 =	vld.idx.msk [tilespmem:v27+s18+$0x0], $0xffff;
	[tilespmem:s30+$0xFFFFFF30] =	vst v13;
	v13 =	vadd.f32 v33, v28  }
0x2c5: {  	v17 =	vor.u32 s26, v17;
	[tilespmem:s30+$0xC0] =	vst v16;
	v16 =	vld.idx.msk [tilespmem:v30+s18+$0x0], $0xffff;
	v30 =	vadd.f32 v35, v29  }
0x2c6: {  	v59 =	vor.u32 s6, v18;
	v25 =	vld.idx.msk [tilespmem:v25+s18+$0x0], $0xffff;
	[tilespmem:s28+$0xB0] =	vst v13;
	v13 =	vadd.f32 v14, v23  }
0x2c7: {  	v14 =	vor.u32 s7, v18;
	[tilespmem:s28+$0xFFFFFFB0] =	vst v30;
	v30 =	vld.idx.msk [tilespmem:v31+s18+$0x0], $0xffff;
	v15 =	vadd.f32 v15, v20  }
0x2c8: {  	v10 =	vadd.f32 v32, v10;
	v31 =	vor.u32 s13, v18;
	v60 =	vld.idx.msk [tilespmem:v57+s18+$0x0], $0xffff;
	[tilespmem:s28+$0xFFFFFF30] =	vst v13  }
0x2c9: {  	v13 =	vor.u32 s21, v18;
	v21 =	vadd.f32 v27, v21;
	[tilespmem:s28+$0x30] =	vst v15;
	v15 =	vld.idx.msk [tilespmem:v58+s18+$0x0], $0xffff  }
0x2ca: {  	[tilespmem:s8+$0xFFFFFFF0] =	vst v10;
	v10 =	vadd.f32 v16, v26;
	v16 =	vld.idx.msk [tilespmem:v17+s18+$0x0], $0xffff;
	v17 =	vor.u32 s19, v18  }
0x2cb: {  	v12 =	vadd.f32 v25, v12;
	[tilespmem:s8+$0xFFFFFF70] =	vst v21;
	v21 =	vld.idx.msk [tilespmem:v59+s18+$0x0], $0xffff;
	v25 =	vor.u32 s25, v18  }
0x2cc: {  	v27 =	vor.u32 s1, v18;
	v14 =	vld.idx.msk [tilespmem:v14+s18+$0x0], $0xffff;
	[tilespmem:s30+$0xFFFFFF40] =	vst v10;
	v10 =	vadd.f32 v30, v28  }
0x2cd: {  	v18 =	vor.u32 s26, v18;
	[tilespmem:s8+$0x70] =	vst v12;
	v12 =	vld.idx.msk [tilespmem:v31+s18+$0x0], $0xffff;
	v30 =	vadd.f32 v60, v29  }
0x2ce: {  	v31 =	vor.u32 s6, v22;
	v13 =	vld.idx.msk [tilespmem:v13+s18+$0x0], $0xffff;
	[tilespmem:s28+$0xC0] =	vst v10;
	v10 =	vadd.f32 v15, v23  }
0x2cf: {  	v15 =	vor.u32 s7, v22;
	[tilespmem:s28+$0xFFFFFFC0] =	vst v30;
	v16 =	vadd.f32 v16, v20;
	v17 =	vld.idx.msk [tilespmem:v17+s18+$0x0], $0xffff  }
0x2d0: {  	v30 =	vor.u32 s13, v22;
	v21 =	vadd.f32 v21, v9;
	v25 =	vld.idx.msk [tilespmem:v25+s18+$0x0], $0xffff;
	[tilespmem:s28+$0xFFFFFF40] =	vst v10  }
0x2d1: {  	v10 =	vor.u32 s21, v22;
	v14 =	vadd.f32 v14, v11;
	[tilespmem:s28+$0x40] =	vst v16;
	v16 =	vld.idx.msk [tilespmem:v27+s18+$0x0], $0xffff  }
0x2d2: {  	[tilespmem:s30+$0xD0] =	vst v21;
	v12 =	vadd.f32 v12, v26;
	v21 =	vor.u32 s19, v22;
	v18 =	vld.idx.msk [tilespmem:v18+s18+$0x0], $0xffff  }
0x2d3: {  	v13 =	vadd.f32 v13, v19;
	v27 =	vld.idx.msk [tilespmem:v31+s18+$0x0], $0xffff;
	[tilespmem:s30+$0xFFFFFFD0] =	vst v14;
	v14 =	vor.u32 s25, v22  }
0x2d4: {  	v15 =	vld.idx.msk [tilespmem:v15+s18+$0x0], $0xffff;
	[tilespmem:s30+$0xFFFFFF50] =	vst v12;
	v12 =	vadd.f32 v17, v28;
	v17 =	vor.u32 s1, v22  }
0x2d5: {  	[tilespmem:s30+$0x50] =	vst v13;
	v13 =	vld.idx.msk [tilespmem:v30+s18+$0x0], $0xffff;
	v22 =	vor.u32 s26, v22;
	v25 =	vadd.f32 v25, v29  }
0x2d6: {  	v30 =	vor.u32 s6, v24;
	v10 =	vld.idx.msk [tilespmem:v10+s18+$0x0], $0xffff;
	[tilespmem:s28+$0xD0] =	vst v12;
	v12 =	vadd.f32 v16, v23  }
0x2d7: {  	v16 =	vor.u32 s7, v24;
	[tilespmem:s28+$0xFFFFFFD0] =	vst v25;
	v18 =	vadd.f32 v18, v20;
	v21 =	vld.idx.msk [tilespmem:v21+s18+$0x0], $0xffff  }
0x2d8: {  	v25 =	vadd.f32 v27, v9;
	v27 =	vor.u32 s13, v24;
	v14 =	vld.idx.msk [tilespmem:v14+s18+$0x0], $0xffff;
	[tilespmem:s28+$0xFFFFFF50] =	vst v12  }
0x2d9: {  	v12 =	vadd.f32 v15, v11;
	v15 =	vor.u32 s21, v24;
	[tilespmem:s28+$0x50] =	vst v18;
	v17 =	vld.idx.msk [tilespmem:v17+s18+$0x0], $0xffff  }
0x2da: {  	[tilespmem:s30+$0xE0] =	vst v25;
	v13 =	vadd.f32 v13, v26;
	v18 =	vld.idx.msk [tilespmem:v22+s18+$0x0], $0xffff;
	v22 =	vor.u32 s19, v24  }
0x2db: {  	v10 =	vadd.f32 v10, v19;
	v25 =	vld.idx.msk [tilespmem:v30+s18+$0x0], $0xffff;
	[tilespmem:s30+$0xFFFFFFE0] =	vst v12;
	v12 =	vor.u32 s25, v24  }
0x2dc: {  	v16 =	vld.idx.msk [tilespmem:v16+s18+$0x0], $0xffff;
	[tilespmem:s30+$0xFFFFFF60] =	vst v13;
	v13 =	vadd.f32 v21, v28;
	v21 =	vor.u32 s1, v24  }
0x2dd: {  	[tilespmem:s30+$0x60] =	vst v10;
	v10 =	vld.idx.msk [tilespmem:v27+s18+$0x0], $0xffff;
	v14 =	vadd.f32 v14, v29;
	v24 =	vor.u32 s26, v24  }
0x2de: {  	v15 =	vld.idx.msk [tilespmem:v15+s18+$0x0], $0xffff;
	[tilespmem:s28+$0xE0] =	vst v13;
	v13 =	vadd.f32 v17, v23  }
0x2df: {  	[tilespmem:s28+$0xFFFFFFE0] =	vst v14;
	v17 =	vadd.f32 v18, v20;
	v18 =	vld.idx.msk [tilespmem:v22+s18+$0x0], $0xffff  }
0x2e0: {  	v9 =	vadd.f32 v25, v9;
	v12 =	vld.idx.msk [tilespmem:v12+s18+$0x0], $0xffff;
	[tilespmem:s28+$0xFFFFFF60] =	vst v13  }
0x2e1: {  	v11 =	vadd.f32 v16, v11;
	[tilespmem:s28+$0x60] =	vst v17;
	v13 =	vld.idx.msk [tilespmem:v21+s18+$0x0], $0xffff  }
0x2e2: {  	[tilespmem:s30+$0xF0] =	vst v9;
	v9 =	vadd.f32 v10, v26;
	v10 =	vld.idx.msk [tilespmem:v24+s18+$0x0], $0xffff  }
0x2e3: {  	v14 =	vadd.f32 v15, v19;
	[tilespmem:s30+$0xFFFFFFF0] =	vst v11  }
0x2e4: {  	[tilespmem:s30+$0xFFFFFF70] =	vst v9;
	v9 =	vadd.f32 v18, v28  }
0x2e5: {  	[tilespmem:s30+$0x70] =	vst v14;
	v11 =	vadd.f32 v12, v29  }
0x2e6: {  	[tilespmem:s28+$0xF0] =	vst v9;
	v9 =	vadd.f32 v13, v23  }
0x2e7: {  	[tilespmem:s28+$0xFFFFFFF0] =	vst v11;
	v10 =	vadd.f32 v10, v20  }
0x2e8: {  	[tilespmem:s28+$0xFFFFFF70] =	vst v9  }
0x2e9: {  	s2 =	simm.s32 $0x18200;
	s30 =	simm.s32 $0x400;
	[tilespmem:s28+$0x70] =	vst v10;
	s28 =	simm.s32 $0x8000  }
0x2ea: {  	[hbm4b:s15+s30] =	stream.strided.scatter [tilespmem:s2], [sflag:$0x5], $0x1000, s28, s30, $0x38;
	[tilespmem:$0x1A200] =	vst v63  }
0x2eb: {  	v9 =	vld @!p0 [tilespmem:s0+$0x280];
	_ =	sdelay $0x4  }
0x2ec: {  	v9 =	vshrl.u32 @!p0 v9, $0x2  }
0x2ed: {  	[tilespmem:$0x8080] =	vst @!p0 v9  }
0x2ee: {  	v9 =	vld @!p0 [tilespmem:s0+$0x290];
	_ =	sdelay $0x4  }
0x2ef: {  	v9 =	vshrl.u32 @!p0 v9, $0x2  }
0x2f0: {  	[tilespmem:$0x8090] =	vst @!p0 v9  }
0x2f1: {  	v9 =	vld @!p0 [tilespmem:s0+$0x2A0];
	_ =	sdelay $0x4  }
0x2f2: {  	v9 =	vshrl.u32 @!p0 v9, $0x2  }
0x2f3: {  	[tilespmem:$0x80A0] =	vst @!p0 v9  }
0x2f4: {  	v9 =	vld @!p0 [tilespmem:s0+$0x2B0];
	_ =	sdelay $0x4  }
0x2f5: {  	v9 =	vshrl.u32 @!p0 v9, $0x2  }
0x2f6: {  	[tilespmem:$0x80B0] =	vst @!p0 v9  }
0x2f7: {  	v9 =	vld @!p0 [tilespmem:s0+$0x2C0];
	_ =	sdelay $0x4  }
0x2f8: {  	v9 =	vshrl.u32 @!p0 v9, $0x2  }
0x2f9: {  	[tilespmem:$0x80C0] =	vst @!p0 v9  }
0x2fa: {  	v9 =	vld @!p0 [tilespmem:s0+$0x2D0];
	_ =	sdelay $0x4  }
0x2fb: {  	v9 =	vshrl.u32 @!p0 v9, $0x2  }
0x2fc: {  	[tilespmem:$0x80D0] =	vst @!p0 v9  }
0x2fd: {  	v9 =	vld @!p0 [tilespmem:s0+$0x2E0];
	_ =	sdelay $0x4  }
0x2fe: {  	v9 =	vshrl.u32 @!p0 v9, $0x2  }
0x2ff: {  	[tilespmem:$0x80E0] =	vst @!p0 v9  }
0x300: {  	v9 =	vld @!p0 [tilespmem:s0+$0x2F0];
	_ =	sdelay $0x4  }
0x301: {  	s1 =	simm.s32 @!p0 $0x8080;
	v9 =	vshrl.u32 @!p0 v9, $0x2  }
0x302: {  	s2 =	simm.s32 @!p0 $0xC200;
	s29 =	rddreg [dreg:$0x5];
	s0 =	simm.s32 @!p0 $0x80;
	[tilespmem:$0x80F0] =	vst @!p0 v9  }
0x303: {  	[tilespmem:s2], [sflag:$0x2] =	stream.indirect.gather @!p0 [hbm4b:s29+s0], $0x80, s1, s0, $0xb8;
	[tilespmem:$0x1A200] =	vst v63  }
0x304: {  	s1 =	simm.s32 $0x4  }
0x305: {  	_ =	swait.ge [sflag:s1], $0x4000  }
0x306: {  	[sflag:s1] =	ssyncset.done $0x0  }
0x307: {  	s2 =	simm.s32 $0x6;
	[sflag:s1] =	ssyncadd.s32 $0xFFFFC000  }
0x308: {  	_ =	swait.ge [sflag:s2], $0x1000  }
0x309: {  	[sflag:s2] =	ssyncset.done $0x0  }
0x30a: {  	[sflag:s2] =	ssyncadd.s32 $0xFFFFF000  }
0x30b: {  	v9 =	vld [tilespmem:s3+$0x0]  }
0x30c: {  	s6 =	simm.s32 $0x61  }
0x30d: {  	v14 =	vmov s6  }
0x30e: {  	s4 =	simm.s32 $0x63;
	v14 =	vand.u32 $0x7D, v14  }
0x30f: {  	v14 =	vor.u32 v8, v14;
	v10 =	vmov s4  }
0x310: {  	v14 =	vbroadcast v14, $0x0;
	v10 =	vand.u32 $0x7F, v10;
	v9 =	vand.u32 $0x3, v9  }
0x311: {  	s24 =	simm.s32 $0xC;
	v20 =	vor.u32 v0, v9;
	v9 =	vor.u32 v8, v10  }
0x312: {  	s5 =	simm.s32 $0x62;
	v11 =	vld [tilespmem:s3+$0x10];
	v10 =	vor.u32 s24, v20;
	v9 =	vbroadcast v9, $0x0  }
0x313: {  	s9 =	simm.s32 $0x4;
	v13 =	vmov s5;
	v12 =	vld [tilespmem:s3+$0x20]  }
0x314: {  	v13 =	vand.u32 $0x7E, v13;
	v15 =	vld [tilespmem:s3+$0x30];
	v18 =	vor.u32 s9, v20  }
0x315: {  	v13 =	vor.u32 v8, v13;
	v17 =	vld [tilespmem:s3+$0x40]  }
0x316: {  	v13 =	vbroadcast v13, $0x0;
	v25 =	vld.idx.msk [tilespmem:v14+s12+$0x0], $0xffff  }
0x317: {  	s1 =	simm.s32 $0x8;
	v10 =	vld.idx.msk [tilespmem:v10+s22+$0x0], $0xffff  }
0x318: {  	v19 =	vor.u32 s1, v20;
	v30 =	vld.idx.msk [tilespmem:v9+s12+$0x0], $0xffff  }
0x319: {  	v11 =	vand.u32 $0x3, v11;
	v18 =	vld.idx.msk [tilespmem:v18+s22+$0x0], $0xffff  }
0x31a: {  	v22 =	vld [tilespmem:s3+$0x60];
	v16 =	vor.u32 v1, v11  }
0x31b: {  	v24 =	vld [tilespmem:s3+$0x70];
	v11 =	vor.u32 s24, v16  }
0x31c: {  	v23 =	vld.idx.msk [tilespmem:v13+s12+$0x0], $0xffff;
	v21 =	vor.u32 s9, v16  }
0x31d: {  	s7 =	simm.s32 $0x60;
	v19 =	vld.idx.msk [tilespmem:v19+s22+$0x0], $0xffff;
	v10 =	vadd.f32 v10, v30  }
0x31e: {  	s8 =	simm.s32 $0x67;
	s21 =	simm.s32 $0x193F0;
	v13 =	vmov s7;
	v9 =	vld [tilespmem:s3+$0x50];
	s3 =	simm.s32 $0x24;
	v18 =	vadd.f32 v18, v25  }
0x31f: {  	s10 =	simm.s32 $0x0;
	v27 =	vmov s8;
	v13 =	vand.u32 $0x7C, v13;
	v47 =	vor.u32 s3, v20;
	[tilespmem:s21+$0xFFFFFF90] =	vst v10  }
0x320: {  	[tilespmem:s21+$0xFFFFFE90] =	vst v18;
	v10 =	vand.u32 $0x3, v12;
	v12 =	vor.u32 v8, v13;
	v13 =	vor.u32 s10, v20;
	v11 =	vld.idx.msk [tilespmem:v11+s22+$0x0], $0xffff  }
0x321: {  	v21 =	vld.idx.msk [tilespmem:v21+s22+$0x0], $0xffff;
	v14 =	vor.u32 v2, v10;
	v10 =	vbroadcast v12, $0x0;
	v12 =	vor.u32 s1, v16  }
0x322: {  	v27 =	vand.u32 $0x7F, v27  }
0x323: {  	s11 =	simm.s32 $0x65;
	v27 =	vor.u32 v8, v27;
	v19 =	vadd.f32 v19, v23;
	v28 =	vor.u32 s24, v14  }
0x324: {  	s20 =	simm.s32 $0x1C;
	v31 =	vbroadcast v27, $0x0;
	v26 =	vmov s11;
	v37 =	vld.idx.msk [tilespmem:v47+s22+$0x0], $0xffff;
	v61 =	vor.u32 s9, v14  }
0x325: {  	v26 =	vand.u32 $0x7D, v26;
	[tilespmem:s21+$0xFFFFFF10] =	vst v19;
	v29 =	vld.idx.msk [tilespmem:v13+s22+$0x0], $0xffff;
	v13 =	vor.u32 s20, v20;
	v11 =	vadd.f32 v11, v30  }
0x326: {  	s7 =	simm.s32 $0x14;
	v18 =	vor.u32 v8, v26;
	v21 =	vadd.f32 v21, v25;
	v12 =	vld.idx.msk [tilespmem:v12+s22+$0x0], $0xffff  }
0x327: {  	s13 =	simm.s32 $0x66;
	v19 =	vor.u32 s7, v20;
	v18 =	vbroadcast v18, $0x0;
	v27 =	vld.idx.msk [tilespmem:v10+s12+$0x0], $0xffff;
	[tilespmem:s21+$0xFFFFFFA0] =	vst v11  }
0x328: {  	[tilespmem:s21+$0xFFFFFEA0] =	vst v21;
	v11 =	vmov s13;
	v26 =	vld.idx.msk [tilespmem:v28+s22+$0x0], $0xffff  }
0x329: {  	s0 =	simm.s32 $0x2C;
	v15 =	vand.u32 $0x3, v15;
	v32 =	vld.idx.msk [tilespmem:v61+s22+$0x0], $0xffff;
	v11 =	vand.u32 $0x7E, v11;
	v28 =	vor.u32 s1, v14  }
0x32a: {  	v15 =	vor.u32 v3, v15;
	v45 =	vor.u32 s0, v20;
	v10 =	vor.u32 v8, v11;
	v11 =	vld.idx.msk [tilespmem:v13+s22+$0x0], $0xffff  }
0x32b: {  	v13 =	vld.idx.msk [tilespmem:v31+s12+$0x0], $0xffff;
	v31 =	vor.u32 s24, v15;
	v62 =	vbroadcast v10, $0x0;
	v12 =	vadd.f32 v12, v23  }
0x32c: {  	s11 =	simm.s32 $0x18;
	v19 =	vld.idx.msk [tilespmem:v19+s22+$0x0], $0xffff;
	v29 =	vadd.f32 v29, v27  }
0x32d: {  	v63 =	vor.u32 s11, v20;
	v10 =	vld.idx.msk [tilespmem:v18+s12+$0x0], $0xffff;
	[tilespmem:s21+$0xFFFFFF20] =	vst v12;
	v18 =	vadd.f32 v26, v30  }
0x32e: {  	v44 =	vor.u32 s9, v15;
	v26 =	vld.idx.msk [tilespmem:v28+s22+$0x0], $0xffff;
	[tilespmem:s21+$0xFFFFFE10] =	vst v29  }
0x32f: {  	s17 =	simm.s32 $0x10;
	s15 =	simm.s32 $0x64;
	v21 =	vor.u32 s20, v16;
	v29 =	vadd.f32 v32, v25;
	v32 =	vld.idx.msk [tilespmem:v45+s22+$0x0], $0xffff;
	[tilespmem:s21+$0xFFFFFFB0] =	vst v18  }
0x330: {  	v12 =	vmov s15;
	v28 =	vor.u32 s17, v20;
	v11 =	vadd.f32 v11, v13;
	v31 =	vld.idx.msk [tilespmem:v31+s22+$0x0], $0xffff  }
0x331: {  	s6 =	simm.s32 $0x195F0;
	v42 =	vor.u32 s7, v16;
	v40 =	vand.u32 $0x7C, v12;
	[tilespmem:s21+$0xFFFFFEB0] =	vst v29;
	v12 =	vld.idx.msk [tilespmem:v62+s12+$0x0], $0xffff  }
0x332: {  	v18 =	vor.u32 s10, v16;
	[tilespmem:s6+$0xFFFFFF90] =	vst v11;
	v11 =	vld.idx.msk [tilespmem:v63+s22+$0x0], $0xffff  }
0x333: {  	v41 =	vor.u32 s1, v15;
	s15 =	simm.s32 $0x28;
	v35 =	vor.u32 v8, v40;
	v19 =	vadd.f32 v19, v10;
	v29 =	vld.idx.msk [tilespmem:v44+s22+$0x0], $0xffff  }
0x334: {  	s19 =	simm.s32 $0x69;
	v17 =	vand.u32 $0x3, v17;
	v43 =	vbroadcast v35, $0x0;
	v62 =	vor.u32 s15, v20;
	v21 =	vld.idx.msk [tilespmem:v21+s22+$0x0], $0xffff  }
0x335: {  	v17 =	vor.u32 v4, v17;
	[tilespmem:s6+$0xFFFFFE90] =	vst v19;
	v19 =	vmov s19;
	v26 =	vadd.f32 v26, v23;
	v28 =	vld.idx.msk [tilespmem:v28+s22+$0x0], $0xffff  }
0x336: {  	s4 =	simm.s32 $0x6B;
	v53 =	vor.u32 s9, v17;
	v19 =	vand.u32 $0x7D, v19;
	v36 =	vld.idx.msk [tilespmem:v42+s22+$0x0], $0xffff  }
0x337: {  	v48 =	vmov s4;
	v46 =	vor.u32 s20, v14;
	v19 =	vor.u32 v8, v19;
	v18 =	vld.idx.msk [tilespmem:v18+s22+$0x0], $0xffff;
	[tilespmem:s21+$0xFFFFFF30] =	vst v26  }
0x338: {  	v54 =	vor.u32 s11, v16;
	v19 =	vbroadcast v19, $0x0;
	v26 =	vld.idx.msk [tilespmem:v41+s22+$0x0], $0xffff;
	v29 =	vadd.f32 v29, v25  }
0x339: {  	v38 =	vand.u32 $0x7F, v48;
	v39 =	vld.idx.msk [tilespmem:v62+s22+$0x0], $0xffff;
	v49 =	vadd.f32 v21, v13  }
0x33a: {  	v38 =	vor.u32 v8, v38;
	v55 =	vor.u32 s7, v14;
	v56 =	vadd.f32 v11, v12;
	v21 =	vld.idx.msk [tilespmem:v43+s12+$0x0], $0xffff;
	[tilespmem:s21+$0xFFFFFEC0] =	vst v29  }
0x33b: {  	v52 =	vbroadcast v38, $0x0;
	v50 =	vor.u32 s10, v14;
	v29 =	vadd.f32 v36, v10;
	[tilespmem:s6+$0xFFFFFFA0] =	vst v49;
	v38 =	vld.idx.msk [tilespmem:v53+s22+$0x0], $0xffff  }
0x33c: {  	v51 =	vor.u32 s1, v17;
	v31 =	vadd.f32 v31, v30;
	[tilespmem:s6+$0xFFFFFF10] =	vst v56;
	v33 =	vld.idx.msk [tilespmem:v46+s22+$0x0], $0xffff  }
0x33d: {  	s13 =	simm.s32 $0x20;
	v18 =	vadd.f32 v18, v27;
	[tilespmem:s6+$0xFFFFFEA0] =	vst v29;
	v29 =	vld.idx.msk [tilespmem:v54+s22+$0x0], $0xffff  }
0x33e: {  	[tilespmem:s21+$0xFFFFFFC0] =	vst v31;
	v49 =	vor.u32 s13, v20;
	v26 =	vadd.f32 v26, v23;
	v11 =	vld.idx.msk [tilespmem:v19+s12+$0x0], $0xffff  }
0x33f: {  	s23 =	simm.s32 $0x6A;
	v9 =	vand.u32 $0x3, v9;
	v19 =	vor.u32 s24, v17;
	v31 =	vld.idx.msk [tilespmem:v55+s22+$0x0], $0xffff;
	[tilespmem:s21+$0xFFFFFE20] =	vst v18  }
0x340: {  	v61 =	vor.u32 s20, v15;
	v18 =	vor.u32 v5, v9;
	v9 =	vmov s23;
	[tilespmem:s21+$0xFFFFFF40] =	vst v26;
	v26 =	vld.idx.msk [tilespmem:v50+s22+$0x0], $0xffff  }
0x341: {  	v46 =	vor.u32 s11, v14;
	v9 =	vand.u32 $0x7E, v9;
	v34 =	vld.idx.msk [tilespmem:v51+s22+$0x0], $0xffff;
	v33 =	vadd.f32 v33, v13  }
0x342: {  	v50 =	vor.u32 s3, v16;
	v58 =	vor.u32 v8, v9;
	v9 =	vld.idx.msk [tilespmem:v52+s12+$0x0], $0xffff;
	v29 =	vadd.f32 v29, v12  }
0x343: {  	v57 =	vor.u32 s10, v15;
	v36 =	vld.idx.msk [tilespmem:v49+s22+$0x0], $0xffff;
	[tilespmem:s6+$0xFFFFFFB0] =	vst v33  }
0x344: {  	v60 =	vbroadcast v58, $0x0;
	v58 =	vor.u32 s17, v16;
	v63 =	vld.idx.msk [tilespmem:v19+s22+$0x0], $0xffff;
	[tilespmem:s6+$0xFFFFFF20] =	vst v29;
	v29 =	vadd.f32 v37, v11  }
0x345: {  	s8 =	simm.s32 $0x197F0;
	v26 =	vadd.f32 v26, v27;
	v40 =	vld.idx.msk [tilespmem:v61+s22+$0x0], $0xffff  }
0x346: {  	v54 =	vor.u32 s7, v15;
	v28 =	vadd.f32 v28, v21;
	v53 =	vld.idx.msk [tilespmem:v46+s22+$0x0], $0xffff;
	[tilespmem:s8+$0xFFFFFE90] =	vst v29  }
0x347: {  	v59 =	vor.u32 s1, v18;
	[tilespmem:s21+$0xFFFFFE30] =	vst v26;
	v43 =	vld.idx.msk [tilespmem:v50+s22+$0x0], $0xffff  }
0x348: {  	v47 =	vor.u32 s0, v16;
	[tilespmem:s6+$0xFFFFFE10] =	vst v28;
	v31 =	vadd.f32 v31, v10;
	v26 =	vld.idx.msk [tilespmem:v57+s22+$0x0], $0xffff  }
0x349: {  	v52 =	vor.u32 s24, v18;
	v34 =	vadd.f32 v34, v23;
	v62 =	vld.idx.msk [tilespmem:v58+s22+$0x0], $0xffff  }
0x34a: {  	[tilespmem:s6+$0xFFFFFEB0] =	vst v31;
	v32 =	vadd.f32 v32, v9;
	v29 =	vor.u32 s9, v18;
	v19 =	vld.idx.msk [tilespmem:v60+s12+$0x0], $0xffff  }
0x34b: {  	v22 =	vand.u32 $0x3, v22;
	v51 =	vor.u32 s10, v17;
	[tilespmem:s21+$0xFFFFFF50] =	vst v34;
	v42 =	vadd.f32 v63, v30;
	v34 =	vld.idx.msk [tilespmem:v54+s22+$0x0], $0xffff  }
0x34c: {  	s25 =	simm.s32 $0x68;
	v22 =	vor.u32 v6, v22;
	s19 =	simm.s32 $0x3C;
	[tilespmem:s8+$0xFFFFFF90] =	vst v32;
	v60 =	vor.u32 s11, v15;
	v48 =	vld.idx.msk [tilespmem:v59+s22+$0x0], $0xffff;
	v59 =	vadd.f32 v38, v25  }
0x34d: {  	v56 =	vmov s25;
	s23 =	simm.s32 $0x34;
	v61 =	vor.u32 s19, v20;
	v55 =	vld.idx.msk [tilespmem:v47+s22+$0x0], $0xffff;
	[tilespmem:s21+$0xFFFFFFD0] =	vst v42;
	v26 =	vadd.f32 v26, v27  }
0x34e: {  	v57 =	vand.u32 $0x7C, v56;
	v56 =	vor.u32 s23, v20;
	v32 =	vadd.f32 v53, v12;
	v37 =	vld.idx.msk [tilespmem:v52+s22+$0x0], $0xffff;
	[tilespmem:s21+$0xFFFFFED0] =	vst v59  }
0x34f: {  	v31 =	vor.u32 s1, v22;
	v28 =	vld.idx.msk [tilespmem:v29+s22+$0x0], $0xffff;
	[tilespmem:s21+$0xFFFFFE40] =	vst v26  }
0x350: {  	s26 =	simm.s32 $0x6D;
	v49 =	vor.u32 s0, v14;
	[tilespmem:s6+$0xFFFFFF30] =	vst v32;
	v43 =	vadd.f32 v43, v11;
	v41 =	vld.idx.msk [tilespmem:v51+s22+$0x0], $0xffff  }
0x351: {  	v63 =	vmov s26;
	v38 =	vld.idx.msk [tilespmem:v60+s22+$0x0], $0xffff;
	v33 =	vadd.f32 v48, v23;
	v48 =	vor.u32 s24, v22  }
0x352: {  	v50 =	vor.u32 s9, v22;
	v53 =	vld.idx.msk [tilespmem:v61+s22+$0x0], $0xffff;
	v32 =	vand.u32 $0x7D, v63;
	v44 =	vadd.f32 v55, v9;
	[tilespmem:s8+$0xFFFFFEA0] =	vst v43  }
0x353: {  	v29 =	vor.u32 s10, v18;
	v32 =	vor.u32 v8, v32;
	v43 =	vld.idx.msk [tilespmem:v56+s22+$0x0], $0xffff;
	[tilespmem:s21+$0xFFFFFF60] =	vst v33;
	v37 =	vadd.f32 v37, v30  }
0x354: {  	v58 =	vor.u32 s11, v17;
	v26 =	vor.u32 v8, v57;
	[tilespmem:s8+$0xFFFFFFA0] =	vst v44;
	v31 =	vld.idx.msk [tilespmem:v31+s22+$0x0], $0xffff;
	v28 =	vadd.f32 v28, v25  }
0x355: {  	v60 =	vor.u32 s17, v14;
	v26 =	vbroadcast v26, $0x0;
	v44 =	vld.idx.msk [tilespmem:v49+s22+$0x0], $0xffff;
	[tilespmem:s21+$0xFFFFFFE0] =	vst v37;
	v41 =	vadd.f32 v41, v27  }
0x356: {  	v32 =	vbroadcast v32, $0x0;
	v38 =	vadd.f32 v38, v12;
	v59 =	vld.idx.msk [tilespmem:v48+s22+$0x0], $0xffff;
	[tilespmem:s21+$0xFFFFFEE0] =	vst v28  }
0x357: {  	s5 =	simm.s32 $0x6C;
	v24 =	vand.u32 $0x3, v24;
	v42 =	vadd.f32 v62, v21;
	v46 =	vld.idx.msk [tilespmem:v50+s22+$0x0], $0xffff;
	[tilespmem:s21+$0xFFFFFE50] =	vst v41  }
0x358: {  	s4 =	simm.s32 $0x6E;
	v24 =	vor.u32 v7, v24;
	v54 =	vmov s5;
	v61 =	vor.u32 s7, v17;
	[tilespmem:s6+$0xFFFFFF40] =	vst v38;
	v57 =	vld.idx.msk [tilespmem:v29+s22+$0x0], $0xffff  }
0x359: {  	s28 =	simm.s32 $0x6F;
	v52 =	vmov s4;
	v34 =	vadd.f32 v34, v10;
	[tilespmem:s6+$0xFFFFFE20] =	vst v42;
	v37 =	vld.idx.msk [tilespmem:v58+s22+$0x0], $0xffff;
	v58 =	vor.u32 s3, v14  }
0x35a: {  	v63 =	vor.u32 s24, v24;
	v50 =	vld.idx.msk [tilespmem:v60+s22+$0x0], $0xffff;
	v31 =	vadd.f32 v31, v23;
	v29 =	vmov s28  }
0x35b: {  	v62 =	vor.u32 s10, v22;
	[tilespmem:s6+$0xFFFFFEC0] =	vst v34;
	v26 =	vld.idx.msk [tilespmem:v26+s12+$0x0], $0xffff;
	v56 =	vadd.f32 v59, v30;
	v28 =	vand.u32 $0x7F, v29  }
0x35c: {  	v48 =	vor.u32 s15, v16;
	[tilespmem:s21+$0xFFFFFF70] =	vst v31;
	v31 =	vadd.f32 v40, v13;
	v29 =	vld.idx.msk [tilespmem:v32+s12+$0x0], $0xffff;
	v28 =	vor.u32 v8, v28  }
0x35d: {  	v49 =	vor.u32 s9, v24;
	v41 =	vld.idx.msk [tilespmem:v61+s22+$0x0], $0xffff;
	[tilespmem:s21+$0xFFFFFFF0] =	vst v56;
	v28 =	vbroadcast v28, $0x0;
	v35 =	vadd.f32 v57, v27  }
0x35e: {  	v55 =	vand.u32 $0x7E, v52;
	v60 =	vand.u32 $0x7C, v54;
	[tilespmem:s6+$0xFFFFFFC0] =	vst v31;
	v54 =	vld.idx.msk [tilespmem:v58+s22+$0x0], $0xffff;
	v57 =	vadd.f32 v39, v19  }
0x35f: {  	v42 =	vor.u32 s17, v15;
	v61 =	vadd.f32 v46, v25;
	v38 =	vld.idx.msk [tilespmem:v63+s22+$0x0], $0xffff;
	v63 =	vor.u32 s1, v24;
	[tilespmem:s21+$0xFFFFFE60] =	vst v35  }
0x360: {  	v33 =	vor.u32 v8, v60;
	v60 =	vadd.f32 v37, v12;
	[tilespmem:s8+$0xFFFFFF10] =	vst v57;
	v47 =	vld.idx.msk [tilespmem:v62+s22+$0x0], $0xffff;
	v62 =	vor.u32 s20, v17  }
0x361: {  	v51 =	vor.u32 s15, v14;
	v56 =	vor.u32 s11, v18;
	[tilespmem:s21+$0xFFFFFEF0] =	vst v61;
	v43 =	vadd.f32 v43, v29;
	v45 =	vld.idx.msk [tilespmem:v48+s22+$0x0], $0xffff  }
0x362: {  	s25 =	simm.s32 $0x199F0;
	s24 =	simm.s32 $0x38;
	v59 =	vor.u32 v8, v55;
	v55 =	vor.u32 s10, v24;
	v61 =	vadd.f32 v50, v21;
	[tilespmem:s6+$0xFFFFFF50] =	vst v60;
	v48 =	vld.idx.msk [tilespmem:v49+s22+$0x0], $0xffff  }
0x363: {  	v33 =	vbroadcast v33, $0x0;
	v40 =	vor.u32 s17, v17;
	v32 =	vor.u32 s24, v20;
	[tilespmem:s25+$0xFFFFFE90] =	vst v43;
	v28 =	vld.idx.msk [tilespmem:v28+s12+$0x0], $0xffff  }
0x364: {  	v34 =	vbroadcast v59, $0x0;
	v39 =	vor.u32 s0, v15;
	v46 =	vld.idx.msk [tilespmem:v63+s22+$0x0], $0xffff;
	v30 =	vadd.f32 v38, v30;
	s10 =	rddreg [dreg:$0xa];
	[tilespmem:s6+$0xFFFFFE30] =	vst v61  }
0x365: {  	v31 =	vor.u32 s24, v16;
	v37 =	vor.u32 s19, v16;
	s2 =	sshll.u32 s10, $0x11;
	s26 =	rddreg [dreg:$0x4];
	v49 =	vld.idx.msk [tilespmem:v62+s22+$0x0], $0xffff;
	v62 =	vadd.f32 v47, v27  }
0x366: {  	s1 =	simm.s32 $0x30;
	v52 =	vadd.f32 v41, v10;
	v41 =	vor.u32 s20, v18;
	v63 =	vadd.f32 v44, v9;
	v43 =	vld.idx.msk [tilespmem:v56+s22+$0x0], $0xffff;
	[tilespmem:s21+$0x0] =	vst v30;
	s2 =	sor.u32 s26, s2  }
0x367: {  	s28 =	rddreg [dreg:$0x2];
	v36 =	vadd.f32 v36, v26;
	v35 =	vor.u32 s1, v20;
	v38 =	vor.u32 s7, v18;
	s2 =	sshrl.u32 s2, $0x3;
	v47 =	vld.idx.msk [tilespmem:v42+s22+$0x0], $0xffff;
	[tilespmem:s21+$0xFFFFFE70] =	vst v62  }
0x368: {  	s4 =	simm.s32 $0x40;
	s9 =	simm.s32 $0xC;
	v44 =	vadd.f32 v54, v11;
	[tilespmem:s8+$0xFFFFFFB0] =	vst v63;
	s2 =	sadd.s32 s28, s2;
	v42 =	vor.u32 s3, v15;
	v53 =	vadd.f32 v53, v28;
	v50 =	vld.idx.msk [tilespmem:v55+s22+$0x0], $0xffff  }
.LBB2_9:
0x369: {  	s10 =	sadd.s32 $0x64, s9;
	s5 =	sadd.s32 $0x4, s4;
	s26 =	sadd.s32 $0x67, s9;
	v54 =	vor.u32 s23, v16;
	v45 =	vadd.f32 v45, v19;
	v30 =	vld.idx.msk [tilespmem:v39+s22+$0x0], $0xffff;
	[tilespmem:s6+$0xFFFFFED0] =	vst v52;
	v39 =	vadd.f32 v48, v25  }
0x36a: {  	v25 =	vmovc v10;
	v10 =	vmovc v11;
	s28 =	smov.u32 s9;
	v48 =	vmov s10;
	s10 =	sadd.s32 $0x65, s9;
	v52 =	vor.u32 s5, v20;
	v55 =	vld.idx.msk [tilespmem:v34+s12+$0x0], $0xffff;
	[tilespmem:s25+$0xFFFFFF90] =	vst v53;
	v34 =	vadd.f32 v49, v13;
	s9 =	sadd.s32 $0x4, s9  }
0x36b: {  	v49 =	vmov s26;
	v56 =	vmov s10;
	s10 =	sadd.s32 $0x66, s28;
	p0 =	slt.u32 s9, $0x1C;
	v53 =	vld.idx.msk [tilespmem:v32+s22+$0x0], $0xffff;
	[tilespmem:s8+$0xFFFFFF20] =	vst v45;
	v45 =	vadd.f32 v46, v23;
	v23 =	vmovc v12;
	v12 =	vmovc v19  }
0x36c: {  	v11 =	vmovc v29;
	v47 =	vadd.f32 v47, v21;
	v19 =	vand.u32 $0x7D, v56;
	v32 =	vmov s10;
	s10 =	sadd.s32 $0x8, s4;
	v46 =	vld.idx.msk [tilespmem:v51+s22+$0x0], $0xffff;
	[tilespmem:s6+$0xFFFFFFD0] =	vst v34  }
0x36d: {  	v50 =	vadd.f32 v50, v27;
	v27 =	vmovc v21;
	v29 =	vand.u32 $0x7E, v32;
	v32 =	vor.u32 s10, v20;
	v37 =	vld.idx.msk [tilespmem:v37+s22+$0x0], $0xffff;
	[tilespmem:s21+$0xFFFFFF00] =	vst v39  }
0x36e: {  	v19 =	vor.u32 v8, v19;
	v51 =	vor.u32 v8, v29;
	v29 =	vld.idx.msk [tilespmem:v35+s22+$0x0], $0xffff;
	v35 =	vor.u32 s13, v16;
	[tilespmem:s6+$0xFFFFFE40] =	vst v47  }
0x36f: {  	v21 =	vmovc v26;
	v39 =	vand.u32 $0x7C, v48;
	v47 =	vand.u32 $0x7F, v49;
	v34 =	vbroadcast v51, $0x0;
	v48 =	vld.idx.msk [tilespmem:v54+s22+$0x0], $0xffff;
	[tilespmem:s21+$0xFFFFFE80] =	vst v50  }
0x370: {  	s26 =	sadd.s32 $0xC, s4;
	v26 =	vor.u32 v8, v39;
	v39 =	vor.u32 v8, v47;
	v47 =	vor.u32 s15, v15;
	v40 =	vld.idx.msk [tilespmem:v40+s22+$0x0], $0xffff;
	[tilespmem:s21+$0xFFFFFF80] =	vst v45;
	s21 =	smov.u32 s6;
	s6 =	smov.u32 s8  }
0x371: {  	v49 =	vor.u32 s26, v20;
	v45 =	vbroadcast v19, $0x0;
	v19 =	vmovc v55;
	s8 =	smov.u32 s25;
	[tilespmem:s6+$0xFFFFFEB0] =	vst v44;
	v44 =	vor.u32 s11, v22;
	v41 =	vld.idx.msk [tilespmem:v41+s22+$0x0], $0xffff  }
0x372: {  	v43 =	vadd.f32 v43, v23;
	v46 =	vadd.f32 v46, v12;
	v42 =	vld.idx.msk [tilespmem:v42+s22+$0x0], $0xffff  }
0x373: {  	[tilespmem:s6+$0xFFFFFE10] =	vst v36;
	v36 =	vor.u32 s17, v18;
	v38 =	vld.idx.msk [tilespmem:v38+s22+$0x0], $0xffff  }
0x374: {  	v50 =	vbroadcast v26, $0x0;
	v51 =	vadd.f32 v53, v19;
	v53 =	vld.idx.msk [tilespmem:v35+s22+$0x0], $0xffff;
	[tilespmem:s6+$0xFFFFFF30] =	vst v46;
	v46 =	vor.u32 s20, v22  }
0x375: {  	v54 =	vadd.f32 v37, v28;
	v35 =	vor.u32 s4, v20;
	v48 =	vadd.f32 v48, v11;
	v47 =	vld.idx.msk [tilespmem:v47+s22+$0x0], $0xffff;
	[tilespmem:s21+$0xFFFFFF60] =	vst v43  }
0x376: {  	v39 =	vbroadcast v39, $0x0;
	v43 =	vor.u32 s19, v14;
	v37 =	vadd.f32 v40, v27;
	v40 =	vld.idx.msk [tilespmem:v44+s22+$0x0], $0xffff  }
0x377: {  	v44 =	vor.u32 s7, v22;
	v41 =	vadd.f32 v41, v13;
	v26 =	vld.idx.msk [tilespmem:v33+s12+$0x0], $0xffff;
	[tilespmem:s25+$0xFFFFFEA0] =	vst v48;
	v33 =	vmov v50  }
0x378: {  	v42 =	vadd.f32 v42, v10;
	v55 =	vld.idx.msk [tilespmem:v49+s22+$0x0], $0xffff;
	[tilespmem:s21+$0xFFFFFE50] =	vst v37  }
0x379: {  	v48 =	vor.u32 s10, v16;
	v49 =	vld.idx.msk [tilespmem:v36+s22+$0x0], $0xffff;
	v36 =	vadd.f32 v38, v25;
	[tilespmem:s21+$0xFFFFFFE0] =	vst v41  }
0x37a: {  	s25 =	sadd.s32 $0x200, s25;
	v37 =	vor.u32 s26, v16;
	v38 =	vadd.f32 v53, v21;
	v41 =	vor.u32 s15, v17;
	[tilespmem:s8+$0xFFFFFFA0] =	vst v54;
	v46 =	vld.idx.msk [tilespmem:v46+s22+$0x0], $0xffff  }
0x37b: {  	v50 =	vor.u32 s13, v14;
	v47 =	vadd.f32 v47, v12;
	v43 =	vld.idx.msk [tilespmem:v43+s22+$0x0], $0xffff;
	[tilespmem:s21+$0xFFFFFEE0] =	vst v36  }
0x37c: {  	v40 =	vadd.f32 v40, v23;
	[tilespmem:s6+$0xFFFFFEC0] =	vst v42;
	v42 =	vor.u32 s3, v17;
	v44 =	vld.idx.msk [tilespmem:v44+s22+$0x0], $0xffff  }
0x37d: {  	v36 =	vadd.f32 v29, v26;
	v52 =	vld.idx.msk [tilespmem:v52+s22+$0x0], $0xffff;
	[tilespmem:s8+$0xFFFFFF10] =	vst v51;
	v51 =	vor.u32 s17, v22  }
0x37e: {  	v29 =	vld.idx.msk [tilespmem:v45+s12+$0x0], $0xffff;
	[tilespmem:s6+$0xFFFFFF40] =	vst v47;
	v45 =	vor.u32 s20, v24;
	s20 =	smov.u32 s0;
	s0 =	smov.u32 s19;
	s19 =	smov.u32 s26  }
0x37f: {  	[tilespmem:s6+$0xFFFFFE20] =	vst v38;
	v38 =	vld.idx.msk [tilespmem:v41+s22+$0x0], $0xffff;
	v41 =	vadd.f32 v49, v27  }
0x380: {  	v47 =	vld.idx.msk [tilespmem:v50+s22+$0x0], $0xffff;
	[tilespmem:s21+$0xFFFFFF70] =	vst v40;
	v40 =	vadd.f32 v46, v13  }
0x381: {  	v46 =	vor.u32 s23, v14;
	v43 =	vadd.f32 v43, v28;
	v42 =	vld.idx.msk [tilespmem:v42+s22+$0x0], $0xffff;
	[tilespmem:s21+$0xFFFFFE60] =	vst v41  }
0x382: {  	v30 =	vadd.f32 v30, v9;
	v49 =	vor.u32 s7, v24;
	s7 =	smov.u32 s3;
	s3 =	smov.u32 s23;
	s23 =	smov.u32 s5;
	v44 =	vadd.f32 v44, v25;
	v41 =	vld.idx.msk [tilespmem:v51+s22+$0x0], $0xffff;
	[tilespmem:s21+$0xFFFFFFF0] =	vst v40  }
0x383: {  	v40 =	vor.u32 s20, v17;
	v50 =	vld.idx.msk [tilespmem:v45+s22+$0x0], $0xffff  }
0x384: {  	v51 =	vadd.f32 v52, v29;
	v53 =	vld.idx.msk [tilespmem:v39+s12+$0x0], $0xffff;
	[tilespmem:s21+$0xFFFFFEF0] =	vst v44;
	v44 =	vor.u32 s11, v24;
	s11 =	smov.u32 s15;
	s15 =	smov.u32 s24;
	s24 =	smov.u32 s10  }
0x385: {  	v54 =	vor.u32 s13, v15;
	v38 =	vadd.f32 v38, v12;
	v45 =	vld.idx.msk [tilespmem:v31+s22+$0x0], $0xffff;
	[tilespmem:s6+$0xFFFFFFC0] =	vst v30;
	v31 =	vmov v48  }
0x386: {  	v56 =	vor.u32 s17, v24;
	s17 =	smov.u32 s13;
	s13 =	smov.u32 s1;
	s1 =	smov.u32 s4;
	[tilespmem:s25+$0xFFFFFE90] =	vst v51;
	v30 =	vld.idx.msk [tilespmem:v46+s22+$0x0], $0xffff;
	v46 =	vadd.f32 v47, v21  }
0x387: {  	v57 =	vor.u32 s11, v18;
	v52 =	vadd.f32 v42, v10;
	[tilespmem:s6+$0xFFFFFF50] =	vst v38;
	v48 =	vld.idx.msk [tilespmem:v49+s22+$0x0], $0xffff  }
.Ltmp3:
0x388: {  	v39 =	vor.u32 s0, v15;
	v41 =	vadd.f32 v41, v27;
	v49 =	vld.idx.msk [tilespmem:v40+s22+$0x0], $0xffff;
	(pc) =	sbr.rel @p0 .LBB2_9-.Ltmp3, $4  }
0x389: {  	v42 =	vadd.f32 v50, v13;
	v13 =	vmov v9;
	v9 =	vmov v28;
	[tilespmem:s6+$0xFFFFFE30] =	vst v46;
	v46 =	vld.idx.msk [tilespmem:v44+s22+$0x0], $0xffff  }
0x38a: {  	v38 =	vor.u32 s7, v18;
	v40 =	vor.u32 s17, v17;
	v28 =	vmov v53;
	v47 =	vld.idx.msk [tilespmem:v54+s22+$0x0], $0xffff;
	[tilespmem:s21+$0xFFFFFE70] =	vst v41  }
0x38b: {  	v51 =	vor.u32 s15, v14;
	v41 =	vor.u32 s20, v18;
	v50 =	vld.idx.msk [tilespmem:v56+s22+$0x0], $0xffff;
	[tilespmem:s21+$0x0] =	vst v42  }
0x38c: {  	s4 =	sadd.s32 $0x10, s4;
	v53 =	vadd.f32 v55, v28;
	v44 =	vadd.f32 v30, v11;
	v42 =	vor.u32 s3, v15;
	[tilespmem:s8+$0xFFFFFFB0] =	vst v43;
	v43 =	vld.idx.msk [tilespmem:v57+s22+$0x0], $0xffff  }
0x38d: {  	_ =	sdelay $0x2  }
0x38e: {  	[tilespmem:s6+$0xFFFFFED0] =	vst v52  }
0x38f: {  	v8 =	vld.idx.msk [tilespmem:v34+s12+$0x0], $0xffff;
	[tilespmem:s8+$0xFFFFFE10] =	vst v36  }
0x390: {  	v20 =	vor.u32 s23, v16;
	v30 =	vadd.f32 v45, v19;
	v32 =	vld.idx.msk [tilespmem:v32+s22+$0x0], $0xffff;
	[tilespmem:s25+$0xFFFFFF90] =	vst v53  }
0x391: {  	v49 =	vadd.f32 v49, v13;
	[tilespmem:s8+$0xFFFFFEB0] =	vst v44;
	v58 =	vld.idx.msk [tilespmem:v38+s22+$0x0], $0xffff  }
0x392: {  	v25 =	vadd.f32 v48, v25;
	[tilespmem:s8+$0xFFFFFF20] =	vst v30;
	v37 =	vld.idx.msk [tilespmem:v37+s22+$0x0], $0xffff  }
0x393: {  	v56 =	vor.u32 s13, v16;
	v23 =	vadd.f32 v46, v23;
	[tilespmem:s6+$0xFFFFFFD0] =	vst v49;
	v60 =	vld.idx.msk [tilespmem:v42+s22+$0x0], $0xffff  }
0x394: {  	[tilespmem:s21+$0xFFFFFF00] =	vst v25;
	v30 =	vld.idx.msk [tilespmem:v51+s22+$0x0], $0xffff;
	v51 =	vadd.f32 v47, v21  }
0x395: {  	v27 =	vadd.f32 v50, v27;
	[tilespmem:s21+$0xFFFFFF80] =	vst v23;
	v20 =	vld.idx.msk [tilespmem:v20+s22+$0x0], $0xffff  }
0x396: {  	v54 =	vld.idx.msk [tilespmem:v35+s22+$0x0], $0xffff;
	v59 =	vor.u32 s11, v22;
	v57 =	vadd.f32 v43, v12;
	[tilespmem:s6+$0xFFFFFE40] =	vst v51  }
0x397: {  	v53 =	vld.idx.msk [tilespmem:v41+s22+$0x0], $0xffff;
	[tilespmem:s21+$0xFFFFFE80] =	vst v27;
	v32 =	vadd.f32 v32, v8  }
0x398: {  	v43 =	vor.u32 s7, v22;
	v44 =	vld.idx.msk [tilespmem:v56+s22+$0x0], $0xffff;
	[tilespmem:s6+$0xFFFFFF60] =	vst v57;
	v45 =	vadd.f32 v58, v10  }
0x399: {  	v55 =	vor.u32 s15, v15;
	v52 =	vld.idx.msk [tilespmem:v40+s22+$0x0], $0xffff;
	v40 =	vadd.f32 v37, v28;
	[tilespmem:s25+$0xFFFFFF10] =	vst v32  }
0x39a: {  	v63 =	vor.u32 s20, v22;
	v48 =	vadd.f32 v60, v11;
	[tilespmem:s6+$0xFFFFFEE0] =	vst v45;
	v61 =	vadd.f32 v20, v29;
	v20 =	vld.idx.msk [tilespmem:v33+s12+$0x0], $0xffff  }
0x39b: {  	v56 =	vor.u32 s23, v14;
	v47 =	vld.idx.msk [tilespmem:v59+s22+$0x0], $0xffff;
	v30 =	vadd.f32 v30, v19;
	[tilespmem:s25+$0xFFFFFFA0] =	vst v40  }
0x39c: {  	v62 =	vor.u32 s17, v18;
	v23 =	vadd.f32 v53, v13;
	v31 =	vld.idx.msk [tilespmem:v31+s22+$0x0], $0xffff;
	[tilespmem:s8+$0xFFFFFEC0] =	vst v48  }
0x39d: {  	v46 =	vor.u32 s1, v16;
	v37 =	vld.idx.msk [tilespmem:v43+s22+$0x0], $0xffff;
	[tilespmem:s8+$0xFFFFFF30] =	vst v30  }
0x39e: {  	v53 =	vor.u32 s19, v14;
	[tilespmem:s6+$0xFFFFFFE0] =	vst v23;
	v25 =	vadd.f32 v52, v21;
	v34 =	vld.idx.msk [tilespmem:v55+s22+$0x0], $0xffff  }
0x39f: {  	v33 =	vld.idx.msk [tilespmem:v63+s22+$0x0], $0xffff;
	[tilespmem:s25+$0xFFFFFEA0] =	vst v61;
	v27 =	vadd.f32 v54, v20  }
0x3a0: {  	v51 =	vor.u32 s13, v14;
	v23 =	vadd.f32 v47, v12;
	[tilespmem:s6+$0xFFFFFE50] =	vst v25;
	v30 =	vld.idx.msk [tilespmem:v56+s22+$0x0], $0xffff  }
0x3a1: {  	v60 =	vor.u32 s24, v14;
	v25 =	vadd.f32 v44, v26;
	v49 =	vld.idx.msk [tilespmem:v62+s22+$0x0], $0xffff;
	[tilespmem:s25+$0xFFFFFE10] =	vst v27  }
0x3a2: {  	v63 =	vor.u32 s3, v17;
	v40 =	vadd.f32 v31, v8;
	[tilespmem:s6+$0xFFFFFF70] =	vst v23;
	v16 =	vld.idx.msk [tilespmem:v46+s22+$0x0], $0xffff  }
0x3a3: {  	v50 =	vor.u32 s15, v17;
	v59 =	vadd.f32 v37, v10;
	v62 =	vld.idx.msk [tilespmem:v53+s22+$0x0], $0xffff;
	[tilespmem:s8+$0xFFFFFE20] =	vst v25  }
0x3a4: {  	v61 =	vor.u32 s20, v24;
	v54 =	vld.idx.msk [tilespmem:v39+s22+$0x0], $0xffff;
	[tilespmem:s25+$0xFFFFFF20] =	vst v40;
	v34 =	vadd.f32 v34, v19  }
0x3a5: {  	v58 =	vor.u32 s1, v14;
	v57 =	vadd.f32 v33, v13;
	v36 =	vld.idx.msk [tilespmem:v51+s22+$0x0], $0xffff;
	[tilespmem:s6+$0xFFFFFEF0] =	vst v59  }
0x3a6: {  	v52 =	vor.u32 s17, v22;
	v14 =	vld.idx.msk [tilespmem:v60+s22+$0x0], $0xffff;
	[tilespmem:s8+$0xFFFFFF40] =	vst v34;
	v55 =	vadd.f32 v49, v21  }
0x3a7: {  	v32 =	vld.idx.msk [tilespmem:v63+s22+$0x0], $0xffff;
	[tilespmem:s6+$0xFFFFFFF0] =	vst v57;
	v46 =	vor.u32 s19, v15;
	v16 =	vadd.f32 v16, v20  }
0x3a8: {  	v57 =	vor.u32 s11, v24;
	v35 =	vld.idx.msk [tilespmem:v50+s22+$0x0], $0xffff;
	v23 =	vadd.f32 v62, v28;
	[tilespmem:s6+$0xFFFFFE60] =	vst v55  }
0x3a9: {  	v42 =	vor.u32 s13, v15;
	v47 =	vld.idx.msk [tilespmem:v61+s22+$0x0], $0xffff;
	v50 =	vadd.f32 v30, v29;
	[tilespmem:s25+$0xFFFFFE20] =	vst v16  }
0x3aa: {  	v51 =	vor.u32 s24, v15;
	v41 =	vadd.f32 v54, v9;
	[tilespmem:s25+$0xFFFFFFB0] =	vst v23;
	v44 =	vld.idx.msk [tilespmem:v58+s22+$0x0], $0xffff  }
0x3ab: {  	v43 =	vor.u32 s0, v17;
	v45 =	vadd.f32 v36, v26;
	[tilespmem:s25+$0xFFFFFEB0] =	vst v50;
	v27 =	vld.idx.msk [tilespmem:v52+s22+$0x0], $0xffff  }
0x3ac: {  	v48 =	vor.u32 s23, v15;
	v14 =	vadd.f32 v14, v8;
	[tilespmem:s8+$0xFFFFFFC0] =	vst v41;
	v33 =	vld.idx.msk [tilespmem:v46+s22+$0x0], $0xffff  }
0x3ad: {  	v49 =	vor.u32 s1, v15;
	v32 =	vadd.f32 v32, v11;
	[tilespmem:s8+$0xFFFFFE30] =	vst v45;
	v23 =	vld.idx.msk [tilespmem:v57+s22+$0x0], $0xffff  }
0x3ae: {  	v52 =	vor.u32 s7, v24;
	[tilespmem:s25+$0xFFFFFF30] =	vst v14;
	v35 =	vadd.f32 v35, v19;
	v34 =	vld.idx.msk [tilespmem:v42+s22+$0x0], $0xffff  }
0x3af: {  	[tilespmem:s8+$0xFFFFFED0] =	vst v32;
	v15 =	vld.idx.msk [tilespmem:v51+s22+$0x0], $0xffff;
	v53 =	vadd.f32 v44, v20  }
0x3b0: {  	v41 =	vor.u32 s3, v18;
	v55 =	vadd.f32 v47, v13;
	v16 =	vld.idx.msk [tilespmem:v43+s22+$0x0], $0xffff;
	[tilespmem:s8+$0xFFFFFF50] =	vst v35  }
0x3b1: {  	v60 =	vor.u32 s19, v17;
	v35 =	vld.idx.msk [tilespmem:v48+s22+$0x0], $0xffff;
	v27 =	vadd.f32 v27, v21;
	[tilespmem:s25+$0xFFFFFE30] =	vst v53  }
0x3b2: {  	v56 =	vor.u32 s13, v17;
	[tilespmem:s6+$0x0] =	vst v55;
	v62 =	vadd.f32 v33, v28;
	v58 =	vld.idx.msk [tilespmem:v49+s22+$0x0], $0xffff  }
0x3b3: {  	v38 =	vor.u32 s24, v17;
	v30 =	vld.idx.msk [tilespmem:v52+s22+$0x0], $0xffff;
	v52 =	vadd.f32 v23, v12;
	[tilespmem:s6+$0xFFFFFE70] =	vst v27  }
0x3b4: {  	v61 =	vor.u32 s23, v17;
	v59 =	vadd.f32 v34, v26;
	[tilespmem:s25+$0xFFFFFFC0] =	vst v62  }
0x3b5: {  	v63 =	vor.u32 s1, v17;
	v14 =	vld.idx.msk [tilespmem:v41+s22+$0x0], $0xffff;
	v15 =	vadd.f32 v15, v8;
	[tilespmem:s6+$0xFFFFFF80] =	vst v52  }
0x3b6: {  	v46 =	vor.u32 s15, v18;
	[tilespmem:s8+$0xFFFFFE40] =	vst v59;
	v37 =	vadd.f32 v35, v29;
	v42 =	vld.idx.msk [tilespmem:v60+s22+$0x0], $0xffff  }
0x3b7: {  	v54 =	vor.u32 s17, v24;
	[tilespmem:s25+$0xFFFFFF40] =	vst v15;
	v36 =	vld.idx.msk [tilespmem:v56+s22+$0x0], $0xffff;
	v40 =	vadd.f32 v58, v20  }
0x3b8: {  	v39 =	vor.u32 s0, v18;
	v16 =	vadd.f32 v16, v9;
	v50 =	vld.idx.msk [tilespmem:v38+s22+$0x0], $0xffff;
	[tilespmem:s25+$0xFFFFFEC0] =	vst v37  }
0x3b9: {  	v51 =	vor.u32 s19, v18;
	v43 =	vadd.f32 v30, v10;
	v45 =	vld.idx.msk [tilespmem:v61+s22+$0x0], $0xffff;
	[tilespmem:s25+$0xFFFFFE40] =	vst v40  }
0x3ba: {  	v44 =	vor.u32 s13, v18;
	[tilespmem:s8+$0xFFFFFFD0] =	vst v16;
	v14 =	vadd.f32 v14, v11;
	v48 =	vld.idx.msk [tilespmem:v63+s22+$0x0], $0xffff  }
0x3bb: {  	v13 =	vld.idx.msk [tilespmem:v46+s22+$0x0], $0xffff;
	v59 =	vor.u32 s24, v18;
	[tilespmem:s6+$0xFFFFFF00] =	vst v43;
	v55 =	vadd.f32 v42, v28  }
0x3bc: {  	v25 =	vld.idx.msk [tilespmem:v54+s22+$0x0], $0xffff;
	v54 =	vor.u32 s23, v18;
	[tilespmem:s8+$0xFFFFFEE0] =	vst v14;
	v49 =	vadd.f32 v36, v26  }
0x3bd: {  	v56 =	vor.u32 s1, v18;
	v53 =	vld.idx.msk [tilespmem:v39+s22+$0x0], $0xffff;
	v16 =	vadd.f32 v50, v8;
	[tilespmem:s25+$0xFFFFFFD0] =	vst v55  }
0x3be: {  	v62 =	vor.u32 s3, v22;
	[tilespmem:s8+$0xFFFFFE50] =	vst v49;
	v58 =	vadd.f32 v45, v29;
	v17 =	vld.idx.msk [tilespmem:v51+s22+$0x0], $0xffff  }
0x3bf: {  	v31 =	vor.u32 s15, v22;
	[tilespmem:s25+$0xFFFFFF50] =	vst v16;
	v57 =	vld.idx.msk [tilespmem:v44+s22+$0x0], $0xffff;
	v61 =	vadd.f32 v48, v20  }
0x3c0: {  	v60 =	vor.u32 s0, v22;
	v13 =	vadd.f32 v13, v19;
	v18 =	vld.idx.msk [tilespmem:v59+s22+$0x0], $0xffff;
	[tilespmem:s25+$0xFFFFFED0] =	vst v58  }
0x3c1: {  	v33 =	vor.u32 s19, v22;
	v47 =	vadd.f32 v25, v21;
	v23 =	vld.idx.msk [tilespmem:v54+s22+$0x0], $0xffff;
	[tilespmem:s25+$0xFFFFFE50] =	vst v61  }
0x3c2: {  	[tilespmem:s8+$0xFFFFFF60] =	vst v13;
	v21 =	vadd.f32 v53, v9;
	v63 =	vor.u32 s13, v22;
	v32 =	vld.idx.msk [tilespmem:v56+s22+$0x0], $0xffff  }
0x3c3: {  	v39 =	vor.u32 s24, v22;
	v15 =	vld.idx.msk [tilespmem:v62+s22+$0x0], $0xffff;
	[tilespmem:s6+$0xFFFFFE80] =	vst v47;
	v36 =	vadd.f32 v17, v28  }
0x3c4: {  	v35 =	vor.u32 s23, v22;
	v10 =	vld.idx.msk [tilespmem:v31+s22+$0x0], $0xffff;
	[tilespmem:s8+$0xFFFFFFE0] =	vst v21;
	v12 =	vadd.f32 v57, v26  }
0x3c5: {  	v37 =	vor.u32 s1, v22;
	v34 =	vld.idx.msk [tilespmem:v60+s22+$0x0], $0xffff;
	v18 =	vadd.f32 v18, v8;
	[tilespmem:s25+$0xFFFFFFE0] =	vst v36  }
0x3c6: {  	v42 =	vor.u32 s3, v24;
	[tilespmem:s8+$0xFFFFFE60] =	vst v12;
	v23 =	vadd.f32 v23, v29;
	v21 =	vld.idx.msk [tilespmem:v33+s22+$0x0], $0xffff  }
0x3c7: {  	v46 =	vor.u32 s15, v24;
	[tilespmem:s25+$0xFFFFFF60] =	vst v18;
	v38 =	vld.idx.msk [tilespmem:v63+s22+$0x0], $0xffff;
	v41 =	vadd.f32 v32, v20  }
0x3c8: {  	v45 =	vadd.f32 v15, v11;
	v40 =	vor.u32 s0, v24;
	v18 =	vld.idx.msk [tilespmem:v39+s22+$0x0], $0xffff;
	[tilespmem:s25+$0xFFFFFEE0] =	vst v23  }
0x3c9: {  	v47 =	vor.u32 s19, v24;
	v10 =	vadd.f32 v10, v19;
	v14 =	vld.idx.msk [tilespmem:v35+s22+$0x0], $0xffff;
	[tilespmem:s25+$0xFFFFFE60] =	vst v41  }
0x3ca: {  	v44 =	vor.u32 s13, v24;
	[tilespmem:s8+$0xFFFFFEF0] =	vst v45;
	v43 =	vadd.f32 v34, v9;
	v17 =	vld.idx.msk [tilespmem:v37+s22+$0x0], $0xffff  }
0x3cb: {  	v52 =	vor.u32 s24, v24;
	v16 =	vld.idx.msk [tilespmem:v42+s22+$0x0], $0xffff;
	[tilespmem:s8+$0xFFFFFF70] =	vst v10;
	v49 =	vadd.f32 v21, v28  }
0x3cc: {  	v15 =	vld.idx.msk [tilespmem:v46+s22+$0x0], $0xffff;
	v48 =	vor.u32 s23, v24;
	[tilespmem:s8+$0xFFFFFFF0] =	vst v43;
	v13 =	vadd.f32 v38, v26  }
0x3cd: {  	v50 =	vor.u32 s1, v24;
	v23 =	vld.idx.msk [tilespmem:v40+s22+$0x0], $0xffff;
	v54 =	vadd.f32 v18, v8;
	[tilespmem:s25+$0xFFFFFFF0] =	vst v49  }
0x3ce: {  	[tilespmem:s8+$0xFFFFFE70] =	vst v13;
	v14 =	vadd.f32 v14, v29;
	v55 =	vld.idx.msk [tilespmem:v47+s22+$0x0], $0xffff  }
0x3cf: {  	[tilespmem:s25+$0xFFFFFF70] =	vst v54;
	v51 =	vld.idx.msk [tilespmem:v44+s22+$0x0], $0xffff;
	v53 =	vadd.f32 v17, v20  }
0x3d0: {  	v57 =	vadd.f32 v16, v11;
	v59 =	vld.idx.msk [tilespmem:v52+s22+$0x0], $0xffff;
	[tilespmem:s25+$0xFFFFFEF0] =	vst v14  }
0x3d1: {  	v60 =	vadd.f32 v15, v19;
	v12 =	vld.idx.msk [tilespmem:v48+s22+$0x0], $0xffff;
	[tilespmem:s25+$0xFFFFFE70] =	vst v53  }
0x3d2: {  	[tilespmem:s8+$0xFFFFFF00] =	vst v57;
	v56 =	vadd.f32 v23, v9;
	v13 =	vld.idx.msk [tilespmem:v50+s22+$0x0], $0xffff  }
0x3d3: {  	[tilespmem:s8+$0xFFFFFF80] =	vst v60;
	v61 =	vadd.f32 v55, v28  }
0x3d4: {  	s31 =	sadd.s32 $0x1, s31;
	[tilespmem:s8+$0x0] =	vst v56;
	v58 =	vadd.f32 v51, v26  }
0x3d5: {  	p0 =	sne.s32 s31, $0x32;
	v8 =	vadd.f32 v59, v8;
	[tilespmem:s25+$0x0] =	vst v61  }
.Ltmp4:
0x3d6: {  	[tilespmem:s8+$0xFFFFFE80] =	vst v58;
	v62 =	vadd.f32 v12, v29;
	(pc) =	sbr.rel @p0 .LBB2_2-.Ltmp4, $4  }
0x3d7: {  	[tilespmem:s25+$0xFFFFFF80] =	vst v8;
	v63 =	vadd.f32 v13, v20  }
0x3d8: {  	[tilespmem:s25+$0xFFFFFF00] =	vst v62  }
0x3d9: {  	s26 =	simm.s32 $0x8000;
	s28 =	simm.s32 $0x19200;
	[tilespmem:s25+$0xFFFFFE80] =	vst v63  }
0x3da: {  	[hbm4b:s2+s30] =	stream.strided.scatter [tilespmem:s28], [sflag:$0x6], $0x1000, s26, s30, $0x38;
	[tilespmem:$0x1A200] =	vst v63  }
0x3db: {  	s0 =	simm.s32 $0x5  }
0x3dc: {  	_ =	swait.ge [sflag:s0], $0x1000  }
0x3dd: {  	[sflag:s0] =	ssyncset.done $0x0  }
0x3de: {  	s1 =	simm.s32 $0x6;
	[sflag:s0] =	ssyncadd.s32 $0xFFFFF000  }
0x3df: {  	_ =	swait.ge [sflag:s1], $0x1000  }
0x3e0: {  	s2 =	rddreg [dreg:$0x9]  }
0x3e1: {  	s31 =	rddreg [dreg:$0x8];
	s2 =	sadd.s32 $0x1, s2  }
0x3e2: {  	p0 =	sne.s32 s2, s31  }
.Ltmp5:
0x3e3: {  	_ = 	snop;
	(pc) =	sbr.rel @p0 .LBB2_1-.Ltmp5, $3  }
0x3e4: {  	_ =	sdelay $0x1  }
0x3e5: {  	[sflag:s1] =	ssyncset.done $0x0  }
0x3e6: {  	[sflag:s1] =	ssyncadd.s32 $0xFFFFF000  }
0x3e7: {  	_ =	sfence.sel $0x180000  }
0x3e8: {  	[bflag:$0x0] =	sbarrier.arrive $0xFFFF  }
0x3e9: {  	_ =	strace $0x9000004A  }
0x3ea: {  	s0 =	stileid.u32;
	[bflag:$0x2] =	sbarrier.arrive $0xFFFF  }
0x3eb: {  	p0 =	sne.s32 s0, $0x0;
	s0 =	rddreg [dreg:$0x3]  }
0x3ec: {  	s0 =	sadd.s32 @!p0 $0x100000, s0  }
0x3ed: {  	[sflag:s0] =	ssyncadd.tile.s32 @!p0 $0x1;
	_ =	shalt  }
.Lfunc_end2:
_tile_overlayer_lowered:
.L_overlay_start_2:
0x3ee: {  	(tag) =	ssettag $0x2  }
0x3ef: {  	s0 =	rddreg [dreg:$0x0];
	s2 =	stileid.u32  }
0x3f0: {  	s1 =	rddreg [dreg:$0x1];
	p0 =	sne.s32 s2, $0x0  }
0x3f1: {  	s3 =	rddreg [dreg:$0x2];
	[bflag:$0x3] =	sbarrier.arrive $0xFFFF;
	s2 =	simm.s32 @!p0 $0x1C07  }
0x3f2: {  	[timem:s3], [sflag:s2] =	dma.local @!p0 [hbm:s0], s1  }
0x3f3: {  	s0 =	simm.s32 @!p0 $0x7  }
0x3f4: {  	_ =	swait.ge @!p0 [sflag:s0], s1  }
0x3f5: {  	s1 =	ssub.s32 @!p0 $0x0, s1;
	[sflag:s0] =	ssyncset.done @!p0 $0x0  }
0x3f6: {  	[sflag:s0] =	ssyncadd.s32 @!p0 s1  }
0x3f7: {  	[bflag:$0x3] =	sbarrier.arrive $0xFFFF  }
0x3f8: {  	_ =	shalt  }

</sc_bundles>
